<compile_context>
chip_gen: v7x
topology: tpu7x:2x2x1
jax: 0.10.2.dev20260603
libtpu: 0.0.44.dev20260713+nightly
codegen_flags: <defaults>
</compile_context>

<pallas_src>
import math
import functools
import numpy as np
import jax
import jax.numpy as jnp
from jax import lax
from jax.experimental import pallas as pl
from jax.experimental.pallas import tpu as pltpu, tpu_sc as plsc

_N = 10000
_NP = 10240
_E = 160000
_NW = 32
_CHUNK = 5008
_EP = _NW * _CHUNK
_GROUPS = _CHUNK // 16
_K = 10
_FP = 64


def _cheby(i, x):
    if i == 0:
        return 1.0
    if i == 1:
        return x
    t0, t1 = 1.0, x
    for _ in range(2, i + 1):
        t0, t1 = t1, 2 * x * t1 - t0
    return t1


_xs = [math.cos((_K - j + 0.5) * math.pi / (_K + 1)) for j in range(_K + 1)]
_CHEBP = np.zeros((16, 16), dtype=np.float32)
for _i in range(_K + 1):
    for _j in range(_K + 1):
        _CHEBP[_i, _j] = _cheby(_i, _xs[_j])

_mesh = plsc.VectorSubcoreMesh(core_axis_name="c", subcore_axis_name="s")
_sc_params = pltpu.CompilerParams(needs_layout_passes=False)


@functools.partial(
    pl.kernel,
    out_type=jax.ShapeDtypeStruct((_NW, _N), jnp.float32),
    mesh=_mesh,
    compiler_params=_sc_params,
    scratch_types=[
        pltpu.VMEM((_N,), jnp.float32),
        pltpu.VMEM((_CHUNK,), jnp.int32),
        pltpu.VMEM((_CHUNK,), jnp.float32),
    ],
)
def _sc_deg(row_hbm, ew_hbm, deg_all_hbm, deg_v, row_v, ew_v):
    c = lax.axis_index("c")
    s = lax.axis_index("s")
    wid = s * 2 + c

    def zbody(j, carry):
        deg_v[pl.ds(j * 16, 16)] = jnp.zeros((16,), jnp.float32)
        return carry

    lax.fori_loop(0, _N // 16, zbody, 0)
    pltpu.sync_copy(row_hbm.at[pl.ds(wid * _CHUNK, _CHUNK)], row_v)
    pltpu.sync_copy(ew_hbm.at[pl.ds(wid * _CHUNK, _CHUNK)], ew_v)

    def body(g, carry):
        r16 = row_v[pl.ds(g * 16, 16)]
        e16 = ew_v[pl.ds(g * 16, 16)]
        plsc.addupdate_scatter(deg_v, [r16], e16)
        return carry

    lax.fori_loop(0, _GROUPS, body, 0)
    pltpu.sync_copy(deg_v, deg_all_hbm.at[wid])


def _tc_dis_body(deg_ref, dis_ref):
    deg = jnp.sum(deg_ref[...], axis=0)
    safe = jnp.where(deg > 0, deg, 1.0)
    dis_ref[...] = jnp.where(deg > 0, lax.rsqrt(safe), 0.0)


def _tc_dis(deg_all_r):
    return pl.pallas_call(
        _tc_dis_body,
        out_shape=jax.ShapeDtypeStruct((8, _N // 8), jnp.float32),
    )(deg_all_r)


def _tc_mlp_body(d_ref, w1_ref, b1_ref, w2_ref, b2_ref, o_ref):
    h = jnp.maximum(
        jnp.dot(w1_ref[...], d_ref[...], preferred_element_type=jnp.float32, precision=lax.Precision.HIGHEST)
        + b1_ref[...],
        0.0,
    )
    o_ref[...] = (
        jnp.dot(w2_ref[...], h, preferred_element_type=jnp.float32, precision=lax.Precision.HIGHEST) + b2_ref[...]
    )


def _tc_mlp(dataT, W1, b1c, W2p, b2p):
    blk = 1024
    grid = _NP // blk
    return pl.pallas_call(
        _tc_mlp_body,
        grid=(grid,),
        in_specs=[
            pl.BlockSpec((256, blk), lambda j: (0, j)),
            pl.BlockSpec((64, 256), lambda j: (0, 0)),
            pl.BlockSpec((64, 1), lambda j: (0, 0)),
            pl.BlockSpec((64, 64), lambda j: (0, 0)),
            pl.BlockSpec((64, 1), lambda j: (0, 0)),
        ],
        out_specs=pl.BlockSpec((64, blk), lambda j: (0, j)),
        out_shape=jax.ShapeDtypeStruct((_FP, _NP), jnp.float32),
    )(dataT, W1, b1c, W2p, b2p)


@functools.partial(
    pl.kernel,
    out_type=jax.ShapeDtypeStruct((_EP,), jnp.float32),
    mesh=_mesh,
    compiler_params=_sc_params,
    scratch_types=[
        pltpu.VMEM((_N,), jnp.float32),
        pltpu.VMEM((_CHUNK,), jnp.int32),
        pltpu.VMEM((_CHUNK,), jnp.int32),
        pltpu.VMEM((_CHUNK,), jnp.float32),
        pltpu.VMEM((_CHUNK,), jnp.float32),
    ],
)
def _sc_wnorm(row_hbm, col_hbm, ew_hbm, dis_hbm, w_hbm,
              dis_v, row_v, col_v, ew_v, w_v):
    c = lax.axis_index("c")
    s = lax.axis_index("s")
    wid = s * 2 + c
    pltpu.sync_copy(dis_hbm, dis_v)
    base = wid * _CHUNK
    pltpu.sync_copy(row_hbm.at[pl.ds(base, _CHUNK)], row_v)
    pltpu.sync_copy(col_hbm.at[pl.ds(base, _CHUNK)], col_v)
    pltpu.sync_copy(ew_hbm.at[pl.ds(base, _CHUNK)], ew_v)

    def body(g, carry):
        off = g * 16
        r16 = row_v[pl.ds(off, 16)]
        c16 = col_v[pl.ds(off, 16)]
        e16 = ew_v[pl.ds(off, 16)]
        a = plsc.load_gather(dis_v, [r16])
        b = plsc.load_gather(dis_v, [c16])
        w_v[pl.ds(off, 16)] = -(a * e16 * b)
        return carry

    lax.fori_loop(0, _GROUPS, body, 0)
    pltpu.sync_copy(w_v, w_hbm.at[pl.ds(base, _CHUNK)])


@functools.partial(
    pl.kernel,
    out_type=jax.ShapeDtypeStruct((_FP, _NP), jnp.float32),
    mesh=_mesh,
    compiler_params=_sc_params,
    scratch_types=[
        pltpu.VMEM((_NP,), jnp.float32),
        pltpu.VMEM((_NP,), jnp.float32),
        pltpu.VMEM((_NP,), jnp.float32),
        pltpu.VMEM((_NP,), jnp.float32),
        pltpu.VMEM((_NP,), jnp.float32),
        pltpu.VMEM((_NP,), jnp.float32),
        pltpu.VMEM((_NP,), jnp.float32),
        pltpu.VMEM((_NP,), jnp.float32),
        pltpu.VMEM((_CHUNK,), jnp.int32),
        pltpu.VMEM((_CHUNK,), jnp.int32),
        pltpu.VMEM((_CHUNK,), jnp.float32),
        pltpu.VMEM((_CHUNK,), jnp.int32),
        pltpu.VMEM((_CHUNK,), jnp.int32),
        pltpu.VMEM((_CHUNK,), jnp.float32),
        pltpu.VMEM((16, 16), jnp.float32),
        pltpu.SemaphoreType.DMA,
        pltpu.SemaphoreType.DMA,
    ],
)
def _sc_cheb(xT_hbm, src_hbm, dst_hbm, w_hbm, coe_hbm, outT_hbm,
             a0, a1, y0, y1, b0, b1, o0, o1,
             src_va, dst_va, w_va, src_vb, dst_vb, w_vb, coe_v,
             sem_a, sem_b):
    c = lax.axis_index("c")
    s = lax.axis_index("s")
    wid = s * 2 + c
    f0 = 2 * wid

    pltpu.sync_copy(coe_hbm, coe_v)
    pltpu.sync_copy(xT_hbm.at[f0], a0)
    pltpu.sync_copy(xT_hbm.at[f0 + 1], a1)

    def zero(t0, t1):
        def zb(j, carry):
            t0[pl.ds(j * 16, 16)] = jnp.zeros((16,), jnp.float32)
            t1[pl.ds(j * 16, 16)] = jnp.zeros((16,), jnp.float32)
            return carry
        lax.fori_loop(0, _NP // 16, zb, 0)

    def start(ch, sv, dv, wv, sem):
        base = ch * _CHUNK
        pltpu.async_copy(src_hbm.at[pl.ds(base, _CHUNK)], sv, sem)
        pltpu.async_copy(dst_hbm.at[pl.ds(base, _CHUNK)], dv, sem)
        pltpu.async_copy(w_hbm.at[pl.ds(base, _CHUNK)], wv, sem)

    def drain(sv, dv, wv, sem):
        pltpu.make_async_copy(src_hbm.at[pl.ds(0, _CHUNK)], sv, sem).wait()
        pltpu.make_async_copy(dst_hbm.at[pl.ds(0, _CHUNK)], dv, sem).wait()
        pltpu.make_async_copy(w_hbm.at[pl.ds(0, _CHUNK)], wv, sem).wait()

    def edge_pass(c0, c1, t0, t1):
        zero(t0, t1)
        start(0, src_va, dst_va, w_va, sem_a)

        def process(sv, dv, wv):
            def g_body(g, carry2):
                off = g * 16
                s16 = sv[pl.ds(off, 16)]
                d16 = dv[pl.ds(off, 16)]
                w16 = wv[pl.ds(off, 16)]
                v0 = plsc.load_gather(c0, [s16]) * w16
                plsc.addupdate_scatter(t0, [d16], v0)
                v1 = plsc.load_gather(c1, [s16]) * w16
                plsc.addupdate_scatter(t1, [d16], v1)
                return carry2

            lax.fori_loop(0, _GROUPS, g_body, 0)

        def chunk_body(i, carry):
            start(2 * i + 1, src_vb, dst_vb, w_vb, sem_b)
            drain(src_va, dst_va, w_va, sem_a)
            process(src_va, dst_va, w_va)

            @pl.when(i < _NW // 2 - 1)
            def _():
                start(2 * i + 2, src_va, dst_va, w_va, sem_a)

            drain(src_vb, dst_vb, w_vb, sem_b)
            process(src_vb, dst_vb, w_vb)
            return carry

        lax.fori_loop(0, _NW // 2, chunk_body, 0)

    edge_pass(a0, a1, y0, y1)

    c0v = coe_v[0]
    c1v = coe_v[1]

    def init_out(j, carry):
        ds = pl.ds(j * 16, 16)
        o0[ds] = c0v * a0[ds] + c1v * y0[ds]
        o1[ds] = c0v * a1[ds] + c1v * y1[ds]
        return carry

    lax.fori_loop(0, _NP // 16, init_out, 0)

    cur0, cur1 = y0, y1
    prev0, prev1 = a0, a1
    for i in range(2, _K + 1):
        edge_pass(cur0, cur1, b0, b1)
        civ = coe_v[i]

        def upd(j, carry):
            ds = pl.ds(j * 16, 16)
            t0 = 2.0 * b0[ds] - prev0[ds]
            prev0[ds] = t0
            o0[ds] = o0[ds] + civ * t0
            t1 = 2.0 * b1[ds] - prev1[ds]
            prev1[ds] = t1
            o1[ds] = o1[ds] + civ * t1
            return carry

        lax.fori_loop(0, _NP // 16, upd, 0)
        cur0, prev0 = prev0, cur0
        cur1, prev1 = prev1, cur1

    pltpu.sync_copy(o0, outT_hbm.at[f0])
    pltpu.sync_copy(o1, outT_hbm.at[f0 + 1])


def kernel(data, edge_index, edge_weight, W1, b1, W2, b2, temp):
    row = edge_index[0]
    col = edge_index[1]
    pad_e = _EP - _E
    row_p = jnp.concatenate([row, jnp.zeros((pad_e,), row.dtype)])
    col_p = jnp.concatenate([col, jnp.zeros((pad_e,), col.dtype)])
    ew_p = jnp.concatenate([edge_weight, jnp.zeros((pad_e,), edge_weight.dtype)])

    dataT = jnp.pad(data.T, ((0, 0), (0, _NP - _N)))
    b1c = b1[:, None]
    W2p = jnp.pad(W2, ((0, _FP - W2.shape[0]), (0, 0)))
    b2p = jnp.pad(b2, (0, _FP - b2.shape[0]))[:, None]
    coe = (2.0 / (_K + 1)) * (jnp.asarray(_CHEBP[:_K + 1, :_K + 1]) @ jax.nn.relu(temp))
    coe = coe * jnp.where(jnp.arange(_K + 1) == 0, 0.5, 1.0)
    coe_b = jnp.broadcast_to(jnp.pad(coe, (0, 5))[:, None], (16, 16))

    deg_all = _sc_deg(row_p, ew_p)
    dis2 = _tc_dis(deg_all.reshape(_NW, 8, _N // 8))
    dis = dis2.reshape(_N)
    xT = _tc_mlp(dataT, W1, b1c, W2p, b2p)
    w_neg = _sc_wnorm(row_p, col_p, ew_p, dis)
    outT = _sc_cheb(xT, row_p, col_p, w_neg, coe_b)
    return outT[:40, :_N].T

# --- scband reference (transcript-rebuilt; emitter-appended) ---
"""Pipeline reference for scband-cheb-net-ii-71159018160971 (READ-ONLY COPY).

The authoritative reference and input builder live on the scoring server;
editing this copy changes nothing except your own understanding.
"""

import math
import jax
import jax.numpy as jnp
import numpy as np

N = 10000
E = 160000
F_IN = 256
F_HID = 64
F_OUT = 40
K = 10


def cheby(i, x):
    if i == 0:
        return 1.0
    elif i == 1:
        return x
    T0, T1 = 1.0, x
    for _ in range(2, i + 1):
        T2 = 2 * x * T1 - T0
        T0, T1 = T1, T2
    return T2


_xs = [math.cos((K - j + 0.5) * math.pi / (K + 1)) for j in range(K + 1)]
CHEB = np.array([[cheby(i, xj) for xj in _xs] for i in range(K + 1)], dtype=np.float32)


def setup_inputs(seed: int = 0):
    key = jax.random.key(seed)
    ks = jax.random.split(key, 8)
    data = jax.random.normal(ks[0], (N, F_IN), dtype=jnp.float32)
    edge_index = jax.random.randint(ks[1], (2, E), 0, N, dtype=jnp.int32)
    edge_weight = jax.random.uniform(ks[2], (E,), dtype=jnp.float32)
    W1 = jax.random.normal(ks[3], (F_HID, F_IN), dtype=jnp.float32) / np.sqrt(F_IN)
    b1 = jnp.zeros((F_HID,), dtype=jnp.float32)
    W2 = jax.random.normal(ks[4], (F_OUT, F_HID), dtype=jnp.float32) / np.sqrt(F_HID)
    b2 = jnp.zeros((F_OUT,), dtype=jnp.float32)
    temp = jnp.ones((K + 1,), dtype=jnp.float32)
    return {"data": data, "edge_index": edge_index, "edge_weight": edge_weight,
            "W1": W1, "b1": b1, "W2": W2, "b2": b2, "temp": temp}


def _forward(data, edge_weight, W1, b1, W2, b2, temp, edge_index):
    # Chebyshev-interpolated coefficients (faithful to ChebnetII_prop)
    coe_tmp = jax.nn.relu(temp)
    coe = (2.0 / (K + 1)) * (jnp.asarray(CHEB) @ coe_tmp)

    # MLP (dropout is identity in eval mode)
    x = data @ W1.T + b1
    x = jax.nn.relu(x)
    x = x @ W2.T + b2

    # get_laplacian(sym): L = I - D^{-1/2} A D^{-1/2}
    row, col = edge_index[0], edge_index[1]
    deg = jax.ops.segment_sum(edge_weight, row, num_segments=N)
    safe = jnp.where(deg > 0, deg, 1.0)
    dis = jnp.where(deg > 0, safe ** -0.5, 0.0)
    w_norm = dis[row] * edge_weight * dis[col]
    ar = jnp.arange(N, dtype=edge_index.dtype)
    # L edges: (-A_norm on edges, +1 self loops), then add_self_loops(fill=-1)
    # coalesce(sum) is equivalent to scatter-add over the concatenated edges
    src = jnp.concatenate([row, ar, ar])
    dst = jnp.concatenate([col, ar, ar])
    w = jnp.concatenate([-w_norm, jnp.ones((N,), x.dtype), -jnp.ones((N,), x.dtype)])

    def spmv(h):
        return jax.ops.segment_sum(w[:, None] * h[src], dst, num_segments=N)

    Tx0 = x
    Tx1 = spmv(x)
    out = coe[0] / 2 * Tx0 + coe[1] * Tx1
    for i in range(2, K + 1):
        Tx2 = 2 * spmv(Tx1) - Tx0
        out = out + coe[i] * Tx2
        Tx0, Tx1 = Tx1, Tx2
    return out


def reference(data, edge_index, edge_weight, W1, b1, W2, b2, temp):
    return _forward(data, edge_weight, W1, b1, W2, b2, temp, edge_index)

if __name__ == "__main__":
    import jax
    _d = setup_inputs()
    print(jax.jit(kernel)(*tuple(_d.values())))

</pallas_src>

<mosaic_0001>
#map = affine_map<(d0, d1) -> (0)>
#map1 = affine_map<(d0, d1) -> (0, 0)>
module attributes {stable_mosaic.version = 14 : i64} {
  func.func @_sc_deg(%arg0: i32, %arg1: i32, %arg2: memref<160256xi32, #tpu.memory_space<hbm>>, %arg3: memref<160256xf32, #tpu.memory_space<hbm>>, %arg4: memref<32x10000xf32, #tpu.memory_space<hbm>>, %arg5: memref<10000xf32, #tpu.memory_space<vmem>>, %arg6: memref<5008xi32, #tpu.memory_space<vmem>>, %arg7: memref<5008xf32, #tpu.memory_space<vmem>>) attributes {dimension_semantics = [#tpu.dimension_semantics<core_parallel>, #tpu.dimension_semantics<subcore_parallel>], iteration_bounds = array<i64: 2, 16>, scalar_prefetch = 0 : i64, scratch_operands = 3 : i64, tpu.core_type = #tpu.core_type<sc_vector_subcore>, window_params = [{transform_indices = #map}, {transform_indices = #map}, {transform_indices = #map1}]} {
    %mul3A = arith.constant 2 : i32
    %mul3A_0 = arith.muli %arg1, %mul3A : i32
    %add3A = arith.addi %mul3A_0, %arg0 : i32
    %scan3A = arith.constant 0 : i32
    %scan3A_1 = arith.constant 0 : i32
    %scan3A_2 = arith.constant 625 : i32
    %scan3A_3 = arith.addi %scan3A_1, %scan3A_2 : i32
    %scan3A_4 = arith.constant 1 : i32
    scf.for %scan3A_16 = %scan3A_1 to %scan3A_3 step %scan3A_4  : i32 {
      %broadcast_in_dim3A = arith.constant 0.000000e+00 : f32
      %broadcast_in_dim3A_17 = vector.broadcast %broadcast_in_dim3A : f32 to vector<16xf32>
      %mul3A_18 = arith.constant 16 : i32
      %mul3A_19 = arith.muli %scan3A_16, %mul3A_18 : i32
      %swap3A = arith.index_cast %mul3A_19 : i32 to index
      %swap3A_20 = tpu.vector_load %arg5[%swap3A] {strides = array<i32>} : memref<10000xf32, #tpu.memory_space<vmem>>, vector<16xf32>,
      tpu.vector_store %arg5[%swap3A], %broadcast_in_dim3A_17 {strides = array<i32>} : memref<10000xf32, #tpu.memory_space<vmem>>, vector<16xf32>,
    }
    %scan3A_5 = arith.constant 625 : i32
    %mul3A_6 = arith.constant 5008 : i32
    %mul3A_7 = arith.muli %add3A, %mul3A_6 : i32
    "tpu.region"() ({
      %run_scoped3A = tpu.sem_alloc : memref<!tpu.dma_semaphore, #tpu.memory_space<semaphore_mem>>
      %dma_start3A = tpu.memref_slice %arg2[%mul3A_7] : memref<160256xi32, #tpu.memory_space<hbm>> -> memref<5008xi32, #tpu.memory_space<hbm>>
      %dma_start3A_16 = tpu.memref_slice %arg2[%mul3A_7] : memref<160256xi32, #tpu.memory_space<hbm>> -> memref<5008xi32, #tpu.memory_space<hbm>>
      tpu.enqueue_dma source(%dma_start3A_16 : memref<5008xi32, #tpu.memory_space<hbm>>) target(%arg6 : memref<5008xi32, #tpu.memory_space<vmem>>) target_semaphore(%run_scoped3A : memref<!tpu.dma_semaphore, #tpu.memory_space<semaphore_mem>>)
      %dma_wait3A = tpu.memref_slice %arg2[%mul3A_7] : memref<160256xi32, #tpu.memory_space<hbm>> -> memref<5008xi32, #tpu.memory_space<hbm>>
      %dma_wait3A_17 = tpu.memref_slice %arg2[%mul3A_7] : memref<160256xi32, #tpu.memory_space<hbm>> -> memref<5008xi32, #tpu.memory_space<hbm>>
      tpu.wait_dma2 semaphore(%run_scoped3A : memref<!tpu.dma_semaphore, #tpu.memory_space<semaphore_mem>>) src(%dma_wait3A_17 : memref<5008xi32, #tpu.memory_space<hbm>>) dst(%arg6 : memref<5008xi32, #tpu.memory_space<vmem>>)
      tpu.yield
    }) : () -> ()
    %mul3A_8 = arith.constant 5008 : i32
    %mul3A_9 = arith.muli %add3A, %mul3A_8 : i32
    "tpu.region"() ({
      %run_scoped3A = tpu.sem_alloc : memref<!tpu.dma_semaphore, #tpu.memory_space<semaphore_mem>>
      %dma_start3A = tpu.memref_slice %arg3[%mul3A_9] : memref<160256xf32, #tpu.memory_space<hbm>> -> memref<5008xf32, #tpu.memory_space<hbm>>
      %dma_start3A_16 = tpu.memref_slice %arg3[%mul3A_9] : memref<160256xf32, #tpu.memory_space<hbm>> -> memref<5008xf32, #tpu.memory_space<hbm>>
      tpu.enqueue_dma source(%dma_start3A_16 : memref<5008xf32, #tpu.memory_space<hbm>>) target(%arg7 : memref<5008xf32, #tpu.memory_space<vmem>>) target_semaphore(%run_scoped3A : memref<!tpu.dma_semaphore, #tpu.memory_space<semaphore_mem>>)
      %dma_wait3A = tpu.memref_slice %arg3[%mul3A_9] : memref<160256xf32, #tpu.memory_space<hbm>> -> memref<5008xf32, #tpu.memory_space<hbm>>
      %dma_wait3A_17 = tpu.memref_slice %arg3[%mul3A_9] : memref<160256xf32, #tpu.memory_space<hbm>> -> memref<5008xf32, #tpu.memory_space<hbm>>
      tpu.wait_dma2 semaphore(%run_scoped3A : memref<!tpu.dma_semaphore, #tpu.memory_space<semaphore_mem>>) src(%dma_wait3A_17 : memref<5008xf32, #tpu.memory_space<hbm>>) dst(%arg7 : memref<5008xf32, #tpu.memory_space<vmem>>)
      tpu.yield
    }) : () -> ()
    %scan3A_10 = arith.constant 0 : i32
    %scan3A_11 = arith.constant 0 : i32
    %scan3A_12 = arith.constant 313 : i32
    %scan3A_13 = arith.addi %scan3A_11, %scan3A_12 : i32
    %scan3A_14 = arith.constant 1 : i32
    scf.for %scan3A_16 = %scan3A_11 to %scan3A_13 step %scan3A_14  : i32 {
      %mul3A_17 = arith.constant 16 : i32
      %mul3A_18 = arith.muli %scan3A_16, %mul3A_17 : i32
      %get3A = arith.index_cast %mul3A_18 : i32 to index
      %get3A_19 = tpu.vector_load %arg6[%get3A] {strides = array<i32>} : memref<5008xi32, #tpu.memory_space<vmem>>, vector<16xi32>,
      %mul3A_20 = arith.constant 16 : i32
      %mul3A_21 = arith.muli %scan3A_16, %mul3A_20 : i32
      %get3A_22 = arith.index_cast %mul3A_21 : i32 to index
      %get3A_23 = tpu.vector_load %arg7[%get3A_22] {strides = array<i32>} : memref<5008xf32, #tpu.memory_space<vmem>>, vector<16xf32>,
      tpu.vector_store_idx %arg5[%get3A_19], %get3A_23 {add = true} : memref<10000xf32, #tpu.memory_space<vmem>>[vector<16xi32>], vector<16xf32>,
    }
    %scan3A_15 = arith.constant 313 : i32
    "tpu.region"() ({
      %run_scoped3A = tpu.sem_alloc : memref<!tpu.dma_semaphore, #tpu.memory_space<semaphore_mem>>
      %dma_start3A = arith.constant 0 : i32
      %dma_start3A_16 = tpu.memref_slice %arg4[%add3A, %dma_start3A] : memref<32x10000xf32, #tpu.memory_space<hbm>> -> memref<1x10000xf32, #tpu.memory_space<hbm>>
      %dma_start3A_17 = tpu.memref_squeeze %dma_start3A_16 : memref<1x10000xf32, #tpu.memory_space<hbm>> -> memref<10000xf32, #tpu.memory_space<hbm>>
      %dma_start3A_18 = arith.constant 0 : i32
      %dma_start3A_19 = tpu.memref_slice %arg4[%add3A, %dma_start3A_18] : memref<32x10000xf32, #tpu.memory_space<hbm>> -> memref<1x10000xf32, #tpu.memory_space<hbm>>
      %dma_start3A_20 = tpu.memref_squeeze %dma_start3A_19 : memref<1x10000xf32, #tpu.memory_space<hbm>> -> memref<10000xf32, #tpu.memory_space<hbm>>
      tpu.enqueue_dma source(%arg5 : memref<10000xf32, #tpu.memory_space<vmem>>) target(%dma_start3A_20 : memref<10000xf32, #tpu.memory_space<hbm>>) target_semaphore(%run_scoped3A : memref<!tpu.dma_semaphore, #tpu.memory_space<semaphore_mem>>)
      %dma_wait3A = arith.constant 0 : i32
      %dma_wait3A_21 = tpu.memref_slice %arg4[%add3A, %dma_wait3A] : memref<32x10000xf32, #tpu.memory_space<hbm>> -> memref<1x10000xf32, #tpu.memory_space<hbm>>
      %dma_wait3A_22 = tpu.memref_squeeze %dma_wait3A_21 : memref<1x10000xf32, #tpu.memory_space<hbm>> -> memref<10000xf32, #tpu.memory_space<hbm>>
      %dma_wait3A_23 = arith.constant 0 : i32
      %dma_wait3A_24 = tpu.memref_slice %arg4[%add3A, %dma_wait3A_23] : memref<32x10000xf32, #tpu.memory_space<hbm>> -> memref<1x10000xf32, #tpu.memory_space<hbm>>
      %dma_wait3A_25 = tpu.memref_squeeze %dma_wait3A_24 : memref<1x10000xf32, #tpu.memory_space<hbm>> -> memref<10000xf32, #tpu.memory_space<hbm>>
      tpu.wait_dma2 semaphore(%run_scoped3A : memref<!tpu.dma_semaphore, #tpu.memory_space<semaphore_mem>>) src(%arg5 : memref<10000xf32, #tpu.memory_space<vmem>>) dst(%dma_wait3A_25 : memref<10000xf32, #tpu.memory_space<hbm>>)
      tpu.yield
    }) : () -> ()
    return
  }
}

#map = affine_map<(d0, d1) -> (0, 0)>
#map1 = affine_map<(d0, d1) -> (0)>
module attributes {stable_mosaic.version = 14 : i64} {
  func.func @_sc_cheb(%arg0: i32, %arg1: i32, %arg2: memref<64x10240xf32, #tpu.memory_space<hbm>>, %arg3: memref<160256xi32, #tpu.memory_space<hbm>>, %arg4: memref<160256xi32, #tpu.memory_space<hbm>>, %arg5: memref<160256xf32, #tpu.memory_space<hbm>>, %arg6: memref<16x16xf32, #tpu.memory_space<hbm>>, %arg7: memref<64x10240xf32, #tpu.memory_space<hbm>>, %arg8: memref<10240xf32, #tpu.memory_space<vmem>>, %arg9: memref<10240xf32, #tpu.memory_space<vmem>>, %arg10: memref<10240xf32, #tpu.memory_space<vmem>>, %arg11: memref<10240xf32, #tpu.memory_space<vmem>>, %arg12: memref<10240xf32, #tpu.memory_space<vmem>>, %arg13: memref<10240xf32, #tpu.memory_space<vmem>>, %arg14: memref<10240xf32, #tpu.memory_space<vmem>>, %arg15: memref<10240xf32, #tpu.memory_space<vmem>>, %arg16: memref<5008xi32, #tpu.memory_space<vmem>>, %arg17: memref<5008xi32, #tpu.memory_space<vmem>>, %arg18: memref<5008xf32, #tpu.memory_space<vmem>>, %arg19: memref<5008xi32, #tpu.memory_space<vmem>>, %arg20: memref<5008xi32, #tpu.memory_space<vmem>>, %arg21: memref<5008xf32, #tpu.memory_space<vmem>>, %arg22: memref<16x16xf32, #tpu.memory_space<vmem>>, %arg23: memref<!tpu.dma_semaphore, #tpu.memory_space<semaphore_mem>>, %arg24: memref<!tpu.dma_semaphore, #tpu.memory_space<semaphore_mem>>) attributes {dimension_semantics = [#tpu.dimension_semantics<core_parallel>, #tpu.dimension_semantics<subcore_parallel>], iteration_bounds = array<i64: 2, 16>, scalar_prefetch = 0 : i64, scratch_operands = 17 : i64, tpu.core_type = #tpu.core_type<sc_vector_subcore>, window_params = [{transform_indices = #map}, {transform_indices = #map1}, {transform_indices = #map1}, {transform_indices = #map1}, {transform_indices = #map}, {transform_indices = #map}]} {
    %mul3A = arith.constant 2 : i32
    %mul3A_0 = arith.muli %arg1, %mul3A : i32
    %add3A = arith.addi %mul3A_0, %arg0 : i32
    %mul3A_1 = arith.constant 2 : i32
    %mul3A_2 = arith.muli %mul3A_1, %add3A : i32
    "tpu.region"() ({
      %run_scoped3A = tpu.sem_alloc : memref<!tpu.dma_semaphore, #tpu.memory_space<semaphore_mem>>
      tpu.enqueue_dma source(%arg6 : memref<16x16xf32, #tpu.memory_space<hbm>>) target(%arg22 : memref<16x16xf32, #tpu.memory_space<vmem>>) target_semaphore(%run_scoped3A : memref<!tpu.dma_semaphore, #tpu.memory_space<semaphore_mem>>)
      tpu.wait_dma2 semaphore(%run_scoped3A : memref<!tpu.dma_semaphore, #tpu.memory_space<semaphore_mem>>) src(%arg6 : memref<16x16xf32, #tpu.memory_space<hbm>>) dst(%arg22 : memref<16x16xf32, #tpu.memory_space<vmem>>)
      tpu.yield
    }) : () -> ()
    "tpu.region"() ({
      %run_scoped3A = tpu.sem_alloc : memref<!tpu.dma_semaphore, #tpu.memory_space<semaphore_mem>>
      %dma_start3A_348 = arith.constant 0 : i32
      %dma_start3A_349 = tpu.memref_slice %arg2[%mul3A_2, %dma_start3A_348] : memref<64x10240xf32, #tpu.memory_space<hbm>> -> memref<1x10240xf32, #tpu.memory_space<hbm>>
      %dma_start3A_350 = tpu.memref_squeeze %dma_start3A_349 : memref<1x10240xf32, #tpu.memory_space<hbm>> -> memref<10240xf32, #tpu.memory_space<hbm>>
      %dma_start3A_351 = arith.constant 0 : i32
      %dma_start3A_352 = tpu.memref_slice %arg2[%mul3A_2, %dma_start3A_351] : memref<64x10240xf32, #tpu.memory_space<hbm>> -> memref<1x10240xf32, #tpu.memory_space<hbm>>
      %dma_start3A_353 = tpu.memref_squeeze %dma_start3A_352 : memref<1x10240xf32, #tpu.memory_space<hbm>> -> memref<10240xf32, #tpu.memory_space<hbm>>
      tpu.enqueue_dma source(%dma_start3A_353 : memref<10240xf32, #tpu.memory_space<hbm>>) target(%arg8 : memref<10240xf32, #tpu.memory_space<vmem>>) target_semaphore(%run_scoped3A : memref<!tpu.dma_semaphore, #tpu.memory_space<semaphore_mem>>)
      %dma_wait3A = arith.constant 0 : i32
      %dma_wait3A_354 = tpu.memref_slice %arg2[%mul3A_2, %dma_wait3A] : memref<64x10240xf32, #tpu.memory_space<hbm>> -> memref<1x10240xf32, #tpu.memory_space<hbm>>
      %dma_wait3A_355 = tpu.memref_squeeze %dma_wait3A_354 : memref<1x10240xf32, #tpu.memory_space<hbm>> -> memref<10240xf32, #tpu.memory_space<hbm>>
      %dma_wait3A_356 = arith.constant 0 : i32
      %dma_wait3A_357 = tpu.memref_slice %arg2[%mul3A_2, %dma_wait3A_356] : memref<64x10240xf32, #tpu.memory_space<hbm>> -> memref<1x10240xf32, #tpu.memory_space<hbm>>
      %dma_wait3A_358 = tpu.memref_squeeze %dma_wait3A_357 : memref<1x10240xf32, #tpu.memory_space<hbm>> -> memref<10240xf32, #tpu.memory_space<hbm>>
      tpu.wait_dma2 semaphore(%run_scoped3A : memref<!tpu.dma_semaphore, #tpu.memory_space<semaphore_mem>>) src(%dma_wait3A_358 : memref<10240xf32, #tpu.memory_space<hbm>>) dst(%arg8 : memref<10240xf32, #tpu.memory_space<vmem>>)
      tpu.yield
    }) : () -> ()
    %add3A_3 = arith.constant 1 : i32
    %add3A_4 = arith.addi %mul3A_2, %add3A_3 : i32
    "tpu.region"() ({
      %run_scoped3A = tpu.sem_alloc : memref<!tpu.dma_semaphore, #tpu.memory_space<semaphore_mem>>
      %dma_start3A_348 = arith.constant 0 : i32
      %dma_start3A_349 = tpu.memref_slice %arg2[%add3A_4, %dma_start3A_348] : memref<64x10240xf32, #tpu.memory_space<hbm>> -> memref<1x10240xf32, #tpu.memory_space<hbm>>
      %dma_start3A_350 = tpu.memref_squeeze %dma_start3A_349 : memref<1x10240xf32, #tpu.memory_space<hbm>> -> memref<10240xf32, #tpu.memory_space<hbm>>
      %dma_start3A_351 = arith.constant 0 : i32
      %dma_start3A_352 = tpu.memref_slice %arg2[%add3A_4, %dma_start3A_351] : memref<64x10240xf32, #tpu.memory_space<hbm>> -> memref<1x10240xf32, #tpu.memory_space<hbm>>
      %dma_start3A_353 = tpu.memref_squeeze %dma_start3A_352 : memref<1x10240xf32, #tpu.memory_space<hbm>> -> memref<10240xf32, #tpu.memory_space<hbm>>
      tpu.enqueue_dma source(%dma_start3A_353 : memref<10240xf32, #tpu.memory_space<hbm>>) target(%arg9 : memref<10240xf32, #tpu.memory_space<vmem>>) target_semaphore(%run_scoped3A : memref<!tpu.dma_semaphore, #tpu.memory_space<semaphore_mem>>)
      %dma_wait3A = arith.constant 0 : i32
      %dma_wait3A_354 = tpu.memref_slice %arg2[%add3A_4, %dma_wait3A] : memref<64x10240xf32, #tpu.memory_space<hbm>> -> memref<1x10240xf32, #tpu.memory_space<hbm>>
      %dma_wait3A_355 = tpu.memref_squeeze %dma_wait3A_354 : memref<1x10240xf32, #tpu.memory_space<hbm>> -> memref<10240xf32, #tpu.memory_space<hbm>>
      %dma_wait3A_356 = arith.constant 0 : i32
      %dma_wait3A_357 = tpu.memref_slice %arg2[%add3A_4, %dma_wait3A_356] : memref<64x10240xf32, #tpu.memory_space<hbm>> -> memref<1x10240xf32, #tpu.memory_space<hbm>>
      %dma_wait3A_358 = tpu.memref_squeeze %dma_wait3A_357 : memref<1x10240xf32, #tpu.memory_space<hbm>> -> memref<10240xf32, #tpu.memory_space<hbm>>
      tpu.wait_dma2 semaphore(%run_scoped3A : memref<!tpu.dma_semaphore, #tpu.memory_space<semaphore_mem>>) src(%dma_wait3A_358 : memref<10240xf32, #tpu.memory_space<hbm>>) dst(%arg9 : memref<10240xf32, #tpu.memory_space<vmem>>)
      tpu.yield
    }) : () -> ()
    %scan3A = arith.constant 0 : i32
    %scan3A_5 = arith.constant 0 : i32
    %scan3A_6 = arith.constant 640 : i32
    %scan3A_7 = arith.addi %scan3A_5, %scan3A_6 : i32
    %scan3A_8 = arith.constant 1 : i32
    scf.for %scan3A_348 = %scan3A_5 to %scan3A_7 step %scan3A_8  : i32 {
      %broadcast_in_dim3A = arith.constant 0.000000e+00 : f32
      %broadcast_in_dim3A_349 = vector.broadcast %broadcast_in_dim3A : f32 to vector<16xf32>
      %mul3A_350 = arith.constant 16 : i32
      %mul3A_351 = arith.muli %scan3A_348, %mul3A_350 : i32
      %swap3A = arith.index_cast %mul3A_351 : i32 to index
      %swap3A_352 = tpu.vector_load %arg10[%swap3A] {strides = array<i32>} : memref<10240xf32, #tpu.memory_space<vmem>>, vector<16xf32>,
      tpu.vector_store %arg10[%swap3A], %broadcast_in_dim3A_349 {strides = array<i32>} : memref<10240xf32, #tpu.memory_space<vmem>>, vector<16xf32>,
      %broadcast_in_dim3A_353 = arith.constant 0.000000e+00 : f32
      %broadcast_in_dim3A_354 = vector.broadcast %broadcast_in_dim3A_353 : f32 to vector<16xf32>
      %mul3A_355 = arith.constant 16 : i32
      %mul3A_356 = arith.muli %scan3A_348, %mul3A_355 : i32
      %swap3A_357 = arith.index_cast %mul3A_356 : i32 to index
      %swap3A_358 = tpu.vector_load %arg11[%swap3A_357] {strides = array<i32>} : memref<10240xf32, #tpu.memory_space<vmem>>, vector<16xf32>,
      tpu.vector_store %arg11[%swap3A_357], %broadcast_in_dim3A_354 {strides = array<i32>} : memref<10240xf32, #tpu.memory_space<vmem>>, vector<16xf32>,
    }
    %scan3A_9 = arith.constant 640 : i32
    %dma_start3A = arith.constant 0 : i32
    %dma_start3A_10 = tpu.memref_slice %arg3[%dma_start3A] : memref<160256xi32, #tpu.memory_space<hbm>> -> memref<5008xi32, #tpu.memory_space<hbm>>
    %dma_start3A_11 = arith.constant 0 : i32
    %dma_start3A_12 = tpu.memref_slice %arg3[%dma_start3A_11] : memref<160256xi32, #tpu.memory_space<hbm>> -> memref<5008xi32, #tpu.memory_space<hbm>>
    tpu.enqueue_dma source(%dma_start3A_12 : memref<5008xi32, #tpu.memory_space<hbm>>) target(%arg16 : memref<5008xi32, #tpu.memory_space<vmem>>) target_semaphore(%arg23 : memref<!tpu.dma_semaphore, #tpu.memory_space<semaphore_mem>>)
    %dma_start3A_13 = arith.constant 0 : i32
    %dma_start3A_14 = tpu.memref_slice %arg4[%dma_start3A_13] : memref<160256xi32, #tpu.memory_space<hbm>> -> memref<5008xi32, #tpu.memory_space<hbm>>
    %dma_start3A_15 = arith.constant 0 : i32
    %dma_start3A_16 = tpu.memref_slice %arg4[%dma_start3A_15] : memref<160256xi32, #tpu.memory_space<hbm>> -> memref<5008xi32, #tpu.memory_space<hbm>>
    tpu.enqueue_dma source(%dma_start3A_16 : memref<5008xi32, #tpu.memory_space<hbm>>) target(%arg17 : memref<5008xi32, #tpu.memory_space<vmem>>) target_semaphore(%arg23 : memref<!tpu.dma_semaphore, #tpu.memory_space<semaphore_mem>>)
    %dma_start3A_17 = arith.constant 0 : i32
    %dma_start3A_18 = tpu.memref_slice %arg5[%dma_start3A_17] : memref<160256xf32, #tpu.memory_space<hbm>> -> memref<5008xf32, #tpu.memory_space<hbm>>
    %dma_start3A_19 = arith.constant 0 : i32
    %dma_start3A_20 = tpu.memref_slice %arg5[%dma_start3A_19] : memref<160256xf32, #tpu.memory_space<hbm>> -> memref<5008xf32, #tpu.memory_space<hbm>>
    tpu.enqueue_dma source(%dma_start3A_20 : memref<5008xf32, #tpu.memory_space<hbm>>) target(%arg18 : memref<5008xf32, #tpu.memory_space<vmem>>) target_semaphore(%arg23 : memref<!tpu.dma_semaphore, #tpu.memory_space<semaphore_mem>>)
    %scan3A_21 = arith.constant 0 : i32
    %scan3A_22 = arith.constant 0 : i32
    %scan3A_23 = arith.constant 16 : i32
    %scan3A_24 = arith.addi %scan3A_22, %scan3A_23 : i32
    %scan3A_25 = arith.constant 1 : i32
    scf.for %scan3A_348 = %scan3A_22 to %scan3A_24 step %scan3A_25  : i32 {
      %mul3A_349 = arith.constant 2 : i32
      %mul3A_350 = arith.muli %mul3A_349, %scan3A_348 : i32
      %add3A_351 = arith.constant 1 : i32
      %add3A_352 = arith.addi %mul3A_350, %add3A_351 : i32
      %mul3A_353 = arith.constant 5008 : i32
      %mul3A_354 = arith.muli %add3A_352, %mul3A_353 : i32
      %dma_start3A_355 = tpu.memref_slice %arg3[%mul3A_354] : memref<160256xi32, #tpu.memory_space<hbm>> -> memref<5008xi32, #tpu.memory_space<hbm>>
      %dma_start3A_356 = tpu.memref_slice %arg3[%mul3A_354] : memref<160256xi32, #tpu.memory_space<hbm>> -> memref<5008xi32, #tpu.memory_space<hbm>>
      tpu.enqueue_dma source(%dma_start3A_356 : memref<5008xi32, #tpu.memory_space<hbm>>) target(%arg19 : memref<5008xi32, #tpu.memory_space<vmem>>) target_semaphore(%arg24 : memref<!tpu.dma_semaphore, #tpu.memory_space<semaphore_mem>>)
      %dma_start3A_357 = tpu.memref_slice %arg4[%mul3A_354] : memref<160256xi32, #tpu.memory_space<hbm>> -> memref<5008xi32, #tpu.memory_space<hbm>>
      %dma_start3A_358 = tpu.memref_slice %arg4[%mul3A_354] : memref<160256xi32, #tpu.memory_space<hbm>> -> memref<5008xi32, #tpu.memory_space<hbm>>
      tpu.enqueue_dma source(%dma_start3A_358 : memref<5008xi32, #tpu.memory_space<hbm>>) target(%arg20 : memref<5008xi32, #tpu.memory_space<vmem>>) target_semaphore(%arg24 : memref<!tpu.dma_semaphore, #tpu.memory_space<semaphore_mem>>)
      %dma_start3A_359 = tpu.memref_slice %arg5[%mul3A_354] : memref<160256xf32, #tpu.memory_space<hbm>> -> memref<5008xf32, #tpu.memory_space<hbm>>
      %dma_start3A_360 = tpu.memref_slice %arg5[%mul3A_354] : memref<160256xf32, #tpu.memory_space<hbm>> -> memref<5008xf32, #tpu.memory_space<hbm>>
      tpu.enqueue_dma source(%dma_start3A_360 : memref<5008xf32, #tpu.memory_space<hbm>>) target(%arg21 : memref<5008xf32, #tpu.memory_space<vmem>>) target_semaphore(%arg24 : memref<!tpu.dma_semaphore, #tpu.memory_space<semaphore_mem>>)
      %dma_wait3A = arith.constant 0 : i32
      %dma_wait3A_361 = tpu.memref_slice %arg3[%dma_wait3A] : memref<160256xi32, #tpu.memory_space<hbm>> -> memref<5008xi32, #tpu.memory_space<hbm>>
      %dma_wait3A_362 = arith.constant 0 : i32
      %dma_wait3A_363 = tpu.memref_slice %arg3[%dma_wait3A_362] : memref<160256xi32, #tpu.memory_space<hbm>> -> memref<5008xi32, #tpu.memory_space<hbm>>
      tpu.wait_dma2 semaphore(%arg23 : memref<!tpu.dma_semaphore, #tpu.memory_space<semaphore_mem>>) src(%dma_wait3A_363 : memref<5008xi32, #tpu.memory_space<hbm>>) dst(%arg16 : memref<5008xi32, #tpu.memory_space<vmem>>)
      %dma_wait3A_364 = arith.constant 0 : i32
      %dma_wait3A_365 = tpu.memref_slice %arg4[%dma_wait3A_364] : memref<160256xi32, #tpu.memory_space<hbm>> -> memref<5008xi32, #tpu.memory_space<hbm>>
      %dma_wait3A_366 = arith.constant 0 : i32
      %dma_wait3A_367 = tpu.memref_slice %arg4[%dma_wait3A_366] : memref<160256xi32, #tpu.memory_space<hbm>> -> memref<5008xi32, #tpu.memory_space<hbm>>
      tpu.wait_dma2 semaphore(%arg23 : memref<!tpu.dma_semaphore, #tpu.memory_space<semaphore_mem>>) src(%dma_wait3A_367 : memref<5008xi32, #tpu.memory_space<hbm>>) dst(%arg17 : memref<5008xi32, #tpu.memory_space<vmem>>)
      %dma_wait3A_368 = arith.constant 0 : i32
      %dma_wait3A_369 = tpu.memref_slice %arg5[%dma_wait3A_368] : memref<160256xf32, #tpu.memory_space<hbm>> -> memref<5008xf32, #tpu.memory_space<hbm>>
      %dma_wait3A_370 = arith.constant 0 : i32
      %dma_wait3A_371 = tpu.memref_slice %arg5[%dma_wait3A_370] : memref<160256xf32, #tpu.memory_space<hbm>> -> memref<5008xf32, #tpu.memory_space<hbm>>
      tpu.wait_dma2 semaphore(%arg23 : memref<!tpu.dma_semaphore, #tpu.memory_space<semaphore_mem>>) src(%dma_wait3A_371 : memref<5008xf32, #tpu.memory_space<hbm>>) dst(%arg18 : memref<5008xf32, #tpu.memory_space<vmem>>)
      %scan3A_372 = arith.constant 0 : i32
      %scan3A_373 = arith.constant 0 : i32
      %scan3A_374 = arith.constant 313 : i32
      %scan3A_375 = arith.addi %scan3A_373, %scan3A_374 : i32
      %scan3A_376 = arith.constant 1 : i32
      scf.for %scan3A_398 = %scan3A_373 to %scan3A_375 step %scan3A_376  : i32 {
        %mul3A_399 = arith.constant 16 : i32
        %mul3A_400 = arith.muli %scan3A_398, %mul3A_399 : i32
        %get3A_401 = arith.index_cast %mul3A_400 : i32 to index
        %get3A_402 = tpu.vector_load %arg16[%get3A_401] {strides = array<i32>} : memref<5008xi32, #tpu.memory_space<vmem>>, vector<16xi32>,
        %get3A_403 = arith.index_cast %mul3A_400 : i32 to index
        %get3A_404 = tpu.vector_load %arg17[%get3A_403] {strides = array<i32>} : memref<5008xi32, #tpu.memory_space<vmem>>, vector<16xi32>,
        %get3A_405 = arith.index_cast %mul3A_400 : i32 to index
        %get3A_406 = tpu.vector_load %arg18[%get3A_405] {strides = array<i32>} : memref<5008xf32, #tpu.memory_space<vmem>>, vector<16xf32>,
        %gather3A = tpu.vector_load_idx %arg8[%get3A_402] : memref<10240xf32, #tpu.memory_space<vmem>>[vector<16xi32>], vector<16xf32>,
        %mul3A_407 = arith.mulf %gather3A, %get3A_406 : vector<16xf32>
        tpu.vector_store_idx %arg10[%get3A_404], %mul3A_407 {add = true} : memref<10240xf32, #tpu.memory_space<vmem>>[vector<16xi32>], vector<16xf32>,
        %gather3A_408 = tpu.vector_load_idx %arg9[%get3A_402] : memref<10240xf32, #tpu.memory_space<vmem>>[vector<16xi32>], vector<16xf32>,
        %mul3A_409 = arith.mulf %gather3A_408, %get3A_406 : vector<16xf32>
        tpu.vector_store_idx %arg11[%get3A_404], %mul3A_409 {add = true} : memref<10240xf32, #tpu.memory_space<vmem>>[vector<16xi32>], vector<16xf32>,
      }
      %scan3A_377 = arith.constant 313 : i32
      %lt3A = arith.constant 15 : i32
      %lt3A_378 = arith.cmpi slt, %scan3A_348, %lt3A : i32
      %convert_element_type3A = arith.extui %lt3A_378 : i1 to i32
      %cond3A = arith.constant 0 : i32
      %cond3A_379 = arith.cmpi ne, %convert_element_type3A, %cond3A : i32
      scf.if %cond3A_379 {
        %mul3A_398 = arith.constant 2 : i32
        %mul3A_399 = arith.muli %mul3A_398, %scan3A_348 : i32
        %add3A_400 = arith.constant 2 : i32
        %add3A_401 = arith.addi %mul3A_399, %add3A_400 : i32
        %mul3A_402 = arith.constant 5008 : i32
        %mul3A_403 = arith.muli %add3A_401, %mul3A_402 : i32
        %dma_start3A_404 = tpu.memref_slice %arg3[%mul3A_403] : memref<160256xi32, #tpu.memory_space<hbm>> -> memref<5008xi32, #tpu.memory_space<hbm>>
        %dma_start3A_405 = tpu.memref_slice %arg3[%mul3A_403] : memref<160256xi32, #tpu.memory_space<hbm>> -> memref<5008xi32, #tpu.memory_space<hbm>>
        tpu.enqueue_dma source(%dma_start3A_405 : memref<5008xi32, #tpu.memory_space<hbm>>) target(%arg16 : memref<5008xi32, #tpu.memory_space<vmem>>) target_semaphore(%arg23 : memref<!tpu.dma_semaphore, #tpu.memory_space<semaphore_mem>>)
        %dma_start3A_406 = tpu.memref_slice %arg4[%mul3A_403] : memref<160256xi32, #tpu.memory_space<hbm>> -> memref<5008xi32, #tpu.memory_space<hbm>>
        %dma_start3A_407 = tpu.memref_slice %arg4[%mul3A_403] : memref<160256xi32, #tpu.memory_space<hbm>> -> memref<5008xi32, #tpu.memory_space<hbm>>
        tpu.enqueue_dma source(%dma_start3A_407 : memref<5008xi32, #tpu.memory_space<hbm>>) target(%arg17 : memref<5008xi32, #tpu.memory_space<vmem>>) target_semaphore(%arg23 : memref<!tpu.dma_semaphore, #tpu.memory_space<semaphore_mem>>)
        %dma_start3A_408 = tpu.memref_slice %arg5[%mul3A_403] : memref<160256xf32, #tpu.memory_space<hbm>> -> memref<5008xf32, #tpu.memory_space<hbm>>
        %dma_start3A_409 = tpu.memref_slice %arg5[%mul3A_403] : memref<160256xf32, #tpu.memory_space<hbm>> -> memref<5008xf32, #tpu.memory_space<hbm>>
        tpu.enqueue_dma source(%dma_start3A_409 : memref<5008xf32, #tpu.memory_space<hbm>>) target(%arg18 : memref<5008xf32, #tpu.memory_space<vmem>>) target_semaphore(%arg23 : memref<!tpu.dma_semaphore, #tpu.memory_space<semaphore_mem>>)
      } else {
      }
      %dma_wait3A_380 = arith.constant 0 : i32
      %dma_wait3A_381 = tpu.memref_slice %arg3[%dma_wait3A_380] : memref<160256xi32, #tpu.memory_space<hbm>> -> memref<5008xi32, #tpu.memory_space<hbm>>
      %dma_wait3A_382 = arith.constant 0 : i32
      %dma_wait3A_383 = tpu.memref_slice %arg3[%dma_wait3A_382] : memref<160256xi32, #tpu.memory_space<hbm>> -> memref<5008xi32, #tpu.memory_space<hbm>>
      tpu.wait_dma2 semaphore(%arg24 : memref<!tpu.dma_semaphore, #tpu.memory_space<semaphore_mem>>) src(%dma_wait3A_383 : memref<5008xi32, #tpu.memory_space<hbm>>) dst(%arg19 : memref<5008xi32, #tpu.memory_space<vmem>>)
      %dma_wait3A_384 = arith.constant 0 : i32
      %dma_wait3A_385 = tpu.memref_slice %arg4[%dma_wait3A_384] : memref<160256xi32, #tpu.memory_space<hbm>> -> memref<5008xi32, #tpu.memory_space<hbm>>
      %dma_wait3A_386 = arith.constant 0 : i32
      %dma_wait3A_387 = tpu.memref_slice %arg4[%dma_wait3A_386] : memref<160256xi32, #tpu.memory_space<hbm>> -> memref<5008xi32, #tpu.memory_space<hbm>>
      tpu.wait_dma2 semaphore(%arg24 : memref<!tpu.dma_semaphore, #tpu.memory_space<semaphore_mem>>) src(%dma_wait3A_387 : memref<5008xi32, #tpu.memory_space<hbm>>) dst(%arg20 : memref<5008xi32, #tpu.memory_space<vmem>>)
      %dma_wait3A_388 = arith.constant 0 : i32
      %dma_wait3A_389 = tpu.memref_slice %arg5[%dma_wait3A_388] : memref<160256xf32, #tpu.memory_space<hbm>> -> memref<5008xf32, #tpu.memory_space<hbm>>
      %dma_wait3A_390 = arith.constant 0 : i32
      %dma_wait3A_391 = tpu.memref_slice %arg5[%dma_wait3A_390] : memref<160256xf32, #tpu.memory_space<hbm>> -> memref<5008xf32, #tpu.memory_space<hbm>>
      tpu.wait_dma2 semaphore(%arg24 : memref<!tpu.dma_semaphore, #tpu.memory_space<semaphore_mem>>) src(%dma_wait3A_391 : memref<5008xf32, #tpu.memory_space<hbm>>) dst(%arg21 : memref<5008xf32, #tpu.memory_space<vmem>>)
      %scan3A_392 = arith.constant 0 : i32
      %scan3A_393 = arith.constant 0 : i32
      %scan3A_394 = arith.constant 313 : i32
      %scan3A_395 = arith.addi %scan3A_393, %scan3A_394 : i32
      %scan3A_396 = arith.constant 1 : i32
      scf.for %scan3A_398 = %scan3A_393 to %scan3A_395 step %scan3A_396  : i32 {
        %mul3A_399 = arith.constant 16 : i32
        %mul3A_400 = arith.muli %scan3A_398, %mul3A_399 : i32
        %get3A_401 = arith.index_cast %mul3A_400 : i32 to index
        %get3A_402 = tpu.vector_load %arg19[%get3A_401] {strides = array<i32>} : memref<5008xi32, #tpu.memory_space<vmem>>, vector<16xi32>,
        %get3A_403 = arith.index_cast %mul3A_400 : i32 to index
        %get3A_404 = tpu.vector_load %arg20[%get3A_403] {strides = array<i32>} : memref<5008xi32, #tpu.memory_space<vmem>>, vector<16xi32>,
        %get3A_405 = arith.index_cast %mul3A_400 : i32 to index
        %get3A_406 = tpu.vector_load %arg21[%get3A_405] {strides = array<i32>} : memref<5008xf32, #tpu.memory_space<vmem>>, vector<16xf32>,
        %gather3A = tpu.vector_load_idx %arg8[%get3A_402] : memref<10240xf32, #tpu.memory_space<vmem>>[vector<16xi32>], vector<16xf32>,
        %mul3A_407 = arith.mulf %gather3A, %get3A_406 : vector<16xf32>
        tpu.vector_store_idx %arg10[%get3A_404], %mul3A_407 {add = true} : memref<10240xf32, #tpu.memory_space<vmem>>[vector<16xi32>], vector<16xf32>,
        %gather3A_408 = tpu.vector_load_idx %arg9[%get3A_402] : memref<10240xf32, #tpu.memory_space<vmem>>[vector<16xi32>], vector<16xf32>,
        %mul3A_409 = arith.mulf %gather3A_408, %get3A_406 : vector<16xf32>
        tpu.vector_store_idx %arg11[%get3A_404], %mul3A_409 {add = true} : memref<10240xf32, #tpu.memory_space<vmem>>[vector<16xi32>], vector<16xf32>,
      }
      %scan3A_397 = arith.constant 313 : i32
    }
    %scan3A_26 = arith.constant 16 : i32
    %get3A = arith.constant 0 : i32
    %get3A_27 = arith.index_cast %get3A : i32 to index
    %get3A_28 = arith.constant 0 : index
    %get3A_29 = tpu.vector_load %arg22[%get3A_27, %get3A_28] {strides = array<i32>} : memref<16x16xf32, #tpu.memory_space<vmem>>, vector<16xf32>,
    %get3A_30 = arith.constant 1 : i32
    %get3A_31 = arith.index_cast %get3A_30 : i32 to index
    %get3A_32 = arith.constant 0 : index
    %get3A_33 = tpu.vector_load %arg22[%get3A_31, %get3A_32] {strides = array<i32>} : memref<16x16xf32, #tpu.memory_space<vmem>>, vector<16xf32>,
    %scan3A_34 = arith.constant 0 : i32
    %scan3A_35 = arith.constant 0 : i32
    %scan3A_36 = arith.constant 640 : i32
    %scan3A_37 = arith.addi %scan3A_35, %scan3A_36 : i32
    %scan3A_38 = arith.constant 1 : i32
    scf.for %scan3A_348 = %scan3A_35 to %scan3A_37 step %scan3A_38  : i32 {
      %mul3A_349 = arith.constant 16 : i32
      %mul3A_350 = arith.muli %scan3A_348, %mul3A_349 : i32
      %get3A_351 = arith.index_cast %mul3A_350 : i32 to index
      %get3A_352 = tpu.vector_load %arg8[%get3A_351] {strides = array<i32>} : memref<10240xf32, #tpu.memory_space<vmem>>, vector<16xf32>,
      %mul3A_353 = arith.mulf %get3A_29, %get3A_352 : vector<16xf32>
      %get3A_354 = arith.index_cast %mul3A_350 : i32 to index
      %get3A_355 = tpu.vector_load %arg10[%get3A_354] {strides = array<i32>} : memref<10240xf32, #tpu.memory_space<vmem>>, vector<16xf32>,
      %mul3A_356 = arith.mulf %get3A_33, %get3A_355 : vector<16xf32>
      %add3A_357 = arith.addf %mul3A_353, %mul3A_356 : vector<16xf32>
      %swap3A = arith.index_cast %mul3A_350 : i32 to index
      %swap3A_358 = tpu.vector_load %arg14[%swap3A] {strides = array<i32>} : memref<10240xf32, #tpu.memory_space<vmem>>, vector<16xf32>,
      tpu.vector_store %arg14[%swap3A], %add3A_357 {strides = array<i32>} : memref<10240xf32, #tpu.memory_space<vmem>>, vector<16xf32>,
      %get3A_359 = arith.index_cast %mul3A_350 : i32 to index
      %get3A_360 = tpu.vector_load %arg9[%get3A_359] {strides = array<i32>} : memref<10240xf32, #tpu.memory_space<vmem>>, vector<16xf32>,
      %mul3A_361 = arith.mulf %get3A_29, %get3A_360 : vector<16xf32>
      %get3A_362 = arith.index_cast %mul3A_350 : i32 to index
      %get3A_363 = tpu.vector_load %arg11[%get3A_362] {strides = array<i32>} : memref<10240xf32, #tpu.memory_space<vmem>>, vector<16xf32>,
      %mul3A_364 = arith.mulf %get3A_33, %get3A_363 : vector<16xf32>
      %add3A_365 = arith.addf %mul3A_361, %mul3A_364 : vector<16xf32>
      %swap3A_366 = arith.index_cast %mul3A_350 : i32 to index
      %swap3A_367 = tpu.vector_load %arg15[%swap3A_366] {strides = array<i32>} : memref<10240xf32, #tpu.memory_space<vmem>>, vector<16xf32>,
      tpu.vector_store %arg15[%swap3A_366], %add3A_365 {strides = array<i32>} : memref<10240xf32, #tpu.memory_space<vmem>>, vector<16xf32>,
    }
    %scan3A_39 = arith.constant 640 : i32
    %scan3A_40 = arith.constant 0 : i32
    %scan3A_41 = arith.constant 0 : i32
    %scan3A_42 = arith.constant 640 : i32
    %scan3A_43 = arith.addi %scan3A_41, %scan3A_42 : i32
    %scan3A_44 = arith.constant 1 : i32
    scf.for %scan3A_348 = %scan3A_41 to %scan3A_43 step %scan3A_44  : i32 {
      %broadcast_in_dim3A = arith.constant 0.000000e+00 : f32
      %broadcast_in_dim3A_349 = vector.broadcast %broadcast_in_dim3A : f32 to vector<16xf32>
      %mul3A_350 = arith.constant 16 : i32
      %mul3A_351 = arith.muli %scan3A_348, %mul3A_350 : i32
      %swap3A = arith.index_cast %mul3A_351 : i32 to index
      %swap3A_352 = tpu.vector_load %arg12[%swap3A] {strides = array<i32>} : memref<10240xf32, #tpu.memory_space<vmem>>, vector<16xf32>,
      tpu.vector_store %arg12[%swap3A], %broadcast_in_dim3A_349 {strides = array<i32>} : memref<10240xf32, #tpu.memory_space<vmem>>, vector<16xf32>,
      %broadcast_in_dim3A_353 = arith.constant 0.000000e+00 : f32
      %broadcast_in_dim3A_354 = vector.broadcast %broadcast_in_dim3A_353 : f32 to vector<16xf32>
      %mul3A_355 = arith.constant 16 : i32
      %mul3A_356 = arith.muli %scan3A_348, %mul3A_355 : i32
      %swap3A_357 = arith.index_cast %mul3A_356 : i32 to index
      %swap3A_358 = tpu.vector_load %arg13[%swap3A_357] {strides = array<i32>} : memref<10240xf32, #tpu.memory_space<vmem>>, vector<16xf32>,
      tpu.vector_store %arg13[%swap3A_357], %broadcast_in_dim3A_354 {strides = array<i32>} : memref<10240xf32, #tpu.memory_space<vmem>>, vector<16xf32>,
    }
    %scan3A_45 = arith.constant 640 : i32
    %dma_start3A_46 = arith.constant 0 : i32
    %dma_start3A_47 = tpu.memref_slice %arg3[%dma_start3A_46] : memref<160256xi32, #tpu.memory_space<hbm>> -> memref<5008xi32, #tpu.memory_space<hbm>>
    %dma_start3A_48 = arith.constant 0 : i32
    %dma_start3A_49 = tpu.memref_slice %arg3[%dma_start3A_48] : memref<160256xi32, #tpu.memory_space<hbm>> -> memref<5008xi32, #tpu.memory_space<hbm>>
    tpu.enqueue_dma source(%dma_start3A_49 : memref<5008xi32, #tpu.memory_space<hbm>>) target(%arg16 : memref<5008xi32, #tpu.memory_space<vmem>>) target_semaphore(%arg23 : memref<!tpu.dma_semaphore, #tpu.memory_space<semaphore_mem>>)
    %dma_start3A_50 = arith.constant 0 : i32
    %dma_start3A_51 = tpu.memref_slice %arg4[%dma_start3A_50] : memref<160256xi32, #tpu.memory_space<hbm>> -> memref<5008xi32, #tpu.memory_space<hbm>>
    %dma_start3A_52 = arith.constant 0 : i32
    %dma_start3A_53 = tpu.memref_slice %arg4[%dma_start3A_52] : memref<160256xi32, #tpu.memory_space<hbm>> -> memref<5008xi32, #tpu.memory_space<hbm>>
    tpu.enqueue_dma source(%dma_start3A_53 : memref<5008xi32, #tpu.memory_space<hbm>>) target(%arg17 : memref<5008xi32, #tpu.memory_space<vmem>>) target_semaphore(%arg23 : memref<!tpu.dma_semaphore, #tpu.memory_space<semaphore_mem>>)
    %dma_start3A_54 = arith.constant 0 : i32
    %dma_start3A_55 = tpu.memref_slice %arg5[%dma_start3A_54] : memref<160256xf32, #tpu.memory_space<hbm>> -> memref<5008xf32, #tpu.memory_space<hbm>>
    %dma_start3A_56 = arith.constant 0 : i32
    %dma_start3A_57 = tpu.memref_slice %arg5[%dma_start3A_56] : memref<160256xf32, #tpu.memory_space<hbm>> -> memref<5008xf32, #tpu.memory_space<hbm>>
    tpu.enqueue_dma source(%dma_start3A_57 : memref<5008xf32, #tpu.memory_space<hbm>>) target(%arg18 : memref<5008xf32, #tpu.memory_space<vmem>>) target_semaphore(%arg23 : memref<!tpu.dma_semaphore, #tpu.memory_space<semaphore_mem>>)
    %scan3A_58 = arith.constant 0 : i32
    %scan3A_59 = arith.constant 0 : i32
    %scan3A_60 = arith.constant 16 : i32
    %scan3A_61 = arith.addi %scan3A_59, %scan3A_60 : i32
    %scan3A_62 = arith.constant 1 : i32
    scf.for %scan3A_348 = %scan3A_59 to %scan3A_61 step %scan3A_62  : i32 {
      %mul3A_349 = arith.constant 2 : i32
      %mul3A_350 = arith.muli %mul3A_349, %scan3A_348 : i32
      %add3A_351 = arith.constant 1 : i32
      %add3A_352 = arith.addi %mul3A_350, %add3A_351 : i32
      %mul3A_353 = arith.constant 5008 : i32
      %mul3A_354 = arith.muli %add3A_352, %mul3A_353 : i32
      %dma_start3A_355 = tpu.memref_slice %arg3[%mul3A_354] : memref<160256xi32, #tpu.memory_space<hbm>> -> memref<5008xi32, #tpu.memory_space<hbm>>
      %dma_start3A_356 = tpu.memref_slice %arg3[%mul3A_354] : memref<160256xi32, #tpu.memory_space<hbm>> -> memref<5008xi32, #tpu.memory_space<hbm>>
      tpu.enqueue_dma source(%dma_start3A_356 : memref<5008xi32, #tpu.memory_space<hbm>>) target(%arg19 : memref<5008xi32, #tpu.memory_space<vmem>>) target_semaphore(%arg24 : memref<!tpu.dma_semaphore, #tpu.memory_space<semaphore_mem>>)
      %dma_start3A_357 = tpu.memref_slice %arg4[%mul3A_354] : memref<160256xi32, #tpu.memory_space<hbm>> -> memref<5008xi32, #tpu.memory_space<hbm>>
      %dma_start3A_358 = tpu.memref_slice %arg4[%mul3A_354] : memref<160256xi32, #tpu.memory_space<hbm>> -> memref<5008xi32, #tpu.memory_space<hbm>>
      tpu.enqueue_dma source(%dma_start3A_358 : memref<5008xi32, #tpu.memory_space<hbm>>) target(%arg20 : memref<5008xi32, #tpu.memory_space<vmem>>) target_semaphore(%arg24 : memref<!tpu.dma_semaphore, #tpu.memory_space<semaphore_mem>>)
      %dma_start3A_359 = tpu.memref_slice %arg5[%mul3A_354] : memref<160256xf32, #tpu.memory_space<hbm>> -> memref<5008xf32, #tpu.memory_space<hbm>>
      %dma_start3A_360 = tpu.memref_slice %arg5[%mul3A_354] : memref<160256xf32, #tpu.memory_space<hbm>> -> memref<5008xf32, #tpu.memory_space<hbm>>
      tpu.enqueue_dma source(%dma_start3A_360 : memref<5008xf32, #tpu.memory_space<hbm>>) target(%arg21 : memref<5008xf32, #tpu.memory_space<vmem>>) target_semaphore(%arg24 : memref<!tpu.dma_semaphore, #tpu.memory_space<semaphore_mem>>)
      %dma_wait3A = arith.constant 0 : i32
      %dma_wait3A_361 = tpu.memref_slice %arg3[%dma_wait3A] : memref<160256xi32, #tpu.memory_space<hbm>> -> memref<5008xi32, #tpu.memory_space<hbm>>
      %dma_wait3A_362 = arith.constant 0 : i32
      %dma_wait3A_363 = tpu.memref_slice %arg3[%dma_wait3A_362] : memref<160256xi32, #tpu.memory_space<hbm>> -> memref<5008xi32, #tpu.memory_space<hbm>>
      tpu.wait_dma2 semaphore(%arg23 : memref<!tpu.dma_semaphore, #tpu.memory_space<semaphore_mem>>) src(%dma_wait3A_363 : memref<5008xi32, #tpu.memory_space<hbm>>) dst(%arg16 : memref<5008xi32, #tpu.memory_space<vmem>>)
      %dma_wait3A_364 = arith.constant 0 : i32
      %dma_wait3A_365 = tpu.memref_slice %arg4[%dma_wait3A_364] : memref<160256xi32, #tpu.memory_space<hbm>> -> memref<5008xi32, #tpu.memory_space<hbm>>
      %dma_wait3A_366 = arith.constant 0 : i32
      %dma_wait3A_367 = tpu.memref_slice %arg4[%dma_wait3A_366] : memref<160256xi32, #tpu.memory_space<hbm>> -> memref<5008xi32, #tpu.memory_space<hbm>>
      tpu.wait_dma2 semaphore(%arg23 : memref<!tpu.dma_semaphore, #tpu.memory_space<semaphore_mem>>) src(%dma_wait3A_367 : memref<5008xi32, #tpu.memory_space<hbm>>) dst(%arg17 : memref<5008xi32, #tpu.memory_space<vmem>>)
      %dma_wait3A_368 = arith.constant 0 : i32
      %dma_wait3A_369 = tpu.memref_slice %arg5[%dma_wait3A_368] : memref<160256xf32, #tpu.memory_space<hbm>> -> memref<5008xf32, #tpu.memory_space<hbm>>
      %dma_wait3A_370 = arith.constant 0 : i32
      %dma_wait3A_371 = tpu.memref_slice %arg5[%dma_wait3A_370] : memref<160256xf32, #tpu.memory_space<hbm>> -> memref<5008xf32, #tpu.memory_space<hbm>>
      tpu.wait_dma2 semaphore(%arg23 : memref<!tpu.dma_semaphore, #tpu.memory_space<semaphore_mem>>) src(%dma_wait3A_371 : memref<5008xf32, #tpu.memory_space<hbm>>) dst(%arg18 : memref<5008xf32, #tpu.memory_space<vmem>>)
      %scan3A_372 = arith.constant 0 : i32
      %scan3A_373 = arith.constant 0 : i32
      %scan3A_374 = arith.constant 313 : i32
      %scan3A_375 = arith.addi %scan3A_373, %scan3A_374 : i32
      %scan3A_376 = arith.constant 1 : i32
      scf.for %scan3A_398 = %scan3A_373 to %scan3A_375 step %scan3A_376  : i32 {
        %mul3A_399 = arith.constant 16 : i32
        %mul3A_400 = arith.muli %scan3A_398, %mul3A_399 : i32
        %get3A_401 = arith.index_cast %mul3A_400 : i32 to index
        %get3A_402 = tpu.vector_load %arg16[%get3A_401] {strides = array<i32>} : memref<5008xi32, #tpu.memory_space<vmem>>, vector<16xi32>,
        %get3A_403 = arith.index_cast %mul3A_400 : i32 to index
        %get3A_404 = tpu.vector_load %arg17[%get3A_403] {strides = array<i32>} : memref<5008xi32, #tpu.memory_space<vmem>>, vector<16xi32>,
        %get3A_405 = arith.index_cast %mul3A_400 : i32 to index
        %get3A_406 = tpu.vector_load %arg18[%get3A_405] {strides = array<i32>} : memref<5008xf32, #tpu.memory_space<vmem>>, vector<16xf32>,
        %gather3A = tpu.vector_load_idx %arg10[%get3A_402] : memref<10240xf32, #tpu.memory_space<vmem>>[vector<16xi32>], vector<16xf32>,
        %mul3A_407 = arith.mulf %gather3A, %get3A_406 : vector<16xf32>
        tpu.vector_store_idx %arg12[%get3A_404], %mul3A_407 {add = true} : memref<10240xf32, #tpu.memory_space<vmem>>[vector<16xi32>], vector<16xf32>,
        %gather3A_408 = tpu.vector_load_idx %arg11[%get3A_402] : memref<10240xf32, #tpu.memory_space<vmem>>[vector<16xi32>], vector<16xf32>,
        %mul3A_409 = arith.mulf %gather3A_408, %get3A_406 : vector<16xf32>
        tpu.vector_store_idx %arg13[%get3A_404], %mul3A_409 {add = true} : memref<10240xf32, #tpu.memory_space<vmem>>[vector<16xi32>], vector<16xf32>,
      }
      %scan3A_377 = arith.constant 313 : i32
      %lt3A = arith.constant 15 : i32
      %lt3A_378 = arith.cmpi slt, %scan3A_348, %lt3A : i32
      %convert_element_type3A = arith.extui %lt3A_378 : i1 to i32
      %cond3A = arith.constant 0 : i32
      %cond3A_379 = arith.cmpi ne, %convert_element_type3A, %cond3A : i32
      scf.if %cond3A_379 {
        %mul3A_398 = arith.constant 2 : i32
        %mul3A_399 = arith.muli %mul3A_398, %scan3A_348 : i32
        %add3A_400 = arith.constant 2 : i32
        %add3A_401 = arith.addi %mul3A_399, %add3A_400 : i32
        %mul3A_402 = arith.constant 5008 : i32
        %mul3A_403 = arith.muli %add3A_401, %mul3A_402 : i32
        %dma_start3A_404 = tpu.memref_slice %arg3[%mul3A_403] : memref<160256xi32, #tpu.memory_space<hbm>> -> memref<5008xi32, #tpu.memory_space<hbm>>
        %dma_start3A_405 = tpu.memref_slice %arg3[%mul3A_403] : memref<160256xi32, #tpu.memory_space<hbm>> -> memref<5008xi32, #tpu.memory_space<hbm>>
        tpu.enqueue_dma source(%dma_start3A_405 : memref<5008xi32, #tpu.memory_space<hbm>>) target(%arg16 : memref<5008xi32, #tpu.memory_space<vmem>>) target_semaphore(%arg23 : memref<!tpu.dma_semaphore, #tpu.memory_space<semaphore_mem>>)
        %dma_start3A_406 = tpu.memref_slice %arg4[%mul3A_403] : memref<160256xi32, #tpu.memory_space<hbm>> -> memref<5008xi32, #tpu.memory_space<hbm>>
        %dma_start3A_407 = tpu.memref_slice %arg4[%mul3A_403] : memref<160256xi32, #tpu.memory_space<hbm>> -> memref<5008xi32, #tpu.memory_space<hbm>>
        tpu.enqueue_dma source(%dma_start3A_407 : memref<5008xi32, #tpu.memory_space<hbm>>) target(%arg17 : memref<5008xi32, #tpu.memory_space<vmem>>) target_semaphore(%arg23 : memref<!tpu.dma_semaphore, #tpu.memory_space<semaphore_mem>>)
        %dma_start3A_408 = tpu.memref_slice %arg5[%mul3A_403] : memref<160256xf32, #tpu.memory_space<hbm>> -> memref<5008xf32, #tpu.memory_space<hbm>>
        %dma_start3A_409 = tpu.memref_slice %arg5[%mul3A_403] : memref<160256xf32, #tpu.memory_space<hbm>> -> memref<5008xf32, #tpu.memory_space<hbm>>
        tpu.enqueue_dma source(%dma_start3A_409 : memref<5008xf32, #tpu.memory_space<hbm>>) target(%arg18 : memref<5008xf32, #tpu.memory_space<vmem>>) target_semaphore(%arg23 : memref<!tpu.dma_semaphore, #tpu.memory_space<semaphore_mem>>)
      } else {
      }
      %dma_wait3A_380 = arith.constant 0 : i32
      %dma_wait3A_381 = tpu.memref_slice %arg3[%dma_wait3A_380] : memref<160256xi32, #tpu.memory_space<hbm>> -> memref<5008xi32, #tpu.memory_space<hbm>>
      %dma_wait3A_382 = arith.constant 0 : i32
      %dma_wait3A_383 = tpu.memref_slice %arg3[%dma_wait3A_382] : memref<160256xi32, #tpu.memory_space<hbm>> -> memref<5008xi32, #tpu.memory_space<hbm>>
      tpu.wait_dma2 semaphore(%arg24 : memref<!tpu.dma_semaphore, #tpu.memory_space<semaphore_mem>>) src(%dma_wait3A_383 : memref<5008xi32, #tpu.memory_space<hbm>>) dst(%arg19 : memref<5008xi32, #tpu.memory_space<vmem>>)
      %dma_wait3A_384 = arith.constant 0 : i32
      %dma_wait3A_385 = tpu.memref_slice %arg4[%dma_wait3A_384] : memref<160256xi32, #tpu.memory_space<hbm>> -> memref<5008xi32, #tpu.memory_space<hbm>>
      %dma_wait3A_386 = arith.constant 0 : i32
      %dma_wait3A_387 = tpu.memref_slice %arg4[%dma_wait3A_386] : memref<160256xi32, #tpu.memory_space<hbm>> -> memref<5008xi32, #tpu.memory_space<hbm>>
      tpu.wait_dma2 semaphore(%arg24 : memref<!tpu.dma_semaphore, #tpu.memory_space<semaphore_mem>>) src(%dma_wait3A_387 : memref<5008xi32, #tpu.memory_space<hbm>>) dst(%arg20 : memref<5008xi32, #tpu.memory_space<vmem>>)
      %dma_wait3A_388 = arith.constant 0 : i32
      %dma_wait3A_389 = tpu.memref_slice %arg5[%dma_wait3A_388] : memref<160256xf32, #tpu.memory_space<hbm>> -> memref<5008xf32, #tpu.memory_space<hbm>>
      %dma_wait3A_390 = arith.constant 0 : i32
      %dma_wait3A_391 = tpu.memref_slice %arg5[%dma_wait3A_390] : memref<160256xf32, #tpu.memory_space<hbm>> -> memref<5008xf32, #tpu.memory_space<hbm>>
      tpu.wait_dma2 semaphore(%arg24 : memref<!tpu.dma_semaphore, #tpu.memory_space<semaphore_mem>>) src(%dma_wait3A_391 : memref<5008xf32, #tpu.memory_space<hbm>>) dst(%arg21 : memref<5008xf32, #tpu.memory_space<vmem>>)
      %scan3A_392 = arith.constant 0 : i32
      %scan3A_393 = arith.constant 0 : i32
      %scan3A_394 = arith.constant 313 : i32
      %scan3A_395 = arith.addi %scan3A_393, %scan3A_394 : i32
      %scan3A_396 = arith.constant 1 : i32
      scf.for %scan3A_398 = %scan3A_393 to %scan3A_395 step %scan3A_396  : i32 {
        %mul3A_399 = arith.constant 16 : i32
        %mul3A_400 = arith.muli %scan3A_398, %mul3A_399 : i32
        %get3A_401 = arith.index_cast %mul3A_400 : i32 to index
        %get3A_402 = tpu.vector_load %arg19[%get3A_401] {strides = array<i32>} : memref<5008xi32, #tpu.memory_space<vmem>>, vector<16xi32>,
        %get3A_403 = arith.index_cast %mul3A_400 : i32 to index
        %get3A_404 = tpu.vector_load %arg20[%get3A_403] {strides = array<i32>} : memref<5008xi32, #tpu.memory_space<vmem>>, vector<16xi32>,
        %get3A_405 = arith.index_cast %mul3A_400 : i32 to index
        %get3A_406 = tpu.vector_load %arg21[%get3A_405] {strides = array<i32>} : memref<5008xf32, #tpu.memory_space<vmem>>, vector<16xf32>,
        %gather3A = tpu.vector_load_idx %arg10[%get3A_402] : memref<10240xf32, #tpu.memory_space<vmem>>[vector<16xi32>], vector<16xf32>,
        %mul3A_407 = arith.mulf %gather3A, %get3A_406 : vector<16xf32>
        tpu.vector_store_idx %arg12[%get3A_404], %mul3A_407 {add = true} : memref<10240xf32, #tpu.memory_space<vmem>>[vector<16xi32>], vector<16xf32>,
        %gather3A_408 = tpu.vector_load_idx %arg11[%get3A_402] : memref<10240xf32, #tpu.memory_space<vmem>>[vector<16xi32>], vector<16xf32>,
        %mul3A_409 = arith.mulf %gather3A_408, %get3A_406 : vector<16xf32>
        tpu.vector_store_idx %arg13[%get3A_404], %mul3A_409 {add = true} : memref<10240xf32, #tpu.memory_space<vmem>>[vector<16xi32>], vector<16xf32>,
      }
      %scan3A_397 = arith.constant 313 : i32
    }
    %scan3A_63 = arith.constant 16 : i32
    %get3A_64 = arith.constant 2 : i32
    %get3A_65 = arith.index_cast %get3A_64 : i32 to index
    %get3A_66 = arith.constant 0 : index
    %get3A_67 = tpu.vector_load %arg22[%get3A_65, %get3A_66] {strides = array<i32>} : memref<16x16xf32, #tpu.memory_space<vmem>>, vector<16xf32>,
    %scan3A_68 = arith.constant 0 : i32
    %scan3A_69 = arith.constant 0 : i32
    %scan3A_70 = arith.constant 640 : i32
    %scan3A_71 = arith.addi %scan3A_69, %scan3A_70 : i32
    %scan3A_72 = arith.constant 1 : i32
    scf.for %scan3A_348 = %scan3A_69 to %scan3A_71 step %scan3A_72  : i32 {
      %mul3A_349 = arith.constant 16 : i32
      %mul3A_350 = arith.muli %scan3A_348, %mul3A_349 : i32
      %get3A_351 = arith.index_cast %mul3A_350 : i32 to index
      %get3A_352 = tpu.vector_load %arg12[%get3A_351] {strides = array<i32>} : memref<10240xf32, #tpu.memory_space<vmem>>, vector<16xf32>,
      %mul3A_353 = arith.constant 2.000000e+00 : f32
      %mul3A_354 = vector.broadcast %mul3A_353 : f32 to vector<16xf32>
      %mul3A_355 = arith.mulf %mul3A_354, %get3A_352 : vector<16xf32>
      %get3A_356 = arith.index_cast %mul3A_350 : i32 to index
      %get3A_357 = tpu.vector_load %arg8[%get3A_356] {strides = array<i32>} : memref<10240xf32, #tpu.memory_space<vmem>>, vector<16xf32>,
      %sub3A = arith.subf %mul3A_355, %get3A_357 : vector<16xf32>
      %swap3A = arith.index_cast %mul3A_350 : i32 to index
      %swap3A_358 = tpu.vector_load %arg8[%swap3A] {strides = array<i32>} : memref<10240xf32, #tpu.memory_space<vmem>>, vector<16xf32>,
      tpu.vector_store %arg8[%swap3A], %sub3A {strides = array<i32>} : memref<10240xf32, #tpu.memory_space<vmem>>, vector<16xf32>,
      %get3A_359 = arith.index_cast %mul3A_350 : i32 to index
      %get3A_360 = tpu.vector_load %arg14[%get3A_359] {strides = array<i32>} : memref<10240xf32, #tpu.memory_space<vmem>>, vector<16xf32>,
      %mul3A_361 = arith.mulf %get3A_67, %sub3A : vector<16xf32>
      %add3A_362 = arith.addf %get3A_360, %mul3A_361 : vector<16xf32>
      %swap3A_363 = arith.index_cast %mul3A_350 : i32 to index
      %swap3A_364 = tpu.vector_load %arg14[%swap3A_363] {strides = array<i32>} : memref<10240xf32, #tpu.memory_space<vmem>>, vector<16xf32>,
      tpu.vector_store %arg14[%swap3A_363], %add3A_362 {strides = array<i32>} : memref<10240xf32, #tpu.memory_space<vmem>>, vector<16xf32>,
      %get3A_365 = arith.index_cast %mul3A_350 : i32 to index
      %get3A_366 = tpu.vector_load %arg13[%get3A_365] {strides = array<i32>} : memref<10240xf32, #tpu.memory_space<vmem>>, vector<16xf32>,
      %mul3A_367 = arith.constant 2.000000e+00 : f32
      %mul3A_368 = vector.broadcast %mul3A_367 : f32 to vector<16xf32>
      %mul3A_369 = arith.mulf %mul3A_368, %get3A_366 : vector<16xf32>
      %get3A_370 = arith.index_cast %mul3A_350 : i32 to index
      %get3A_371 = tpu.vector_load %arg9[%get3A_370] {strides = array<i32>} : memref<10240xf32, #tpu.memory_space<vmem>>, vector<16xf32>,
      %sub3A_372 = arith.subf %mul3A_369, %get3A_371 : vector<16xf32>
      %swap3A_373 = arith.index_cast %mul3A_350 : i32 to index
      %swap3A_374 = tpu.vector_load %arg9[%swap3A_373] {strides = array<i32>} : memref<10240xf32, #tpu.memory_space<vmem>>, vector<16xf32>,
      tpu.vector_store %arg9[%swap3A_373], %sub3A_372 {strides = array<i32>} : memref<10240xf32, #tpu.memory_space<vmem>>, vector<16xf32>,
      %get3A_375 = arith.index_cast %mul3A_350 : i32 to index
      %get3A_376 = tpu.vector_load %arg15[%get3A_375] {strides = array<i32>} : memref<10240xf32, #tpu.memory_space<vmem>>, vector<16xf32>,
      %mul3A_377 = arith.mulf %get3A_67, %sub3A_372 : vector<16xf32>
      %add3A_378 = arith.addf %get3A_376, %mul3A_377 : vector<16xf32>
      %swap3A_379 = arith.index_cast %mul3A_350 : i32 to index
      %swap3A_380 = tpu.vector_load %arg15[%swap3A_379] {strides = array<i32>} : memref<10240xf32, #tpu.memory_space<vmem>>, vector<16xf32>,
      tpu.vector_store %arg15[%swap3A_379], %add3A_378 {strides = array<i32>} : memref<10240xf32, #tpu.memory_space<vmem>>, vector<16xf32>,
    }
    %scan3A_73 = arith.constant 640 : i32
    %scan3A_74 = arith.constant 0 : i32
    %scan3A_75 = arith.constant 0 : i32
    %scan3A_76 = arith.constant 640 : i32
    %scan3A_77 = arith.addi %scan3A_75, %scan3A_76 : i32
    %scan3A_78 = arith.constant 1 : i32
    scf.for %scan3A_348 = %scan3A_75 to %scan3A_77 step %scan3A_78  : i32 {
      %broadcast_in_dim3A = arith.constant 0.000000e+00 : f32
      %broadcast_in_dim3A_349 = vector.broadcast %broadcast_in_dim3A : f32 to vector<16xf32>
      %mul3A_350 = arith.constant 16 : i32
      %mul3A_351 = arith.muli %scan3A_348, %mul3A_350 : i32
      %swap3A = arith.index_cast %mul3A_351 : i32 to index
      %swap3A_352 = tpu.vector_load %arg12[%swap3A] {strides = array<i32>} : memref<10240xf32, #tpu.memory_space<vmem>>, vector<16xf32>,
      tpu.vector_store %arg12[%swap3A], %broadcast_in_dim3A_349 {strides = array<i32>} : memref<10240xf32, #tpu.memory_space<vmem>>, vector<16xf32>,
      %broadcast_in_dim3A_353 = arith.constant 0.000000e+00 : f32
      %broadcast_in_dim3A_354 = vector.broadcast %broadcast_in_dim3A_353 : f32 to vector<16xf32>
      %mul3A_355 = arith.constant 16 : i32
      %mul3A_356 = arith.muli %scan3A_348, %mul3A_355 : i32
      %swap3A_357 = arith.index_cast %mul3A_356 : i32 to index
      %swap3A_358 = tpu.vector_load %arg13[%swap3A_357] {strides = array<i32>} : memref<10240xf32, #tpu.memory_space<vmem>>, vector<16xf32>,
      tpu.vector_store %arg13[%swap3A_357], %broadcast_in_dim3A_354 {strides = array<i32>} : memref<10240xf32, #tpu.memory_space<vmem>>, vector<16xf32>,
    }
    %scan3A_79 = arith.constant 640 : i32
    %dma_start3A_80 = arith.constant 0 : i32
    %dma_start3A_81 = tpu.memref_slice %arg3[%dma_start3A_80] : memref<160256xi32, #tpu.memory_space<hbm>> -> memref<5008xi32, #tpu.memory_space<hbm>>
    %dma_start3A_82 = arith.constant 0 : i32
    %dma_start3A_83 = tpu.memref_slice %arg3[%dma_start3A_82] : memref<160256xi32, #tpu.memory_space<hbm>> -> memref<5008xi32, #tpu.memory_space<hbm>>
    tpu.enqueue_dma source(%dma_start3A_83 : memref<5008xi32, #tpu.memory_space<hbm>>) target(%arg16 : memref<5008xi32, #tpu.memory_space<vmem>>) target_semaphore(%arg23 : memref<!tpu.dma_semaphore, #tpu.memory_space<semaphore_mem>>)
    %dma_start3A_84 = arith.constant 0 : i32
    %dma_start3A_85 = tpu.memref_slice %arg4[%dma_start3A_84] : memref<160256xi32, #tpu.memory_space<hbm>> -> memref<5008xi32, #tpu.memory_space<hbm>>
    %dma_start3A_86 = arith.constant 0 : i32
    %dma_start3A_87 = tpu.memref_slice %arg4[%dma_start3A_86] : memref<160256xi32, #tpu.memory_space<hbm>> -> memref<5008xi32, #tpu.memory_space<hbm>>
    tpu.enqueue_dma source(%dma_start3A_87 : memref<5008xi32, #tpu.memory_space<hbm>>) target(%arg17 : memref<5008xi32, #tpu.memory_space<vmem>>) target_semaphore(%arg23 : memref<!tpu.dma_semaphore, #tpu.memory_space<semaphore_mem>>)
    %dma_start3A_88 = arith.constant 0 : i32
    %dma_start3A_89 = tpu.memref_slice %arg5[%dma_start3A_88] : memref<160256xf32, #tpu.memory_space<hbm>> -> memref<5008xf32, #tpu.memory_space<hbm>>
    %dma_start3A_90 = arith.constant 0 : i32
    %dma_start3A_91 = tpu.memref_slice %arg5[%dma_start3A_90] : memref<160256xf32, #tpu.memory_space<hbm>> -> memref<5008xf32, #tpu.memory_space<hbm>>
    tpu.enqueue_dma source(%dma_start3A_91 : memref<5008xf32, #tpu.memory_space<hbm>>) target(%arg18 : memref<5008xf32, #tpu.memory_space<vmem>>) target_semaphore(%arg23 : memref<!tpu.dma_semaphore, #tpu.memory_space<semaphore_mem>>)
    %scan3A_92 = arith.constant 0 : i32
    %scan3A_93 = arith.constant 0 : i32
    %scan3A_94 = arith.constant 16 : i32
    %scan3A_95 = arith.addi %scan3A_93, %scan3A_94 : i32
    %scan3A_96 = arith.constant 1 : i32
    scf.for %scan3A_348 = %scan3A_93 to %scan3A_95 step %scan3A_96  : i32 {
      %mul3A_349 = arith.constant 2 : i32
      %mul3A_350 = arith.muli %mul3A_349, %scan3A_348 : i32
      %add3A_351 = arith.constant 1 : i32
      %add3A_352 = arith.addi %mul3A_350, %add3A_351 : i32
      %mul3A_353 = arith.constant 5008 : i32
      %mul3A_354 = arith.muli %add3A_352, %mul3A_353 : i32
      %dma_start3A_355 = tpu.memref_slice %arg3[%mul3A_354] : memref<160256xi32, #tpu.memory_space<hbm>> -> memref<5008xi32, #tpu.memory_space<hbm>>
      %dma_start3A_356 = tpu.memref_slice %arg3[%mul3A_354] : memref<160256xi32, #tpu.memory_space<hbm>> -> memref<5008xi32, #tpu.memory_space<hbm>>
      tpu.enqueue_dma source(%dma_start3A_356 : memref<5008xi32, #tpu.memory_space<hbm>>) target(%arg19 : memref<5008xi32, #tpu.memory_space<vmem>>) target_semaphore(%arg24 : memref<!tpu.dma_semaphore, #tpu.memory_space<semaphore_mem>>)
      %dma_start3A_357 = tpu.memref_slice %arg4[%mul3A_354] : memref<160256xi32, #tpu.memory_space<hbm>> -> memref<5008xi32, #tpu.memory_space<hbm>>
      %dma_start3A_358 = tpu.memref_slice %arg4[%mul3A_354] : memref<160256xi32, #tpu.memory_space<hbm>> -> memref<5008xi32, #tpu.memory_space<hbm>>
      tpu.enqueue_dma source(%dma_start3A_358 : memref<5008xi32, #tpu.memory_space<hbm>>) target(%arg20 : memref<5008xi32, #tpu.memory_space<vmem>>) target_semaphore(%arg24 : memref<!tpu.dma_semaphore, #tpu.memory_space<semaphore_mem>>)
      %dma_start3A_359 = tpu.memref_slice %arg5[%mul3A_354] : memref<160256xf32, #tpu.memory_space<hbm>> -> memref<5008xf32, #tpu.memory_space<hbm>>
      %dma_start3A_360 = tpu.memref_slice %arg5[%mul3A_354] : memref<160256xf32, #tpu.memory_space<hbm>> -> memref<5008xf32, #tpu.memory_space<hbm>>
      tpu.enqueue_dma source(%dma_start3A_360 : memref<5008xf32, #tpu.memory_space<hbm>>) target(%arg21 : memref<5008xf32, #tpu.memory_space<vmem>>) target_semaphore(%arg24 : memref<!tpu.dma_semaphore, #tpu.memory_space<semaphore_mem>>)
      %dma_wait3A = arith.constant 0 : i32
      %dma_wait3A_361 = tpu.memref_slice %arg3[%dma_wait3A] : memref<160256xi32, #tpu.memory_space<hbm>> -> memref<5008xi32, #tpu.memory_space<hbm>>
      %dma_wait3A_362 = arith.constant 0 : i32
      %dma_wait3A_363 = tpu.memref_slice %arg3[%dma_wait3A_362] : memref<160256xi32, #tpu.memory_space<hbm>> -> memref<5008xi32, #tpu.memory_space<hbm>>
      tpu.wait_dma2 semaphore(%arg23 : memref<!tpu.dma_semaphore, #tpu.memory_space<semaphore_mem>>) src(%dma_wait3A_363 : memref<5008xi32, #tpu.memory_space<hbm>>) dst(%arg16 : memref<5008xi32, #tpu.memory_space<vmem>>)
      %dma_wait3A_364 = arith.constant 0 : i32
      %dma_wait3A_365 = tpu.memref_slice %arg4[%dma_wait3A_364] : memref<160256xi32, #tpu.memory_space<hbm>> -> memref<5008xi32, #tpu.memory_space<hbm>>
      %dma_wait3A_366 = arith.constant 0 : i32
      %dma_wait3A_367 = tpu.memref_slice %arg4[%dma_wait3A_366] : memref<160256xi32, #tpu.memory_space<hbm>> -> memref<5008xi32, #tpu.memory_space<hbm>>
      tpu.wait_dma2 semaphore(%arg23 : memref<!tpu.dma_semaphore, #tpu.memory_space<semaphore_mem>>) src(%dma_wait3A_367 : memref<5008xi32, #tpu.memory_space<hbm>>) dst(%arg17 : memref<5008xi32, #tpu.memory_space<vmem>>)
      %dma_wait3A_368 = arith.constant 0 : i32
      %dma_wait3A_369 = tpu.memref_slice %arg5[%dma_wait3A_368] : memref<160256xf32, #tpu.memory_space<hbm>> -> memref<5008xf32, #tpu.memory_space<hbm>>
      %dma_wait3A_370 = arith.constant 0 : i32
      %dma_wait3A_371 = tpu.memref_slice %arg5[%dma_wait3A_370] : memref<160256xf32, #tpu.memory_space<hbm>> -> memref<5008xf32, #tpu.memory_space<hbm>>
      tpu.wait_dma2 semaphore(%arg23 : memref<!tpu.dma_semaphore, #tpu.memory_space<semaphore_mem>>) src(%dma_wait3A_371 : memref<5008xf32, #tpu.memory_space<hbm>>) dst(%arg18 : memref<5008xf32, #tpu.memory_space<vmem>>)
      %scan3A_372 = arith.constant 0 : i32
      %scan3A_373 = arith.constant 0 : i32
      %scan3A_374 = arith.constant 313 : i32
      %scan3A_375 = arith.addi %scan3A_373, %scan3A_374 : i32
      %scan3A_376 = arith.constant 1 : i32
      scf.for %scan3A_398 = %scan3A_373 to %scan3A_375 step %scan3A_376  : i32 {
        %mul3A_399 = arith.constant 16 : i32
        %mul3A_400 = arith.muli %scan3A_398, %mul3A_399 : i32
        %get3A_401 = arith.index_cast %mul3A_400 : i32 to index
        %get3A_402 = tpu.vector_load %arg16[%get3A_401] {strides = array<i32>} : memref<5008xi32, #tpu.memory_space<vmem>>, vector<16xi32>,
        %get3A_403 = arith.index_cast %mul3A_400 : i32 to index
        %get3A_404 = tpu.vector_load %arg17[%get3A_403] {strides = array<i32>} : memref<5008xi32, #tpu.memory_space<vmem>>, vector<16xi32>,
        %get3A_405 = arith.index_cast %mul3A_400 : i32 to index
        %get3A_406 = tpu.vector_load %arg18[%get3A_405] {strides = array<i32>} : memref<5008xf32, #tpu.memory_space<vmem>>, vector<16xf32>,
        %gather3A = tpu.vector_load_idx %arg8[%get3A_402] : memref<10240xf32, #tpu.memory_space<vmem>>[vector<16xi32>], vector<16xf32>,
        %mul3A_407 = arith.mulf %gather3A, %get3A_406 : vector<16xf32>
        tpu.vector_store_idx %arg12[%get3A_404], %mul3A_407 {add = true} : memref<10240xf32, #tpu.memory_space<vmem>>[vector<16xi32>], vector<16xf32>,
        %gather3A_408 = tpu.vector_load_idx %arg9[%get3A_402] : memref<10240xf32, #tpu.memory_space<vmem>>[vector<16xi32>], vector<16xf32>,
        %mul3A_409 = arith.mulf %gather3A_408, %get3A_406 : vector<16xf32>
        tpu.vector_store_idx %arg13[%get3A_404], %mul3A_409 {add = true} : memref<10240xf32, #tpu.memory_space<vmem>>[vector<16xi32>], vector<16xf32>,
      }
      %scan3A_377 = arith.constant 313 : i32
      %lt3A = arith.constant 15 : i32
      %lt3A_378 = arith.cmpi slt, %scan3A_348, %lt3A : i32
      %convert_element_type3A = arith.extui %lt3A_378 : i1 to i32
      %cond3A = arith.constant 0 : i32
      %cond3A_379 = arith.cmpi ne, %convert_element_type3A, %cond3A : i32
      scf.if %cond3A_379 {
        %mul3A_398 = arith.constant 2 : i32
        %mul3A_399 = arith.muli %mul3A_398, %scan3A_348 : i32
        %add3A_400 = arith.constant 2 : i32
        %add3A_401 = arith.addi %mul3A_399, %add3A_400 : i32
        %mul3A_402 = arith.constant 5008 : i32
        %mul3A_403 = arith.muli %add3A_401, %mul3A_402 : i32
        %dma_start3A_404 = tpu.memref_slice %arg3[%mul3A_403] : memref<160256xi32, #tpu.memory_space<hbm>> -> memref<5008xi32, #tpu.memory_space<hbm>>
        %dma_start3A_405 = tpu.memref_slice %arg3[%mul3A_403] : memref<160256xi32, #tpu.memory_space<hbm>> -> memref<5008xi32, #tpu.memory_space<hbm>>
        tpu.enqueue_dma source(%dma_start3A_405 : memref<5008xi32, #tpu.memory_space<hbm>>) target(%arg16 : memref<5008xi32, #tpu.memory_space<vmem>>) target_semaphore(%arg23 : memref<!tpu.dma_semaphore, #tpu.memory_space<semaphore_mem>>)
        %dma_start3A_406 = tpu.memref_slice %arg4[%mul3A_403] : memref<160256xi32, #tpu.memory_space<hbm>> -> memref<5008xi32, #tpu.memory_space<hbm>>
        %dma_start3A_407 = tpu.memref_slice %arg4[%mul3A_403] : memref<160256xi32, #tpu.memory_space<hbm>> -> memref<5008xi32, #tpu.memory_space<hbm>>
        tpu.enqueue_dma source(%dma_start3A_407 : memref<5008xi32, #tpu.memory_space<hbm>>) target(%arg17 : memref<5008xi32, #tpu.memory_space<vmem>>) target_semaphore(%arg23 : memref<!tpu.dma_semaphore, #tpu.memory_space<semaphore_mem>>)
        %dma_start3A_408 = tpu.memref_slice %arg5[%mul3A_403] : memref<160256xf32, #tpu.memory_space<hbm>> -> memref<5008xf32, #tpu.memory_space<hbm>>
        %dma_start3A_409 = tpu.memref_slice %arg5[%mul3A_403] : memref<160256xf32, #tpu.memory_space<hbm>> -> memref<5008xf32, #tpu.memory_space<hbm>>
        tpu.enqueue_dma source(%dma_start3A_409 : memref<5008xf32, #tpu.memory_space<hbm>>) target(%arg18 : memref<5008xf32, #tpu.memory_space<vmem>>) target_semaphore(%arg23 : memref<!tpu.dma_semaphore, #tpu.memory_space<semaphore_mem>>)
      } else {
      }
      %dma_wait3A_380 = arith.constant 0 : i32
      %dma_wait3A_381 = tpu.memref_slice %arg3[%dma_wait3A_380] : memref<160256xi32, #tpu.memory_space<hbm>> -> memref<5008xi32, #tpu.memory_space<hbm>>
      %dma_wait3A_382 = arith.constant 0 : i32
      %dma_wait3A_383 = tpu.memref_slice %arg3[%dma_wait3A_382] : memref<160256xi32, #tpu.memory_space<hbm>> -> memref<5008xi32, #tpu.memory_space<hbm>>
      tpu.wait_dma2 semaphore(%arg24 : memref<!tpu.dma_semaphore, #tpu.memory_space<semaphore_mem>>) src(%dma_wait3A_383 : memref<5008xi32, #tpu.memory_space<hbm>>) dst(%arg19 : memref<5008xi32, #tpu.memory_space<vmem>>)
      %dma_wait3A_384 = arith.constant 0 : i32
      %dma_wait3A_385 = tpu.memref_slice %arg4[%dma_wait3A_384] : memref<160256xi32, #tpu.memory_space<hbm>> -> memref<5008xi32, #tpu.memory_space<hbm>>
      %dma_wait3A_386 = arith.constant 0 : i32
      %dma_wait3A_387 = tpu.memref_slice %arg4[%dma_wait3A_386] : memref<160256xi32, #tpu.memory_space<hbm>> -> memref<5008xi32, #tpu.memory_space<hbm>>
      tpu.wait_dma2 semaphore(%arg24 : memref<!tpu.dma_semaphore, #tpu.memory_space<semaphore_mem>>) src(%dma_wait3A_387 : memref<5008xi32, #tpu.memory_space<hbm>>) dst(%arg20 : memref<5008xi32, #tpu.memory_space<vmem>>)
      %dma_wait3A_388 = arith.constant 0 : i32
      %dma_wait3A_389 = tpu.memref_slice %arg5[%dma_wait3A_388] : memref<160256xf32, #tpu.memory_space<hbm>> -> memref<5008xf32, #tpu.memory_space<hbm>>
      %dma_wait3A_390 = arith.constant 0 : i32
      %dma_wait3A_391 = tpu.memref_slice %arg5[%dma_wait3A_390] : memref<160256xf32, #tpu.memory_space<hbm>> -> memref<5008xf32, #tpu.memory_space<hbm>>
      tpu.wait_dma2 semaphore(%arg24 : memref<!tpu.dma_semaphore, #tpu.memory_space<semaphore_mem>>) src(%dma_wait3A_391 : memref<5008xf32, #tpu.memory_space<hbm>>) dst(%arg21 : memref<5008xf32, #tpu.memory_space<vmem>>)
      %scan3A_392 = arith.constant 0 : i32
      %scan3A_393 = arith.constant 0 : i32
      %scan3A_394 = arith.constant 313 : i32
      %scan3A_395 = arith.addi %scan3A_393, %scan3A_394 : i32
      %scan3A_396 = arith.constant 1 : i32
      scf.for %scan3A_398 = %scan3A_393 to %scan3A_395 step %scan3A_396  : i32 {
        %mul3A_399 = arith.constant 16 : i32
        %mul3A_400 = arith.muli %scan3A_398, %mul3A_399 : i32
        %get3A_401 = arith.index_cast %mul3A_400 : i32 to index
        %get3A_402 = tpu.vector_load %arg19[%get3A_401] {strides = array<i32>} : memref<5008xi32, #tpu.memory_space<vmem>>, vector<16xi32>,
        %get3A_403 = arith.index_cast %mul3A_400 : i32 to index
        %get3A_404 = tpu.vector_load %arg20[%get3A_403] {strides = array<i32>} : memref<5008xi32, #tpu.memory_space<vmem>>, vector<16xi32>,
        %get3A_405 = arith.index_cast %mul3A_400 : i32 to index
        %get3A_406 = tpu.vector_load %arg21[%get3A_405] {strides = array<i32>} : memref<5008xf32, #tpu.memory_space<vmem>>, vector<16xf32>,
        %gather3A = tpu.vector_load_idx %arg8[%get3A_402] : memref<10240xf32, #tpu.memory_space<vmem>>[vector<16xi32>], vector<16xf32>,
        %mul3A_407 = arith.mulf %gather3A, %get3A_406 : vector<16xf32>
        tpu.vector_store_idx %arg12[%get3A_404], %mul3A_407 {add = true} : memref<10240xf32, #tpu.memory_space<vmem>>[vector<16xi32>], vector<16xf32>,
        %gather3A_408 = tpu.vector_load_idx %arg9[%get3A_402] : memref<10240xf32, #tpu.memory_space<vmem>>[vector<16xi32>], vector<16xf32>,
        %mul3A_409 = arith.mulf %gather3A_408, %get3A_406 : vector<16xf32>
        tpu.vector_store_idx %arg13[%get3A_404], %mul3A_409 {add = true} : memref<10240xf32, #tpu.memory_space<vmem>>[vector<16xi32>], vector<16xf32>,
      }
      %scan3A_397 = arith.constant 313 : i32
    }
    %scan3A_97 = arith.constant 16 : i32
    %get3A_98 = arith.constant 3 : i32
    %get3A_99 = arith.index_cast %get3A_98 : i32 to index
    %get3A_100 = arith.constant 0 : index
    %get3A_101 = tpu.vector_load %arg22[%get3A_99, %get3A_100] {strides = array<i32>} : memref<16x16xf32, #tpu.memory_space<vmem>>, vector<16xf32>,
    %scan3A_102 = arith.constant 0 : i32
    %scan3A_103 = arith.constant 0 : i32
    %scan3A_104 = arith.constant 640 : i32
    %scan3A_105 = arith.addi %scan3A_103, %scan3A_104 : i32
    %scan3A_106 = arith.constant 1 : i32
    scf.for %scan3A_348 = %scan3A_103 to %scan3A_105 step %scan3A_106  : i32 {
      %mul3A_349 = arith.constant 16 : i32
      %mul3A_350 = arith.muli %scan3A_348, %mul3A_349 : i32
      %get3A_351 = arith.index_cast %mul3A_350 : i32 to index
      %get3A_352 = tpu.vector_load %arg12[%get3A_351] {strides = array<i32>} : memref<10240xf32, #tpu.memory_space<vmem>>, vector<16xf32>,
      %mul3A_353 = arith.constant 2.000000e+00 : f32
      %mul3A_354 = vector.broadcast %mul3A_353 : f32 to vector<16xf32>
      %mul3A_355 = arith.mulf %mul3A_354, %get3A_352 : vector<16xf32>
      %get3A_356 = arith.index_cast %mul3A_350 : i32 to index
      %get3A_357 = tpu.vector_load %arg10[%get3A_356] {strides = array<i32>} : memref<10240xf32, #tpu.memory_space<vmem>>, vector<16xf32>,
      %sub3A = arith.subf %mul3A_355, %get3A_357 : vector<16xf32>
      %swap3A = arith.index_cast %mul3A_350 : i32 to index
      %swap3A_358 = tpu.vector_load %arg10[%swap3A] {strides = array<i32>} : memref<10240xf32, #tpu.memory_space<vmem>>, vector<16xf32>,
      tpu.vector_store %arg10[%swap3A], %sub3A {strides = array<i32>} : memref<10240xf32, #tpu.memory_space<vmem>>, vector<16xf32>,
      %get3A_359 = arith.index_cast %mul3A_350 : i32 to index
      %get3A_360 = tpu.vector_load %arg14[%get3A_359] {strides = array<i32>} : memref<10240xf32, #tpu.memory_space<vmem>>, vector<16xf32>,
      %mul3A_361 = arith.mulf %get3A_101, %sub3A : vector<16xf32>
      %add3A_362 = arith.addf %get3A_360, %mul3A_361 : vector<16xf32>
      %swap3A_363 = arith.index_cast %mul3A_350 : i32 to index
      %swap3A_364 = tpu.vector_load %arg14[%swap3A_363] {strides = array<i32>} : memref<10240xf32, #tpu.memory_space<vmem>>, vector<16xf32>,
      tpu.vector_store %arg14[%swap3A_363], %add3A_362 {strides = array<i32>} : memref<10240xf32, #tpu.memory_space<vmem>>, vector<16xf32>,
      %get3A_365 = arith.index_cast %mul3A_350 : i32 to index
      %get3A_366 = tpu.vector_load %arg13[%get3A_365] {strides = array<i32>} : memref<10240xf32, #tpu.memory_space<vmem>>, vector<16xf32>,
      %mul3A_367 = arith.constant 2.000000e+00 : f32
      %mul3A_368 = vector.broadcast %mul3A_367 : f32 to vector<16xf32>
      %mul3A_369 = arith.mulf %mul3A_368, %get3A_366 : vector<16xf32>
      %get3A_370 = arith.index_cast %mul3A_350 : i32 to index
      %get3A_371 = tpu.vector_load %arg11[%get3A_370] {strides = array<i32>} : memref<10240xf32, #tpu.memory_space<vmem>>, vector<16xf32>,
      %sub3A_372 = arith.subf %mul3A_369, %get3A_371 : vector<16xf32>
      %swap3A_373 = arith.index_cast %mul3A_350 : i32 to index
      %swap3A_374 = tpu.vector_load %arg11[%swap3A_373] {strides = array<i32>} : memref<10240xf32, #tpu.memory_space<vmem>>, vector<16xf32>,
      tpu.vector_store %arg11[%swap3A_373], %sub3A_372 {strides = array<i32>} : memref<10240xf32, #tpu.memory_space<vmem>>, vector<16xf32>,
      %get3A_375 = arith.index_cast %mul3A_350 : i32 to index
      %get3A_376 = tpu.vector_load %arg15[%get3A_375] {strides = array<i32>} : memref<10240xf32, #tpu.memory_space<vmem>>, vector<16xf32>,
      %mul3A_377 = arith.mulf %get3A_101, %sub3A_372 : vector<16xf32>
      %add3A_378 = arith.addf %get3A_376, %mul3A_377 : vector<16xf32>
      %swap3A_379 = arith.index_cast %mul3A_350 : i32 to index
      %swap3A_380 = tpu.vector_load %arg15[%swap3A_379] {strides = array<i32>} : memref<10240xf32, #tpu.memory_space<vmem>>, vector<16xf32>,
      tpu.vector_store %arg15[%swap3A_379], %add3A_378 {strides = array<i32>} : memref<10240xf32, #tpu.memory_space<vmem>>, vector<16xf32>,
    }
    %scan3A_107 = arith.constant 640 : i32
    %scan3A_108 = arith.constant 0 : i32
    %scan3A_109 = arith.constant 0 : i32
    %scan3A_110 = arith.constant 640 : i32
    %scan3A_111 = arith.addi %scan3A_109, %scan3A_110 : i32
    %scan3A_112 = arith.constant 1 : i32
    scf.for %scan3A_348 = %scan3A_109 to %scan3A_111 step %scan3A_112  : i32 {
      %broadcast_in_dim3A = arith.constant 0.000000e+00 : f32
      %broadcast_in_dim3A_349 = vector.broadcast %broadcast_in_dim3A : f32 to vector<16xf32>
      %mul3A_350 = arith.constant 16 : i32
      %mul3A_351 = arith.muli %scan3A_348, %mul3A_350 : i32
      %swap3A = arith.index_cast %mul3A_351 : i32 to index
      %swap3A_352 = tpu.vector_load %arg12[%swap3A] {strides = array<i32>} : memref<10240xf32, #tpu.memory_space<vmem>>, vector<16xf32>,
      tpu.vector_store %arg12[%swap3A], %broadcast_in_dim3A_349 {strides = array<i32>} : memref<10240xf32, #tpu.memory_space<vmem>>, vector<16xf32>,
      %broadcast_in_dim3A_353 = arith.constant 0.000000e+00 : f32
      %broadcast_in_dim3A_354 = vector.broadcast %broadcast_in_dim3A_353 : f32 to vector<16xf32>
      %mul3A_355 = arith.constant 16 : i32
      %mul3A_356 = arith.muli %scan3A_348, %mul3A_355 : i32
      %swap3A_357 = arith.index_cast %mul3A_356 : i32 to index
      %swap3A_358 = tpu.vector_load %arg13[%swap3A_357] {strides = array<i32>} : memref<10240xf32, #tpu.memory_space<vmem>>, vector<16xf32>,
      tpu.vector_store %arg13[%swap3A_357], %broadcast_in_dim3A_354 {strides = array<i32>} : memref<10240xf32, #tpu.memory_space<vmem>>, vector<16xf32>,
    }
    %scan3A_113 = arith.constant 640 : i32
    %dma_start3A_114 = arith.constant 0 : i32
    %dma_start3A_115 = tpu.memref_slice %arg3[%dma_start3A_114] : memref<160256xi32, #tpu.memory_space<hbm>> -> memref<5008xi32, #tpu.memory_space<hbm>>
    %dma_start3A_116 = arith.constant 0 : i32
    %dma_start3A_117 = tpu.memref_slice %arg3[%dma_start3A_116] : memref<160256xi32, #tpu.memory_space<hbm>> -> memref<5008xi32, #tpu.memory_space<hbm>>
    tpu.enqueue_dma source(%dma_start3A_117 : memref<5008xi32, #tpu.memory_space<hbm>>) target(%arg16 : memref<5008xi32, #tpu.memory_space<vmem>>) target_semaphore(%arg23 : memref<!tpu.dma_semaphore, #tpu.memory_space<semaphore_mem>>)
    %dma_start3A_118 = arith.constant 0 : i32
    %dma_start3A_119 = tpu.memref_slice %arg4[%dma_start3A_118] : memref<160256xi32, #tpu.memory_space<hbm>> -> memref<5008xi32, #tpu.memory_space<hbm>>
    %dma_start3A_120 = arith.constant 0 : i32
    %dma_start3A_121 = tpu.memref_slice %arg4[%dma_start3A_120] : memref<160256xi32, #tpu.memory_space<hbm>> -> memref<5008xi32, #tpu.memory_space<hbm>>
    tpu.enqueue_dma source(%dma_start3A_121 : memref<5008xi32, #tpu.memory_space<hbm>>) target(%arg17 : memref<5008xi32, #tpu.memory_space<vmem>>) target_semaphore(%arg23 : memref<!tpu.dma_semaphore, #tpu.memory_space<semaphore_mem>>)
    %dma_start3A_122 = arith.constant 0 : i32
    %dma_start3A_123 = tpu.memref_slice %arg5[%dma_start3A_122] : memref<160256xf32, #tpu.memory_space<hbm>> -> memref<5008xf32, #tpu.memory_space<hbm>>
    %dma_start3A_124 = arith.constant 0 : i32
    %dma_start3A_125 = tpu.memref_slice %arg5[%dma_start3A_124] : memref<160256xf32, #tpu.memory_space<hbm>> -> memref<5008xf32, #tpu.memory_space<hbm>>
    tpu.enqueue_dma source(%dma_start3A_125 : memref<5008xf32, #tpu.memory_space<hbm>>) target(%arg18 : memref<5008xf32, #tpu.memory_space<vmem>>) target_semaphore(%arg23 : memref<!tpu.dma_semaphore, #tpu.memory_space<semaphore_mem>>)
    %scan3A_126 = arith.constant 0 : i32
    %scan3A_127 = arith.constant 0 : i32
    %scan3A_128 = arith.constant 16 : i32
    %scan3A_129 = arith.addi %scan3A_127, %scan3A_128 : i32
    %scan3A_130 = arith.constant 1 : i32
    scf.for %scan3A_348 = %scan3A_127 to %scan3A_129 step %scan3A_130  : i32 {
      %mul3A_349 = arith.constant 2 : i32
      %mul3A_350 = arith.muli %mul3A_349, %scan3A_348 : i32
      %add3A_351 = arith.constant 1 : i32
      %add3A_352 = arith.addi %mul3A_350, %add3A_351 : i32
      %mul3A_353 = arith.constant 5008 : i32
      %mul3A_354 = arith.muli %add3A_352, %mul3A_353 : i32
      %dma_start3A_355 = tpu.memref_slice %arg3[%mul3A_354] : memref<160256xi32, #tpu.memory_space<hbm>> -> memref<5008xi32, #tpu.memory_space<hbm>>
      %dma_start3A_356 = tpu.memref_slice %arg3[%mul3A_354] : memref<160256xi32, #tpu.memory_space<hbm>> -> memref<5008xi32, #tpu.memory_space<hbm>>
      tpu.enqueue_dma source(%dma_start3A_356 : memref<5008xi32, #tpu.memory_space<hbm>>) target(%arg19 : memref<5008xi32, #tpu.memory_space<vmem>>) target_semaphore(%arg24 : memref<!tpu.dma_semaphore, #tpu.memory_space<semaphore_mem>>)
      %dma_start3A_357 = tpu.memref_slice %arg4[%mul3A_354] : memref<160256xi32, #tpu.memory_space<hbm>> -> memref<5008xi32, #tpu.memory_space<hbm>>
      %dma_start3A_358 = tpu.memref_slice %arg4[%mul3A_354] : memref<160256xi32, #tpu.memory_space<hbm>> -> memref<5008xi32, #tpu.memory_space<hbm>>
      tpu.enqueue_dma source(%dma_start3A_358 : memref<5008xi32, #tpu.memory_space<hbm>>) target(%arg20 : memref<5008xi32, #tpu.memory_space<vmem>>) target_semaphore(%arg24 : memref<!tpu.dma_semaphore, #tpu.memory_space<semaphore_mem>>)
      %dma_start3A_359 = tpu.memref_slice %arg5[%mul3A_354] : memref<160256xf32, #tpu.memory_space<hbm>> -> memref<5008xf32, #tpu.memory_space<hbm>>
      %dma_start3A_360 = tpu.memref_slice %arg5[%mul3A_354] : memref<160256xf32, #tpu.memory_space<hbm>> -> memref<5008xf32, #tpu.memory_space<hbm>>
      tpu.enqueue_dma source(%dma_start3A_360 : memref<5008xf32, #tpu.memory_space<hbm>>) target(%arg21 : memref<5008xf32, #tpu.memory_space<vmem>>) target_semaphore(%arg24 : memref<!tpu.dma_semaphore, #tpu.memory_space<semaphore_mem>>)
      %dma_wait3A = arith.constant 0 : i32
      %dma_wait3A_361 = tpu.memref_slice %arg3[%dma_wait3A] : memref<160256xi32, #tpu.memory_space<hbm>> -> memref<5008xi32, #tpu.memory_space<hbm>>
      %dma_wait3A_362 = arith.constant 0 : i32
      %dma_wait3A_363 = tpu.memref_slice %arg3[%dma_wait3A_362] : memref<160256xi32, #tpu.memory_space<hbm>> -> memref<5008xi32, #tpu.memory_space<hbm>>
      tpu.wait_dma2 semaphore(%arg23 : memref<!tpu.dma_semaphore, #tpu.memory_space<semaphore_mem>>) src(%dma_wait3A_363 : memref<5008xi32, #tpu.memory_space<hbm>>) dst(%arg16 : memref<5008xi32, #tpu.memory_space<vmem>>)
      %dma_wait3A_364 = arith.constant 0 : i32
      %dma_wait3A_365 = tpu.memref_slice %arg4[%dma_wait3A_364] : memref<160256xi32, #tpu.memory_space<hbm>> -> memref<5008xi32, #tpu.memory_space<hbm>>
      %dma_wait3A_366 = arith.constant 0 : i32
      %dma_wait3A_367 = tpu.memref_slice %arg4[%dma_wait3A_366] : memref<160256xi32, #tpu.memory_space<hbm>> -> memref<5008xi32, #tpu.memory_space<hbm>>
      tpu.wait_dma2 semaphore(%arg23 : memref<!tpu.dma_semaphore, #tpu.memory_space<semaphore_mem>>) src(%dma_wait3A_367 : memref<5008xi32, #tpu.memory_space<hbm>>) dst(%arg17 : memref<5008xi32, #tpu.memory_space<vmem>>)
      %dma_wait3A_368 = arith.constant 0 : i32
      %dma_wait3A_369 = tpu.memref_slice %arg5[%dma_wait3A_368] : memref<160256xf32, #tpu.memory_space<hbm>> -> memref<5008xf32, #tpu.memory_space<hbm>>
      %dma_wait3A_370 = arith.constant 0 : i32
      %dma_wait3A_371 = tpu.memref_slice %arg5[%dma_wait3A_370] : memref<160256xf32, #tpu.memory_space<hbm>> -> memref<5008xf32, #tpu.memory_space<hbm>>
      tpu.wait_dma2 semaphore(%arg23 : memref<!tpu.dma_semaphore, #tpu.memory_space<semaphore_mem>>) src(%dma_wait3A_371 : memref<5008xf32, #tpu.memory_space<hbm>>) dst(%arg18 : memref<5008xf32, #tpu.memory_space<vmem>>)
      %scan3A_372 = arith.constant 0 : i32
      %scan3A_373 = arith.constant 0 : i32
      %scan3A_374 = arith.constant 313 : i32
      %scan3A_375 = arith.addi %scan3A_373, %scan3A_374 : i32
      %scan3A_376 = arith.constant 1 : i32
      scf.for %scan3A_398 = %scan3A_373 to %scan3A_375 step %scan3A_376  : i32 {
        %mul3A_399 = arith.constant 16 : i32
        %mul3A_400 = arith.muli %scan3A_398, %mul3A_399 : i32
        %get3A_401 = arith.index_cast %mul3A_400 : i32 to index
        %get3A_402 = tpu.vector_load %arg16[%get3A_401] {strides = array<i32>} : memref<5008xi32, #tpu.memory_space<vmem>>, vector<16xi32>,
        %get3A_403 = arith.index_cast %mul3A_400 : i32 to index
        %get3A_404 = tpu.vector_load %arg17[%get3A_403] {strides = array<i32>} : memref<5008xi32, #tpu.memory_space<vmem>>, vector<16xi32>,
        %get3A_405 = arith.index_cast %mul3A_400 : i32 to index
        %get3A_406 = tpu.vector_load %arg18[%get3A_405] {strides = array<i32>} : memref<5008xf32, #tpu.memory_space<vmem>>, vector<16xf32>,
        %gather3A = tpu.vector_load_idx %arg10[%get3A_402] : memref<10240xf32, #tpu.memory_space<vmem>>[vector<16xi32>], vector<16xf32>,
        %mul3A_407 = arith.mulf %gather3A, %get3A_406 : vector<16xf32>
        tpu.vector_store_idx %arg12[%get3A_404], %mul3A_407 {add = true} : memref<10240xf32, #tpu.memory_space<vmem>>[vector<16xi32>], vector<16xf32>,
        %gather3A_408 = tpu.vector_load_idx %arg11[%get3A_402] : memref<10240xf32, #tpu.memory_space<vmem>>[vector<16xi32>], vector<16xf32>,
        %mul3A_409 = arith.mulf %gather3A_408, %get3A_406 : vector<16xf32>
        tpu.vector_store_idx %arg13[%get3A_404], %mul3A_409 {add = true} : memref<10240xf32, #tpu.memory_space<vmem>>[vector<16xi32>], vector<16xf32>,
      }
      %scan3A_377 = arith.constant 313 : i32
      %lt3A = arith.constant 15 : i32
      %lt3A_378 = arith.cmpi slt, %scan3A_348, %lt3A : i32
      %convert_element_type3A = arith.extui %lt3A_378 : i1 to i32
      %cond3A = arith.constant 0 : i32
      %cond3A_379 = arith.cmpi ne, %convert_element_type3A, %cond3A : i32
      scf.if %cond3A_379 {
        %mul3A_398 = arith.constant 2 : i32
        %mul3A_399 = arith.muli %mul3A_398, %scan3A_348 : i32
        %add3A_400 = arith.constant 2 : i32
        %add3A_401 = arith.addi %mul3A_399, %add3A_400 : i32
        %mul3A_402 = arith.constant 5008 : i32
        %mul3A_403 = arith.muli %add3A_401, %mul3A_402 : i32
        %dma_start3A_404 = tpu.memref_slice %arg3[%mul3A_403] : memref<160256xi32, #tpu.memory_space<hbm>> -> memref<5008xi32, #tpu.memory_space<hbm>>
        %dma_start3A_405 = tpu.memref_slice %arg3[%mul3A_403] : memref<160256xi32, #tpu.memory_space<hbm>> -> memref<5008xi32, #tpu.memory_space<hbm>>
        tpu.enqueue_dma source(%dma_start3A_405 : memref<5008xi32, #tpu.memory_space<hbm>>) target(%arg16 : memref<5008xi32, #tpu.memory_space<vmem>>) target_semaphore(%arg23 : memref<!tpu.dma_semaphore, #tpu.memory_space<semaphore_mem>>)
        %dma_start3A_406 = tpu.memref_slice %arg4[%mul3A_403] : memref<160256xi32, #tpu.memory_space<hbm>> -> memref<5008xi32, #tpu.memory_space<hbm>>
        %dma_start3A_407 = tpu.memref_slice %arg4[%mul3A_403] : memref<160256xi32, #tpu.memory_space<hbm>> -> memref<5008xi32, #tpu.memory_space<hbm>>
        tpu.enqueue_dma source(%dma_start3A_407 : memref<5008xi32, #tpu.memory_space<hbm>>) target(%arg17 : memref<5008xi32, #tpu.memory_space<vmem>>) target_semaphore(%arg23 : memref<!tpu.dma_semaphore, #tpu.memory_space<semaphore_mem>>)
        %dma_start3A_408 = tpu.memref_slice %arg5[%mul3A_403] : memref<160256xf32, #tpu.memory_space<hbm>> -> memref<5008xf32, #tpu.memory_space<hbm>>
        %dma_start3A_409 = tpu.memref_slice %arg5[%mul3A_403] : memref<160256xf32, #tpu.memory_space<hbm>> -> memref<5008xf32, #tpu.memory_space<hbm>>
        tpu.enqueue_dma source(%dma_start3A_409 : memref<5008xf32, #tpu.memory_space<hbm>>) target(%arg18 : memref<5008xf32, #tpu.memory_space<vmem>>) target_semaphore(%arg23 : memref<!tpu.dma_semaphore, #tpu.memory_space<semaphore_mem>>)
      } else {
      }
      %dma_wait3A_380 = arith.constant 0 : i32
      %dma_wait3A_381 = tpu.memref_slice %arg3[%dma_wait3A_380] : memref<160256xi32, #tpu.memory_space<hbm>> -> memref<5008xi32, #tpu.memory_space<hbm>>
      %dma_wait3A_382 = arith.constant 0 : i32
      %dma_wait3A_383 = tpu.memref_slice %arg3[%dma_wait3A_382] : memref<160256xi32, #tpu.memory_space<hbm>> -> memref<5008xi32, #tpu.memory_space<hbm>>
      tpu.wait_dma2 semaphore(%arg24 : memref<!tpu.dma_semaphore, #tpu.memory_space<semaphore_mem>>) src(%dma_wait3A_383 : memref<5008xi32, #tpu.memory_space<hbm>>) dst(%arg19 : memref<5008xi32, #tpu.memory_space<vmem>>)
      %dma_wait3A_384 = arith.constant 0 : i32
      %dma_wait3A_385 = tpu.memref_slice %arg4[%dma_wait3A_384] : memref<160256xi32, #tpu.memory_space<hbm>> -> memref<5008xi32, #tpu.memory_space<hbm>>
      %dma_wait3A_386 = arith.constant 0 : i32
      %dma_wait3A_387 = tpu.memref_slice %arg4[%dma_wait3A_386] : memref<160256xi32, #tpu.memory_space<hbm>> -> memref<5008xi32, #tpu.memory_space<hbm>>
      tpu.wait_dma2 semaphore(%arg24 : memref<!tpu.dma_semaphore, #tpu.memory_space<semaphore_mem>>) src(%dma_wait3A_387 : memref<5008xi32, #tpu.memory_space<hbm>>) dst(%arg20 : memref<5008xi32, #tpu.memory_space<vmem>>)
      %dma_wait3A_388 = arith.constant 0 : i32
      %dma_wait3A_389 = tpu.memref_slice %arg5[%dma_wait3A_388] : memref<160256xf32, #tpu.memory_space<hbm>> -> memref<5008xf32, #tpu.memory_space<hbm>>
      %dma_wait3A_390 = arith.constant 0 : i32
      %dma_wait3A_391 = tpu.memref_slice %arg5[%dma_wait3A_390] : memref<160256xf32, #tpu.memory_space<hbm>> -> memref<5008xf32, #tpu.memory_space<hbm>>
      tpu.wait_dma2 semaphore(%arg24 : memref<!tpu.dma_semaphore, #tpu.memory_space<semaphore_mem>>) src(%dma_wait3A_391 : memref<5008xf32, #tpu.memory_space<hbm>>) dst(%arg21 : memref<5008xf32, #tpu.memory_space<vmem>>)
      %scan3A_392 = arith.constant 0 : i32
      %scan3A_393 = arith.constant 0 : i32
      %scan3A_394 = arith.constant 313 : i32
      %scan3A_395 = arith.addi %scan3A_393, %scan3A_394 : i32
      %scan3A_396 = arith.constant 1 : i32
      scf.for %scan3A_398 = %scan3A_393 to %scan3A_395 step %scan3A_396  : i32 {
        %mul3A_399 = arith.constant 16 : i32
        %mul3A_400 = arith.muli %scan3A_398, %mul3A_399 : i32
        %get3A_401 = arith.index_cast %mul3A_400 : i32 to index
        %get3A_402 = tpu.vector_load %arg19[%get3A_401] {strides = array<i32>} : memref<5008xi32, #tpu.memory_space<vmem>>, vector<16xi32>,
        %get3A_403 = arith.index_cast %mul3A_400 : i32 to index
        %get3A_404 = tpu.vector_load %arg20[%get3A_403] {strides = array<i32>} : memref<5008xi32, #tpu.memory_space<vmem>>, vector<16xi32>,
        %get3A_405 = arith.index_cast %mul3A_400 : i32 to index
        %get3A_406 = tpu.vector_load %arg21[%get3A_405] {strides = array<i32>} : memref<5008xf32, #tpu.memory_space<vmem>>, vector<16xf32>,
        %gather3A = tpu.vector_load_idx %arg10[%get3A_402] : memref<10240xf32, #tpu.memory_space<vmem>>[vector<16xi32>], vector<16xf32>,
        %mul3A_407 = arith.mulf %gather3A, %get3A_406 : vector<16xf32>
        tpu.vector_store_idx %arg12[%get3A_404], %mul3A_407 {add = true} : memref<10240xf32, #tpu.memory_space<vmem>>[vector<16xi32>], vector<16xf32>,
        %gather3A_408 = tpu.vector_load_idx %arg11[%get3A_402] : memref<10240xf32, #tpu.memory_space<vmem>>[vector<16xi32>], vector<16xf32>,
        %mul3A_409 = arith.mulf %gather3A_408, %get3A_406 : vector<16xf32>
        tpu.vector_store_idx %arg13[%get3A_404], %mul3A_409 {add = true} : memref<10240xf32, #tpu.memory_space<vmem>>[vector<16xi32>], vector<16xf32>,
      }
      %scan3A_397 = arith.constant 313 : i32
    }
    %scan3A_131 = arith.constant 16 : i32
    %get3A_132 = arith.constant 4 : i32
    %get3A_133 = arith.index_cast %get3A_132 : i32 to index
    %get3A_134 = arith.constant 0 : index
    %get3A_135 = tpu.vector_load %arg22[%get3A_133, %get3A_134] {strides = array<i32>} : memref<16x16xf32, #tpu.memory_space<vmem>>, vector<16xf32>,
    %scan3A_136 = arith.constant 0 : i32
    %scan3A_137 = arith.constant 0 : i32
    %scan3A_138 = arith.constant 640 : i32
    %scan3A_139 = arith.addi %scan3A_137, %scan3A_138 : i32
    %scan3A_140 = arith.constant 1 : i32
    scf.for %scan3A_348 = %scan3A_137 to %scan3A_139 step %scan3A_140  : i32 {
      %mul3A_349 = arith.constant 16 : i32
      %mul3A_350 = arith.muli %scan3A_348, %mul3A_349 : i32
      %get3A_351 = arith.index_cast %mul3A_350 : i32 to index
      %get3A_352 = tpu.vector_load %arg12[%get3A_351] {strides = array<i32>} : memref<10240xf32, #tpu.memory_space<vmem>>, vector<16xf32>,
      %mul3A_353 = arith.constant 2.000000e+00 : f32
      %mul3A_354 = vector.broadcast %mul3A_353 : f32 to vector<16xf32>
      %mul3A_355 = arith.mulf %mul3A_354, %get3A_352 : vector<16xf32>
      %get3A_356 = arith.index_cast %mul3A_350 : i32 to index
      %get3A_357 = tpu.vector_load %arg8[%get3A_356] {strides = array<i32>} : memref<10240xf32, #tpu.memory_space<vmem>>, vector<16xf32>,
      %sub3A = arith.subf %mul3A_355, %get3A_357 : vector<16xf32>
      %swap3A = arith.index_cast %mul3A_350 : i32 to index
      %swap3A_358 = tpu.vector_load %arg8[%swap3A] {strides = array<i32>} : memref<10240xf32, #tpu.memory_space<vmem>>, vector<16xf32>,
      tpu.vector_store %arg8[%swap3A], %sub3A {strides = array<i32>} : memref<10240xf32, #tpu.memory_space<vmem>>, vector<16xf32>,
      %get3A_359 = arith.index_cast %mul3A_350 : i32 to index
      %get3A_360 = tpu.vector_load %arg14[%get3A_359] {strides = array<i32>} : memref<10240xf32, #tpu.memory_space<vmem>>, vector<16xf32>,
      %mul3A_361 = arith.mulf %get3A_135, %sub3A : vector<16xf32>
      %add3A_362 = arith.addf %get3A_360, %mul3A_361 : vector<16xf32>
      %swap3A_363 = arith.index_cast %mul3A_350 : i32 to index
      %swap3A_364 = tpu.vector_load %arg14[%swap3A_363] {strides = array<i32>} : memref<10240xf32, #tpu.memory_space<vmem>>, vector<16xf32>,
      tpu.vector_store %arg14[%swap3A_363], %add3A_362 {strides = array<i32>} : memref<10240xf32, #tpu.memory_space<vmem>>, vector<16xf32>,
      %get3A_365 = arith.index_cast %mul3A_350 : i32 to index
      %get3A_366 = tpu.vector_load %arg13[%get3A_365] {strides = array<i32>} : memref<10240xf32, #tpu.memory_space<vmem>>, vector<16xf32>,
      %mul3A_367 = arith.constant 2.000000e+00 : f32
      %mul3A_368 = vector.broadcast %mul3A_367 : f32 to vector<16xf32>
      %mul3A_369 = arith.mulf %mul3A_368, %get3A_366 : vector<16xf32>
      %get3A_370 = arith.index_cast %mul3A_350 : i32 to index
      %get3A_371 = tpu.vector_load %arg9[%get3A_370] {strides = array<i32>} : memref<10240xf32, #tpu.memory_space<vmem>>, vector<16xf32>,
      %sub3A_372 = arith.subf %mul3A_369, %get3A_371 : vector<16xf32>
      %swap3A_373 = arith.index_cast %mul3A_350 : i32 to index
      %swap3A_374 = tpu.vector_load %arg9[%swap3A_373] {strides = array<i32>} : memref<10240xf32, #tpu.memory_space<vmem>>, vector<16xf32>,
      tpu.vector_store %arg9[%swap3A_373], %sub3A_372 {strides = array<i32>} : memref<10240xf32, #tpu.memory_space<vmem>>, vector<16xf32>,
      %get3A_375 = arith.index_cast %mul3A_350 : i32 to index
      %get3A_376 = tpu.vector_load %arg15[%get3A_375] {strides = array<i32>} : memref<10240xf32, #tpu.memory_space<vmem>>, vector<16xf32>,
      %mul3A_377 = arith.mulf %get3A_135, %sub3A_372 : vector<16xf32>
      %add3A_378 = arith.addf %get3A_376, %mul3A_377 : vector<16xf32>
      %swap3A_379 = arith.index_cast %mul3A_350 : i32 to index
      %swap3A_380 = tpu.vector_load %arg15[%swap3A_379] {strides = array<i32>} : memref<10240xf32, #tpu.memory_space<vmem>>, vector<16xf32>,
      tpu.vector_store %arg15[%swap3A_379], %add3A_378 {strides = array<i32>} : memref<10240xf32, #tpu.memory_space<vmem>>, vector<16xf32>,
    }
    %scan3A_141 = arith.constant 640 : i32
    %scan3A_142 = arith.constant 0 : i32
    %scan3A_143 = arith.constant 0 : i32
    %scan3A_144 = arith.constant 640 : i32
    %scan3A_145 = arith.addi %scan3A_143, %scan3A_144 : i32
    %scan3A_146 = arith.constant 1 : i32
    scf.for %scan3A_348 = %scan3A_143 to %scan3A_145 step %scan3A_146  : i32 {
      %broadcast_in_dim3A = arith.constant 0.000000e+00 : f32
      %broadcast_in_dim3A_349 = vector.broadcast %broadcast_in_dim3A : f32 to vector<16xf32>
      %mul3A_350 = arith.constant 16 : i32
      %mul3A_351 = arith.muli %scan3A_348, %mul3A_350 : i32
      %swap3A = arith.index_cast %mul3A_351 : i32 to index
      %swap3A_352 = tpu.vector_load %arg12[%swap3A] {strides = array<i32>} : memref<10240xf32, #tpu.memory_space<vmem>>, vector<16xf32>,
      tpu.vector_store %arg12[%swap3A], %broadcast_in_dim3A_349 {strides = array<i32>} : memref<10240xf32, #tpu.memory_space<vmem>>, vector<16xf32>,
      %broadcast_in_dim3A_353 = arith.constant 0.000000e+00 : f32
      %broadcast_in_dim3A_354 = vector.broadcast %broadcast_in_dim3A_353 : f32 to vector<16xf32>
      %mul3A_355 = arith.constant 16 : i32
      %mul3A_356 = arith.muli %scan3A_348, %mul3A_355 : i32
      %swap3A_357 = arith.index_cast %mul3A_356 : i32 to index
      %swap3A_358 = tpu.vector_load %arg13[%swap3A_357] {strides = array<i32>} : memref<10240xf32, #tpu.memory_space<vmem>>, vector<16xf32>,
      tpu.vector_store %arg13[%swap3A_357], %broadcast_in_dim3A_354 {strides = array<i32>} : memref<10240xf32, #tpu.memory_space<vmem>>, vector<16xf32>,
    }
    %scan3A_147 = arith.constant 640 : i32
    %dma_start3A_148 = arith.constant 0 : i32
    %dma_start3A_149 = tpu.memref_slice %arg3[%dma_start3A_148] : memref<160256xi32, #tpu.memory_space<hbm>> -> memref<5008xi32, #tpu.memory_space<hbm>>
    %dma_start3A_150 = arith.constant 0 : i32
    %dma_start3A_151 = tpu.memref_slice %arg3[%dma_start3A_150] : memref<160256xi32, #tpu.memory_space<hbm>> -> memref<5008xi32, #tpu.memory_space<hbm>>
    tpu.enqueue_dma source(%dma_start3A_151 : memref<5008xi32, #tpu.memory_space<hbm>>) target(%arg16 : memref<5008xi32, #tpu.memory_space<vmem>>) target_semaphore(%arg23 : memref<!tpu.dma_semaphore, #tpu.memory_space<semaphore_mem>>)
    %dma_start3A_152 = arith.constant 0 : i32
    %dma_start3A_153 = tpu.memref_slice %arg4[%dma_start3A_152] : memref<160256xi32, #tpu.memory_space<hbm>> -> memref<5008xi32, #tpu.memory_space<hbm>>
    %dma_start3A_154 = arith.constant 0 : i32
    %dma_start3A_155 = tpu.memref_slice %arg4[%dma_start3A_154] : memref<160256xi32, #tpu.memory_space<hbm>> -> memref<5008xi32, #tpu.memory_space<hbm>>
    tpu.enqueue_dma source(%dma_start3A_155 : memref<5008xi32, #tpu.memory_space<hbm>>) target(%arg17 : memref<5008xi32, #tpu.memory_space<vmem>>) target_semaphore(%arg23 : memref<!tpu.dma_semaphore, #tpu.memory_space<semaphore_mem>>)
    %dma_start3A_156 = arith.constant 0 : i32
    %dma_start3A_157 = tpu.memref_slice %arg5[%dma_start3A_156] : memref<160256xf32, #tpu.memory_space<hbm>> -> memref<5008xf32, #tpu.memory_space<hbm>>
    %dma_start3A_158 = arith.constant 0 : i32
    %dma_start3A_159 = tpu.memref_slice %arg5[%dma_start3A_158] : memref<160256xf32, #tpu.memory_space<hbm>> -> memref<5008xf32, #tpu.memory_space<hbm>>
    tpu.enqueue_dma source(%dma_start3A_159 : memref<5008xf32, #tpu.memory_space<hbm>>) target(%arg18 : memref<5008xf32, #tpu.memory_space<vmem>>) target_semaphore(%arg23 : memref<!tpu.dma_semaphore, #tpu.memory_space<semaphore_mem>>)
    %scan3A_160 = arith.constant 0 : i32
    %scan3A_161 = arith.constant 0 : i32
    %scan3A_162 = arith.constant 16 : i32
    %scan3A_163 = arith.addi %scan3A_161, %scan3A_162 : i32
    %scan3A_164 = arith.constant 1 : i32
    scf.for %scan3A_348 = %scan3A_161 to %scan3A_163 step %scan3A_164  : i32 {
      %mul3A_349 = arith.constant 2 : i32
      %mul3A_350 = arith.muli %mul3A_349, %scan3A_348 : i32
      %add3A_351 = arith.constant 1 : i32
      %add3A_352 = arith.addi %mul3A_350, %add3A_351 : i32
      %mul3A_353 = arith.constant 5008 : i32
      %mul3A_354 = arith.muli %add3A_352, %mul3A_353 : i32
      %dma_start3A_355 = tpu.memref_slice %arg3[%mul3A_354] : memref<160256xi32, #tpu.memory_space<hbm>> -> memref<5008xi32, #tpu.memory_space<hbm>>
      %dma_start3A_356 = tpu.memref_slice %arg3[%mul3A_354] : memref<160256xi32, #tpu.memory_space<hbm>> -> memref<5008xi32, #tpu.memory_space<hbm>>
      tpu.enqueue_dma source(%dma_start3A_356 : memref<5008xi32, #tpu.memory_space<hbm>>) target(%arg19 : memref<5008xi32, #tpu.memory_space<vmem>>) target_semaphore(%arg24 : memref<!tpu.dma_semaphore, #tpu.memory_space<semaphore_mem>>)
      %dma_start3A_357 = tpu.memref_slice %arg4[%mul3A_354] : memref<160256xi32, #tpu.memory_space<hbm>> -> memref<5008xi32, #tpu.memory_space<hbm>>
      %dma_start3A_358 = tpu.memref_slice %arg4[%mul3A_354] : memref<160256xi32, #tpu.memory_space<hbm>> -> memref<5008xi32, #tpu.memory_space<hbm>>
      tpu.enqueue_dma source(%dma_start3A_358 : memref<5008xi32, #tpu.memory_space<hbm>>) target(%arg20 : memref<5008xi32, #tpu.memory_space<vmem>>) target_semaphore(%arg24 : memref<!tpu.dma_semaphore, #tpu.memory_space<semaphore_mem>>)
      %dma_start3A_359 = tpu.memref_slice %arg5[%mul3A_354] : memref<160256xf32, #tpu.memory_space<hbm>> -> memref<5008xf32, #tpu.memory_space<hbm>>
      %dma_start3A_360 = tpu.memref_slice %arg5[%mul3A_354] : memref<160256xf32, #tpu.memory_space<hbm>> -> memref<5008xf32, #tpu.memory_space<hbm>>
      tpu.enqueue_dma source(%dma_start3A_360 : memref<5008xf32, #tpu.memory_space<hbm>>) target(%arg21 : memref<5008xf32, #tpu.memory_space<vmem>>) target_semaphore(%arg24 : memref<!tpu.dma_semaphore, #tpu.memory_space<semaphore_mem>>)
      %dma_wait3A = arith.constant 0 : i32
      %dma_wait3A_361 = tpu.memref_slice %arg3[%dma_wait3A] : memref<160256xi32, #tpu.memory_space<hbm>> -> memref<5008xi32, #tpu.memory_space<hbm>>
      %dma_wait3A_362 = arith.constant 0 : i32
      %dma_wait3A_363 = tpu.memref_slice %arg3[%dma_wait3A_362] : memref<160256xi32, #tpu.memory_space<hbm>> -> memref<5008xi32, #tpu.memory_space<hbm>>
      tpu.wait_dma2 semaphore(%arg23 : memref<!tpu.dma_semaphore, #tpu.memory_space<semaphore_mem>>) src(%dma_wait3A_363 : memref<5008xi32, #tpu.memory_space<hbm>>) dst(%arg16 : memref<5008xi32, #tpu.memory_space<vmem>>)
      %dma_wait3A_364 = arith.constant 0 : i32
      %dma_wait3A_365 = tpu.memref_slice %arg4[%dma_wait3A_364] : memref<160256xi32, #tpu.memory_space<hbm>> -> memref<5008xi32, #tpu.memory_space<hbm>>
      %dma_wait3A_366 = arith.constant 0 : i32
      %dma_wait3A_367 = tpu.memref_slice %arg4[%dma_wait3A_366] : memref<160256xi32, #tpu.memory_space<hbm>> -> memref<5008xi32, #tpu.memory_space<hbm>>
      tpu.wait_dma2 semaphore(%arg23 : memref<!tpu.dma_semaphore, #tpu.memory_space<semaphore_mem>>) src(%dma_wait3A_367 : memref<5008xi32, #tpu.memory_space<hbm>>) dst(%arg17 : memref<5008xi32, #tpu.memory_space<vmem>>)
      %dma_wait3A_368 = arith.constant 0 : i32
      %dma_wait3A_369 = tpu.memref_slice %arg5[%dma_wait3A_368] : memref<160256xf32, #tpu.memory_space<hbm>> -> memref<5008xf32, #tpu.memory_space<hbm>>
      %dma_wait3A_370 = arith.constant 0 : i32
      %dma_wait3A_371 = tpu.memref_slice %arg5[%dma_wait3A_370] : memref<160256xf32, #tpu.memory_space<hbm>> -> memref<5008xf32, #tpu.memory_space<hbm>>
      tpu.wait_dma2 semaphore(%arg23 : memref<!tpu.dma_semaphore, #tpu.memory_space<semaphore_mem>>) src(%dma_wait3A_371 : memref<5008xf32, #tpu.memory_space<hbm>>) dst(%arg18 : memref<5008xf32, #tpu.memory_space<vmem>>)
      %scan3A_372 = arith.constant 0 : i32
      %scan3A_373 = arith.constant 0 : i32
      %scan3A_374 = arith.constant 313 : i32
      %scan3A_375 = arith.addi %scan3A_373, %scan3A_374 : i32
      %scan3A_376 = arith.constant 1 : i32
      scf.for %scan3A_398 = %scan3A_373 to %scan3A_375 step %scan3A_376  : i32 {
        %mul3A_399 = arith.constant 16 : i32
        %mul3A_400 = arith.muli %scan3A_398, %mul3A_399 : i32
        %get3A_401 = arith.index_cast %mul3A_400 : i32 to index
        %get3A_402 = tpu.vector_load %arg16[%get3A_401] {strides = array<i32>} : memref<5008xi32, #tpu.memory_space<vmem>>, vector<16xi32>,
        %get3A_403 = arith.index_cast %mul3A_400 : i32 to index
        %get3A_404 = tpu.vector_load %arg17[%get3A_403] {strides = array<i32>} : memref<5008xi32, #tpu.memory_space<vmem>>, vector<16xi32>,
        %get3A_405 = arith.index_cast %mul3A_400 : i32 to index
        %get3A_406 = tpu.vector_load %arg18[%get3A_405] {strides = array<i32>} : memref<5008xf32, #tpu.memory_space<vmem>>, vector<16xf32>,
        %gather3A = tpu.vector_load_idx %arg8[%get3A_402] : memref<10240xf32, #tpu.memory_space<vmem>>[vector<16xi32>], vector<16xf32>,
        %mul3A_407 = arith.mulf %gather3A, %get3A_406 : vector<16xf32>
        tpu.vector_store_idx %arg12[%get3A_404], %mul3A_407 {add = true} : memref<10240xf32, #tpu.memory_space<vmem>>[vector<16xi32>], vector<16xf32>,
        %gather3A_408 = tpu.vector_load_idx %arg9[%get3A_402] : memref<10240xf32, #tpu.memory_space<vmem>>[vector<16xi32>], vector<16xf32>,
        %mul3A_409 = arith.mulf %gather3A_408, %get3A_406 : vector<16xf32>
        tpu.vector_store_idx %arg13[%get3A_404], %mul3A_409 {add = true} : memref<10240xf32, #tpu.memory_space<vmem>>[vector<16xi32>], vector<16xf32>,
      }
      %scan3A_377 = arith.constant 313 : i32
      %lt3A = arith.constant 15 : i32
      %lt3A_378 = arith.cmpi slt, %scan3A_348, %lt3A : i32
      %convert_element_type3A = arith.extui %lt3A_378 : i1 to i32
      %cond3A = arith.constant 0 : i32
      %cond3A_379 = arith.cmpi ne, %convert_element_type3A, %cond3A : i32
      scf.if %cond3A_379 {
        %mul3A_398 = arith.constant 2 : i32
        %mul3A_399 = arith.muli %mul3A_398, %scan3A_348 : i32
        %add3A_400 = arith.constant 2 : i32
        %add3A_401 = arith.addi %mul3A_399, %add3A_400 : i32
        %mul3A_402 = arith.constant 5008 : i32
        %mul3A_403 = arith.muli %add3A_401, %mul3A_402 : i32
        %dma_start3A_404 = tpu.memref_slice %arg3[%mul3A_403] : memref<160256xi32, #tpu.memory_space<hbm>> -> memref<5008xi32, #tpu.memory_space<hbm>>
        %dma_start3A_405 = tpu.memref_slice %arg3[%mul3A_403] : memref<160256xi32, #tpu.memory_space<hbm>> -> memref<5008xi32, #tpu.memory_space<hbm>>
        tpu.enqueue_dma source(%dma_start3A_405 : memref<5008xi32, #tpu.memory_space<hbm>>) target(%arg16 : memref<5008xi32, #tpu.memory_space<vmem>>) target_semaphore(%arg23 : memref<!tpu.dma_semaphore, #tpu.memory_space<semaphore_mem>>)
        %dma_start3A_406 = tpu.memref_slice %arg4[%mul3A_403] : memref<160256xi32, #tpu.memory_space<hbm>> -> memref<5008xi32, #tpu.memory_space<hbm>>
        %dma_start3A_407 = tpu.memref_slice %arg4[%mul3A_403] : memref<160256xi32, #tpu.memory_space<hbm>> -> memref<5008xi32, #tpu.memory_space<hbm>>
        tpu.enqueue_dma source(%dma_start3A_407 : memref<5008xi32, #tpu.memory_space<hbm>>) target(%arg17 : memref<5008xi32, #tpu.memory_space<vmem>>) target_semaphore(%arg23 : memref<!tpu.dma_semaphore, #tpu.memory_space<semaphore_mem>>)
        %dma_start3A_408 = tpu.memref_slice %arg5[%mul3A_403] : memref<160256xf32, #tpu.memory_space<hbm>> -> memref<5008xf32, #tpu.memory_space<hbm>>
        %dma_start3A_409 = tpu.memref_slice %arg5[%mul3A_403] : memref<160256xf32, #tpu.memory_space<hbm>> -> memref<5008xf32, #tpu.memory_space<hbm>>
        tpu.enqueue_dma source(%dma_start3A_409 : memref<5008xf32, #tpu.memory_space<hbm>>) target(%arg18 : memref<5008xf32, #tpu.memory_space<vmem>>) target_semaphore(%arg23 : memref<!tpu.dma_semaphore, #tpu.memory_space<semaphore_mem>>)
      } else {
      }
      %dma_wait3A_380 = arith.constant 0 : i32
      %dma_wait3A_381 = tpu.memref_slice %arg3[%dma_wait3A_380] : memref<160256xi32, #tpu.memory_space<hbm>> -> memref<5008xi32, #tpu.memory_space<hbm>>
      %dma_wait3A_382 = arith.constant 0 : i32
      %dma_wait3A_383 = tpu.memref_slice %arg3[%dma_wait3A_382] : memref<160256xi32, #tpu.memory_space<hbm>> -> memref<5008xi32, #tpu.memory_space<hbm>>
      tpu.wait_dma2 semaphore(%arg24 : memref<!tpu.dma_semaphore, #tpu.memory_space<semaphore_mem>>) src(%dma_wait3A_383 : memref<5008xi32, #tpu.memory_space<hbm>>) dst(%arg19 : memref<5008xi32, #tpu.memory_space<vmem>>)
      %dma_wait3A_384 = arith.constant 0 : i32
      %dma_wait3A_385 = tpu.memref_slice %arg4[%dma_wait3A_384] : memref<160256xi32, #tpu.memory_space<hbm>> -> memref<5008xi32, #tpu.memory_space<hbm>>
      %dma_wait3A_386 = arith.constant 0 : i32
      %dma_wait3A_387 = tpu.memref_slice %arg4[%dma_wait3A_386] : memref<160256xi32, #tpu.memory_space<hbm>> -> memref<5008xi32, #tpu.memory_space<hbm>>
      tpu.wait_dma2 semaphore(%arg24 : memref<!tpu.dma_semaphore, #tpu.memory_space<semaphore_mem>>) src(%dma_wait3A_387 : memref<5008xi32, #tpu.memory_space<hbm>>) dst(%arg20 : memref<5008xi32, #tpu.memory_space<vmem>>)
      %dma_wait3A_388 = arith.constant 0 : i32
      %dma_wait3A_389 = tpu.memref_slice %arg5[%dma_wait3A_388] : memref<160256xf32, #tpu.memory_space<hbm>> -> memref<5008xf32, #tpu.memory_space<hbm>>
      %dma_wait3A_390 = arith.constant 0 : i32
      %dma_wait3A_391 = tpu.memref_slice %arg5[%dma_wait3A_390] : memref<160256xf32, #tpu.memory_space<hbm>> -> memref<5008xf32, #tpu.memory_space<hbm>>
      tpu.wait_dma2 semaphore(%arg24 : memref<!tpu.dma_semaphore, #tpu.memory_space<semaphore_mem>>) src(%dma_wait3A_391 : memref<5008xf32, #tpu.memory_space<hbm>>) dst(%arg21 : memref<5008xf32, #tpu.memory_space<vmem>>)
      %scan3A_392 = arith.constant 0 : i32
      %scan3A_393 = arith.constant 0 : i32
      %scan3A_394 = arith.constant 313 : i32
      %scan3A_395 = arith.addi %scan3A_393, %scan3A_394 : i32
      %scan3A_396 = arith.constant 1 : i32
      scf.for %scan3A_398 = %scan3A_393 to %scan3A_395 step %scan3A_396  : i32 {
        %mul3A_399 = arith.constant 16 : i32
        %mul3A_400 = arith.muli %scan3A_398, %mul3A_399 : i32
        %get3A_401 = arith.index_cast %mul3A_400 : i32 to index
        %get3A_402 = tpu.vector_load %arg19[%get3A_401] {strides = array<i32>} : memref<5008xi32, #tpu.memory_space<vmem>>, vector<16xi32>,
        %get3A_403 = arith.index_cast %mul3A_400 : i32 to index
        %get3A_404 = tpu.vector_load %arg20[%get3A_403] {strides = array<i32>} : memref<5008xi32, #tpu.memory_space<vmem>>, vector<16xi32>,
        %get3A_405 = arith.index_cast %mul3A_400 : i32 to index
        %get3A_406 = tpu.vector_load %arg21[%get3A_405] {strides = array<i32>} : memref<5008xf32, #tpu.memory_space<vmem>>, vector<16xf32>,
        %gather3A = tpu.vector_load_idx %arg8[%get3A_402] : memref<10240xf32, #tpu.memory_space<vmem>>[vector<16xi32>], vector<16xf32>,
        %mul3A_407 = arith.mulf %gather3A, %get3A_406 : vector<16xf32>
        tpu.vector_store_idx %arg12[%get3A_404], %mul3A_407 {add = true} : memref<10240xf32, #tpu.memory_space<vmem>>[vector<16xi32>], vector<16xf32>,
        %gather3A_408 = tpu.vector_load_idx %arg9[%get3A_402] : memref<10240xf32, #tpu.memory_space<vmem>>[vector<16xi32>], vector<16xf32>,
        %mul3A_409 = arith.mulf %gather3A_408, %get3A_406 : vector<16xf32>
        tpu.vector_store_idx %arg13[%get3A_404], %mul3A_409 {add = true} : memref<10240xf32, #tpu.memory_space<vmem>>[vector<16xi32>], vector<16xf32>,
      }
      %scan3A_397 = arith.constant 313 : i32
    }
    %scan3A_165 = arith.constant 16 : i32
    %get3A_166 = arith.constant 5 : i32
    %get3A_167 = arith.index_cast %get3A_166 : i32 to index
    %get3A_168 = arith.constant 0 : index
    %get3A_169 = tpu.vector_load %arg22[%get3A_167, %get3A_168] {strides = array<i32>} : memref<16x16xf32, #tpu.memory_space<vmem>>, vector<16xf32>,
    %scan3A_170 = arith.constant 0 : i32
    %scan3A_171 = arith.constant 0 : i32
    %scan3A_172 = arith.constant 640 : i32
    %scan3A_173 = arith.addi %scan3A_171, %scan3A_172 : i32
    %scan3A_174 = arith.constant 1 : i32
    scf.for %scan3A_348 = %scan3A_171 to %scan3A_173 step %scan3A_174  : i32 {
      %mul3A_349 = arith.constant 16 : i32
      %mul3A_350 = arith.muli %scan3A_348, %mul3A_349 : i32
      %get3A_351 = arith.index_cast %mul3A_350 : i32 to index
      %get3A_352 = tpu.vector_load %arg12[%get3A_351] {strides = array<i32>} : memref<10240xf32, #tpu.memory_space<vmem>>, vector<16xf32>,
      %mul3A_353 = arith.constant 2.000000e+00 : f32
      %mul3A_354 = vector.broadcast %mul3A_353 : f32 to vector<16xf32>
      %mul3A_355 = arith.mulf %mul3A_354, %get3A_352 : vector<16xf32>
      %get3A_356 = arith.index_cast %mul3A_350 : i32 to index
      %get3A_357 = tpu.vector_load %arg10[%get3A_356] {strides = array<i32>} : memref<10240xf32, #tpu.memory_space<vmem>>, vector<16xf32>,
      %sub3A = arith.subf %mul3A_355, %get3A_357 : vector<16xf32>
      %swap3A = arith.index_cast %mul3A_350 : i32 to index
      %swap3A_358 = tpu.vector_load %arg10[%swap3A] {strides = array<i32>} : memref<10240xf32, #tpu.memory_space<vmem>>, vector<16xf32>,
      tpu.vector_store %arg10[%swap3A], %sub3A {strides = array<i32>} : memref<10240xf32, #tpu.memory_space<vmem>>, vector<16xf32>,
      %get3A_359 = arith.index_cast %mul3A_350 : i32 to index
      %get3A_360 = tpu.vector_load %arg14[%get3A_359] {strides = array<i32>} : memref<10240xf32, #tpu.memory_space<vmem>>, vector<16xf32>,
      %mul3A_361 = arith.mulf %get3A_169, %sub3A : vector<16xf32>
      %add3A_362 = arith.addf %get3A_360, %mul3A_361 : vector<16xf32>
      %swap3A_363 = arith.index_cast %mul3A_350 : i32 to index
      %swap3A_364 = tpu.vector_load %arg14[%swap3A_363] {strides = array<i32>} : memref<10240xf32, #tpu.memory_space<vmem>>, vector<16xf32>,
      tpu.vector_store %arg14[%swap3A_363], %add3A_362 {strides = array<i32>} : memref<10240xf32, #tpu.memory_space<vmem>>, vector<16xf32>,
      %get3A_365 = arith.index_cast %mul3A_350 : i32 to index
      %get3A_366 = tpu.vector_load %arg13[%get3A_365] {strides = array<i32>} : memref<10240xf32, #tpu.memory_space<vmem>>, vector<16xf32>,
      %mul3A_367 = arith.constant 2.000000e+00 : f32
      %mul3A_368 = vector.broadcast %mul3A_367 : f32 to vector<16xf32>
      %mul3A_369 = arith.mulf %mul3A_368, %get3A_366 : vector<16xf32>
      %get3A_370 = arith.index_cast %mul3A_350 : i32 to index
      %get3A_371 = tpu.vector_load %arg11[%get3A_370] {strides = array<i32>} : memref<10240xf32, #tpu.memory_space<vmem>>, vector<16xf32>,
      %sub3A_372 = arith.subf %mul3A_369, %get3A_371 : vector<16xf32>
      %swap3A_373 = arith.index_cast %mul3A_350 : i32 to index
      %swap3A_374 = tpu.vector_load %arg11[%swap3A_373] {strides = array<i32>} : memref<10240xf32, #tpu.memory_space<vmem>>, vector<16xf32>,
      tpu.vector_store %arg11[%swap3A_373], %sub3A_372 {strides = array<i32>} : memref<10240xf32, #tpu.memory_space<vmem>>, vector<16xf32>,
      %get3A_375 = arith.index_cast %mul3A_350 : i32 to index
      %get3A_376 = tpu.vector_load %arg15[%get3A_375] {strides = array<i32>} : memref<10240xf32, #tpu.memory_space<vmem>>, vector<16xf32>,
      %mul3A_377 = arith.mulf %get3A_169, %sub3A_372 : vector<16xf32>
      %add3A_378 = arith.addf %get3A_376, %mul3A_377 : vector<16xf32>
      %swap3A_379 = arith.index_cast %mul3A_350 : i32 to index
      %swap3A_380 = tpu.vector_load %arg15[%swap3A_379] {strides = array<i32>} : memref<10240xf32, #tpu.memory_space<vmem>>, vector<16xf32>,
      tpu.vector_store %arg15[%swap3A_379], %add3A_378 {strides = array<i32>} : memref<10240xf32, #tpu.memory_space<vmem>>, vector<16xf32>,
    }
    %scan3A_175 = arith.constant 640 : i32
    %scan3A_176 = arith.constant 0 : i32
    %scan3A_177 = arith.constant 0 : i32
    %scan3A_178 = arith.constant 640 : i32
    %scan3A_179 = arith.addi %scan3A_177, %scan3A_178 : i32
    %scan3A_180 = arith.constant 1 : i32
    scf.for %scan3A_348 = %scan3A_177 to %scan3A_179 step %scan3A_180  : i32 {
      %broadcast_in_dim3A = arith.constant 0.000000e+00 : f32
      %broadcast_in_dim3A_349 = vector.broadcast %broadcast_in_dim3A : f32 to vector<16xf32>
      %mul3A_350 = arith.constant 16 : i32
      %mul3A_351 = arith.muli %scan3A_348, %mul3A_350 : i32
      %swap3A = arith.index_cast %mul3A_351 : i32 to index
      %swap3A_352 = tpu.vector_load %arg12[%swap3A] {strides = array<i32>} : memref<10240xf32, #tpu.memory_space<vmem>>, vector<16xf32>,
      tpu.vector_store %arg12[%swap3A], %broadcast_in_dim3A_349 {strides = array<i32>} : memref<10240xf32, #tpu.memory_space<vmem>>, vector<16xf32>,
      %broadcast_in_dim3A_353 = arith.constant 0.000000e+00 : f32
      %broadcast_in_dim3A_354 = vector.broadcast %broadcast_in_dim3A_353 : f32 to vector<16xf32>
      %mul3A_355 = arith.constant 16 : i32
      %mul3A_356 = arith.muli %scan3A_348, %mul3A_355 : i32
      %swap3A_357 = arith.index_cast %mul3A_356 : i32 to index
      %swap3A_358 = tpu.vector_load %arg13[%swap3A_357] {strides = array<i32>} : memref<10240xf32, #tpu.memory_space<vmem>>, vector<16xf32>,
      tpu.vector_store %arg13[%swap3A_357], %broadcast_in_dim3A_354 {strides = array<i32>} : memref<10240xf32, #tpu.memory_space<vmem>>, vector<16xf32>,
    }
    %scan3A_181 = arith.constant 640 : i32
    %dma_start3A_182 = arith.constant 0 : i32
    %dma_start3A_183 = tpu.memref_slice %arg3[%dma_start3A_182] : memref<160256xi32, #tpu.memory_space<hbm>> -> memref<5008xi32, #tpu.memory_space<hbm>>
    %dma_start3A_184 = arith.constant 0 : i32
    %dma_start3A_185 = tpu.memref_slice %arg3[%dma_start3A_184] : memref<160256xi32, #tpu.memory_space<hbm>> -> memref<5008xi32, #tpu.memory_space<hbm>>
    tpu.enqueue_dma source(%dma_start3A_185 : memref<5008xi32, #tpu.memory_space<hbm>>) target(%arg16 : memref<5008xi32, #tpu.memory_space<vmem>>) target_semaphore(%arg23 : memref<!tpu.dma_semaphore, #tpu.memory_space<semaphore_mem>>)
    %dma_start3A_186 = arith.constant 0 : i32
    %dma_start3A_187 = tpu.memref_slice %arg4[%dma_start3A_186] : memref<160256xi32, #tpu.memory_space<hbm>> -> memref<5008xi32, #tpu.memory_space<hbm>>
    %dma_start3A_188 = arith.constant 0 : i32
    %dma_start3A_189 = tpu.memref_slice %arg4[%dma_start3A_188] : memref<160256xi32, #tpu.memory_space<hbm>> -> memref<5008xi32, #tpu.memory_space<hbm>>
    tpu.enqueue_dma source(%dma_start3A_189 : memref<5008xi32, #tpu.memory_space<hbm>>) target(%arg17 : memref<5008xi32, #tpu.memory_space<vmem>>) target_semaphore(%arg23 : memref<!tpu.dma_semaphore, #tpu.memory_space<semaphore_mem>>)
    %dma_start3A_190 = arith.constant 0 : i32
    %dma_start3A_191 = tpu.memref_slice %arg5[%dma_start3A_190] : memref<160256xf32, #tpu.memory_space<hbm>> -> memref<5008xf32, #tpu.memory_space<hbm>>
    %dma_start3A_192 = arith.constant 0 : i32
    %dma_start3A_193 = tpu.memref_slice %arg5[%dma_start3A_192] : memref<160256xf32, #tpu.memory_space<hbm>> -> memref<5008xf32, #tpu.memory_space<hbm>>
    tpu.enqueue_dma source(%dma_start3A_193 : memref<5008xf32, #tpu.memory_space<hbm>>) target(%arg18 : memref<5008xf32, #tpu.memory_space<vmem>>) target_semaphore(%arg23 : memref<!tpu.dma_semaphore, #tpu.memory_space<semaphore_mem>>)
    %scan3A_194 = arith.constant 0 : i32
    %scan3A_195 = arith.constant 0 : i32
    %scan3A_196 = arith.constant 16 : i32
    %scan3A_197 = arith.addi %scan3A_195, %scan3A_196 : i32
    %scan3A_198 = arith.constant 1 : i32
    scf.for %scan3A_348 = %scan3A_195 to %scan3A_197 step %scan3A_198  : i32 {
      %mul3A_349 = arith.constant 2 : i32
      %mul3A_350 = arith.muli %mul3A_349, %scan3A_348 : i32
      %add3A_351 = arith.constant 1 : i32
      %add3A_352 = arith.addi %mul3A_350, %add3A_351 : i32
      %mul3A_353 = arith.constant 5008 : i32
      %mul3A_354 = arith.muli %add3A_352, %mul3A_353 : i32
      %dma_start3A_355 = tpu.memref_slice %arg3[%mul3A_354] : memref<160256xi32, #tpu.memory_space<hbm>> -> memref<5008xi32, #tpu.memory_space<hbm>>
      %dma_start3A_356 = tpu.memref_slice %arg3[%mul3A_354] : memref<160256xi32, #tpu.memory_space<hbm>> -> memref<5008xi32, #tpu.memory_space<hbm>>
      tpu.enqueue_dma source(%dma_start3A_356 : memref<5008xi32, #tpu.memory_space<hbm>>) target(%arg19 : memref<5008xi32, #tpu.memory_space<vmem>>) target_semaphore(%arg24 : memref<!tpu.dma_semaphore, #tpu.memory_space<semaphore_mem>>)
      %dma_start3A_357 = tpu.memref_slice %arg4[%mul3A_354] : memref<160256xi32, #tpu.memory_space<hbm>> -> memref<5008xi32, #tpu.memory_space<hbm>>
      %dma_start3A_358 = tpu.memref_slice %arg4[%mul3A_354] : memref<160256xi32, #tpu.memory_space<hbm>> -> memref<5008xi32, #tpu.memory_space<hbm>>
      tpu.enqueue_dma source(%dma_start3A_358 : memref<5008xi32, #tpu.memory_space<hbm>>) target(%arg20 : memref<5008xi32, #tpu.memory_space<vmem>>) target_semaphore(%arg24 : memref<!tpu.dma_semaphore, #tpu.memory_space<semaphore_mem>>)
      %dma_start3A_359 = tpu.memref_slice %arg5[%mul3A_354] : memref<160256xf32, #tpu.memory_space<hbm>> -> memref<5008xf32, #tpu.memory_space<hbm>>
      %dma_start3A_360 = tpu.memref_slice %arg5[%mul3A_354] : memref<160256xf32, #tpu.memory_space<hbm>> -> memref<5008xf32, #tpu.memory_space<hbm>>
      tpu.enqueue_dma source(%dma_start3A_360 : memref<5008xf32, #tpu.memory_space<hbm>>) target(%arg21 : memref<5008xf32, #tpu.memory_space<vmem>>) target_semaphore(%arg24 : memref<!tpu.dma_semaphore, #tpu.memory_space<semaphore_mem>>)
      %dma_wait3A = arith.constant 0 : i32
      %dma_wait3A_361 = tpu.memref_slice %arg3[%dma_wait3A] : memref<160256xi32, #tpu.memory_space<hbm>> -> memref<5008xi32, #tpu.memory_space<hbm>>
      %dma_wait3A_362 = arith.constant 0 : i32
      %dma_wait3A_363 = tpu.memref_slice %arg3[%dma_wait3A_362] : memref<160256xi32, #tpu.memory_space<hbm>> -> memref<5008xi32, #tpu.memory_space<hbm>>
      tpu.wait_dma2 semaphore(%arg23 : memref<!tpu.dma_semaphore, #tpu.memory_space<semaphore_mem>>) src(%dma_wait3A_363 : memref<5008xi32, #tpu.memory_space<hbm>>) dst(%arg16 : memref<5008xi32, #tpu.memory_space<vmem>>)
      %dma_wait3A_364 = arith.constant 0 : i32
      %dma_wait3A_365 = tpu.memref_slice %arg4[%dma_wait3A_364] : memref<160256xi32, #tpu.memory_space<hbm>> -> memref<5008xi32, #tpu.memory_space<hbm>>
      %dma_wait3A_366 = arith.constant 0 : i32
      %dma_wait3A_367 = tpu.memref_slice %arg4[%dma_wait3A_366] : memref<160256xi32, #tpu.memory_space<hbm>> -> memref<5008xi32, #tpu.memory_space<hbm>>
      tpu.wait_dma2 semaphore(%arg23 : memref<!tpu.dma_semaphore, #tpu.memory_space<semaphore_mem>>) src(%dma_wait3A_367 : memref<5008xi32, #tpu.memory_space<hbm>>) dst(%arg17 : memref<5008xi32, #tpu.memory_space<vmem>>)
      %dma_wait3A_368 = arith.constant 0 : i32
      %dma_wait3A_369 = tpu.memref_slice %arg5[%dma_wait3A_368] : memref<160256xf32, #tpu.memory_space<hbm>> -> memref<5008xf32, #tpu.memory_space<hbm>>
      %dma_wait3A_370 = arith.constant 0 : i32
      %dma_wait3A_371 = tpu.memref_slice %arg5[%dma_wait3A_370] : memref<160256xf32, #tpu.memory_space<hbm>> -> memref<5008xf32, #tpu.memory_space<hbm>>
      tpu.wait_dma2 semaphore(%arg23 : memref<!tpu.dma_semaphore, #tpu.memory_space<semaphore_mem>>) src(%dma_wait3A_371 : memref<5008xf32, #tpu.memory_space<hbm>>) dst(%arg18 : memref<5008xf32, #tpu.memory_space<vmem>>)
      %scan3A_372 = arith.constant 0 : i32
      %scan3A_373 = arith.constant 0 : i32
      %scan3A_374 = arith.constant 313 : i32
      %scan3A_375 = arith.addi %scan3A_373, %scan3A_374 : i32
      %scan3A_376 = arith.constant 1 : i32
      scf.for %scan3A_398 = %scan3A_373 to %scan3A_375 step %scan3A_376  : i32 {
        %mul3A_399 = arith.constant 16 : i32
        %mul3A_400 = arith.muli %scan3A_398, %mul3A_399 : i32
        %get3A_401 = arith.index_cast %mul3A_400 : i32 to index
        %get3A_402 = tpu.vector_load %arg16[%get3A_401] {strides = array<i32>} : memref<5008xi32, #tpu.memory_space<vmem>>, vector<16xi32>,
        %get3A_403 = arith.index_cast %mul3A_400 : i32 to index
        %get3A_404 = tpu.vector_load %arg17[%get3A_403] {strides = array<i32>} : memref<5008xi32, #tpu.memory_space<vmem>>, vector<16xi32>,
        %get3A_405 = arith.index_cast %mul3A_400 : i32 to index
        %get3A_406 = tpu.vector_load %arg18[%get3A_405] {strides = array<i32>} : memref<5008xf32, #tpu.memory_space<vmem>>, vector<16xf32>,
        %gather3A = tpu.vector_load_idx %arg10[%get3A_402] : memref<10240xf32, #tpu.memory_space<vmem>>[vector<16xi32>], vector<16xf32>,
        %mul3A_407 = arith.mulf %gather3A, %get3A_406 : vector<16xf32>
        tpu.vector_store_idx %arg12[%get3A_404], %mul3A_407 {add = true} : memref<10240xf32, #tpu.memory_space<vmem>>[vector<16xi32>], vector<16xf32>,
        %gather3A_408 = tpu.vector_load_idx %arg11[%get3A_402] : memref<10240xf32, #tpu.memory_space<vmem>>[vector<16xi32>], vector<16xf32>,
        %mul3A_409 = arith.mulf %gather3A_408, %get3A_406 : vector<16xf32>
        tpu.vector_store_idx %arg13[%get3A_404], %mul3A_409 {add = true} : memref<10240xf32, #tpu.memory_space<vmem>>[vector<16xi32>], vector<16xf32>,
      }
      %scan3A_377 = arith.constant 313 : i32
      %lt3A = arith.constant 15 : i32
      %lt3A_378 = arith.cmpi slt, %scan3A_348, %lt3A : i32
      %convert_element_type3A = arith.extui %lt3A_378 : i1 to i32
      %cond3A = arith.constant 0 : i32
      %cond3A_379 = arith.cmpi ne, %convert_element_type3A, %cond3A : i32
      scf.if %cond3A_379 {
        %mul3A_398 = arith.constant 2 : i32
        %mul3A_399 = arith.muli %mul3A_398, %scan3A_348 : i32
        %add3A_400 = arith.constant 2 : i32
        %add3A_401 = arith.addi %mul3A_399, %add3A_400 : i32
        %mul3A_402 = arith.constant 5008 : i32
        %mul3A_403 = arith.muli %add3A_401, %mul3A_402 : i32
        %dma_start3A_404 = tpu.memref_slice %arg3[%mul3A_403] : memref<160256xi32, #tpu.memory_space<hbm>> -> memref<5008xi32, #tpu.memory_space<hbm>>
        %dma_start3A_405 = tpu.memref_slice %arg3[%mul3A_403] : memref<160256xi32, #tpu.memory_space<hbm>> -> memref<5008xi32, #tpu.memory_space<hbm>>
        tpu.enqueue_dma source(%dma_start3A_405 : memref<5008xi32, #tpu.memory_space<hbm>>) target(%arg16 : memref<5008xi32, #tpu.memory_space<vmem>>) target_semaphore(%arg23 : memref<!tpu.dma_semaphore, #tpu.memory_space<semaphore_mem>>)
        %dma_start3A_406 = tpu.memref_slice %arg4[%mul3A_403] : memref<160256xi32, #tpu.memory_space<hbm>> -> memref<5008xi32, #tpu.memory_space<hbm>>
        %dma_start3A_407 = tpu.memref_slice %arg4[%mul3A_403] : memref<160256xi32, #tpu.memory_space<hbm>> -> memref<5008xi32, #tpu.memory_space<hbm>>
        tpu.enqueue_dma source(%dma_start3A_407 : memref<5008xi32, #tpu.memory_space<hbm>>) target(%arg17 : memref<5008xi32, #tpu.memory_space<vmem>>) target_semaphore(%arg23 : memref<!tpu.dma_semaphore, #tpu.memory_space<semaphore_mem>>)
        %dma_start3A_408 = tpu.memref_slice %arg5[%mul3A_403] : memref<160256xf32, #tpu.memory_space<hbm>> -> memref<5008xf32, #tpu.memory_space<hbm>>
        %dma_start3A_409 = tpu.memref_slice %arg5[%mul3A_403] : memref<160256xf32, #tpu.memory_space<hbm>> -> memref<5008xf32, #tpu.memory_space<hbm>>
        tpu.enqueue_dma source(%dma_start3A_409 : memref<5008xf32, #tpu.memory_space<hbm>>) target(%arg18 : memref<5008xf32, #tpu.memory_space<vmem>>) target_semaphore(%arg23 : memref<!tpu.dma_semaphore, #tpu.memory_space<semaphore_mem>>)
      } else {
      }
      %dma_wait3A_380 = arith.constant 0 : i32
      %dma_wait3A_381 = tpu.memref_slice %arg3[%dma_wait3A_380] : memref<160256xi32, #tpu.memory_space<hbm>> -> memref<5008xi32, #tpu.memory_space<hbm>>
      %dma_wait3A_382 = arith.constant 0 : i32
      %dma_wait3A_383 = tpu.memref_slice %arg3[%dma_wait3A_382] : memref<160256xi32, #tpu.memory_space<hbm>> -> memref<5008xi32, #tpu.memory_space<hbm>>
      tpu.wait_dma2 semaphore(%arg24 : memref<!tpu.dma_semaphore, #tpu.memory_space<semaphore_mem>>) src(%dma_wait3A_383 : memref<5008xi32, #tpu.memory_space<hbm>>) dst(%arg19 : memref<5008xi32, #tpu.memory_space<vmem>>)
      %dma_wait3A_384 = arith.constant 0 : i32
      %dma_wait3A_385 = tpu.memref_slice %arg4[%dma_wait3A_384] : memref<160256xi32, #tpu.memory_space<hbm>> -> memref<5008xi32, #tpu.memory_space<hbm>>
      %dma_wait3A_386 = arith.constant 0 : i32
      %dma_wait3A_387 = tpu.memref_slice %arg4[%dma_wait3A_386] : memref<160256xi32, #tpu.memory_space<hbm>> -> memref<5008xi32, #tpu.memory_space<hbm>>
      tpu.wait_dma2 semaphore(%arg24 : memref<!tpu.dma_semaphore, #tpu.memory_space<semaphore_mem>>) src(%dma_wait3A_387 : memref<5008xi32, #tpu.memory_space<hbm>>) dst(%arg20 : memref<5008xi32, #tpu.memory_space<vmem>>)
      %dma_wait3A_388 = arith.constant 0 : i32
      %dma_wait3A_389 = tpu.memref_slice %arg5[%dma_wait3A_388] : memref<160256xf32, #tpu.memory_space<hbm>> -> memref<5008xf32, #tpu.memory_space<hbm>>
      %dma_wait3A_390 = arith.constant 0 : i32
      %dma_wait3A_391 = tpu.memref_slice %arg5[%dma_wait3A_390] : memref<160256xf32, #tpu.memory_space<hbm>> -> memref<5008xf32, #tpu.memory_space<hbm>>
      tpu.wait_dma2 semaphore(%arg24 : memref<!tpu.dma_semaphore, #tpu.memory_space<semaphore_mem>>) src(%dma_wait3A_391 : memref<5008xf32, #tpu.memory_space<hbm>>) dst(%arg21 : memref<5008xf32, #tpu.memory_space<vmem>>)
      %scan3A_392 = arith.constant 0 : i32
      %scan3A_393 = arith.constant 0 : i32
      %scan3A_394 = arith.constant 313 : i32
      %scan3A_395 = arith.addi %scan3A_393, %scan3A_394 : i32
      %scan3A_396 = arith.constant 1 : i32
      scf.for %scan3A_398 = %scan3A_393 to %scan3A_395 step %scan3A_396  : i32 {
        %mul3A_399 = arith.constant 16 : i32
        %mul3A_400 = arith.muli %scan3A_398, %mul3A_399 : i32
        %get3A_401 = arith.index_cast %mul3A_400 : i32 to index
        %get3A_402 = tpu.vector_load %arg19[%get3A_401] {strides = array<i32>} : memref<5008xi32, #tpu.memory_space<vmem>>, vector<16xi32>,
        %get3A_403 = arith.index_cast %mul3A_400 : i32 to index
        %get3A_404 = tpu.vector_load %arg20[%get3A_403] {strides = array<i32>} : memref<5008xi32, #tpu.memory_space<vmem>>, vector<16xi32>,
        %get3A_405 = arith.index_cast %mul3A_400 : i32 to index
        %get3A_406 = tpu.vector_load %arg21[%get3A_405] {strides = array<i32>} : memref<5008xf32, #tpu.memory_space<vmem>>, vector<16xf32>,
        %gather3A = tpu.vector_load_idx %arg10[%get3A_402] : memref<10240xf32, #tpu.memory_space<vmem>>[vector<16xi32>], vector<16xf32>,
        %mul3A_407 = arith.mulf %gather3A, %get3A_406 : vector<16xf32>
        tpu.vector_store_idx %arg12[%get3A_404], %mul3A_407 {add = true} : memref<10240xf32, #tpu.memory_space<vmem>>[vector<16xi32>], vector<16xf32>,
        %gather3A_408 = tpu.vector_load_idx %arg11[%get3A_402] : memref<10240xf32, #tpu.memory_space<vmem>>[vector<16xi32>], vector<16xf32>,
        %mul3A_409 = arith.mulf %gather3A_408, %get3A_406 : vector<16xf32>
        tpu.vector_store_idx %arg13[%get3A_404], %mul3A_409 {add = true} : memref<10240xf32, #tpu.memory_space<vmem>>[vector<16xi32>], vector<16xf32>,
      }
      %scan3A_397 = arith.constant 313 : i32
    }
    %scan3A_199 = arith.constant 16 : i32
    %get3A_200 = arith.constant 6 : i32
    %get3A_201 = arith.index_cast %get3A_200 : i32 to index
    %get3A_202 = arith.constant 0 : index
    %get3A_203 = tpu.vector_load %arg22[%get3A_201, %get3A_202] {strides = array<i32>} : memref<16x16xf32, #tpu.memory_space<vmem>>, vector<16xf32>,
    %scan3A_204 = arith.constant 0 : i32
    %scan3A_205 = arith.constant 0 : i32
    %scan3A_206 = arith.constant 640 : i32
    %scan3A_207 = arith.addi %scan3A_205, %scan3A_206 : i32
    %scan3A_208 = arith.constant 1 : i32
    scf.for %scan3A_348 = %scan3A_205 to %scan3A_207 step %scan3A_208  : i32 {
      %mul3A_349 = arith.constant 16 : i32
      %mul3A_350 = arith.muli %scan3A_348, %mul3A_349 : i32
      %get3A_351 = arith.index_cast %mul3A_350 : i32 to index
      %get3A_352 = tpu.vector_load %arg12[%get3A_351] {strides = array<i32>} : memref<10240xf32, #tpu.memory_space<vmem>>, vector<16xf32>,
      %mul3A_353 = arith.constant 2.000000e+00 : f32
      %mul3A_354 = vector.broadcast %mul3A_353 : f32 to vector<16xf32>
      %mul3A_355 = arith.mulf %mul3A_354, %get3A_352 : vector<16xf32>
      %get3A_356 = arith.index_cast %mul3A_350 : i32 to index
      %get3A_357 = tpu.vector_load %arg8[%get3A_356] {strides = array<i32>} : memref<10240xf32, #tpu.memory_space<vmem>>, vector<16xf32>,
      %sub3A = arith.subf %mul3A_355, %get3A_357 : vector<16xf32>
      %swap3A = arith.index_cast %mul3A_350 : i32 to index
      %swap3A_358 = tpu.vector_load %arg8[%swap3A] {strides = array<i32>} : memref<10240xf32, #tpu.memory_space<vmem>>, vector<16xf32>,
      tpu.vector_store %arg8[%swap3A], %sub3A {strides = array<i32>} : memref<10240xf32, #tpu.memory_space<vmem>>, vector<16xf32>,
      %get3A_359 = arith.index_cast %mul3A_350 : i32 to index
      %get3A_360 = tpu.vector_load %arg14[%get3A_359] {strides = array<i32>} : memref<10240xf32, #tpu.memory_space<vmem>>, vector<16xf32>,
      %mul3A_361 = arith.mulf %get3A_203, %sub3A : vector<16xf32>
      %add3A_362 = arith.addf %get3A_360, %mul3A_361 : vector<16xf32>
      %swap3A_363 = arith.index_cast %mul3A_350 : i32 to index
      %swap3A_364 = tpu.vector_load %arg14[%swap3A_363] {strides = array<i32>} : memref<10240xf32, #tpu.memory_space<vmem>>, vector<16xf32>,
      tpu.vector_store %arg14[%swap3A_363], %add3A_362 {strides = array<i32>} : memref<10240xf32, #tpu.memory_space<vmem>>, vector<16xf32>,
      %get3A_365 = arith.index_cast %mul3A_350 : i32 to index
      %get3A_366 = tpu.vector_load %arg13[%get3A_365] {strides = array<i32>} : memref<10240xf32, #tpu.memory_space<vmem>>, vector<16xf32>,
      %mul3A_367 = arith.constant 2.000000e+00 : f32
      %mul3A_368 = vector.broadcast %mul3A_367 : f32 to vector<16xf32>
      %mul3A_369 = arith.mulf %mul3A_368, %get3A_366 : vector<16xf32>
      %get3A_370 = arith.index_cast %mul3A_350 : i32 to index
      %get3A_371 = tpu.vector_load %arg9[%get3A_370] {strides = array<i32>} : memref<10240xf32, #tpu.memory_space<vmem>>, vector<16xf32>,
      %sub3A_372 = arith.subf %mul3A_369, %get3A_371 : vector<16xf32>
      %swap3A_373 = arith.index_cast %mul3A_350 : i32 to index
      %swap3A_374 = tpu.vector_load %arg9[%swap3A_373] {strides = array<i32>} : memref<10240xf32, #tpu.memory_space<vmem>>, vector<16xf32>,
      tpu.vector_store %arg9[%swap3A_373], %sub3A_372 {strides = array<i32>} : memref<10240xf32, #tpu.memory_space<vmem>>, vector<16xf32>,
      %get3A_375 = arith.index_cast %mul3A_350 : i32 to index
      %get3A_376 = tpu.vector_load %arg15[%get3A_375] {strides = array<i32>} : memref<10240xf32, #tpu.memory_space<vmem>>, vector<16xf32>,
      %mul3A_377 = arith.mulf %get3A_203, %sub3A_372 : vector<16xf32>
      %add3A_378 = arith.addf %get3A_376, %mul3A_377 : vector<16xf32>
      %swap3A_379 = arith.index_cast %mul3A_350 : i32 to index
      %swap3A_380 = tpu.vector_load %arg15[%swap3A_379] {strides = array<i32>} : memref<10240xf32, #tpu.memory_space<vmem>>, vector<16xf32>,
      tpu.vector_store %arg15[%swap3A_379], %add3A_378 {strides = array<i32>} : memref<10240xf32, #tpu.memory_space<vmem>>, vector<16xf32>,
    }
    %scan3A_209 = arith.constant 640 : i32
    %scan3A_210 = arith.constant 0 : i32
    %scan3A_211 = arith.constant 0 : i32
    %scan3A_212 = arith.constant 640 : i32
    %scan3A_213 = arith.addi %scan3A_211, %scan3A_212 : i32
    %scan3A_214 = arith.constant 1 : i32
    scf.for %scan3A_348 = %scan3A_211 to %scan3A_213 step %scan3A_214  : i32 {
      %broadcast_in_dim3A = arith.constant 0.000000e+00 : f32
      %broadcast_in_dim3A_349 = vector.broadcast %broadcast_in_dim3A : f32 to vector<16xf32>
      %mul3A_350 = arith.constant 16 : i32
      %mul3A_351 = arith.muli %scan3A_348, %mul3A_350 : i32
      %swap3A = arith.index_cast %mul3A_351 : i32 to index
      %swap3A_352 = tpu.vector_load %arg12[%swap3A] {strides = array<i32>} : memref<10240xf32, #tpu.memory_space<vmem>>, vector<16xf32>,
      tpu.vector_store %arg12[%swap3A], %broadcast_in_dim3A_349 {strides = array<i32>} : memref<10240xf32, #tpu.memory_space<vmem>>, vector<16xf32>,
      %broadcast_in_dim3A_353 = arith.constant 0.000000e+00 : f32
      %broadcast_in_dim3A_354 = vector.broadcast %broadcast_in_dim3A_353 : f32 to vector<16xf32>
      %mul3A_355 = arith.constant 16 : i32
      %mul3A_356 = arith.muli %scan3A_348, %mul3A_355 : i32
      %swap3A_357 = arith.index_cast %mul3A_356 : i32 to index
      %swap3A_358 = tpu.vector_load %arg13[%swap3A_357] {strides = array<i32>} : memref<10240xf32, #tpu.memory_space<vmem>>, vector<16xf32>,
      tpu.vector_store %arg13[%swap3A_357], %broadcast_in_dim3A_354 {strides = array<i32>} : memref<10240xf32, #tpu.memory_space<vmem>>, vector<16xf32>,
    }
    %scan3A_215 = arith.constant 640 : i32
    %dma_start3A_216 = arith.constant 0 : i32
    %dma_start3A_217 = tpu.memref_slice %arg3[%dma_start3A_216] : memref<160256xi32, #tpu.memory_space<hbm>> -> memref<5008xi32, #tpu.memory_space<hbm>>
    %dma_start3A_218 = arith.constant 0 : i32
    %dma_start3A_219 = tpu.memref_slice %arg3[%dma_start3A_218] : memref<160256xi32, #tpu.memory_space<hbm>> -> memref<5008xi32, #tpu.memory_space<hbm>>
    tpu.enqueue_dma source(%dma_start3A_219 : memref<5008xi32, #tpu.memory_space<hbm>>) target(%arg16 : memref<5008xi32, #tpu.memory_space<vmem>>) target_semaphore(%arg23 : memref<!tpu.dma_semaphore, #tpu.memory_space<semaphore_mem>>)
    %dma_start3A_220 = arith.constant 0 : i32
    %dma_start3A_221 = tpu.memref_slice %arg4[%dma_start3A_220] : memref<160256xi32, #tpu.memory_space<hbm>> -> memref<5008xi32, #tpu.memory_space<hbm>>
    %dma_start3A_222 = arith.constant 0 : i32
    %dma_start3A_223 = tpu.memref_slice %arg4[%dma_start3A_222] : memref<160256xi32, #tpu.memory_space<hbm>> -> memref<5008xi32, #tpu.memory_space<hbm>>
    tpu.enqueue_dma source(%dma_start3A_223 : memref<5008xi32, #tpu.memory_space<hbm>>) target(%arg17 : memref<5008xi32, #tpu.memory_space<vmem>>) target_semaphore(%arg23 : memref<!tpu.dma_semaphore, #tpu.memory_space<semaphore_mem>>)
    %dma_start3A_224 = arith.constant 0 : i32
    %dma_start3A_225 = tpu.memref_slice %arg5[%dma_start3A_224] : memref<160256xf32, #tpu.memory_space<hbm>> -> memref<5008xf32, #tpu.memory_space<hbm>>
    %dma_start3A_226 = arith.constant 0 : i32
    %dma_start3A_227 = tpu.memref_slice %arg5[%dma_start3A_226] : memref<160256xf32, #tpu.memory_space<hbm>> -> memref<5008xf32, #tpu.memory_space<hbm>>
    tpu.enqueue_dma source(%dma_start3A_227 : memref<5008xf32, #tpu.memory_space<hbm>>) target(%arg18 : memref<5008xf32, #tpu.memory_space<vmem>>) target_semaphore(%arg23 : memref<!tpu.dma_semaphore, #tpu.memory_space<semaphore_mem>>)
    %scan3A_228 = arith.constant 0 : i32
    %scan3A_229 = arith.constant 0 : i32
    %scan3A_230 = arith.constant 16 : i32
    %scan3A_231 = arith.addi %scan3A_229, %scan3A_230 : i32
    %scan3A_232 = arith.constant 1 : i32
    scf.for %scan3A_348 = %scan3A_229 to %scan3A_231 step %scan3A_232  : i32 {
      %mul3A_349 = arith.constant 2 : i32
      %mul3A_350 = arith.muli %mul3A_349, %scan3A_348 : i32
      %add3A_351 = arith.constant 1 : i32
      %add3A_352 = arith.addi %mul3A_350, %add3A_351 : i32
      %mul3A_353 = arith.constant 5008 : i32
      %mul3A_354 = arith.muli %add3A_352, %mul3A_353 : i32
      %dma_start3A_355 = tpu.memref_slice %arg3[%mul3A_354] : memref<160256xi32, #tpu.memory_space<hbm>> -> memref<5008xi32, #tpu.memory_space<hbm>>
      %dma_start3A_356 = tpu.memref_slice %arg3[%mul3A_354] : memref<160256xi32, #tpu.memory_space<hbm>> -> memref<5008xi32, #tpu.memory_space<hbm>>
      tpu.enqueue_dma source(%dma_start3A_356 : memref<5008xi32, #tpu.memory_space<hbm>>) target(%arg19 : memref<5008xi32, #tpu.memory_space<vmem>>) target_semaphore(%arg24 : memref<!tpu.dma_semaphore, #tpu.memory_space<semaphore_mem>>)
      %dma_start3A_357 = tpu.memref_slice %arg4[%mul3A_354] : memref<160256xi32, #tpu.memory_space<hbm>> -> memref<5008xi32, #tpu.memory_space<hbm>>
      %dma_start3A_358 = tpu.memref_slice %arg4[%mul3A_354] : memref<160256xi32, #tpu.memory_space<hbm>> -> memref<5008xi32, #tpu.memory_space<hbm>>
      tpu.enqueue_dma source(%dma_start3A_358 : memref<5008xi32, #tpu.memory_space<hbm>>) target(%arg20 : memref<5008xi32, #tpu.memory_space<vmem>>) target_semaphore(%arg24 : memref<!tpu.dma_semaphore, #tpu.memory_space<semaphore_mem>>)
      %dma_start3A_359 = tpu.memref_slice %arg5[%mul3A_354] : memref<160256xf32, #tpu.memory_space<hbm>> -> memref<5008xf32, #tpu.memory_space<hbm>>
      %dma_start3A_360 = tpu.memref_slice %arg5[%mul3A_354] : memref<160256xf32, #tpu.memory_space<hbm>> -> memref<5008xf32, #tpu.memory_space<hbm>>
      tpu.enqueue_dma source(%dma_start3A_360 : memref<5008xf32, #tpu.memory_space<hbm>>) target(%arg21 : memref<5008xf32, #tpu.memory_space<vmem>>) target_semaphore(%arg24 : memref<!tpu.dma_semaphore, #tpu.memory_space<semaphore_mem>>)
      %dma_wait3A = arith.constant 0 : i32
      %dma_wait3A_361 = tpu.memref_slice %arg3[%dma_wait3A] : memref<160256xi32, #tpu.memory_space<hbm>> -> memref<5008xi32, #tpu.memory_space<hbm>>
      %dma_wait3A_362 = arith.constant 0 : i32
      %dma_wait3A_363 = tpu.memref_slice %arg3[%dma_wait3A_362] : memref<160256xi32, #tpu.memory_space<hbm>> -> memref<5008xi32, #tpu.memory_space<hbm>>
      tpu.wait_dma2 semaphore(%arg23 : memref<!tpu.dma_semaphore, #tpu.memory_space<semaphore_mem>>) src(%dma_wait3A_363 : memref<5008xi32, #tpu.memory_space<hbm>>) dst(%arg16 : memref<5008xi32, #tpu.memory_space<vmem>>)
      %dma_wait3A_364 = arith.constant 0 : i32
      %dma_wait3A_365 = tpu.memref_slice %arg4[%dma_wait3A_364] : memref<160256xi32, #tpu.memory_space<hbm>> -> memref<5008xi32, #tpu.memory_space<hbm>>
      %dma_wait3A_366 = arith.constant 0 : i32
      %dma_wait3A_367 = tpu.memref_slice %arg4[%dma_wait3A_366] : memref<160256xi32, #tpu.memory_space<hbm>> -> memref<5008xi32, #tpu.memory_space<hbm>>
      tpu.wait_dma2 semaphore(%arg23 : memref<!tpu.dma_semaphore, #tpu.memory_space<semaphore_mem>>) src(%dma_wait3A_367 : memref<5008xi32, #tpu.memory_space<hbm>>) dst(%arg17 : memref<5008xi32, #tpu.memory_space<vmem>>)
      %dma_wait3A_368 = arith.constant 0 : i32
      %dma_wait3A_369 = tpu.memref_slice %arg5[%dma_wait3A_368] : memref<160256xf32, #tpu.memory_space<hbm>> -> memref<5008xf32, #tpu.memory_space<hbm>>
      %dma_wait3A_370 = arith.constant 0 : i32
      %dma_wait3A_371 = tpu.memref_slice %arg5[%dma_wait3A_370] : memref<160256xf32, #tpu.memory_space<hbm>> -> memref<5008xf32, #tpu.memory_space<hbm>>
      tpu.wait_dma2 semaphore(%arg23 : memref<!tpu.dma_semaphore, #tpu.memory_space<semaphore_mem>>) src(%dma_wait3A_371 : memref<5008xf32, #tpu.memory_space<hbm>>) dst(%arg18 : memref<5008xf32, #tpu.memory_space<vmem>>)
      %scan3A_372 = arith.constant 0 : i32
      %scan3A_373 = arith.constant 0 : i32
      %scan3A_374 = arith.constant 313 : i32
      %scan3A_375 = arith.addi %scan3A_373, %scan3A_374 : i32
      %scan3A_376 = arith.constant 1 : i32
      scf.for %scan3A_398 = %scan3A_373 to %scan3A_375 step %scan3A_376  : i32 {
        %mul3A_399 = arith.constant 16 : i32
        %mul3A_400 = arith.muli %scan3A_398, %mul3A_399 : i32
        %get3A_401 = arith.index_cast %mul3A_400 : i32 to index
        %get3A_402 = tpu.vector_load %arg16[%get3A_401] {strides = array<i32>} : memref<5008xi32, #tpu.memory_space<vmem>>, vector<16xi32>,
        %get3A_403 = arith.index_cast %mul3A_400 : i32 to index
        %get3A_404 = tpu.vector_load %arg17[%get3A_403] {strides = array<i32>} : memref<5008xi32, #tpu.memory_space<vmem>>, vector<16xi32>,
        %get3A_405 = arith.index_cast %mul3A_400 : i32 to index
        %get3A_406 = tpu.vector_load %arg18[%get3A_405] {strides = array<i32>} : memref<5008xf32, #tpu.memory_space<vmem>>, vector<16xf32>,
        %gather3A = tpu.vector_load_idx %arg8[%get3A_402] : memref<10240xf32, #tpu.memory_space<vmem>>[vector<16xi32>], vector<16xf32>,
        %mul3A_407 = arith.mulf %gather3A, %get3A_406 : vector<16xf32>
        tpu.vector_store_idx %arg12[%get3A_404], %mul3A_407 {add = true} : memref<10240xf32, #tpu.memory_space<vmem>>[vector<16xi32>], vector<16xf32>,
        %gather3A_408 = tpu.vector_load_idx %arg9[%get3A_402] : memref<10240xf32, #tpu.memory_space<vmem>>[vector<16xi32>], vector<16xf32>,
        %mul3A_409 = arith.mulf %gather3A_408, %get3A_406 : vector<16xf32>
        tpu.vector_store_idx %arg13[%get3A_404], %mul3A_409 {add = true} : memref<10240xf32, #tpu.memory_space<vmem>>[vector<16xi32>], vector<16xf32>,
      }
      %scan3A_377 = arith.constant 313 : i32
      %lt3A = arith.constant 15 : i32
      %lt3A_378 = arith.cmpi slt, %scan3A_348, %lt3A : i32
      %convert_element_type3A = arith.extui %lt3A_378 : i1 to i32
      %cond3A = arith.constant 0 : i32
      %cond3A_379 = arith.cmpi ne, %convert_element_type3A, %cond3A : i32
      scf.if %cond3A_379 {
        %mul3A_398 = arith.constant 2 : i32
        %mul3A_399 = arith.muli %mul3A_398, %scan3A_348 : i32
        %add3A_400 = arith.constant 2 : i32
        %add3A_401 = arith.addi %mul3A_399, %add3A_400 : i32
        %mul3A_402 = arith.constant 5008 : i32
        %mul3A_403 = arith.muli %add3A_401, %mul3A_402 : i32
        %dma_start3A_404 = tpu.memref_slice %arg3[%mul3A_403] : memref<160256xi32, #tpu.memory_space<hbm>> -> memref<5008xi32, #tpu.memory_space<hbm>>
        %dma_start3A_405 = tpu.memref_slice %arg3[%mul3A_403] : memref<160256xi32, #tpu.memory_space<hbm>> -> memref<5008xi32, #tpu.memory_space<hbm>>
        tpu.enqueue_dma source(%dma_start3A_405 : memref<5008xi32, #tpu.memory_space<hbm>>) target(%arg16 : memref<5008xi32, #tpu.memory_space<vmem>>) target_semaphore(%arg23 : memref<!tpu.dma_semaphore, #tpu.memory_space<semaphore_mem>>)
        %dma_start3A_406 = tpu.memref_slice %arg4[%mul3A_403] : memref<160256xi32, #tpu.memory_space<hbm>> -> memref<5008xi32, #tpu.memory_space<hbm>>
        %dma_start3A_407 = tpu.memref_slice %arg4[%mul3A_403] : memref<160256xi32, #tpu.memory_space<hbm>> -> memref<5008xi32, #tpu.memory_space<hbm>>
        tpu.enqueue_dma source(%dma_start3A_407 : memref<5008xi32, #tpu.memory_space<hbm>>) target(%arg17 : memref<5008xi32, #tpu.memory_space<vmem>>) target_semaphore(%arg23 : memref<!tpu.dma_semaphore, #tpu.memory_space<semaphore_mem>>)
        %dma_start3A_408 = tpu.memref_slice %arg5[%mul3A_403] : memref<160256xf32, #tpu.memory_space<hbm>> -> memref<5008xf32, #tpu.memory_space<hbm>>
        %dma_start3A_409 = tpu.memref_slice %arg5[%mul3A_403] : memref<160256xf32, #tpu.memory_space<hbm>> -> memref<5008xf32, #tpu.memory_space<hbm>>
        tpu.enqueue_dma source(%dma_start3A_409 : memref<5008xf32, #tpu.memory_space<hbm>>) target(%arg18 : memref<5008xf32, #tpu.memory_space<vmem>>) target_semaphore(%arg23 : memref<!tpu.dma_semaphore, #tpu.memory_space<semaphore_mem>>)
      } else {
      }
      %dma_wait3A_380 = arith.constant 0 : i32
      %dma_wait3A_381 = tpu.memref_slice %arg3[%dma_wait3A_380] : memref<160256xi32, #tpu.memory_space<hbm>> -> memref<5008xi32, #tpu.memory_space<hbm>>
      %dma_wait3A_382 = arith.constant 0 : i32
      %dma_wait3A_383 = tpu.memref_slice %arg3[%dma_wait3A_382] : memref<160256xi32, #tpu.memory_space<hbm>> -> memref<5008xi32, #tpu.memory_space<hbm>>
      tpu.wait_dma2 semaphore(%arg24 : memref<!tpu.dma_semaphore, #tpu.memory_space<semaphore_mem>>) src(%dma_wait3A_383 : memref<5008xi32, #tpu.memory_space<hbm>>) dst(%arg19 : memref<5008xi32, #tpu.memory_space<vmem>>)
      %dma_wait3A_384 = arith.constant 0 : i32
      %dma_wait3A_385 = tpu.memref_slice %arg4[%dma_wait3A_384] : memref<160256xi32, #tpu.memory_space<hbm>> -> memref<5008xi32, #tpu.memory_space<hbm>>
      %dma_wait3A_386 = arith.constant 0 : i32
      %dma_wait3A_387 = tpu.memref_slice %arg4[%dma_wait3A_386] : memref<160256xi32, #tpu.memory_space<hbm>> -> memref<5008xi32, #tpu.memory_space<hbm>>
      tpu.wait_dma2 semaphore(%arg24 : memref<!tpu.dma_semaphore, #tpu.memory_space<semaphore_mem>>) src(%dma_wait3A_387 : memref<5008xi32, #tpu.memory_space<hbm>>) dst(%arg20 : memref<5008xi32, #tpu.memory_space<vmem>>)
      %dma_wait3A_388 = arith.constant 0 : i32
      %dma_wait3A_389 = tpu.memref_slice %arg5[%dma_wait3A_388] : memref<160256xf32, #tpu.memory_space<hbm>> -> memref<5008xf32, #tpu.memory_space<hbm>>
      %dma_wait3A_390 = arith.constant 0 : i32
      %dma_wait3A_391 = tpu.memref_slice %arg5[%dma_wait3A_390] : memref<160256xf32, #tpu.memory_space<hbm>> -> memref<5008xf32, #tpu.memory_space<hbm>>
      tpu.wait_dma2 semaphore(%arg24 : memref<!tpu.dma_semaphore, #tpu.memory_space<semaphore_mem>>) src(%dma_wait3A_391 : memref<5008xf32, #tpu.memory_space<hbm>>) dst(%arg21 : memref<5008xf32, #tpu.memory_space<vmem>>)
      %scan3A_392 = arith.constant 0 : i32
      %scan3A_393 = arith.constant 0 : i32
      %scan3A_394 = arith.constant 313 : i32
      %scan3A_395 = arith.addi %scan3A_393, %scan3A_394 : i32
      %scan3A_396 = arith.constant 1 : i32
      scf.for %scan3A_398 = %scan3A_393 to %scan3A_395 step %scan3A_396  : i32 {
        %mul3A_399 = arith.constant 16 : i32
        %mul3A_400 = arith.muli %scan3A_398, %mul3A_399 : i32
        %get3A_401 = arith.index_cast %mul3A_400 : i32 to index
        %get3A_402 = tpu.vector_load %arg19[%get3A_401] {strides = array<i32>} : memref<5008xi32, #tpu.memory_space<vmem>>, vector<16xi32>,
        %get3A_403 = arith.index_cast %mul3A_400 : i32 to index
        %get3A_404 = tpu.vector_load %arg20[%get3A_403] {strides = array<i32>} : memref<5008xi32, #tpu.memory_space<vmem>>, vector<16xi32>,
        %get3A_405 = arith.index_cast %mul3A_400 : i32 to index
        %get3A_406 = tpu.vector_load %arg21[%get3A_405] {strides = array<i32>} : memref<5008xf32, #tpu.memory_space<vmem>>, vector<16xf32>,
        %gather3A = tpu.vector_load_idx %arg8[%get3A_402] : memref<10240xf32, #tpu.memory_space<vmem>>[vector<16xi32>], vector<16xf32>,
        %mul3A_407 = arith.mulf %gather3A, %get3A_406 : vector<16xf32>
        tpu.vector_store_idx %arg12[%get3A_404], %mul3A_407 {add = true} : memref<10240xf32, #tpu.memory_space<vmem>>[vector<16xi32>], vector<16xf32>,
        %gather3A_408 = tpu.vector_load_idx %arg9[%get3A_402] : memref<10240xf32, #tpu.memory_space<vmem>>[vector<16xi32>], vector<16xf32>,
        %mul3A_409 = arith.mulf %gather3A_408, %get3A_406 : vector<16xf32>
        tpu.vector_store_idx %arg13[%get3A_404], %mul3A_409 {add = true} : memref<10240xf32, #tpu.memory_space<vmem>>[vector<16xi32>], vector<16xf32>,
      }
      %scan3A_397 = arith.constant 313 : i32
    }
    %scan3A_233 = arith.constant 16 : i32
    %get3A_234 = arith.constant 7 : i32
    %get3A_235 = arith.index_cast %get3A_234 : i32 to index
    %get3A_236 = arith.constant 0 : index
    %get3A_237 = tpu.vector_load %arg22[%get3A_235, %get3A_236] {strides = array<i32>} : memref<16x16xf32, #tpu.memory_space<vmem>>, vector<16xf32>,
    %scan3A_238 = arith.constant 0 : i32
    %scan3A_239 = arith.constant 0 : i32
    %scan3A_240 = arith.constant 640 : i32
    %scan3A_241 = arith.addi %scan3A_239, %scan3A_240 : i32
    %scan3A_242 = arith.constant 1 : i32
    scf.for %scan3A_348 = %scan3A_239 to %scan3A_241 step %scan3A_242  : i32 {
      %mul3A_349 = arith.constant 16 : i32
      %mul3A_350 = arith.muli %scan3A_348, %mul3A_349 : i32
      %get3A_351 = arith.index_cast %mul3A_350 : i32 to index
      %get3A_352 = tpu.vector_load %arg12[%get3A_351] {strides = array<i32>} : memref<10240xf32, #tpu.memory_space<vmem>>, vector<16xf32>,
      %mul3A_353 = arith.constant 2.000000e+00 : f32
      %mul3A_354 = vector.broadcast %mul3A_353 : f32 to vector<16xf32>
      %mul3A_355 = arith.mulf %mul3A_354, %get3A_352 : vector<16xf32>
      %get3A_356 = arith.index_cast %mul3A_350 : i32 to index
      %get3A_357 = tpu.vector_load %arg10[%get3A_356] {strides = array<i32>} : memref<10240xf32, #tpu.memory_space<vmem>>, vector<16xf32>,
      %sub3A = arith.subf %mul3A_355, %get3A_357 : vector<16xf32>
      %swap3A = arith.index_cast %mul3A_350 : i32 to index
      %swap3A_358 = tpu.vector_load %arg10[%swap3A] {strides = array<i32>} : memref<10240xf32, #tpu.memory_space<vmem>>, vector<16xf32>,
      tpu.vector_store %arg10[%swap3A], %sub3A {strides = array<i32>} : memref<10240xf32, #tpu.memory_space<vmem>>, vector<16xf32>,
      %get3A_359 = arith.index_cast %mul3A_350 : i32 to index
      %get3A_360 = tpu.vector_load %arg14[%get3A_359] {strides = array<i32>} : memref<10240xf32, #tpu.memory_space<vmem>>, vector<16xf32>,
      %mul3A_361 = arith.mulf %get3A_237, %sub3A : vector<16xf32>
      %add3A_362 = arith.addf %get3A_360, %mul3A_361 : vector<16xf32>
      %swap3A_363 = arith.index_cast %mul3A_350 : i32 to index
      %swap3A_364 = tpu.vector_load %arg14[%swap3A_363] {strides = array<i32>} : memref<10240xf32, #tpu.memory_space<vmem>>, vector<16xf32>,
      tpu.vector_store %arg14[%swap3A_363], %add3A_362 {strides = array<i32>} : memref<10240xf32, #tpu.memory_space<vmem>>, vector<16xf32>,
      %get3A_365 = arith.index_cast %mul3A_350 : i32 to index
      %get3A_366 = tpu.vector_load %arg13[%get3A_365] {strides = array<i32>} : memref<10240xf32, #tpu.memory_space<vmem>>, vector<16xf32>,
      %mul3A_367 = arith.constant 2.000000e+00 : f32
      %mul3A_368 = vector.broadcast %mul3A_367 : f32 to vector<16xf32>
      %mul3A_369 = arith.mulf %mul3A_368, %get3A_366 : vector<16xf32>
      %get3A_370 = arith.index_cast %mul3A_350 : i32 to index
      %get3A_371 = tpu.vector_load %arg11[%get3A_370] {strides = array<i32>} : memref<10240xf32, #tpu.memory_space<vmem>>, vector<16xf32>,
      %sub3A_372 = arith.subf %mul3A_369, %get3A_371 : vector<16xf32>
      %swap3A_373 = arith.index_cast %mul3A_350 : i32 to index
      %swap3A_374 = tpu.vector_load %arg11[%swap3A_373] {strides = array<i32>} : memref<10240xf32, #tpu.memory_space<vmem>>, vector<16xf32>,
      tpu.vector_store %arg11[%swap3A_373], %sub3A_372 {strides = array<i32>} : memref<10240xf32, #tpu.memory_space<vmem>>, vector<16xf32>,
      %get3A_375 = arith.index_cast %mul3A_350 : i32 to index
      %get3A_376 = tpu.vector_load %arg15[%get3A_375] {strides = array<i32>} : memref<10240xf32, #tpu.memory_space<vmem>>, vector<16xf32>,
      %mul3A_377 = arith.mulf %get3A_237, %sub3A_372 : vector<16xf32>
      %add3A_378 = arith.addf %get3A_376, %mul3A_377 : vector<16xf32>
      %swap3A_379 = arith.index_cast %mul3A_350 : i32 to index
      %swap3A_380 = tpu.vector_load %arg15[%swap3A_379] {strides = array<i32>} : memref<10240xf32, #tpu.memory_space<vmem>>, vector<16xf32>,
      tpu.vector_store %arg15[%swap3A_379], %add3A_378 {strides = array<i32>} : memref<10240xf32, #tpu.memory_space<vmem>>, vector<16xf32>,
    }
    %scan3A_243 = arith.constant 640 : i32
    %scan3A_244 = arith.constant 0 : i32
    %scan3A_245 = arith.constant 0 : i32
    %scan3A_246 = arith.constant 640 : i32
    %scan3A_247 = arith.addi %scan3A_245, %scan3A_246 : i32
    %scan3A_248 = arith.constant 1 : i32
    scf.for %scan3A_348 = %scan3A_245 to %scan3A_247 step %scan3A_248  : i32 {
      %broadcast_in_dim3A = arith.constant 0.000000e+00 : f32
      %broadcast_in_dim3A_349 = vector.broadcast %broadcast_in_dim3A : f32 to vector<16xf32>
      %mul3A_350 = arith.constant 16 : i32
      %mul3A_351 = arith.muli %scan3A_348, %mul3A_350 : i32
      %swap3A = arith.index_cast %mul3A_351 : i32 to index
      %swap3A_352 = tpu.vector_load %arg12[%swap3A] {strides = array<i32>} : memref<10240xf32, #tpu.memory_space<vmem>>, vector<16xf32>,
      tpu.vector_store %arg12[%swap3A], %broadcast_in_dim3A_349 {strides = array<i32>} : memref<10240xf32, #tpu.memory_space<vmem>>, vector<16xf32>,
      %broadcast_in_dim3A_353 = arith.constant 0.000000e+00 : f32
      %broadcast_in_dim3A_354 = vector.broadcast %broadcast_in_dim3A_353 : f32 to vector<16xf32>
      %mul3A_355 = arith.constant 16 : i32
      %mul3A_356 = arith.muli %scan3A_348, %mul3A_355 : i32
      %swap3A_357 = arith.index_cast %mul3A_356 : i32 to index
      %swap3A_358 = tpu.vector_load %arg13[%swap3A_357] {strides = array<i32>} : memref<10240xf32, #tpu.memory_space<vmem>>, vector<16xf32>,
      tpu.vector_store %arg13[%swap3A_357], %broadcast_in_dim3A_354 {strides = array<i32>} : memref<10240xf32, #tpu.memory_space<vmem>>, vector<16xf32>,
    }
    %scan3A_249 = arith.constant 640 : i32
    %dma_start3A_250 = arith.constant 0 : i32
    %dma_start3A_251 = tpu.memref_slice %arg3[%dma_start3A_250] : memref<160256xi32, #tpu.memory_space<hbm>> -> memref<5008xi32, #tpu.memory_space<hbm>>
    %dma_start3A_252 = arith.constant 0 : i32
    %dma_start3A_253 = tpu.memref_slice %arg3[%dma_start3A_252] : memref<160256xi32, #tpu.memory_space<hbm>> -> memref<5008xi32, #tpu.memory_space<hbm>>
    tpu.enqueue_dma source(%dma_start3A_253 : memref<5008xi32, #tpu.memory_space<hbm>>) target(%arg16 : memref<5008xi32, #tpu.memory_space<vmem>>) target_semaphore(%arg23 : memref<!tpu.dma_semaphore, #tpu.memory_space<semaphore_mem>>)
    %dma_start3A_254 = arith.constant 0 : i32
    %dma_start3A_255 = tpu.memref_slice %arg4[%dma_start3A_254] : memref<160256xi32, #tpu.memory_space<hbm>> -> memref<5008xi32, #tpu.memory_space<hbm>>
    %dma_start3A_256 = arith.constant 0 : i32
    %dma_start3A_257 = tpu.memref_slice %arg4[%dma_start3A_256] : memref<160256xi32, #tpu.memory_space<hbm>> -> memref<5008xi32, #tpu.memory_space<hbm>>
    tpu.enqueue_dma source(%dma_start3A_257 : memref<5008xi32, #tpu.memory_space<hbm>>) target(%arg17 : memref<5008xi32, #tpu.memory_space<vmem>>) target_semaphore(%arg23 : memref<!tpu.dma_semaphore, #tpu.memory_space<semaphore_mem>>)
    %dma_start3A_258 = arith.constant 0 : i32
    %dma_start3A_259 = tpu.memref_slice %arg5[%dma_start3A_258] : memref<160256xf32, #tpu.memory_space<hbm>> -> memref<5008xf32, #tpu.memory_space<hbm>>
    %dma_start3A_260 = arith.constant 0 : i32
    %dma_start3A_261 = tpu.memref_slice %arg5[%dma_start3A_260] : memref<160256xf32, #tpu.memory_space<hbm>> -> memref<5008xf32, #tpu.memory_space<hbm>>
    tpu.enqueue_dma source(%dma_start3A_261 : memref<5008xf32, #tpu.memory_space<hbm>>) target(%arg18 : memref<5008xf32, #tpu.memory_space<vmem>>) target_semaphore(%arg23 : memref<!tpu.dma_semaphore, #tpu.memory_space<semaphore_mem>>)
    %scan3A_262 = arith.constant 0 : i32
    %scan3A_263 = arith.constant 0 : i32
    %scan3A_264 = arith.constant 16 : i32
    %scan3A_265 = arith.addi %scan3A_263, %scan3A_264 : i32
    %scan3A_266 = arith.constant 1 : i32
    scf.for %scan3A_348 = %scan3A_263 to %scan3A_265 step %scan3A_266  : i32 {
      %mul3A_349 = arith.constant 2 : i32
      %mul3A_350 = arith.muli %mul3A_349, %scan3A_348 : i32
      %add3A_351 = arith.constant 1 : i32
      %add3A_352 = arith.addi %mul3A_350, %add3A_351 : i32
      %mul3A_353 = arith.constant 5008 : i32
      %mul3A_354 = arith.muli %add3A_352, %mul3A_353 : i32
      %dma_start3A_355 = tpu.memref_slice %arg3[%mul3A_354] : memref<160256xi32, #tpu.memory_space<hbm>> -> memref<5008xi32, #tpu.memory_space<hbm>>
      %dma_start3A_356 = tpu.memref_slice %arg3[%mul3A_354] : memref<160256xi32, #tpu.memory_space<hbm>> -> memref<5008xi32, #tpu.memory_space<hbm>>
      tpu.enqueue_dma source(%dma_start3A_356 : memref<5008xi32, #tpu.memory_space<hbm>>) target(%arg19 : memref<5008xi32, #tpu.memory_space<vmem>>) target_semaphore(%arg24 : memref<!tpu.dma_semaphore, #tpu.memory_space<semaphore_mem>>)
      %dma_start3A_357 = tpu.memref_slice %arg4[%mul3A_354] : memref<160256xi32, #tpu.memory_space<hbm>> -> memref<5008xi32, #tpu.memory_space<hbm>>
      %dma_start3A_358 = tpu.memref_slice %arg4[%mul3A_354] : memref<160256xi32, #tpu.memory_space<hbm>> -> memref<5008xi32, #tpu.memory_space<hbm>>
      tpu.enqueue_dma source(%dma_start3A_358 : memref<5008xi32, #tpu.memory_space<hbm>>) target(%arg20 : memref<5008xi32, #tpu.memory_space<vmem>>) target_semaphore(%arg24 : memref<!tpu.dma_semaphore, #tpu.memory_space<semaphore_mem>>)
      %dma_start3A_359 = tpu.memref_slice %arg5[%mul3A_354] : memref<160256xf32, #tpu.memory_space<hbm>> -> memref<5008xf32, #tpu.memory_space<hbm>>
      %dma_start3A_360 = tpu.memref_slice %arg5[%mul3A_354] : memref<160256xf32, #tpu.memory_space<hbm>> -> memref<5008xf32, #tpu.memory_space<hbm>>
      tpu.enqueue_dma source(%dma_start3A_360 : memref<5008xf32, #tpu.memory_space<hbm>>) target(%arg21 : memref<5008xf32, #tpu.memory_space<vmem>>) target_semaphore(%arg24 : memref<!tpu.dma_semaphore, #tpu.memory_space<semaphore_mem>>)
      %dma_wait3A = arith.constant 0 : i32
      %dma_wait3A_361 = tpu.memref_slice %arg3[%dma_wait3A] : memref<160256xi32, #tpu.memory_space<hbm>> -> memref<5008xi32, #tpu.memory_space<hbm>>
      %dma_wait3A_362 = arith.constant 0 : i32
      %dma_wait3A_363 = tpu.memref_slice %arg3[%dma_wait3A_362] : memref<160256xi32, #tpu.memory_space<hbm>> -> memref<5008xi32, #tpu.memory_space<hbm>>
      tpu.wait_dma2 semaphore(%arg23 : memref<!tpu.dma_semaphore, #tpu.memory_space<semaphore_mem>>) src(%dma_wait3A_363 : memref<5008xi32, #tpu.memory_space<hbm>>) dst(%arg16 : memref<5008xi32, #tpu.memory_space<vmem>>)
      %dma_wait3A_364 = arith.constant 0 : i32
      %dma_wait3A_365 = tpu.memref_slice %arg4[%dma_wait3A_364] : memref<160256xi32, #tpu.memory_space<hbm>> -> memref<5008xi32, #tpu.memory_space<hbm>>
      %dma_wait3A_366 = arith.constant 0 : i32
      %dma_wait3A_367 = tpu.memref_slice %arg4[%dma_wait3A_366] : memref<160256xi32, #tpu.memory_space<hbm>> -> memref<5008xi32, #tpu.memory_space<hbm>>
      tpu.wait_dma2 semaphore(%arg23 : memref<!tpu.dma_semaphore, #tpu.memory_space<semaphore_mem>>) src(%dma_wait3A_367 : memref<5008xi32, #tpu.memory_space<hbm>>) dst(%arg17 : memref<5008xi32, #tpu.memory_space<vmem>>)
      %dma_wait3A_368 = arith.constant 0 : i32
      %dma_wait3A_369 = tpu.memref_slice %arg5[%dma_wait3A_368] : memref<160256xf32, #tpu.memory_space<hbm>> -> memref<5008xf32, #tpu.memory_space<hbm>>
      %dma_wait3A_370 = arith.constant 0 : i32
      %dma_wait3A_371 = tpu.memref_slice %arg5[%dma_wait3A_370] : memref<160256xf32, #tpu.memory_space<hbm>> -> memref<5008xf32, #tpu.memory_space<hbm>>
      tpu.wait_dma2 semaphore(%arg23 : memref<!tpu.dma_semaphore, #tpu.memory_space<semaphore_mem>>) src(%dma_wait3A_371 : memref<5008xf32, #tpu.memory_space<hbm>>) dst(%arg18 : memref<5008xf32, #tpu.memory_space<vmem>>)
      %scan3A_372 = arith.constant 0 : i32
      %scan3A_373 = arith.constant 0 : i32
      %scan3A_374 = arith.constant 313 : i32
      %scan3A_375 = arith.addi %scan3A_373, %scan3A_374 : i32
      %scan3A_376 = arith.constant 1 : i32
      scf.for %scan3A_398 = %scan3A_373 to %scan3A_375 step %scan3A_376  : i32 {
        %mul3A_399 = arith.constant 16 : i32
        %mul3A_400 = arith.muli %scan3A_398, %mul3A_399 : i32
        %get3A_401 = arith.index_cast %mul3A_400 : i32 to index
        %get3A_402 = tpu.vector_load %arg16[%get3A_401] {strides = array<i32>} : memref<5008xi32, #tpu.memory_space<vmem>>, vector<16xi32>,
        %get3A_403 = arith.index_cast %mul3A_400 : i32 to index
        %get3A_404 = tpu.vector_load %arg17[%get3A_403] {strides = array<i32>} : memref<5008xi32, #tpu.memory_space<vmem>>, vector<16xi32>,
        %get3A_405 = arith.index_cast %mul3A_400 : i32 to index
        %get3A_406 = tpu.vector_load %arg18[%get3A_405] {strides = array<i32>} : memref<5008xf32, #tpu.memory_space<vmem>>, vector<16xf32>,
        %gather3A = tpu.vector_load_idx %arg10[%get3A_402] : memref<10240xf32, #tpu.memory_space<vmem>>[vector<16xi32>], vector<16xf32>,
        %mul3A_407 = arith.mulf %gather3A, %get3A_406 : vector<16xf32>
        tpu.vector_store_idx %arg12[%get3A_404], %mul3A_407 {add = true} : memref<10240xf32, #tpu.memory_space<vmem>>[vector<16xi32>], vector<16xf32>,
        %gather3A_408 = tpu.vector_load_idx %arg11[%get3A_402] : memref<10240xf32, #tpu.memory_space<vmem>>[vector<16xi32>], vector<16xf32>,
        %mul3A_409 = arith.mulf %gather3A_408, %get3A_406 : vector<16xf32>
        tpu.vector_store_idx %arg13[%get3A_404], %mul3A_409 {add = true} : memref<10240xf32, #tpu.memory_space<vmem>>[vector<16xi32>], vector<16xf32>,
      }
      %scan3A_377 = arith.constant 313 : i32
      %lt3A = arith.constant 15 : i32
      %lt3A_378 = arith.cmpi slt, %scan3A_348, %lt3A : i32
      %convert_element_type3A = arith.extui %lt3A_378 : i1 to i32
      %cond3A = arith.constant 0 : i32
      %cond3A_379 = arith.cmpi ne, %convert_element_type3A, %cond3A : i32
      scf.if %cond3A_379 {
        %mul3A_398 = arith.constant 2 : i32
        %mul3A_399 = arith.muli %mul3A_398, %scan3A_348 : i32
        %add3A_400 = arith.constant 2 : i32
        %add3A_401 = arith.addi %mul3A_399, %add3A_400 : i32
        %mul3A_402 = arith.constant 5008 : i32
        %mul3A_403 = arith.muli %add3A_401, %mul3A_402 : i32
        %dma_start3A_404 = tpu.memref_slice %arg3[%mul3A_403] : memref<160256xi32, #tpu.memory_space<hbm>> -> memref<5008xi32, #tpu.memory_space<hbm>>
        %dma_start3A_405 = tpu.memref_slice %arg3[%mul3A_403] : memref<160256xi32, #tpu.memory_space<hbm>> -> memref<5008xi32, #tpu.memory_space<hbm>>
        tpu.enqueue_dma source(%dma_start3A_405 : memref<5008xi32, #tpu.memory_space<hbm>>) target(%arg16 : memref<5008xi32, #tpu.memory_space<vmem>>) target_semaphore(%arg23 : memref<!tpu.dma_semaphore, #tpu.memory_space<semaphore_mem>>)
        %dma_start3A_406 = tpu.memref_slice %arg4[%mul3A_403] : memref<160256xi32, #tpu.memory_space<hbm>> -> memref<5008xi32, #tpu.memory_space<hbm>>
        %dma_start3A_407 = tpu.memref_slice %arg4[%mul3A_403] : memref<160256xi32, #tpu.memory_space<hbm>> -> memref<5008xi32, #tpu.memory_space<hbm>>
        tpu.enqueue_dma source(%dma_start3A_407 : memref<5008xi32, #tpu.memory_space<hbm>>) target(%arg17 : memref<5008xi32, #tpu.memory_space<vmem>>) target_semaphore(%arg23 : memref<!tpu.dma_semaphore, #tpu.memory_space<semaphore_mem>>)
        %dma_start3A_408 = tpu.memref_slice %arg5[%mul3A_403] : memref<160256xf32, #tpu.memory_space<hbm>> -> memref<5008xf32, #tpu.memory_space<hbm>>
        %dma_start3A_409 = tpu.memref_slice %arg5[%mul3A_403] : memref<160256xf32, #tpu.memory_space<hbm>> -> memref<5008xf32, #tpu.memory_space<hbm>>
        tpu.enqueue_dma source(%dma_start3A_409 : memref<5008xf32, #tpu.memory_space<hbm>>) target(%arg18 : memref<5008xf32, #tpu.memory_space<vmem>>) target_semaphore(%arg23 : memref<!tpu.dma_semaphore, #tpu.memory_space<semaphore_mem>>)
      } else {
      }
      %dma_wait3A_380 = arith.constant 0 : i32
      %dma_wait3A_381 = tpu.memref_slice %arg3[%dma_wait3A_380] : memref<160256xi32, #tpu.memory_space<hbm>> -> memref<5008xi32, #tpu.memory_space<hbm>>
      %dma_wait3A_382 = arith.constant 0 : i32
      %dma_wait3A_383 = tpu.memref_slice %arg3[%dma_wait3A_382] : memref<160256xi32, #tpu.memory_space<hbm>> -> memref<5008xi32, #tpu.memory_space<hbm>>
      tpu.wait_dma2 semaphore(%arg24 : memref<!tpu.dma_semaphore, #tpu.memory_space<semaphore_mem>>) src(%dma_wait3A_383 : memref<5008xi32, #tpu.memory_space<hbm>>) dst(%arg19 : memref<5008xi32, #tpu.memory_space<vmem>>)
      %dma_wait3A_384 = arith.constant 0 : i32
      %dma_wait3A_385 = tpu.memref_slice %arg4[%dma_wait3A_384] : memref<160256xi32, #tpu.memory_space<hbm>> -> memref<5008xi32, #tpu.memory_space<hbm>>
      %dma_wait3A_386 = arith.constant 0 : i32
      %dma_wait3A_387 = tpu.memref_slice %arg4[%dma_wait3A_386] : memref<160256xi32, #tpu.memory_space<hbm>> -> memref<5008xi32, #tpu.memory_space<hbm>>
      tpu.wait_dma2 semaphore(%arg24 : memref<!tpu.dma_semaphore, #tpu.memory_space<semaphore_mem>>) src(%dma_wait3A_387 : memref<5008xi32, #tpu.memory_space<hbm>>) dst(%arg20 : memref<5008xi32, #tpu.memory_space<vmem>>)
      %dma_wait3A_388 = arith.constant 0 : i32
      %dma_wait3A_389 = tpu.memref_slice %arg5[%dma_wait3A_388] : memref<160256xf32, #tpu.memory_space<hbm>> -> memref<5008xf32, #tpu.memory_space<hbm>>
      %dma_wait3A_390 = arith.constant 0 : i32
      %dma_wait3A_391 = tpu.memref_slice %arg5[%dma_wait3A_390] : memref<160256xf32, #tpu.memory_space<hbm>> -> memref<5008xf32, #tpu.memory_space<hbm>>
      tpu.wait_dma2 semaphore(%arg24 : memref<!tpu.dma_semaphore, #tpu.memory_space<semaphore_mem>>) src(%dma_wait3A_391 : memref<5008xf32, #tpu.memory_space<hbm>>) dst(%arg21 : memref<5008xf32, #tpu.memory_space<vmem>>)
      %scan3A_392 = arith.constant 0 : i32
      %scan3A_393 = arith.constant 0 : i32
      %scan3A_394 = arith.constant 313 : i32
      %scan3A_395 = arith.addi %scan3A_393, %scan3A_394 : i32
      %scan3A_396 = arith.constant 1 : i32
      scf.for %scan3A_398 = %scan3A_393 to %scan3A_395 step %scan3A_396  : i32 {
        %mul3A_399 = arith.constant 16 : i32
        %mul3A_400 = arith.muli %scan3A_398, %mul3A_399 : i32
        %get3A_401 = arith.index_cast %mul3A_400 : i32 to index
        %get3A_402 = tpu.vector_load %arg19[%get3A_401] {strides = array<i32>} : memref<5008xi32, #tpu.memory_space<vmem>>, vector<16xi32>,
        %get3A_403 = arith.index_cast %mul3A_400 : i32 to index
        %get3A_404 = tpu.vector_load %arg20[%get3A_403] {strides = array<i32>} : memref<5008xi32, #tpu.memory_space<vmem>>, vector<16xi32>,
        %get3A_405 = arith.index_cast %mul3A_400 : i32 to index
        %get3A_406 = tpu.vector_load %arg21[%get3A_405] {strides = array<i32>} : memref<5008xf32, #tpu.memory_space<vmem>>, vector<16xf32>,
        %gather3A = tpu.vector_load_idx %arg10[%get3A_402] : memref<10240xf32, #tpu.memory_space<vmem>>[vector<16xi32>], vector<16xf32>,
        %mul3A_407 = arith.mulf %gather3A, %get3A_406 : vector<16xf32>
        tpu.vector_store_idx %arg12[%get3A_404], %mul3A_407 {add = true} : memref<10240xf32, #tpu.memory_space<vmem>>[vector<16xi32>], vector<16xf32>,
        %gather3A_408 = tpu.vector_load_idx %arg11[%get3A_402] : memref<10240xf32, #tpu.memory_space<vmem>>[vector<16xi32>], vector<16xf32>,
        %mul3A_409 = arith.mulf %gather3A_408, %get3A_406 : vector<16xf32>
        tpu.vector_store_idx %arg13[%get3A_404], %mul3A_409 {add = true} : memref<10240xf32, #tpu.memory_space<vmem>>[vector<16xi32>], vector<16xf32>,
      }
      %scan3A_397 = arith.constant 313 : i32
    }
    %scan3A_267 = arith.constant 16 : i32
    %get3A_268 = arith.constant 8 : i32
    %get3A_269 = arith.index_cast %get3A_268 : i32 to index
    %get3A_270 = arith.constant 0 : index
    %get3A_271 = tpu.vector_load %arg22[%get3A_269, %get3A_270] {strides = array<i32>} : memref<16x16xf32, #tpu.memory_space<vmem>>, vector<16xf32>,
    %scan3A_272 = arith.constant 0 : i32
    %scan3A_273 = arith.constant 0 : i32
    %scan3A_274 = arith.constant 640 : i32
    %scan3A_275 = arith.addi %scan3A_273, %scan3A_274 : i32
    %scan3A_276 = arith.constant 1 : i32
    scf.for %scan3A_348 = %scan3A_273 to %scan3A_275 step %scan3A_276  : i32 {
      %mul3A_349 = arith.constant 16 : i32
      %mul3A_350 = arith.muli %scan3A_348, %mul3A_349 : i32
      %get3A_351 = arith.index_cast %mul3A_350 : i32 to index
      %get3A_352 = tpu.vector_load %arg12[%get3A_351] {strides = array<i32>} : memref<10240xf32, #tpu.memory_space<vmem>>, vector<16xf32>,
      %mul3A_353 = arith.constant 2.000000e+00 : f32
      %mul3A_354 = vector.broadcast %mul3A_353 : f32 to vector<16xf32>
      %mul3A_355 = arith.mulf %mul3A_354, %get3A_352 : vector<16xf32>
      %get3A_356 = arith.index_cast %mul3A_350 : i32 to index
      %get3A_357 = tpu.vector_load %arg8[%get3A_356] {strides = array<i32>} : memref<10240xf32, #tpu.memory_space<vmem>>, vector<16xf32>,
      %sub3A = arith.subf %mul3A_355, %get3A_357 : vector<16xf32>
      %swap3A = arith.index_cast %mul3A_350 : i32 to index
      %swap3A_358 = tpu.vector_load %arg8[%swap3A] {strides = array<i32>} : memref<10240xf32, #tpu.memory_space<vmem>>, vector<16xf32>,
      tpu.vector_store %arg8[%swap3A], %sub3A {strides = array<i32>} : memref<10240xf32, #tpu.memory_space<vmem>>, vector<16xf32>,
      %get3A_359 = arith.index_cast %mul3A_350 : i32 to index
      %get3A_360 = tpu.vector_load %arg14[%get3A_359] {strides = array<i32>} : memref<10240xf32, #tpu.memory_space<vmem>>, vector<16xf32>,
      %mul3A_361 = arith.mulf %get3A_271, %sub3A : vector<16xf32>
      %add3A_362 = arith.addf %get3A_360, %mul3A_361 : vector<16xf32>
      %swap3A_363 = arith.index_cast %mul3A_350 : i32 to index
      %swap3A_364 = tpu.vector_load %arg14[%swap3A_363] {strides = array<i32>} : memref<10240xf32, #tpu.memory_space<vmem>>, vector<16xf32>,
      tpu.vector_store %arg14[%swap3A_363], %add3A_362 {strides = array<i32>} : memref<10240xf32, #tpu.memory_space<vmem>>, vector<16xf32>,
      %get3A_365 = arith.index_cast %mul3A_350 : i32 to index
      %get3A_366 = tpu.vector_load %arg13[%get3A_365] {strides = array<i32>} : memref<10240xf32, #tpu.memory_space<vmem>>, vector<16xf32>,
      %mul3A_367 = arith.constant 2.000000e+00 : f32
      %mul3A_368 = vector.broadcast %mul3A_367 : f32 to vector<16xf32>
      %mul3A_369 = arith.mulf %mul3A_368, %get3A_366 : vector<16xf32>
      %get3A_370 = arith.index_cast %mul3A_350 : i32 to index
      %get3A_371 = tpu.vector_load %arg9[%get3A_370] {strides = array<i32>} : memref<10240xf32, #tpu.memory_space<vmem>>, vector<16xf32>,
      %sub3A_372 = arith.subf %mul3A_369, %get3A_371 : vector<16xf32>
      %swap3A_373 = arith.index_cast %mul3A_350 : i32 to index
      %swap3A_374 = tpu.vector_load %arg9[%swap3A_373] {strides = array<i32>} : memref<10240xf32, #tpu.memory_space<vmem>>, vector<16xf32>,
      tpu.vector_store %arg9[%swap3A_373], %sub3A_372 {strides = array<i32>} : memref<10240xf32, #tpu.memory_space<vmem>>, vector<16xf32>,
      %get3A_375 = arith.index_cast %mul3A_350 : i32 to index
      %get3A_376 = tpu.vector_load %arg15[%get3A_375] {strides = array<i32>} : memref<10240xf32, #tpu.memory_space<vmem>>, vector<16xf32>,
      %mul3A_377 = arith.mulf %get3A_271, %sub3A_372 : vector<16xf32>
      %add3A_378 = arith.addf %get3A_376, %mul3A_377 : vector<16xf32>
      %swap3A_379 = arith.index_cast %mul3A_350 : i32 to index
      %swap3A_380 = tpu.vector_load %arg15[%swap3A_379] {strides = array<i32>} : memref<10240xf32, #tpu.memory_space<vmem>>, vector<16xf32>,
      tpu.vector_store %arg15[%swap3A_379], %add3A_378 {strides = array<i32>} : memref<10240xf32, #tpu.memory_space<vmem>>, vector<16xf32>,
    }
    %scan3A_277 = arith.constant 640 : i32
    %scan3A_278 = arith.constant 0 : i32
    %scan3A_279 = arith.constant 0 : i32
    %scan3A_280 = arith.constant 640 : i32
    %scan3A_281 = arith.addi %scan3A_279, %scan3A_280 : i32
    %scan3A_282 = arith.constant 1 : i32
    scf.for %scan3A_348 = %scan3A_279 to %scan3A_281 step %scan3A_282  : i32 {
      %broadcast_in_dim3A = arith.constant 0.000000e+00 : f32
      %broadcast_in_dim3A_349 = vector.broadcast %broadcast_in_dim3A : f32 to vector<16xf32>
      %mul3A_350 = arith.constant 16 : i32
      %mul3A_351 = arith.muli %scan3A_348, %mul3A_350 : i32
      %swap3A = arith.index_cast %mul3A_351 : i32 to index
      %swap3A_352 = tpu.vector_load %arg12[%swap3A] {strides = array<i32>} : memref<10240xf32, #tpu.memory_space<vmem>>, vector<16xf32>,
      tpu.vector_store %arg12[%swap3A], %broadcast_in_dim3A_349 {strides = array<i32>} : memref<10240xf32, #tpu.memory_space<vmem>>, vector<16xf32>,
      %broadcast_in_dim3A_353 = arith.constant 0.000000e+00 : f32
      %broadcast_in_dim3A_354 = vector.broadcast %broadcast_in_dim3A_353 : f32 to vector<16xf32>
      %mul3A_355 = arith.constant 16 : i32
      %mul3A_356 = arith.muli %scan3A_348, %mul3A_355 : i32
      %swap3A_357 = arith.index_cast %mul3A_356 : i32 to index
      %swap3A_358 = tpu.vector_load %arg13[%swap3A_357] {strides = array<i32>} : memref<10240xf32, #tpu.memory_space<vmem>>, vector<16xf32>,
      tpu.vector_store %arg13[%swap3A_357], %broadcast_in_dim3A_354 {strides = array<i32>} : memref<10240xf32, #tpu.memory_space<vmem>>, vector<16xf32>,
    }
    %scan3A_283 = arith.constant 640 : i32
    %dma_start3A_284 = arith.constant 0 : i32
    %dma_start3A_285 = tpu.memref_slice %arg3[%dma_start3A_284] : memref<160256xi32, #tpu.memory_space<hbm>> -> memref<5008xi32, #tpu.memory_space<hbm>>
    %dma_start3A_286 = arith.constant 0 : i32
    %dma_start3A_287 = tpu.memref_slice %arg3[%dma_start3A_286] : memref<160256xi32, #tpu.memory_space<hbm>> -> memref<5008xi32, #tpu.memory_space<hbm>>
    tpu.enqueue_dma source(%dma_start3A_287 : memref<5008xi32, #tpu.memory_space<hbm>>) target(%arg16 : memref<5008xi32, #tpu.memory_space<vmem>>) target_semaphore(%arg23 : memref<!tpu.dma_semaphore, #tpu.memory_space<semaphore_mem>>)
    %dma_start3A_288 = arith.constant 0 : i32
    %dma_start3A_289 = tpu.memref_slice %arg4[%dma_start3A_288] : memref<160256xi32, #tpu.memory_space<hbm>> -> memref<5008xi32, #tpu.memory_space<hbm>>
    %dma_start3A_290 = arith.constant 0 : i32
    %dma_start3A_291 = tpu.memref_slice %arg4[%dma_start3A_290] : memref<160256xi32, #tpu.memory_space<hbm>> -> memref<5008xi32, #tpu.memory_space<hbm>>
    tpu.enqueue_dma source(%dma_start3A_291 : memref<5008xi32, #tpu.memory_space<hbm>>) target(%arg17 : memref<5008xi32, #tpu.memory_space<vmem>>) target_semaphore(%arg23 : memref<!tpu.dma_semaphore, #tpu.memory_space<semaphore_mem>>)
    %dma_start3A_292 = arith.constant 0 : i32
    %dma_start3A_293 = tpu.memref_slice %arg5[%dma_start3A_292] : memref<160256xf32, #tpu.memory_space<hbm>> -> memref<5008xf32, #tpu.memory_space<hbm>>
    %dma_start3A_294 = arith.constant 0 : i32
    %dma_start3A_295 = tpu.memref_slice %arg5[%dma_start3A_294] : memref<160256xf32, #tpu.memory_space<hbm>> -> memref<5008xf32, #tpu.memory_space<hbm>>
    tpu.enqueue_dma source(%dma_start3A_295 : memref<5008xf32, #tpu.memory_space<hbm>>) target(%arg18 : memref<5008xf32, #tpu.memory_space<vmem>>) target_semaphore(%arg23 : memref<!tpu.dma_semaphore, #tpu.memory_space<semaphore_mem>>)
    %scan3A_296 = arith.constant 0 : i32
    %scan3A_297 = arith.constant 0 : i32
    %scan3A_298 = arith.constant 16 : i32
    %scan3A_299 = arith.addi %scan3A_297, %scan3A_298 : i32
    %scan3A_300 = arith.constant 1 : i32
    scf.for %scan3A_348 = %scan3A_297 to %scan3A_299 step %scan3A_300  : i32 {
      %mul3A_349 = arith.constant 2 : i32
      %mul3A_350 = arith.muli %mul3A_349, %scan3A_348 : i32
      %add3A_351 = arith.constant 1 : i32
      %add3A_352 = arith.addi %mul3A_350, %add3A_351 : i32
      %mul3A_353 = arith.constant 5008 : i32
      %mul3A_354 = arith.muli %add3A_352, %mul3A_353 : i32
      %dma_start3A_355 = tpu.memref_slice %arg3[%mul3A_354] : memref<160256xi32, #tpu.memory_space<hbm>> -> memref<5008xi32, #tpu.memory_space<hbm>>
      %dma_start3A_356 = tpu.memref_slice %arg3[%mul3A_354] : memref<160256xi32, #tpu.memory_space<hbm>> -> memref<5008xi32, #tpu.memory_space<hbm>>
      tpu.enqueue_dma source(%dma_start3A_356 : memref<5008xi32, #tpu.memory_space<hbm>>) target(%arg19 : memref<5008xi32, #tpu.memory_space<vmem>>) target_semaphore(%arg24 : memref<!tpu.dma_semaphore, #tpu.memory_space<semaphore_mem>>)
      %dma_start3A_357 = tpu.memref_slice %arg4[%mul3A_354] : memref<160256xi32, #tpu.memory_space<hbm>> -> memref<5008xi32, #tpu.memory_space<hbm>>
      %dma_start3A_358 = tpu.memref_slice %arg4[%mul3A_354] : memref<160256xi32, #tpu.memory_space<hbm>> -> memref<5008xi32, #tpu.memory_space<hbm>>
      tpu.enqueue_dma source(%dma_start3A_358 : memref<5008xi32, #tpu.memory_space<hbm>>) target(%arg20 : memref<5008xi32, #tpu.memory_space<vmem>>) target_semaphore(%arg24 : memref<!tpu.dma_semaphore, #tpu.memory_space<semaphore_mem>>)
      %dma_start3A_359 = tpu.memref_slice %arg5[%mul3A_354] : memref<160256xf32, #tpu.memory_space<hbm>> -> memref<5008xf32, #tpu.memory_space<hbm>>
      %dma_start3A_360 = tpu.memref_slice %arg5[%mul3A_354] : memref<160256xf32, #tpu.memory_space<hbm>> -> memref<5008xf32, #tpu.memory_space<hbm>>
      tpu.enqueue_dma source(%dma_start3A_360 : memref<5008xf32, #tpu.memory_space<hbm>>) target(%arg21 : memref<5008xf32, #tpu.memory_space<vmem>>) target_semaphore(%arg24 : memref<!tpu.dma_semaphore, #tpu.memory_space<semaphore_mem>>)
      %dma_wait3A = arith.constant 0 : i32
      %dma_wait3A_361 = tpu.memref_slice %arg3[%dma_wait3A] : memref<160256xi32, #tpu.memory_space<hbm>> -> memref<5008xi32, #tpu.memory_space<hbm>>
      %dma_wait3A_362 = arith.constant 0 : i32
      %dma_wait3A_363 = tpu.memref_slice %arg3[%dma_wait3A_362] : memref<160256xi32, #tpu.memory_space<hbm>> -> memref<5008xi32, #tpu.memory_space<hbm>>
      tpu.wait_dma2 semaphore(%arg23 : memref<!tpu.dma_semaphore, #tpu.memory_space<semaphore_mem>>) src(%dma_wait3A_363 : memref<5008xi32, #tpu.memory_space<hbm>>) dst(%arg16 : memref<5008xi32, #tpu.memory_space<vmem>>)
      %dma_wait3A_364 = arith.constant 0 : i32
      %dma_wait3A_365 = tpu.memref_slice %arg4[%dma_wait3A_364] : memref<160256xi32, #tpu.memory_space<hbm>> -> memref<5008xi32, #tpu.memory_space<hbm>>
      %dma_wait3A_366 = arith.constant 0 : i32
      %dma_wait3A_367 = tpu.memref_slice %arg4[%dma_wait3A_366] : memref<160256xi32, #tpu.memory_space<hbm>> -> memref<5008xi32, #tpu.memory_space<hbm>>
      tpu.wait_dma2 semaphore(%arg23 : memref<!tpu.dma_semaphore, #tpu.memory_space<semaphore_mem>>) src(%dma_wait3A_367 : memref<5008xi32, #tpu.memory_space<hbm>>) dst(%arg17 : memref<5008xi32, #tpu.memory_space<vmem>>)
      %dma_wait3A_368 = arith.constant 0 : i32
      %dma_wait3A_369 = tpu.memref_slice %arg5[%dma_wait3A_368] : memref<160256xf32, #tpu.memory_space<hbm>> -> memref<5008xf32, #tpu.memory_space<hbm>>
      %dma_wait3A_370 = arith.constant 0 : i32
      %dma_wait3A_371 = tpu.memref_slice %arg5[%dma_wait3A_370] : memref<160256xf32, #tpu.memory_space<hbm>> -> memref<5008xf32, #tpu.memory_space<hbm>>
      tpu.wait_dma2 semaphore(%arg23 : memref<!tpu.dma_semaphore, #tpu.memory_space<semaphore_mem>>) src(%dma_wait3A_371 : memref<5008xf32, #tpu.memory_space<hbm>>) dst(%arg18 : memref<5008xf32, #tpu.memory_space<vmem>>)
      %scan3A_372 = arith.constant 0 : i32
      %scan3A_373 = arith.constant 0 : i32
      %scan3A_374 = arith.constant 313 : i32
      %scan3A_375 = arith.addi %scan3A_373, %scan3A_374 : i32
      %scan3A_376 = arith.constant 1 : i32
      scf.for %scan3A_398 = %scan3A_373 to %scan3A_375 step %scan3A_376  : i32 {
        %mul3A_399 = arith.constant 16 : i32
        %mul3A_400 = arith.muli %scan3A_398, %mul3A_399 : i32
        %get3A_401 = arith.index_cast %mul3A_400 : i32 to index
        %get3A_402 = tpu.vector_load %arg16[%get3A_401] {strides = array<i32>} : memref<5008xi32, #tpu.memory_space<vmem>>, vector<16xi32>,
        %get3A_403 = arith.index_cast %mul3A_400 : i32 to index
        %get3A_404 = tpu.vector_load %arg17[%get3A_403] {strides = array<i32>} : memref<5008xi32, #tpu.memory_space<vmem>>, vector<16xi32>,
        %get3A_405 = arith.index_cast %mul3A_400 : i32 to index
        %get3A_406 = tpu.vector_load %arg18[%get3A_405] {strides = array<i32>} : memref<5008xf32, #tpu.memory_space<vmem>>, vector<16xf32>,
        %gather3A = tpu.vector_load_idx %arg8[%get3A_402] : memref<10240xf32, #tpu.memory_space<vmem>>[vector<16xi32>], vector<16xf32>,
        %mul3A_407 = arith.mulf %gather3A, %get3A_406 : vector<16xf32>
        tpu.vector_store_idx %arg12[%get3A_404], %mul3A_407 {add = true} : memref<10240xf32, #tpu.memory_space<vmem>>[vector<16xi32>], vector<16xf32>,
        %gather3A_408 = tpu.vector_load_idx %arg9[%get3A_402] : memref<10240xf32, #tpu.memory_space<vmem>>[vector<16xi32>], vector<16xf32>,
        %mul3A_409 = arith.mulf %gather3A_408, %get3A_406 : vector<16xf32>
        tpu.vector_store_idx %arg13[%get3A_404], %mul3A_409 {add = true} : memref<10240xf32, #tpu.memory_space<vmem>>[vector<16xi32>], vector<16xf32>,
      }
      %scan3A_377 = arith.constant 313 : i32
      %lt3A = arith.constant 15 : i32
      %lt3A_378 = arith.cmpi slt, %scan3A_348, %lt3A : i32
      %convert_element_type3A = arith.extui %lt3A_378 : i1 to i32
      %cond3A = arith.constant 0 : i32
      %cond3A_379 = arith.cmpi ne, %convert_element_type3A, %cond3A : i32
      scf.if %cond3A_379 {
        %mul3A_398 = arith.constant 2 : i32
        %mul3A_399 = arith.muli %mul3A_398, %scan3A_348 : i32
        %add3A_400 = arith.constant 2 : i32
        %add3A_401 = arith.addi %mul3A_399, %add3A_400 : i32
        %mul3A_402 = arith.constant 5008 : i32
        %mul3A_403 = arith.muli %add3A_401, %mul3A_402 : i32
        %dma_start3A_404 = tpu.memref_slice %arg3[%mul3A_403] : memref<160256xi32, #tpu.memory_space<hbm>> -> memref<5008xi32, #tpu.memory_space<hbm>>
        %dma_start3A_405 = tpu.memref_slice %arg3[%mul3A_403] : memref<160256xi32, #tpu.memory_space<hbm>> -> memref<5008xi32, #tpu.memory_space<hbm>>
        tpu.enqueue_dma source(%dma_start3A_405 : memref<5008xi32, #tpu.memory_space<hbm>>) target(%arg16 : memref<5008xi32, #tpu.memory_space<vmem>>) target_semaphore(%arg23 : memref<!tpu.dma_semaphore, #tpu.memory_space<semaphore_mem>>)
        %dma_start3A_406 = tpu.memref_slice %arg4[%mul3A_403] : memref<160256xi32, #tpu.memory_space<hbm>> -> memref<5008xi32, #tpu.memory_space<hbm>>
        %dma_start3A_407 = tpu.memref_slice %arg4[%mul3A_403] : memref<160256xi32, #tpu.memory_space<hbm>> -> memref<5008xi32, #tpu.memory_space<hbm>>
        tpu.enqueue_dma source(%dma_start3A_407 : memref<5008xi32, #tpu.memory_space<hbm>>) target(%arg17 : memref<5008xi32, #tpu.memory_space<vmem>>) target_semaphore(%arg23 : memref<!tpu.dma_semaphore, #tpu.memory_space<semaphore_mem>>)
        %dma_start3A_408 = tpu.memref_slice %arg5[%mul3A_403] : memref<160256xf32, #tpu.memory_space<hbm>> -> memref<5008xf32, #tpu.memory_space<hbm>>
        %dma_start3A_409 = tpu.memref_slice %arg5[%mul3A_403] : memref<160256xf32, #tpu.memory_space<hbm>> -> memref<5008xf32, #tpu.memory_space<hbm>>
        tpu.enqueue_dma source(%dma_start3A_409 : memref<5008xf32, #tpu.memory_space<hbm>>) target(%arg18 : memref<5008xf32, #tpu.memory_space<vmem>>) target_semaphore(%arg23 : memref<!tpu.dma_semaphore, #tpu.memory_space<semaphore_mem>>)
      } else {
      }
      %dma_wait3A_380 = arith.constant 0 : i32
      %dma_wait3A_381 = tpu.memref_slice %arg3[%dma_wait3A_380] : memref<160256xi32, #tpu.memory_space<hbm>> -> memref<5008xi32, #tpu.memory_space<hbm>>
      %dma_wait3A_382 = arith.constant 0 : i32
      %dma_wait3A_383 = tpu.memref_slice %arg3[%dma_wait3A_382] : memref<160256xi32, #tpu.memory_space<hbm>> -> memref<5008xi32, #tpu.memory_space<hbm>>
      tpu.wait_dma2 semaphore(%arg24 : memref<!tpu.dma_semaphore, #tpu.memory_space<semaphore_mem>>) src(%dma_wait3A_383 : memref<5008xi32, #tpu.memory_space<hbm>>) dst(%arg19 : memref<5008xi32, #tpu.memory_space<vmem>>)
      %dma_wait3A_384 = arith.constant 0 : i32
      %dma_wait3A_385 = tpu.memref_slice %arg4[%dma_wait3A_384] : memref<160256xi32, #tpu.memory_space<hbm>> -> memref<5008xi32, #tpu.memory_space<hbm>>
      %dma_wait3A_386 = arith.constant 0 : i32
      %dma_wait3A_387 = tpu.memref_slice %arg4[%dma_wait3A_386] : memref<160256xi32, #tpu.memory_space<hbm>> -> memref<5008xi32, #tpu.memory_space<hbm>>
      tpu.wait_dma2 semaphore(%arg24 : memref<!tpu.dma_semaphore, #tpu.memory_space<semaphore_mem>>) src(%dma_wait3A_387 : memref<5008xi32, #tpu.memory_space<hbm>>) dst(%arg20 : memref<5008xi32, #tpu.memory_space<vmem>>)
      %dma_wait3A_388 = arith.constant 0 : i32
      %dma_wait3A_389 = tpu.memref_slice %arg5[%dma_wait3A_388] : memref<160256xf32, #tpu.memory_space<hbm>> -> memref<5008xf32, #tpu.memory_space<hbm>>
      %dma_wait3A_390 = arith.constant 0 : i32
      %dma_wait3A_391 = tpu.memref_slice %arg5[%dma_wait3A_390] : memref<160256xf32, #tpu.memory_space<hbm>> -> memref<5008xf32, #tpu.memory_space<hbm>>
      tpu.wait_dma2 semaphore(%arg24 : memref<!tpu.dma_semaphore, #tpu.memory_space<semaphore_mem>>) src(%dma_wait3A_391 : memref<5008xf32, #tpu.memory_space<hbm>>) dst(%arg21 : memref<5008xf32, #tpu.memory_space<vmem>>)
      %scan3A_392 = arith.constant 0 : i32
      %scan3A_393 = arith.constant 0 : i32
      %scan3A_394 = arith.constant 313 : i32
      %scan3A_395 = arith.addi %scan3A_393, %scan3A_394 : i32
      %scan3A_396 = arith.constant 1 : i32
      scf.for %scan3A_398 = %scan3A_393 to %scan3A_395 step %scan3A_396  : i32 {
        %mul3A_399 = arith.constant 16 : i32
        %mul3A_400 = arith.muli %scan3A_398, %mul3A_399 : i32
        %get3A_401 = arith.index_cast %mul3A_400 : i32 to index
        %get3A_402 = tpu.vector_load %arg19[%get3A_401] {strides = array<i32>} : memref<5008xi32, #tpu.memory_space<vmem>>, vector<16xi32>,
        %get3A_403 = arith.index_cast %mul3A_400 : i32 to index
        %get3A_404 = tpu.vector_load %arg20[%get3A_403] {strides = array<i32>} : memref<5008xi32, #tpu.memory_space<vmem>>, vector<16xi32>,
        %get3A_405 = arith.index_cast %mul3A_400 : i32 to index
        %get3A_406 = tpu.vector_load %arg21[%get3A_405] {strides = array<i32>} : memref<5008xf32, #tpu.memory_space<vmem>>, vector<16xf32>,
        %gather3A = tpu.vector_load_idx %arg8[%get3A_402] : memref<10240xf32, #tpu.memory_space<vmem>>[vector<16xi32>], vector<16xf32>,
        %mul3A_407 = arith.mulf %gather3A, %get3A_406 : vector<16xf32>
        tpu.vector_store_idx %arg12[%get3A_404], %mul3A_407 {add = true} : memref<10240xf32, #tpu.memory_space<vmem>>[vector<16xi32>], vector<16xf32>,
        %gather3A_408 = tpu.vector_load_idx %arg9[%get3A_402] : memref<10240xf32, #tpu.memory_space<vmem>>[vector<16xi32>], vector<16xf32>,
        %mul3A_409 = arith.mulf %gather3A_408, %get3A_406 : vector<16xf32>
        tpu.vector_store_idx %arg13[%get3A_404], %mul3A_409 {add = true} : memref<10240xf32, #tpu.memory_space<vmem>>[vector<16xi32>], vector<16xf32>,
      }
      %scan3A_397 = arith.constant 313 : i32
    }
    %scan3A_301 = arith.constant 16 : i32
    %get3A_302 = arith.constant 9 : i32
    %get3A_303 = arith.index_cast %get3A_302 : i32 to index
    %get3A_304 = arith.constant 0 : index
    %get3A_305 = tpu.vector_load %arg22[%get3A_303, %get3A_304] {strides = array<i32>} : memref<16x16xf32, #tpu.memory_space<vmem>>, vector<16xf32>,
    %scan3A_306 = arith.constant 0 : i32
    %scan3A_307 = arith.constant 0 : i32
    %scan3A_308 = arith.constant 640 : i32
    %scan3A_309 = arith.addi %scan3A_307, %scan3A_308 : i32
    %scan3A_310 = arith.constant 1 : i32
    scf.for %scan3A_348 = %scan3A_307 to %scan3A_309 step %scan3A_310  : i32 {
      %mul3A_349 = arith.constant 16 : i32
      %mul3A_350 = arith.muli %scan3A_348, %mul3A_349 : i32
      %get3A_351 = arith.index_cast %mul3A_350 : i32 to index
      %get3A_352 = tpu.vector_load %arg12[%get3A_351] {strides = array<i32>} : memref<10240xf32, #tpu.memory_space<vmem>>, vector<16xf32>,
      %mul3A_353 = arith.constant 2.000000e+00 : f32
      %mul3A_354 = vector.broadcast %mul3A_353 : f32 to vector<16xf32>
      %mul3A_355 = arith.mulf %mul3A_354, %get3A_352 : vector<16xf32>
      %get3A_356 = arith.index_cast %mul3A_350 : i32 to index
      %get3A_357 = tpu.vector_load %arg10[%get3A_356] {strides = array<i32>} : memref<10240xf32, #tpu.memory_space<vmem>>, vector<16xf32>,
      %sub3A = arith.subf %mul3A_355, %get3A_357 : vector<16xf32>
      %swap3A = arith.index_cast %mul3A_350 : i32 to index
      %swap3A_358 = tpu.vector_load %arg10[%swap3A] {strides = array<i32>} : memref<10240xf32, #tpu.memory_space<vmem>>, vector<16xf32>,
      tpu.vector_store %arg10[%swap3A], %sub3A {strides = array<i32>} : memref<10240xf32, #tpu.memory_space<vmem>>, vector<16xf32>,
      %get3A_359 = arith.index_cast %mul3A_350 : i32 to index
      %get3A_360 = tpu.vector_load %arg14[%get3A_359] {strides = array<i32>} : memref<10240xf32, #tpu.memory_space<vmem>>, vector<16xf32>,
      %mul3A_361 = arith.mulf %get3A_305, %sub3A : vector<16xf32>
      %add3A_362 = arith.addf %get3A_360, %mul3A_361 : vector<16xf32>
      %swap3A_363 = arith.index_cast %mul3A_350 : i32 to index
      %swap3A_364 = tpu.vector_load %arg14[%swap3A_363] {strides = array<i32>} : memref<10240xf32, #tpu.memory_space<vmem>>, vector<16xf32>,
      tpu.vector_store %arg14[%swap3A_363], %add3A_362 {strides = array<i32>} : memref<10240xf32, #tpu.memory_space<vmem>>, vector<16xf32>,
      %get3A_365 = arith.index_cast %mul3A_350 : i32 to index
      %get3A_366 = tpu.vector_load %arg13[%get3A_365] {strides = array<i32>} : memref<10240xf32, #tpu.memory_space<vmem>>, vector<16xf32>,
      %mul3A_367 = arith.constant 2.000000e+00 : f32
      %mul3A_368 = vector.broadcast %mul3A_367 : f32 to vector<16xf32>
      %mul3A_369 = arith.mulf %mul3A_368, %get3A_366 : vector<16xf32>
      %get3A_370 = arith.index_cast %mul3A_350 : i32 to index
      %get3A_371 = tpu.vector_load %arg11[%get3A_370] {strides = array<i32>} : memref<10240xf32, #tpu.memory_space<vmem>>, vector<16xf32>,
      %sub3A_372 = arith.subf %mul3A_369, %get3A_371 : vector<16xf32>
      %swap3A_373 = arith.index_cast %mul3A_350 : i32 to index
      %swap3A_374 = tpu.vector_load %arg11[%swap3A_373] {strides = array<i32>} : memref<10240xf32, #tpu.memory_space<vmem>>, vector<16xf32>,
      tpu.vector_store %arg11[%swap3A_373], %sub3A_372 {strides = array<i32>} : memref<10240xf32, #tpu.memory_space<vmem>>, vector<16xf32>,
      %get3A_375 = arith.index_cast %mul3A_350 : i32 to index
      %get3A_376 = tpu.vector_load %arg15[%get3A_375] {strides = array<i32>} : memref<10240xf32, #tpu.memory_space<vmem>>, vector<16xf32>,
      %mul3A_377 = arith.mulf %get3A_305, %sub3A_372 : vector<16xf32>
      %add3A_378 = arith.addf %get3A_376, %mul3A_377 : vector<16xf32>
      %swap3A_379 = arith.index_cast %mul3A_350 : i32 to index
      %swap3A_380 = tpu.vector_load %arg15[%swap3A_379] {strides = array<i32>} : memref<10240xf32, #tpu.memory_space<vmem>>, vector<16xf32>,
      tpu.vector_store %arg15[%swap3A_379], %add3A_378 {strides = array<i32>} : memref<10240xf32, #tpu.memory_space<vmem>>, vector<16xf32>,
    }
    %scan3A_311 = arith.constant 640 : i32
    %scan3A_312 = arith.constant 0 : i32
    %scan3A_313 = arith.constant 0 : i32
    %scan3A_314 = arith.constant 640 : i32
    %scan3A_315 = arith.addi %scan3A_313, %scan3A_314 : i32
    %scan3A_316 = arith.constant 1 : i32
    scf.for %scan3A_348 = %scan3A_313 to %scan3A_315 step %scan3A_316  : i32 {
      %broadcast_in_dim3A = arith.constant 0.000000e+00 : f32
      %broadcast_in_dim3A_349 = vector.broadcast %broadcast_in_dim3A : f32 to vector<16xf32>
      %mul3A_350 = arith.constant 16 : i32
      %mul3A_351 = arith.muli %scan3A_348, %mul3A_350 : i32
      %swap3A = arith.index_cast %mul3A_351 : i32 to index
      %swap3A_352 = tpu.vector_load %arg12[%swap3A] {strides = array<i32>} : memref<10240xf32, #tpu.memory_space<vmem>>, vector<16xf32>,
      tpu.vector_store %arg12[%swap3A], %broadcast_in_dim3A_349 {strides = array<i32>} : memref<10240xf32, #tpu.memory_space<vmem>>, vector<16xf32>,
      %broadcast_in_dim3A_353 = arith.constant 0.000000e+00 : f32
      %broadcast_in_dim3A_354 = vector.broadcast %broadcast_in_dim3A_353 : f32 to vector<16xf32>
      %mul3A_355 = arith.constant 16 : i32
      %mul3A_356 = arith.muli %scan3A_348, %mul3A_355 : i32
      %swap3A_357 = arith.index_cast %mul3A_356 : i32 to index
      %swap3A_358 = tpu.vector_load %arg13[%swap3A_357] {strides = array<i32>} : memref<10240xf32, #tpu.memory_space<vmem>>, vector<16xf32>,
      tpu.vector_store %arg13[%swap3A_357], %broadcast_in_dim3A_354 {strides = array<i32>} : memref<10240xf32, #tpu.memory_space<vmem>>, vector<16xf32>,
    }
    %scan3A_317 = arith.constant 640 : i32
    %dma_start3A_318 = arith.constant 0 : i32
    %dma_start3A_319 = tpu.memref_slice %arg3[%dma_start3A_318] : memref<160256xi32, #tpu.memory_space<hbm>> -> memref<5008xi32, #tpu.memory_space<hbm>>
    %dma_start3A_320 = arith.constant 0 : i32
    %dma_start3A_321 = tpu.memref_slice %arg3[%dma_start3A_320] : memref<160256xi32, #tpu.memory_space<hbm>> -> memref<5008xi32, #tpu.memory_space<hbm>>
    tpu.enqueue_dma source(%dma_start3A_321 : memref<5008xi32, #tpu.memory_space<hbm>>) target(%arg16 : memref<5008xi32, #tpu.memory_space<vmem>>) target_semaphore(%arg23 : memref<!tpu.dma_semaphore, #tpu.memory_space<semaphore_mem>>)
    %dma_start3A_322 = arith.constant 0 : i32
    %dma_start3A_323 = tpu.memref_slice %arg4[%dma_start3A_322] : memref<160256xi32, #tpu.memory_space<hbm>> -> memref<5008xi32, #tpu.memory_space<hbm>>
    %dma_start3A_324 = arith.constant 0 : i32
    %dma_start3A_325 = tpu.memref_slice %arg4[%dma_start3A_324] : memref<160256xi32, #tpu.memory_space<hbm>> -> memref<5008xi32, #tpu.memory_space<hbm>>
    tpu.enqueue_dma source(%dma_start3A_325 : memref<5008xi32, #tpu.memory_space<hbm>>) target(%arg17 : memref<5008xi32, #tpu.memory_space<vmem>>) target_semaphore(%arg23 : memref<!tpu.dma_semaphore, #tpu.memory_space<semaphore_mem>>)
    %dma_start3A_326 = arith.constant 0 : i32
    %dma_start3A_327 = tpu.memref_slice %arg5[%dma_start3A_326] : memref<160256xf32, #tpu.memory_space<hbm>> -> memref<5008xf32, #tpu.memory_space<hbm>>
    %dma_start3A_328 = arith.constant 0 : i32
    %dma_start3A_329 = tpu.memref_slice %arg5[%dma_start3A_328] : memref<160256xf32, #tpu.memory_space<hbm>> -> memref<5008xf32, #tpu.memory_space<hbm>>
    tpu.enqueue_dma source(%dma_start3A_329 : memref<5008xf32, #tpu.memory_space<hbm>>) target(%arg18 : memref<5008xf32, #tpu.memory_space<vmem>>) target_semaphore(%arg23 : memref<!tpu.dma_semaphore, #tpu.memory_space<semaphore_mem>>)
    %scan3A_330 = arith.constant 0 : i32
    %scan3A_331 = arith.constant 0 : i32
    %scan3A_332 = arith.constant 16 : i32
    %scan3A_333 = arith.addi %scan3A_331, %scan3A_332 : i32
    %scan3A_334 = arith.constant 1 : i32
    scf.for %scan3A_348 = %scan3A_331 to %scan3A_333 step %scan3A_334  : i32 {
      %mul3A_349 = arith.constant 2 : i32
      %mul3A_350 = arith.muli %mul3A_349, %scan3A_348 : i32
      %add3A_351 = arith.constant 1 : i32
      %add3A_352 = arith.addi %mul3A_350, %add3A_351 : i32
      %mul3A_353 = arith.constant 5008 : i32
      %mul3A_354 = arith.muli %add3A_352, %mul3A_353 : i32
      %dma_start3A_355 = tpu.memref_slice %arg3[%mul3A_354] : memref<160256xi32, #tpu.memory_space<hbm>> -> memref<5008xi32, #tpu.memory_space<hbm>>
      %dma_start3A_356 = tpu.memref_slice %arg3[%mul3A_354] : memref<160256xi32, #tpu.memory_space<hbm>> -> memref<5008xi32, #tpu.memory_space<hbm>>
      tpu.enqueue_dma source(%dma_start3A_356 : memref<5008xi32, #tpu.memory_space<hbm>>) target(%arg19 : memref<5008xi32, #tpu.memory_space<vmem>>) target_semaphore(%arg24 : memref<!tpu.dma_semaphore, #tpu.memory_space<semaphore_mem>>)
      %dma_start3A_357 = tpu.memref_slice %arg4[%mul3A_354] : memref<160256xi32, #tpu.memory_space<hbm>> -> memref<5008xi32, #tpu.memory_space<hbm>>
      %dma_start3A_358 = tpu.memref_slice %arg4[%mul3A_354] : memref<160256xi32, #tpu.memory_space<hbm>> -> memref<5008xi32, #tpu.memory_space<hbm>>
      tpu.enqueue_dma source(%dma_start3A_358 : memref<5008xi32, #tpu.memory_space<hbm>>) target(%arg20 : memref<5008xi32, #tpu.memory_space<vmem>>) target_semaphore(%arg24 : memref<!tpu.dma_semaphore, #tpu.memory_space<semaphore_mem>>)
      %dma_start3A_359 = tpu.memref_slice %arg5[%mul3A_354] : memref<160256xf32, #tpu.memory_space<hbm>> -> memref<5008xf32, #tpu.memory_space<hbm>>
      %dma_start3A_360 = tpu.memref_slice %arg5[%mul3A_354] : memref<160256xf32, #tpu.memory_space<hbm>> -> memref<5008xf32, #tpu.memory_space<hbm>>
      tpu.enqueue_dma source(%dma_start3A_360 : memref<5008xf32, #tpu.memory_space<hbm>>) target(%arg21 : memref<5008xf32, #tpu.memory_space<vmem>>) target_semaphore(%arg24 : memref<!tpu.dma_semaphore, #tpu.memory_space<semaphore_mem>>)
      %dma_wait3A = arith.constant 0 : i32
      %dma_wait3A_361 = tpu.memref_slice %arg3[%dma_wait3A] : memref<160256xi32, #tpu.memory_space<hbm>> -> memref<5008xi32, #tpu.memory_space<hbm>>
      %dma_wait3A_362 = arith.constant 0 : i32
      %dma_wait3A_363 = tpu.memref_slice %arg3[%dma_wait3A_362] : memref<160256xi32, #tpu.memory_space<hbm>> -> memref<5008xi32, #tpu.memory_space<hbm>>
      tpu.wait_dma2 semaphore(%arg23 : memref<!tpu.dma_semaphore, #tpu.memory_space<semaphore_mem>>) src(%dma_wait3A_363 : memref<5008xi32, #tpu.memory_space<hbm>>) dst(%arg16 : memref<5008xi32, #tpu.memory_space<vmem>>)
      %dma_wait3A_364 = arith.constant 0 : i32
      %dma_wait3A_365 = tpu.memref_slice %arg4[%dma_wait3A_364] : memref<160256xi32, #tpu.memory_space<hbm>> -> memref<5008xi32, #tpu.memory_space<hbm>>
      %dma_wait3A_366 = arith.constant 0 : i32
      %dma_wait3A_367 = tpu.memref_slice %arg4[%dma_wait3A_366] : memref<160256xi32, #tpu.memory_space<hbm>> -> memref<5008xi32, #tpu.memory_space<hbm>>
      tpu.wait_dma2 semaphore(%arg23 : memref<!tpu.dma_semaphore, #tpu.memory_space<semaphore_mem>>) src(%dma_wait3A_367 : memref<5008xi32, #tpu.memory_space<hbm>>) dst(%arg17 : memref<5008xi32, #tpu.memory_space<vmem>>)
      %dma_wait3A_368 = arith.constant 0 : i32
      %dma_wait3A_369 = tpu.memref_slice %arg5[%dma_wait3A_368] : memref<160256xf32, #tpu.memory_space<hbm>> -> memref<5008xf32, #tpu.memory_space<hbm>>
      %dma_wait3A_370 = arith.constant 0 : i32
      %dma_wait3A_371 = tpu.memref_slice %arg5[%dma_wait3A_370] : memref<160256xf32, #tpu.memory_space<hbm>> -> memref<5008xf32, #tpu.memory_space<hbm>>
      tpu.wait_dma2 semaphore(%arg23 : memref<!tpu.dma_semaphore, #tpu.memory_space<semaphore_mem>>) src(%dma_wait3A_371 : memref<5008xf32, #tpu.memory_space<hbm>>) dst(%arg18 : memref<5008xf32, #tpu.memory_space<vmem>>)
      %scan3A_372 = arith.constant 0 : i32
      %scan3A_373 = arith.constant 0 : i32
      %scan3A_374 = arith.constant 313 : i32
      %scan3A_375 = arith.addi %scan3A_373, %scan3A_374 : i32
      %scan3A_376 = arith.constant 1 : i32
      scf.for %scan3A_398 = %scan3A_373 to %scan3A_375 step %scan3A_376  : i32 {
        %mul3A_399 = arith.constant 16 : i32
        %mul3A_400 = arith.muli %scan3A_398, %mul3A_399 : i32
        %get3A_401 = arith.index_cast %mul3A_400 : i32 to index
        %get3A_402 = tpu.vector_load %arg16[%get3A_401] {strides = array<i32>} : memref<5008xi32, #tpu.memory_space<vmem>>, vector<16xi32>,
        %get3A_403 = arith.index_cast %mul3A_400 : i32 to index
        %get3A_404 = tpu.vector_load %arg17[%get3A_403] {strides = array<i32>} : memref<5008xi32, #tpu.memory_space<vmem>>, vector<16xi32>,
        %get3A_405 = arith.index_cast %mul3A_400 : i32 to index
        %get3A_406 = tpu.vector_load %arg18[%get3A_405] {strides = array<i32>} : memref<5008xf32, #tpu.memory_space<vmem>>, vector<16xf32>,
        %gather3A = tpu.vector_load_idx %arg10[%get3A_402] : memref<10240xf32, #tpu.memory_space<vmem>>[vector<16xi32>], vector<16xf32>,
        %mul3A_407 = arith.mulf %gather3A, %get3A_406 : vector<16xf32>
        tpu.vector_store_idx %arg12[%get3A_404], %mul3A_407 {add = true} : memref<10240xf32, #tpu.memory_space<vmem>>[vector<16xi32>], vector<16xf32>,
        %gather3A_408 = tpu.vector_load_idx %arg11[%get3A_402] : memref<10240xf32, #tpu.memory_space<vmem>>[vector<16xi32>], vector<16xf32>,
        %mul3A_409 = arith.mulf %gather3A_408, %get3A_406 : vector<16xf32>
        tpu.vector_store_idx %arg13[%get3A_404], %mul3A_409 {add = true} : memref<10240xf32, #tpu.memory_space<vmem>>[vector<16xi32>], vector<16xf32>,
      }
      %scan3A_377 = arith.constant 313 : i32
      %lt3A = arith.constant 15 : i32
      %lt3A_378 = arith.cmpi slt, %scan3A_348, %lt3A : i32
      %convert_element_type3A = arith.extui %lt3A_378 : i1 to i32
      %cond3A = arith.constant 0 : i32
      %cond3A_379 = arith.cmpi ne, %convert_element_type3A, %cond3A : i32
      scf.if %cond3A_379 {
        %mul3A_398 = arith.constant 2 : i32
        %mul3A_399 = arith.muli %mul3A_398, %scan3A_348 : i32
        %add3A_400 = arith.constant 2 : i32
        %add3A_401 = arith.addi %mul3A_399, %add3A_400 : i32
        %mul3A_402 = arith.constant 5008 : i32
        %mul3A_403 = arith.muli %add3A_401, %mul3A_402 : i32
        %dma_start3A_404 = tpu.memref_slice %arg3[%mul3A_403] : memref<160256xi32, #tpu.memory_space<hbm>> -> memref<5008xi32, #tpu.memory_space<hbm>>
        %dma_start3A_405 = tpu.memref_slice %arg3[%mul3A_403] : memref<160256xi32, #tpu.memory_space<hbm>> -> memref<5008xi32, #tpu.memory_space<hbm>>
        tpu.enqueue_dma source(%dma_start3A_405 : memref<5008xi32, #tpu.memory_space<hbm>>) target(%arg16 : memref<5008xi32, #tpu.memory_space<vmem>>) target_semaphore(%arg23 : memref<!tpu.dma_semaphore, #tpu.memory_space<semaphore_mem>>)
        %dma_start3A_406 = tpu.memref_slice %arg4[%mul3A_403] : memref<160256xi32, #tpu.memory_space<hbm>> -> memref<5008xi32, #tpu.memory_space<hbm>>
        %dma_start3A_407 = tpu.memref_slice %arg4[%mul3A_403] : memref<160256xi32, #tpu.memory_space<hbm>> -> memref<5008xi32, #tpu.memory_space<hbm>>
        tpu.enqueue_dma source(%dma_start3A_407 : memref<5008xi32, #tpu.memory_space<hbm>>) target(%arg17 : memref<5008xi32, #tpu.memory_space<vmem>>) target_semaphore(%arg23 : memref<!tpu.dma_semaphore, #tpu.memory_space<semaphore_mem>>)
        %dma_start3A_408 = tpu.memref_slice %arg5[%mul3A_403] : memref<160256xf32, #tpu.memory_space<hbm>> -> memref<5008xf32, #tpu.memory_space<hbm>>
        %dma_start3A_409 = tpu.memref_slice %arg5[%mul3A_403] : memref<160256xf32, #tpu.memory_space<hbm>> -> memref<5008xf32, #tpu.memory_space<hbm>>
        tpu.enqueue_dma source(%dma_start3A_409 : memref<5008xf32, #tpu.memory_space<hbm>>) target(%arg18 : memref<5008xf32, #tpu.memory_space<vmem>>) target_semaphore(%arg23 : memref<!tpu.dma_semaphore, #tpu.memory_space<semaphore_mem>>)
      } else {
      }
      %dma_wait3A_380 = arith.constant 0 : i32
      %dma_wait3A_381 = tpu.memref_slice %arg3[%dma_wait3A_380] : memref<160256xi32, #tpu.memory_space<hbm>> -> memref<5008xi32, #tpu.memory_space<hbm>>
      %dma_wait3A_382 = arith.constant 0 : i32
      %dma_wait3A_383 = tpu.memref_slice %arg3[%dma_wait3A_382] : memref<160256xi32, #tpu.memory_space<hbm>> -> memref<5008xi32, #tpu.memory_space<hbm>>
      tpu.wait_dma2 semaphore(%arg24 : memref<!tpu.dma_semaphore, #tpu.memory_space<semaphore_mem>>) src(%dma_wait3A_383 : memref<5008xi32, #tpu.memory_space<hbm>>) dst(%arg19 : memref<5008xi32, #tpu.memory_space<vmem>>)
      %dma_wait3A_384 = arith.constant 0 : i32
      %dma_wait3A_385 = tpu.memref_slice %arg4[%dma_wait3A_384] : memref<160256xi32, #tpu.memory_space<hbm>> -> memref<5008xi32, #tpu.memory_space<hbm>>
      %dma_wait3A_386 = arith.constant 0 : i32
      %dma_wait3A_387 = tpu.memref_slice %arg4[%dma_wait3A_386] : memref<160256xi32, #tpu.memory_space<hbm>> -> memref<5008xi32, #tpu.memory_space<hbm>>
      tpu.wait_dma2 semaphore(%arg24 : memref<!tpu.dma_semaphore, #tpu.memory_space<semaphore_mem>>) src(%dma_wait3A_387 : memref<5008xi32, #tpu.memory_space<hbm>>) dst(%arg20 : memref<5008xi32, #tpu.memory_space<vmem>>)
      %dma_wait3A_388 = arith.constant 0 : i32
      %dma_wait3A_389 = tpu.memref_slice %arg5[%dma_wait3A_388] : memref<160256xf32, #tpu.memory_space<hbm>> -> memref<5008xf32, #tpu.memory_space<hbm>>
      %dma_wait3A_390 = arith.constant 0 : i32
      %dma_wait3A_391 = tpu.memref_slice %arg5[%dma_wait3A_390] : memref<160256xf32, #tpu.memory_space<hbm>> -> memref<5008xf32, #tpu.memory_space<hbm>>
      tpu.wait_dma2 semaphore(%arg24 : memref<!tpu.dma_semaphore, #tpu.memory_space<semaphore_mem>>) src(%dma_wait3A_391 : memref<5008xf32, #tpu.memory_space<hbm>>) dst(%arg21 : memref<5008xf32, #tpu.memory_space<vmem>>)
      %scan3A_392 = arith.constant 0 : i32
      %scan3A_393 = arith.constant 0 : i32
      %scan3A_394 = arith.constant 313 : i32
      %scan3A_395 = arith.addi %scan3A_393, %scan3A_394 : i32
      %scan3A_396 = arith.constant 1 : i32
      scf.for %scan3A_398 = %scan3A_393 to %scan3A_395 step %scan3A_396  : i32 {
        %mul3A_399 = arith.constant 16 : i32
        %mul3A_400 = arith.muli %scan3A_398, %mul3A_399 : i32
        %get3A_401 = arith.index_cast %mul3A_400 : i32 to index
        %get3A_402 = tpu.vector_load %arg19[%get3A_401] {strides = array<i32>} : memref<5008xi32, #tpu.memory_space<vmem>>, vector<16xi32>,
        %get3A_403 = arith.index_cast %mul3A_400 : i32 to index
        %get3A_404 = tpu.vector_load %arg20[%get3A_403] {strides = array<i32>} : memref<5008xi32, #tpu.memory_space<vmem>>, vector<16xi32>,
        %get3A_405 = arith.index_cast %mul3A_400 : i32 to index
        %get3A_406 = tpu.vector_load %arg21[%get3A_405] {strides = array<i32>} : memref<5008xf32, #tpu.memory_space<vmem>>, vector<16xf32>,
        %gather3A = tpu.vector_load_idx %arg10[%get3A_402] : memref<10240xf32, #tpu.memory_space<vmem>>[vector<16xi32>], vector<16xf32>,
        %mul3A_407 = arith.mulf %gather3A, %get3A_406 : vector<16xf32>
        tpu.vector_store_idx %arg12[%get3A_404], %mul3A_407 {add = true} : memref<10240xf32, #tpu.memory_space<vmem>>[vector<16xi32>], vector<16xf32>,
        %gather3A_408 = tpu.vector_load_idx %arg11[%get3A_402] : memref<10240xf32, #tpu.memory_space<vmem>>[vector<16xi32>], vector<16xf32>,
        %mul3A_409 = arith.mulf %gather3A_408, %get3A_406 : vector<16xf32>
        tpu.vector_store_idx %arg13[%get3A_404], %mul3A_409 {add = true} : memref<10240xf32, #tpu.memory_space<vmem>>[vector<16xi32>], vector<16xf32>,
      }
      %scan3A_397 = arith.constant 313 : i32
    }
    %scan3A_335 = arith.constant 16 : i32
    %get3A_336 = arith.constant 10 : i32
    %get3A_337 = arith.index_cast %get3A_336 : i32 to index
    %get3A_338 = arith.constant 0 : index
    %get3A_339 = tpu.vector_load %arg22[%get3A_337, %get3A_338] {strides = array<i32>} : memref<16x16xf32, #tpu.memory_space<vmem>>, vector<16xf32>,
    %scan3A_340 = arith.constant 0 : i32
    %scan3A_341 = arith.constant 0 : i32
    %scan3A_342 = arith.constant 640 : i32
    %scan3A_343 = arith.addi %scan3A_341, %scan3A_342 : i32
    %scan3A_344 = arith.constant 1 : i32
    scf.for %scan3A_348 = %scan3A_341 to %scan3A_343 step %scan3A_344  : i32 {
      %mul3A_349 = arith.constant 16 : i32
      %mul3A_350 = arith.muli %scan3A_348, %mul3A_349 : i32
      %get3A_351 = arith.index_cast %mul3A_350 : i32 to index
      %get3A_352 = tpu.vector_load %arg12[%get3A_351] {strides = array<i32>} : memref<10240xf32, #tpu.memory_space<vmem>>, vector<16xf32>,
      %mul3A_353 = arith.constant 2.000000e+00 : f32
      %mul3A_354 = vector.broadcast %mul3A_353 : f32 to vector<16xf32>
      %mul3A_355 = arith.mulf %mul3A_354, %get3A_352 : vector<16xf32>
      %get3A_356 = arith.index_cast %mul3A_350 : i32 to index
      %get3A_357 = tpu.vector_load %arg8[%get3A_356] {strides = array<i32>} : memref<10240xf32, #tpu.memory_space<vmem>>, vector<16xf32>,
      %sub3A = arith.subf %mul3A_355, %get3A_357 : vector<16xf32>
      %swap3A = arith.index_cast %mul3A_350 : i32 to index
      %swap3A_358 = tpu.vector_load %arg8[%swap3A] {strides = array<i32>} : memref<10240xf32, #tpu.memory_space<vmem>>, vector<16xf32>,
      tpu.vector_store %arg8[%swap3A], %sub3A {strides = array<i32>} : memref<10240xf32, #tpu.memory_space<vmem>>, vector<16xf32>,
      %get3A_359 = arith.index_cast %mul3A_350 : i32 to index
      %get3A_360 = tpu.vector_load %arg14[%get3A_359] {strides = array<i32>} : memref<10240xf32, #tpu.memory_space<vmem>>, vector<16xf32>,
      %mul3A_361 = arith.mulf %get3A_339, %sub3A : vector<16xf32>
      %add3A_362 = arith.addf %get3A_360, %mul3A_361 : vector<16xf32>
      %swap3A_363 = arith.index_cast %mul3A_350 : i32 to index
      %swap3A_364 = tpu.vector_load %arg14[%swap3A_363] {strides = array<i32>} : memref<10240xf32, #tpu.memory_space<vmem>>, vector<16xf32>,
      tpu.vector_store %arg14[%swap3A_363], %add3A_362 {strides = array<i32>} : memref<10240xf32, #tpu.memory_space<vmem>>, vector<16xf32>,
      %get3A_365 = arith.index_cast %mul3A_350 : i32 to index
      %get3A_366 = tpu.vector_load %arg13[%get3A_365] {strides = array<i32>} : memref<10240xf32, #tpu.memory_space<vmem>>, vector<16xf32>,
      %mul3A_367 = arith.constant 2.000000e+00 : f32
      %mul3A_368 = vector.broadcast %mul3A_367 : f32 to vector<16xf32>
      %mul3A_369 = arith.mulf %mul3A_368, %get3A_366 : vector<16xf32>
      %get3A_370 = arith.index_cast %mul3A_350 : i32 to index
      %get3A_371 = tpu.vector_load %arg9[%get3A_370] {strides = array<i32>} : memref<10240xf32, #tpu.memory_space<vmem>>, vector<16xf32>,
      %sub3A_372 = arith.subf %mul3A_369, %get3A_371 : vector<16xf32>
      %swap3A_373 = arith.index_cast %mul3A_350 : i32 to index
      %swap3A_374 = tpu.vector_load %arg9[%swap3A_373] {strides = array<i32>} : memref<10240xf32, #tpu.memory_space<vmem>>, vector<16xf32>,
      tpu.vector_store %arg9[%swap3A_373], %sub3A_372 {strides = array<i32>} : memref<10240xf32, #tpu.memory_space<vmem>>, vector<16xf32>,
      %get3A_375 = arith.index_cast %mul3A_350 : i32 to index
      %get3A_376 = tpu.vector_load %arg15[%get3A_375] {strides = array<i32>} : memref<10240xf32, #tpu.memory_space<vmem>>, vector<16xf32>,
      %mul3A_377 = arith.mulf %get3A_339, %sub3A_372 : vector<16xf32>
      %add3A_378 = arith.addf %get3A_376, %mul3A_377 : vector<16xf32>
      %swap3A_379 = arith.index_cast %mul3A_350 : i32 to index
      %swap3A_380 = tpu.vector_load %arg15[%swap3A_379] {strides = array<i32>} : memref<10240xf32, #tpu.memory_space<vmem>>, vector<16xf32>,
      tpu.vector_store %arg15[%swap3A_379], %add3A_378 {strides = array<i32>} : memref<10240xf32, #tpu.memory_space<vmem>>, vector<16xf32>,
    }
    %scan3A_345 = arith.constant 640 : i32
    "tpu.region"() ({
      %run_scoped3A = tpu.sem_alloc : memref<!tpu.dma_semaphore, #tpu.memory_space<semaphore_mem>>
      %dma_start3A_348 = arith.constant 0 : i32
      %dma_start3A_349 = tpu.memref_slice %arg7[%mul3A_2, %dma_start3A_348] : memref<64x10240xf32, #tpu.memory_space<hbm>> -> memref<1x10240xf32, #tpu.memory_space<hbm>>
      %dma_start3A_350 = tpu.memref_squeeze %dma_start3A_349 : memref<1x10240xf32, #tpu.memory_space<hbm>> -> memref<10240xf32, #tpu.memory_space<hbm>>
      %dma_start3A_351 = arith.constant 0 : i32
      %dma_start3A_352 = tpu.memref_slice %arg7[%mul3A_2, %dma_start3A_351] : memref<64x10240xf32, #tpu.memory_space<hbm>> -> memref<1x10240xf32, #tpu.memory_space<hbm>>
      %dma_start3A_353 = tpu.memref_squeeze %dma_start3A_352 : memref<1x10240xf32, #tpu.memory_space<hbm>> -> memref<10240xf32, #tpu.memory_space<hbm>>
      tpu.enqueue_dma source(%arg14 : memref<10240xf32, #tpu.memory_space<vmem>>) target(%dma_start3A_353 : memref<10240xf32, #tpu.memory_space<hbm>>) target_semaphore(%run_scoped3A : memref<!tpu.dma_semaphore, #tpu.memory_space<semaphore_mem>>)
      %dma_wait3A = arith.constant 0 : i32
      %dma_wait3A_354 = tpu.memref_slice %arg7[%mul3A_2, %dma_wait3A] : memref<64x10240xf32, #tpu.memory_space<hbm>> -> memref<1x10240xf32, #tpu.memory_space<hbm>>
      %dma_wait3A_355 = tpu.memref_squeeze %dma_wait3A_354 : memref<1x10240xf32, #tpu.memory_space<hbm>> -> memref<10240xf32, #tpu.memory_space<hbm>>
      %dma_wait3A_356 = arith.constant 0 : i32
      %dma_wait3A_357 = tpu.memref_slice %arg7[%mul3A_2, %dma_wait3A_356] : memref<64x10240xf32, #tpu.memory_space<hbm>> -> memref<1x10240xf32, #tpu.memory_space<hbm>>
      %dma_wait3A_358 = tpu.memref_squeeze %dma_wait3A_357 : memref<1x10240xf32, #tpu.memory_space<hbm>> -> memref<10240xf32, #tpu.memory_space<hbm>>
      tpu.wait_dma2 semaphore(%run_scoped3A : memref<!tpu.dma_semaphore, #tpu.memory_space<semaphore_mem>>) src(%arg14 : memref<10240xf32, #tpu.memory_space<vmem>>) dst(%dma_wait3A_358 : memref<10240xf32, #tpu.memory_space<hbm>>)
      tpu.yield
    }) : () -> ()
    %add3A_346 = arith.constant 1 : i32
    %add3A_347 = arith.addi %mul3A_2, %add3A_346 : i32
    "tpu.region"() ({
      %run_scoped3A = tpu.sem_alloc : memref<!tpu.dma_semaphore, #tpu.memory_space<semaphore_mem>>
      %dma_start3A_348 = arith.constant 0 : i32
      %dma_start3A_349 = tpu.memref_slice %arg7[%add3A_347, %dma_start3A_348] : memref<64x10240xf32, #tpu.memory_space<hbm>> -> memref<1x10240xf32, #tpu.memory_space<hbm>>
      %dma_start3A_350 = tpu.memref_squeeze %dma_start3A_349 : memref<1x10240xf32, #tpu.memory_space<hbm>> -> memref<10240xf32, #tpu.memory_space<hbm>>
      %dma_start3A_351 = arith.constant 0 : i32
      %dma_start3A_352 = tpu.memref_slice %arg7[%add3A_347, %dma_start3A_351] : memref<64x10240xf32, #tpu.memory_space<hbm>> -> memref<1x10240xf32, #tpu.memory_space<hbm>>
      %dma_start3A_353 = tpu.memref_squeeze %dma_start3A_352 : memref<1x10240xf32, #tpu.memory_space<hbm>> -> memref<10240xf32, #tpu.memory_space<hbm>>
      tpu.enqueue_dma source(%arg15 : memref<10240xf32, #tpu.memory_space<vmem>>) target(%dma_start3A_353 : memref<10240xf32, #tpu.memory_space<hbm>>) target_semaphore(%run_scoped3A : memref<!tpu.dma_semaphore, #tpu.memory_space<semaphore_mem>>)
      %dma_wait3A = arith.constant 0 : i32
      %dma_wait3A_354 = tpu.memref_slice %arg7[%add3A_347, %dma_wait3A] : memref<64x10240xf32, #tpu.memory_space<hbm>> -> memref<1x10240xf32, #tpu.memory_space<hbm>>
      %dma_wait3A_355 = tpu.memref_squeeze %dma_wait3A_354 : memref<1x10240xf32, #tpu.memory_space<hbm>> -> memref<10240xf32, #tpu.memory_space<hbm>>
      %dma_wait3A_356 = arith.constant 0 : i32
      %dma_wait3A_357 = tpu.memref_slice %arg7[%add3A_347, %dma_wait3A_356] : memref<64x10240xf32, #tpu.memory_space<hbm>> -> memref<1x10240xf32, #tpu.memory_space<hbm>>
      %dma_wait3A_358 = tpu.memref_squeeze %dma_wait3A_357 : memref<1x10240xf32, #tpu.memory_space<hbm>> -> memref<10240xf32, #tpu.memory_space<hbm>>
      tpu.wait_dma2 semaphore(%run_scoped3A : memref<!tpu.dma_semaphore, #tpu.memory_space<semaphore_mem>>) src(%arg15 : memref<10240xf32, #tpu.memory_space<vmem>>) dst(%dma_wait3A_358 : memref<10240xf32, #tpu.memory_space<hbm>>)
      tpu.yield
    }) : () -> ()
    return
  }
}

#map = affine_map<(d0, d1) -> (0)>
module attributes {stable_mosaic.version = 14 : i64} {
  func.func @_sc_wnorm(%arg0: i32, %arg1: i32, %arg2: memref<160256xi32, #tpu.memory_space<hbm>>, %arg3: memref<160256xi32, #tpu.memory_space<hbm>>, %arg4: memref<160256xf32, #tpu.memory_space<hbm>>, %arg5: memref<10000xf32, #tpu.memory_space<hbm>>, %arg6: memref<160256xf32, #tpu.memory_space<hbm>>, %arg7: memref<10000xf32, #tpu.memory_space<vmem>>, %arg8: memref<5008xi32, #tpu.memory_space<vmem>>, %arg9: memref<5008xi32, #tpu.memory_space<vmem>>, %arg10: memref<5008xf32, #tpu.memory_space<vmem>>, %arg11: memref<5008xf32, #tpu.memory_space<vmem>>) attributes {dimension_semantics = [#tpu.dimension_semantics<core_parallel>, #tpu.dimension_semantics<subcore_parallel>], iteration_bounds = array<i64: 2, 16>, scalar_prefetch = 0 : i64, scratch_operands = 5 : i64, tpu.core_type = #tpu.core_type<sc_vector_subcore>, window_params = [{transform_indices = #map}, {transform_indices = #map}, {transform_indices = #map}, {transform_indices = #map}, {transform_indices = #map}]} {
    %mul3A = arith.constant 2 : i32
    %mul3A_0 = arith.muli %arg1, %mul3A : i32
    %add3A = arith.addi %mul3A_0, %arg0 : i32
    "tpu.region"() ({
      %run_scoped3A = tpu.sem_alloc : memref<!tpu.dma_semaphore, #tpu.memory_space<semaphore_mem>>
      tpu.enqueue_dma source(%arg5 : memref<10000xf32, #tpu.memory_space<hbm>>) target(%arg7 : memref<10000xf32, #tpu.memory_space<vmem>>) target_semaphore(%run_scoped3A : memref<!tpu.dma_semaphore, #tpu.memory_space<semaphore_mem>>)
      tpu.wait_dma2 semaphore(%run_scoped3A : memref<!tpu.dma_semaphore, #tpu.memory_space<semaphore_mem>>) src(%arg5 : memref<10000xf32, #tpu.memory_space<hbm>>) dst(%arg7 : memref<10000xf32, #tpu.memory_space<vmem>>)
      tpu.yield
    }) : () -> ()
    %mul3A_1 = arith.constant 5008 : i32
    %mul3A_2 = arith.muli %add3A, %mul3A_1 : i32
    "tpu.region"() ({
      %run_scoped3A = tpu.sem_alloc : memref<!tpu.dma_semaphore, #tpu.memory_space<semaphore_mem>>
      %dma_start3A = tpu.memref_slice %arg2[%mul3A_2] : memref<160256xi32, #tpu.memory_space<hbm>> -> memref<5008xi32, #tpu.memory_space<hbm>>
      %dma_start3A_8 = tpu.memref_slice %arg2[%mul3A_2] : memref<160256xi32, #tpu.memory_space<hbm>> -> memref<5008xi32, #tpu.memory_space<hbm>>
      tpu.enqueue_dma source(%dma_start3A_8 : memref<5008xi32, #tpu.memory_space<hbm>>) target(%arg8 : memref<5008xi32, #tpu.memory_space<vmem>>) target_semaphore(%run_scoped3A : memref<!tpu.dma_semaphore, #tpu.memory_space<semaphore_mem>>)
      %dma_wait3A = tpu.memref_slice %arg2[%mul3A_2] : memref<160256xi32, #tpu.memory_space<hbm>> -> memref<5008xi32, #tpu.memory_space<hbm>>
      %dma_wait3A_9 = tpu.memref_slice %arg2[%mul3A_2] : memref<160256xi32, #tpu.memory_space<hbm>> -> memref<5008xi32, #tpu.memory_space<hbm>>
      tpu.wait_dma2 semaphore(%run_scoped3A : memref<!tpu.dma_semaphore, #tpu.memory_space<semaphore_mem>>) src(%dma_wait3A_9 : memref<5008xi32, #tpu.memory_space<hbm>>) dst(%arg8 : memref<5008xi32, #tpu.memory_space<vmem>>)
      tpu.yield
    }) : () -> ()
    "tpu.region"() ({
      %run_scoped3A = tpu.sem_alloc : memref<!tpu.dma_semaphore, #tpu.memory_space<semaphore_mem>>
      %dma_start3A = tpu.memref_slice %arg3[%mul3A_2] : memref<160256xi32, #tpu.memory_space<hbm>> -> memref<5008xi32, #tpu.memory_space<hbm>>
      %dma_start3A_8 = tpu.memref_slice %arg3[%mul3A_2] : memref<160256xi32, #tpu.memory_space<hbm>> -> memref<5008xi32, #tpu.memory_space<hbm>>
      tpu.enqueue_dma source(%dma_start3A_8 : memref<5008xi32, #tpu.memory_space<hbm>>) target(%arg9 : memref<5008xi32, #tpu.memory_space<vmem>>) target_semaphore(%run_scoped3A : memref<!tpu.dma_semaphore, #tpu.memory_space<semaphore_mem>>)
      %dma_wait3A = tpu.memref_slice %arg3[%mul3A_2] : memref<160256xi32, #tpu.memory_space<hbm>> -> memref<5008xi32, #tpu.memory_space<hbm>>
      %dma_wait3A_9 = tpu.memref_slice %arg3[%mul3A_2] : memref<160256xi32, #tpu.memory_space<hbm>> -> memref<5008xi32, #tpu.memory_space<hbm>>
      tpu.wait_dma2 semaphore(%run_scoped3A : memref<!tpu.dma_semaphore, #tpu.memory_space<semaphore_mem>>) src(%dma_wait3A_9 : memref<5008xi32, #tpu.memory_space<hbm>>) dst(%arg9 : memref<5008xi32, #tpu.memory_space<vmem>>)
      tpu.yield
    }) : () -> ()
    "tpu.region"() ({
      %run_scoped3A = tpu.sem_alloc : memref<!tpu.dma_semaphore, #tpu.memory_space<semaphore_mem>>
      %dma_start3A = tpu.memref_slice %arg4[%mul3A_2] : memref<160256xf32, #tpu.memory_space<hbm>> -> memref<5008xf32, #tpu.memory_space<hbm>>
      %dma_start3A_8 = tpu.memref_slice %arg4[%mul3A_2] : memref<160256xf32, #tpu.memory_space<hbm>> -> memref<5008xf32, #tpu.memory_space<hbm>>
      tpu.enqueue_dma source(%dma_start3A_8 : memref<5008xf32, #tpu.memory_space<hbm>>) target(%arg10 : memref<5008xf32, #tpu.memory_space<vmem>>) target_semaphore(%run_scoped3A : memref<!tpu.dma_semaphore, #tpu.memory_space<semaphore_mem>>)
      %dma_wait3A = tpu.memref_slice %arg4[%mul3A_2] : memref<160256xf32, #tpu.memory_space<hbm>> -> memref<5008xf32, #tpu.memory_space<hbm>>
      %dma_wait3A_9 = tpu.memref_slice %arg4[%mul3A_2] : memref<160256xf32, #tpu.memory_space<hbm>> -> memref<5008xf32, #tpu.memory_space<hbm>>
      tpu.wait_dma2 semaphore(%run_scoped3A : memref<!tpu.dma_semaphore, #tpu.memory_space<semaphore_mem>>) src(%dma_wait3A_9 : memref<5008xf32, #tpu.memory_space<hbm>>) dst(%arg10 : memref<5008xf32, #tpu.memory_space<vmem>>)
      tpu.yield
    }) : () -> ()
    %scan3A = arith.constant 0 : i32
    %scan3A_3 = arith.constant 0 : i32
    %scan3A_4 = arith.constant 313 : i32
    %scan3A_5 = arith.addi %scan3A_3, %scan3A_4 : i32
    %scan3A_6 = arith.constant 1 : i32
    scf.for %scan3A_8 = %scan3A_3 to %scan3A_5 step %scan3A_6  : i32 {
      %mul3A_9 = arith.constant 16 : i32
      %mul3A_10 = arith.muli %scan3A_8, %mul3A_9 : i32
      %get3A = arith.index_cast %mul3A_10 : i32 to index
      %get3A_11 = tpu.vector_load %arg8[%get3A] {strides = array<i32>} : memref<5008xi32, #tpu.memory_space<vmem>>, vector<16xi32>,
      %get3A_12 = arith.index_cast %mul3A_10 : i32 to index
      %get3A_13 = tpu.vector_load %arg9[%get3A_12] {strides = array<i32>} : memref<5008xi32, #tpu.memory_space<vmem>>, vector<16xi32>,
      %get3A_14 = arith.index_cast %mul3A_10 : i32 to index
      %get3A_15 = tpu.vector_load %arg10[%get3A_14] {strides = array<i32>} : memref<5008xf32, #tpu.memory_space<vmem>>, vector<16xf32>,
      %gather3A = tpu.vector_load_idx %arg7[%get3A_11] : memref<10000xf32, #tpu.memory_space<vmem>>[vector<16xi32>], vector<16xf32>,
      %gather3A_16 = tpu.vector_load_idx %arg7[%get3A_13] : memref<10000xf32, #tpu.memory_space<vmem>>[vector<16xi32>], vector<16xf32>,
      %mul3A_17 = arith.mulf %gather3A, %get3A_15 : vector<16xf32>
      %mul3A_18 = arith.mulf %mul3A_17, %gather3A_16 : vector<16xf32>
      %neg3A = arith.constant 0.000000e+00 : f32
      %neg3A_19 = vector.broadcast %neg3A : f32 to vector<16xf32>
      %neg3A_20 = arith.subf %neg3A_19, %mul3A_18 : vector<16xf32>
      %swap3A = arith.index_cast %mul3A_10 : i32 to index
      %swap3A_21 = tpu.vector_load %arg11[%swap3A] {strides = array<i32>} : memref<5008xf32, #tpu.memory_space<vmem>>, vector<16xf32>,
      tpu.vector_store %arg11[%swap3A], %neg3A_20 {strides = array<i32>} : memref<5008xf32, #tpu.memory_space<vmem>>, vector<16xf32>,
    }
    %scan3A_7 = arith.constant 313 : i32
    "tpu.region"() ({
      %run_scoped3A = tpu.sem_alloc : memref<!tpu.dma_semaphore, #tpu.memory_space<semaphore_mem>>
      %dma_start3A = tpu.memref_slice %arg6[%mul3A_2] : memref<160256xf32, #tpu.memory_space<hbm>> -> memref<5008xf32, #tpu.memory_space<hbm>>
      %dma_start3A_8 = tpu.memref_slice %arg6[%mul3A_2] : memref<160256xf32, #tpu.memory_space<hbm>> -> memref<5008xf32, #tpu.memory_space<hbm>>
      tpu.enqueue_dma source(%arg11 : memref<5008xf32, #tpu.memory_space<vmem>>) target(%dma_start3A_8 : memref<5008xf32, #tpu.memory_space<hbm>>) target_semaphore(%run_scoped3A : memref<!tpu.dma_semaphore, #tpu.memory_space<semaphore_mem>>)
      %dma_wait3A = tpu.memref_slice %arg6[%mul3A_2] : memref<160256xf32, #tpu.memory_space<hbm>> -> memref<5008xf32, #tpu.memory_space<hbm>>
      %dma_wait3A_9 = tpu.memref_slice %arg6[%mul3A_2] : memref<160256xf32, #tpu.memory_space<hbm>> -> memref<5008xf32, #tpu.memory_space<hbm>>
      tpu.wait_dma2 semaphore(%run_scoped3A : memref<!tpu.dma_semaphore, #tpu.memory_space<semaphore_mem>>) src(%arg11 : memref<5008xf32, #tpu.memory_space<vmem>>) dst(%dma_wait3A_9 : memref<5008xf32, #tpu.memory_space<hbm>>)
      tpu.yield
    }) : () -> ()
    return
  }
}

module attributes {stable_mosaic.version = 14 : i64} {
  func.func @_tc_dis_body(%arg0: memref<32x8x1250xf32, #tpu.memory_space<vmem>>, %arg1: memref<8x1250xf32, #tpu.memory_space<vmem>>) attributes {dimension_semantics = [], scalar_prefetch = 0 : i64, scratch_operands = 0 : i64, tpu.core_type = #tpu.core_type<tc>} {
    %get3A = arith.constant 0 : index
    %get3A_0 = arith.constant 0 : index
    %get3A_1 = arith.constant 0 : index
    %get3A_2 = vector.load %arg0[%get3A, %get3A_0, %get3A_1] : memref<32x8x1250xf32, #tpu.memory_space<vmem>>, vector<32x8x1250xf32>
    %reduce_sum3A = arith.constant dense<0.000000e+00> : vector<8x1250xf32>
    %reduce_sum3A_3 = vector.multi_reduction <add>, %get3A_2, %reduce_sum3A [0] : vector<32x8x1250xf32> to vector<8x1250xf32>
    %gt3A = arith.constant 0.000000e+00 : f32
    %gt3A_4 = vector.broadcast %gt3A : f32 to vector<8x1250xf32>
    %gt3A_5 = arith.cmpf ogt, %reduce_sum3A_3, %gt3A_4 : vector<8x1250xf32>
    %jit3A = arith.constant 1.000000e+00 : f32
    %broadcast_in_dim3A = vector.broadcast %jit3A : f32 to vector<8x1250xf32>
    %select_n3A = arith.select %gt3A_5, %reduce_sum3A_3, %broadcast_in_dim3A : vector<8x1250xi1>, vector<8x1250xf32>
    %gt3A_6 = arith.constant 0.000000e+00 : f32
    %gt3A_7 = vector.broadcast %gt3A_6 : f32 to vector<8x1250xf32>
    %gt3A_8 = arith.cmpf ogt, %reduce_sum3A_3, %gt3A_7 : vector<8x1250xf32>
    %rsqrt3A = math.rsqrt %select_n3A : vector<8x1250xf32>
    %jit3A_9 = arith.constant 0.000000e+00 : f32
    %broadcast_in_dim3A_10 = vector.broadcast %jit3A_9 : f32 to vector<8x1250xf32>
    %select_n3A_11 = arith.select %gt3A_8, %rsqrt3A, %broadcast_in_dim3A_10 : vector<8x1250xi1>, vector<8x1250xf32>
    %swap3A = arith.constant 0 : index
    %swap3A_12 = arith.constant 0 : index
    %swap3A_13 = vector.load %arg1[%swap3A, %swap3A_12] : memref<8x1250xf32, #tpu.memory_space<vmem>>, vector<8x1250xf32>
    tpu.vector_store %arg1[%swap3A, %swap3A_12], %select_n3A_11 {strides = array<i32>} : memref<8x1250xf32, #tpu.memory_space<vmem>>, vector<8x1250xf32>,
    return
  }
}

module attributes {stable_mosaic.version = 14 : i64} {
  func.func @_tc_mlp_body(%arg0: i32, %arg1: memref<256x1024xf32, #tpu.memory_space<vmem>>, %arg2: memref<64x256xf32, #tpu.memory_space<vmem>>, %arg3: memref<64x1xf32, #tpu.memory_space<vmem>>, %arg4: memref<64x64xf32, #tpu.memory_space<vmem>>, %arg5: memref<64x1xf32, #tpu.memory_space<vmem>>, %arg6: memref<64x1024xf32, #tpu.memory_space<vmem>>) attributes {dimension_semantics = [#tpu.dimension_semantics<arbitrary>], iteration_bounds = array<i64: 10>, scalar_prefetch = 0 : i64, scratch_operands = 0 : i64, tpu.core_type = #tpu.core_type<tc>, window_params = [{transform_indices = @transform_0, window_bounds = array<i64: 256, 1024>}, {pipeline_mode = #tpu.pipeline_mode<synchronous>, transform_indices = @transform_1, window_bounds = array<i64: 64, 256>}, {pipeline_mode = #tpu.pipeline_mode<synchronous>, transform_indices = @transform_2, window_bounds = array<i64: 64, 1>}, {pipeline_mode = #tpu.pipeline_mode<synchronous>, transform_indices = @transform_3, window_bounds = array<i64: 64, 64>}, {pipeline_mode = #tpu.pipeline_mode<synchronous>, transform_indices = @transform_4, window_bounds = array<i64: 64, 1>}, {transform_indices = @transform_5, window_bounds = array<i64: 64, 1024>}]} {
    %get3A = arith.constant 0 : index
    %get3A_0 = arith.constant 0 : index
    %get3A_1 = vector.load %arg2[%get3A, %get3A_0] : memref<64x256xf32, #tpu.memory_space<vmem>>, vector<64x256xf32>
    %get3A_2 = arith.constant 0 : index
    %get3A_3 = arith.constant 0 : index
    %get3A_4 = vector.load %arg1[%get3A_2, %get3A_3] : memref<256x1024xf32, #tpu.memory_space<vmem>>, vector<256x1024xf32>
    %dot_general3A = arith.constant dense<0.000000e+00> : vector<64x1024xf32>
    %dot_general3A_5 = tpu.matmul %get3A_1, %get3A_4, %dot_general3A {dimension_numbers = #tpu.dot_dimension_numbers<[1], [0], [0], [1], [0, 0, 1, 1], [], []>, precision = #tpu.contract_precision<fp32>, transpose_lhs_hint = false} : vector<64x256xf32>, vector<256x1024xf32>, vector<64x1024xf32> -> vector<64x1024xf32>
    %get3A_6 = arith.constant 0 : index
    %get3A_7 = arith.constant 0 : index
    %get3A_8 = vector.load %arg3[%get3A_6, %get3A_7] : memref<64x1xf32, #tpu.memory_space<vmem>>, vector<64x1xf32>
    %add3A = vector.broadcast %get3A_8 : vector<64x1xf32> to vector<64x1024xf32>
    %add3A_9 = arith.addf %dot_general3A_5, %add3A : vector<64x1024xf32>
    %max3A = arith.constant 0.000000e+00 : f32
    %max3A_10 = vector.broadcast %max3A : f32 to vector<64x1024xf32>
    %max3A_11 = arith.maximumf %add3A_9, %max3A_10 : vector<64x1024xf32>
    %get3A_12 = arith.constant 0 : index
    %get3A_13 = arith.constant 0 : index
    %get3A_14 = vector.load %arg4[%get3A_12, %get3A_13] : memref<64x64xf32, #tpu.memory_space<vmem>>, vector<64x64xf32>
    %dot_general3A_15 = arith.constant dense<0.000000e+00> : vector<64x1024xf32>
    %dot_general3A_16 = tpu.matmul %get3A_14, %max3A_11, %dot_general3A_15 {dimension_numbers = #tpu.dot_dimension_numbers<[1], [0], [0], [1], [0, 0, 1, 1], [], []>, precision = #tpu.contract_precision<fp32>, transpose_lhs_hint = false} : vector<64x64xf32>, vector<64x1024xf32>, vector<64x1024xf32> -> vector<64x1024xf32>
    %get3A_17 = arith.constant 0 : index
    %get3A_18 = arith.constant 0 : index
    %get3A_19 = vector.load %arg5[%get3A_17, %get3A_18] : memref<64x1xf32, #tpu.memory_space<vmem>>, vector<64x1xf32>
    %add3A_20 = vector.broadcast %get3A_19 : vector<64x1xf32> to vector<64x1024xf32>
    %add3A_21 = arith.addf %dot_general3A_16, %add3A_20 : vector<64x1024xf32>
    %swap3A = arith.constant 0 : index
    %swap3A_22 = arith.constant 0 : index
    %swap3A_23 = vector.load %arg6[%swap3A, %swap3A_22] : memref<64x1024xf32, #tpu.memory_space<vmem>>, vector<64x1024xf32>
    tpu.vector_store %arg6[%swap3A, %swap3A_22], %add3A_21 {strides = array<i32>} : memref<64x1024xf32, #tpu.memory_space<vmem>>, vector<64x1024xf32>,
    return
  }
  func.func @transform_0(%arg0: i32) -> (i32, i32) {
    %c0_i32 = arith.constant 0 : i32
    %c0_i32_0 = arith.constant 0 : i32
    return %c0_i32, %arg0 : i32, i32
  }
  func.func @transform_1(%arg0: i32) -> (i32, i32) {
    %c0_i32 = arith.constant 0 : i32
    %c0_i32_0 = arith.constant 0 : i32
    %c0_i32_1 = arith.constant 0 : i32
    return %c0_i32, %c0_i32_0 : i32, i32
  }
  func.func @transform_2(%arg0: i32) -> (i32, i32) {
    %c0_i32 = arith.constant 0 : i32
    %c0_i32_0 = arith.constant 0 : i32
    %c0_i32_1 = arith.constant 0 : i32
    return %c0_i32, %c0_i32_0 : i32, i32
  }
  func.func @transform_3(%arg0: i32) -> (i32, i32) {
    %c0_i32 = arith.constant 0 : i32
    %c0_i32_0 = arith.constant 0 : i32
    %c0_i32_1 = arith.constant 0 : i32
    return %c0_i32, %c0_i32_0 : i32, i32
  }
  func.func @transform_4(%arg0: i32) -> (i32, i32) {
    %c0_i32 = arith.constant 0 : i32
    %c0_i32_0 = arith.constant 0 : i32
    %c0_i32_1 = arith.constant 0 : i32
    return %c0_i32, %c0_i32_0 : i32, i32
  }
  func.func @transform_5(%arg0: i32) -> (i32, i32) {
    %c0_i32 = arith.constant 0 : i32
    %c0_i32_0 = arith.constant 0 : i32
    return %c0_i32, %arg0 : i32, i32
  }
}

</mosaic_0001>

<sc_bundles>
// kernel: kernel.10.cloned.1.call-start
scs
__scs_entry_jumppad:
0x0: {  	(pc) =	sbr.rel $0x88, $3  }
0x1: {  	(tag) =	ssettag $0x0;
	lr =	simm.s32 $0x1  }
0x2: {  	[smem:$0x3F99] =	sst lr;
	_ =	strace $0xD0000000  }
0x3: {  	_ = 	snop  }
0x4: {  	_ = 	snop  }
0x5: {  	_ = 	snop  }
0x6: {  	_ = 	snop  }
0x7: {  	_ = 	snop  }
__scs_overlays_trampoline_lowered:
0x8: {  	[smem:$0x3FA8] =	sst s0  }
0x9: {  	[smem:$0x3FA9] =	sst s1  }
0xa: {  	[smem:$0x3FAA] =	sst s2  }
0xb: {  	[smem:$0x3FAB] =	sst s3  }
0xc: {  	[smem:$0x3FAC] =	sst s4  }
0xd: {  	[smem:$0x3FAD] =	sst s5  }
0xe: {  	[smem:$0x3FAE] =	sst s6  }
0xf: {  	[smem:$0x3FAF] =	sst s7  }
0x10: {  	[smem:$0x3FB0] =	sst s8  }
0x11: {  	[smem:$0x3FB1] =	sst s9;
	s0 =	simm.s32 @!p0 $0x0  }
0x12: {  	s1 =	sld [smem:$0x3F97];
	s0 =	simm.s32 @p0 $0x1  }
0x13: {  	[smem:$0x3FB2] =	sst s0;
	s0 =	simm.s32 @!p1 $0x0  }
0x14: {  	s2 =	sld [smem:$0x3F96];
	s0 =	simm.s32 @p1 $0x1  }
0x15: {  	[smem:$0x3FB3] =	sst s0;
	s0 =	simm.s32 @!p2 $0x0  }
0x16: {  	s3 =	sld [smem:$0x3FDB];
	s0 =	simm.s32 @p2 $0x1  }
0x17: {  	s4 =	simm.s32 $0x1BF5;
	[smem:$0x3FB5] =	sst s0  }
0x18: {  	s0 =	sld [smem:$0x3F98];
	_ =	swait.ge [sflag:s4], $0x0  }
0x19: {  	s7 =	sld [smem:$0x3F99]  }
0x1a: {  	s8 =	sadd.s32 $0xFFFFE003, lr  }
0x1b: {  	s9 =	sadd.s32 $0xFFFFFEF7, lr;
	s5 =	simm.s32 $0xFFFFFFFF;
	p2 =	slt.u32 s8, $0xFFFFF086  }
0x1c: {  	p1 =	slt.u32 s9, $0xF7A;
	s5 =	simm.s32 @!p2 $0x0  }
0x1d: {  	s5 =	simm.s32 @p1 $0x1;
	p0 =	seq.s32 s7, s2  }
0x1e: {  	s7 =	smul.u32 @!p0 $0xF7A, s2;
	p2 =	seq.s32 @!p0 s5, $0x0  }
0x1f: {  	s9 =	smul.u32 $0xF7A, s1;
	s8 =	simm.s32 @!p0 $0x1BF5;
	p2 =	por !p2, p0  }
0x20: {  	[sflag:s8] =	ssyncset.s32 @!p0 $0xFFFFF086;
	s6 =	sadd.s32 @!p0 s3, s7;
	s7 =	simm.s32 @!p0 $0x108  }
0x21: {  	s3 =	sadd.s32 s3, s9;
	s6 =	sadd.s32 @!p0 $0x88, s6;
	s7 =	simm.s32 @p2 $0x1082  }
0x22: {  	[simem:s7], [sflag:s8] =	dma.local @!p0 [hbm:s6], $0xF7A  }
0x23: {  	s9 =	sor.u32 $0xD0000000, s2;
	s6 =	simm.s32 $0x108;
	_ =	swait.ge @!p0 [sflag:s8], $0x0  }
0x24: {  	s3 =	sadd.s32 $0x88, s3;
	s6 =	simm.s32 @!p1 $0x1082;
	[sflag:s4] =	ssyncset.s32 $0xFFFFF086  }
0x25: {  	[simem:s6], [sflag:s4] =	dma.local [hbm:s3], $0xF7A  }
0x26: {  	[smem:$0x3F99] =	sst s1;
	(tag) =	ssettag s2;
	_ =	strace s9  }
0x27: {  	s1 =	sld [smem:$0x3FA9]  }
0x28: {  	s2 =	sld [smem:$0x3FAA]  }
0x29: {  	s4 =	sld [smem:$0x3FAC]  }
0x2a: {  	p0 =	seq.s32 s5, $0x0;
	s5 =	sld [smem:$0x3FAD]  }
0x2b: {  	s6 =	sld [smem:$0x3FAE]  }
0x2c: {  	s7 =	sld [smem:$0x3FAF]  }
0x2d: {  	s3 =	simm.s32 $0x108;
	s8 =	sld [smem:$0x3FB0]  }
0x2e: {  	s3 =	simm.s32 @!p0 $0x1082;
	s9 =	sld [smem:$0x3FB1]  }
0x2f: {  	lr =	sadd.s32 s0, s3;
	s0 =	sld [smem:$0x3FA8]  }
0x30: {  	s3 =	sld [smem:$0x3FAB]  }
0x31: {  	[smem:$0x3FB4] =	sst s10  }
0x32: {  	s10 =	sld [smem:$0x3FB2];
	_ =	sdelay $0x3  }
0x33: {  	p0 =	seq.s32 s10, $0x1;
	s10 =	sld [smem:$0x3FB4];
	_ =	sdelay $0x3  }
0x34: {  	[smem:$0x3FB4] =	sst s10  }
0x35: {  	s10 =	sld [smem:$0x3FB3];
	_ =	sdelay $0x3  }
0x36: {  	p1 =	seq.s32 s10, $0x1;
	s10 =	sld [smem:$0x3FB4];
	_ =	sdelay $0x3  }
0x37: {  	[smem:$0x3FB4] =	sst s10  }
0x38: {  	s10 =	sld [smem:$0x3FB5]  }
0x39: {  	_ = 	snop;
	(pc) =	sbr.ind lr, $3  }
0x3a: {  	_ = 	snop  }
0x3b: {  	_ = 	snop  }
0x3c: {  	p2 =	seq.s32 s10, $0x1;
	s10 =	sld [smem:$0x3FB4]  }
0x3d: {  	_ =	shalt  }
0x3e: {  	_ =	shalt  }
0x3f: {  	_ =	shalt  }
0x40: {  	_ =	shalt  }
0x41: {  	_ =	shalt  }
0x42: {  	_ =	shalt  }
0x43: {  	_ =	shalt  }
0x44: {  	_ =	shalt  }
0x45: {  	_ =	shalt  }
0x46: {  	_ =	shalt  }
0x47: {  	_ =	shalt  }
0x48: {  	_ =	shalt  }
0x49: {  	_ =	shalt  }
0x4a: {  	_ =	shalt  }
0x4b: {  	_ =	shalt  }
0x4c: {  	_ =	shalt  }
0x4d: {  	_ =	shalt  }
0x4e: {  	_ =	shalt  }
0x4f: {  	_ =	shalt  }
0x50: {  	_ =	shalt  }
0x51: {  	_ =	shalt  }
0x52: {  	_ =	shalt  }
0x53: {  	_ =	shalt  }
0x54: {  	_ =	shalt  }
0x55: {  	_ =	shalt  }
0x56: {  	_ =	shalt  }
0x57: {  	_ =	shalt  }
0x58: {  	_ =	shalt  }
0x59: {  	_ =	shalt  }
0x5a: {  	_ =	shalt  }
0x5b: {  	_ =	shalt  }
0x5c: {  	_ =	shalt  }
0x5d: {  	_ =	shalt  }
0x5e: {  	_ =	shalt  }
0x5f: {  	_ =	shalt  }
0x60: {  	_ =	shalt  }
0x61: {  	_ =	shalt  }
0x62: {  	_ =	shalt  }
0x63: {  	_ =	shalt  }
0x64: {  	_ =	shalt  }
0x65: {  	_ =	shalt  }
0x66: {  	_ =	shalt  }
0x67: {  	_ =	shalt  }
0x68: {  	_ =	shalt  }
0x69: {  	_ =	shalt  }
0x6a: {  	_ =	shalt  }
0x6b: {  	_ =	shalt  }
0x6c: {  	_ =	shalt  }
0x6d: {  	_ =	shalt  }
0x6e: {  	_ =	shalt  }
0x6f: {  	_ =	shalt  }
0x70: {  	_ =	shalt  }
0x71: {  	_ =	shalt  }
0x72: {  	_ =	shalt  }
0x73: {  	_ =	shalt  }
0x74: {  	_ =	shalt  }
0x75: {  	_ =	shalt  }
0x76: {  	_ =	shalt  }
0x77: {  	_ =	shalt  }
0x78: {  	_ =	shalt  }
0x79: {  	_ =	shalt  }
0x7a: {  	_ =	shalt  }
0x7b: {  	_ =	shalt  }
0x7c: {  	_ =	shalt  }
0x7d: {  	_ =	shalt  }
0x7e: {  	_ =	shalt  }
0x7f: {  	_ =	shalt  }
0x80: {  	_ =	shalt  }
0x81: {  	_ =	shalt  }
0x82: {  	_ =	shalt  }
0x83: {  	_ =	shalt  }
0x84: {  	_ =	shalt  }
0x85: {  	_ =	shalt  }
0x86: {  	_ =	shalt  }
0x87: {  	_ =	shalt  }
.Lfunc_end0:
.L_simem_size_0:
called_computation.1_lowered:
.L_overlay_start_0:
0x88: {  	s2 =	sld [smem:$0x3FD9]  }
0x89: {  	s3 =	sld [smem:$0x3FFE];
	_ =	sdelay $0x1  }
0x8a: {  	s1 =	srdreg.scid  }
0x8b: {  	s0 =	sand.u32 $0x1, s1  }
0x8c: {  	s17 =	sshll.u32 s0, $0xA;
	s2 =	sadd.s32 s3, s2  }
0x8d: {  	s2 =	sadd.s32 s2, s17  }
0x8e: {  	[smem:$0x3FC0] =	sst s2  }
0x8f: {  	_ = 	snop  }
0x90: {  	s2 =	sld [smem:$0x3FD0];
	(tm) =	ssettm $0x1  }
0x91: {  	s18 =	sld [smem:$0x3FFB];
	_ =	sdelay $0x3  }
0x92: {  	_ =	strace s18  }
0x93: {  	s3 =	sld [smem:$0x3FFC];
	_ =	sdelay $0x3  }
0x94: {  	_ =	strace s3  }
0x95: {  	s3 =	sld [smem:$0x3FFD];
	_ =	sdelay $0x3  }
0x96: {  	_ =	strace s3  }
0x97: {  	_ =	strace $0x8FFFFFFF  }
0x98: {  	s19 =	sld [smem:$0x3FDB];
	_ =	sdelay $0x1  }
0x99: {  	s4 =	simm.s32 $_scs_section_size  }
0x9a: {  	s5 =	simm.s32 $_size__tile_overlayer_lowered;
	s6 =	simm.s32 $_tile_overlayer_lowered  }
0x9b: {  	s22 =	simm.s32 $0x1BFF;
	s21 =	sshll.u32 s6, $0x1;
	s3 =	sadd.s32 s4, s19  }
0x9c: {  	s7 =	simm.s32 $0x0;
	s20 =	sshll.u32 s5, $0x1;
	s5 =	sadd.s32 s21, s3  }
0x9d: {  	[timem:s7], [sflag:s22] =	dma.local [hbm:s5], s20  }
0x9e: {  	_ =	swait.ge [sflag:s22], s20  }
0x9f: {  	s4 =	ssub.s32 $0x0, s20;
	[sflag:s22] =	ssyncset.done $0x0  }
0xa0: {  	[sflag:s22] =	ssyncadd.s32 s4;
	_ =	sdelay $0x1  }
0xa1: {  	s23 =	simm.s32 $0x1B8B  }
0xa2: {  	_ =	swait.ge [sflag:s23], $0x1  }
0xa3: {  	[sflag:s23] =	ssyncset.done $0x0  }
0xa4: {  	s25 =	simm.s32 $0x1B8E;
	s24 =	sld [smem:$0x3FFE];
	[sflag:s23] =	ssyncadd.s32 $0xFFFFFFFF  }
0xa5: {  	s26 =	simm.s32 $execute0_lowered;
	[smem:$0x3FD2] =	sst s25  }
0xa6: {  	s5 =	sshll.u32 s26, $0x1;
	_ =	strace $0x80000049;
	[dreg:$0x1] =	wrdreg $0xFFFFFFFF  }
0xa7: {  	s28 =	simm.s32 $_size_execute0_lowered;
	s3 =	sadd.s32 s3, s5;
	[dreg:$0x0] =	wrdreg $0x0  }
0xa8: {  	s5 =	sshll.u32 s28, $0x1;
	[dreg:$0x2] =	wrdreg s3  }
0xa9: {  	[dreg:$0x3] =	wrdreg s5  }
0xaa: {  	[dreg:$0x4] =	wrdreg $0xC0  }
0xab: {  	_ =	task [dreg:s7], $0x5FFFF  }
0xac: {  	[dreg:$0x1] =	wrdreg $0xFFFFFFFF  }
0xad: {  	[dreg:$0x0] =	wrdreg $0x60  }
0xae: {  	[dreg:$0x2] =	wrdreg s24  }
0xaf: {  	[dreg:$0x3] =	wrdreg s2  }
0xb0: {  	[dreg:$0x4] =	wrdreg $0x9  }
0xb1: {  	_ =	task.clear_ibuf [dreg:s7], $0x5FFFF;
	_ =	strace $0x90000049  }
0xb2: {  	s29 =	simm.s32 $0x9;
	_ =	strace $0x8000004B  }
0xb3: {  	_ =	swait.ge [sflag:s29], $0x1  }
0xb4: {  	[sflag:s29] =	ssyncadd.s32 $0xFFFFFFFF  }
0xb5: {  	_ =	strace $0x9000004B  }
0xb6: {  	_ =	sfence  }
0xb7: {  	s30 =	sld [smem:$0x0];
	_ =	sdelay $0x2  }
0xb8: {  	s31 =	sshll.u32 s1, $0xD;
	s1 =	sshrl.u32 s1, $0x2  }
0xb9: {  	s3 =	sand.u32 $0x4000, s31;
	s1 =	sadd.s32 s1, s30  }
0xba: {  	s0 =	sor.u32 s3, s0;
	s1 =	sshll.u32 s1, $0x11  }
0xbb: {  	s0 =	sor.u32 s1, s0  }
0xbc: {  	s0 =	sadd.s32 $0x8F2B, s0  }
0xbd: {  	[sflag:s0] =	ssyncadd.remote.s32 $0x1  }
0xbe: {  	_ =	sfence.sel $0xFFFF  }
0xbf: {  	[dreg:$0x0] =	wrdreg $0xFFFFFFFF;
	(pc) =	sbr.abs _section_cstart, $3  }
0xc0: {  	[dreg:$0x1] =	wrdreg $0xFFFFFFFF  }
0xc1: {  	_ =	task.clear_ibuf [dreg:s7], $0x2FFFF;
	_ =	strace $0x9FFFFFFF  }
0xc2: {  	(tm) =	ssettm $0x7FFFFFFF  }
0xc3: {  	_ =	shalt  }
tec
execute0_lowered:
.L_overlay_start_1:
0x0: {  	(tag) =	ssettag $0x1  }
0x1: {  	s3 =	rddreg [dreg:$0x0];
	s1 =	srdreg.scid  }
0x2: {  	s0 =	stileid.u32;
	s7 =	rddreg [dreg:$0x1]  }
0x3: {  	s2 =	simm.s32 $0x0;
	s10 =	simm.s32 $0x2780;
	s11 =	simm.s32 $0x3B80  }
0x4: {  	s12 =	simm.s32 $0x4F80;
	s4 =	sand.u32 $0x1, s1;
	s5 =	sshll.u32 s0, $0x1  }
0x5: {  	s13 =	simm.s32 $0x6380;
	s14 =	simm.s32 $0x0;
	s5 =	sor.u32 s4, s5  }
0x6: {  	[smem:$0x7FF] =	sst s2;
	s4 =	ssub.s32 $0x2, s4;
	s8 =	smul.u32 $0x272, s5  }
0x7: {  	s1 =	rddreg [dreg:$0x2];
	_ =	strace $0x8000004A;
	s31 =	sshrl.u32 s4, $0x1  }
0x8: {  	s9 =	ssub.s32 s4, s31;
	s6 =	sadd.s32 s8, s3;
	s3 =	sadd.s32 $0x11000, s3  }
0x9: {  	s7 =	sadd.s32 s7, s8;
	s8 =	smax.u32 s9, $0x1;
	s9 =	simm.s32 $0x1  }
0xa: {  	s4 =	sadd.s32 $0x2000, s6;
	s5 =	sadd.s32 $0xC000, s6;
	s6 =	sadd.s32 $0x7000, s6  }
.LBB2_1:
0xb: {  	[tilespmem:s2], [sflag:$0x1] =	stream.linear.gather [hbm4b:s3+s2], $0x2780, $0x38;
	[tilespmem:$0x7780] =	vst v63  }
0xc: {  	_ =	swait.ge [sflag:s9], $0x2780  }
0xd: {  	[sflag:s9] =	ssyncset.done $0x0  }
0xe: {  	[sflag:s9] =	ssyncadd.s32 $0xFFFFD880  }
0xf: {  	[tilespmem:s10], [sflag:$0x1] =	stream.linear.gather [hbm4b:s4+s2], $0x1390, $0x38;
	[tilespmem:$0x7780] =	vst v63  }
0x10: {  	_ =	swait.ge [sflag:s9], $0x1390  }
0x11: {  	[sflag:s9] =	ssyncset.done $0x0  }
0x12: {  	[sflag:s9] =	ssyncadd.s32 $0xFFFFEC70  }
0x13: {  	[tilespmem:s11], [sflag:$0x1] =	stream.linear.gather [hbm4b:s5+s2], $0x1390, $0x38;
	[tilespmem:$0x7780] =	vst v63  }
0x14: {  	_ =	swait.ge [sflag:s9], $0x1390  }
0x15: {  	[sflag:s9] =	ssyncset.done $0x0  }
0x16: {  	[sflag:s9] =	ssyncadd.s32 $0xFFFFEC70  }
0x17: {  	[tilespmem:s12], [sflag:$0x1] =	stream.linear.gather [hbm4b:s6+s2], $0x1390, $0x38;
	[tilespmem:$0x7780] =	vst v63  }
0x18: {  	_ =	swait.ge [sflag:s9], $0x1390  }
0x19: {  	[sflag:s9] =	ssyncset.done $0x0  }
0x1a: {  	s15 =	simm.s32 $0x0;
	[sflag:s9] =	ssyncadd.s32 $0xFFFFEC70  }
0x1b: {  	v0 =	vld [tilespmem:s15+$0x2780];
	_ =	sdelay $0x1  }
0x1c: {  	v1 =	vld [tilespmem:s15+$0x3B80];
	_ =	sdelay $0x4  }
0x1d: {  	v2 =	vld [tilespmem:s15+$0x4F80]  }
0x1e: {  	v0 =	vld.idx.msk [tilespmem:v0+s2+$0x0], $0xffff;
	_ =	sdelay $0x1  }
0x1f: {  	v1 =	vld.idx.msk [tilespmem:v1+s2+$0x0], $0xffff  }
0x20: {  	s16 =	simm.s32 $0x10;
	s17 =	simm.s32 $0x80  }
.LBB2_2:
0x21: {  	p0 =	sne.s32 s17, $0x4E00;
	v3 =	vld [tilespmem:s16+$0x2780]  }
0x22: {  	v0 =	vmul.f32 v0, v2  }
0x23: {  	v4 =	vld [tilespmem:s16+$0x3B80]  }
0x24: {  	v0 =	vmul.f32 v1, v0;
	_ =	sdelay $0x1  }
0x25: {  	v0 =	vsub.f32 $0.0e+00, v0;
	_ =	sdelay $0x1  }
0x26: {  	[tilespmem:s15+$0x6380] =	vst v0;
	s15 =	smov.u32 s16  }
.Ltmp0:
0x27: {  	v0 =	vld.idx.msk [tilespmem:v3+s2+$0x0], $0xffff;
	(pc) =	sbr.rel @p0 .LBB2_2-.Ltmp0, $3  }
0x28: {  	v2 =	vld [tilespmem:s15+$0x4F80]  }
0x29: {  	v1 =	vld.idx.msk [tilespmem:v4+s2+$0x0], $0xffff;
	_ =	sdelay $0x1  }
0x2a: {  	s16 =	sshra.s32 s17, $0x2;
	s17 =	sadd.s32 $0x40, s17  }
0x2b: {  	v3 =	vld [tilespmem:s16+$0x2780]  }
0x2c: {  	v0 =	vmul.f32 v0, v2;
	_ =	sdelay $0x1  }
0x2d: {  	v62 =	vld [tilespmem:s16+$0x3B80];
	v0 =	vmul.f32 v1, v0;
	_ =	sdelay $0x1  }
0x2e: {  	v0 =	vsub.f32 $0.0e+00, v0;
	_ =	sdelay $0x1  }
0x2f: {  	[tilespmem:s15+$0x6380] =	vst v0  }
0x30: {  	v0 =	vld.idx.msk [tilespmem:v3+s2+$0x0], $0xffff  }
0x31: {  	v63 =	vld [tilespmem:s16+$0x4F80];
	_ =	sdelay $0x1  }
0x32: {  	v2 =	vld.idx.msk [tilespmem:v62+s2+$0x0], $0xffff;
	_ =	sdelay $0x2  }
0x33: {  	v0 =	vmul.f32 v0, v63;
	_ =	sdelay $0x1  }
0x34: {  	v0 =	vmul.f32 v2, v0;
	_ =	sdelay $0x1  }
0x35: {  	s14 =	sadd.s32 $0x1, s14;
	v0 =	vsub.f32 $0.0e+00, v0  }
0x36: {  	p0 =	sne.s32 s14, s8  }
.Ltmp1:
0x37: {  	[tilespmem:s16+$0x6380] =	vst v0;
	(pc) =	sbr.rel @p0 .LBB2_1-.Ltmp1, $4  }
0x38: {  	[hbm4b:s7+s2] =	stream.linear.scatter [tilespmem:s13], [sflag:$0x1], $0x1390, $0x38;
	[tilespmem:$0x7780] =	vst v63  }
0x39: {  	_ =	swait.ge [sflag:s9], $0x1390  }
0x3a: {  	[sflag:s9] =	ssyncset.done $0x0  }
0x3b: {  	[sflag:s9] =	ssyncadd.s32 $0xFFFFEC70  }
0x3c: {  	_ =	sfence.sel $0x180000  }
0x3d: {  	[bflag:$0x0] =	sbarrier.arrive $0xFFFF  }
0x3e: {  	p0 =	sne.s32 s0, $0x0;
	_ =	strace $0x9000004A  }
0x3f: {  	s0 =	sadd.s32 @!p0 $0x100000, s1;
	[bflag:$0x2] =	sbarrier.arrive $0xFFFF  }
0x40: {  	[sflag:s0] =	ssyncadd.tile.s32 @!p0 $0x1;
	_ =	shalt  }
.Lfunc_end2:
_tile_overlayer_lowered:
.L_overlay_start_2:
0x41: {  	(tag) =	ssettag $0x2  }
0x42: {  	s0 =	rddreg [dreg:$0x0];
	s2 =	stileid.u32  }
0x43: {  	s1 =	rddreg [dreg:$0x1];
	p0 =	sne.s32 s2, $0x0  }
0x44: {  	s3 =	rddreg [dreg:$0x2];
	[bflag:$0x3] =	sbarrier.arrive $0xFFFF;
	s2 =	simm.s32 @!p0 $0x1C01  }
0x45: {  	[timem:s3], [sflag:s2] =	dma.local @!p0 [hbm:s0], s1  }
0x46: {  	s0 =	simm.s32 @!p0 $0x1  }
0x47: {  	_ =	swait.ge @!p0 [sflag:s0], s1  }
0x48: {  	s1 =	ssub.s32 @!p0 $0x0, s1;
	[sflag:s0] =	ssyncset.done @!p0 $0x0  }
0x49: {  	[sflag:s0] =	ssyncadd.s32 @!p0 s1  }
0x4a: {  	[bflag:$0x3] =	sbarrier.arrive $0xFFFF  }
0x4b: {  	_ =	shalt  }

// kernel: kernel.13.cloned.1.call-start
scs
__scs_entry_jumppad:
0x0: {  	(pc) =	sbr.rel $0x88, $3  }
0x1: {  	(tag) =	ssettag $0x0;
	lr =	simm.s32 $0x1  }
0x2: {  	[smem:$0x3F99] =	sst lr;
	_ =	strace $0xD0000000  }
0x3: {  	_ = 	snop  }
0x4: {  	_ = 	snop  }
0x5: {  	_ = 	snop  }
0x6: {  	_ = 	snop  }
0x7: {  	_ = 	snop  }
__scs_overlays_trampoline_lowered:
0x8: {  	[smem:$0x3FA8] =	sst s0  }
0x9: {  	[smem:$0x3FA9] =	sst s1  }
0xa: {  	[smem:$0x3FAA] =	sst s2  }
0xb: {  	[smem:$0x3FAB] =	sst s3  }
0xc: {  	[smem:$0x3FAC] =	sst s4  }
0xd: {  	[smem:$0x3FAD] =	sst s5  }
0xe: {  	[smem:$0x3FAE] =	sst s6  }
0xf: {  	[smem:$0x3FAF] =	sst s7  }
0x10: {  	[smem:$0x3FB0] =	sst s8  }
0x11: {  	[smem:$0x3FB1] =	sst s9;
	s0 =	simm.s32 @!p0 $0x0  }
0x12: {  	s1 =	sld [smem:$0x3F97];
	s0 =	simm.s32 @p0 $0x1  }
0x13: {  	[smem:$0x3FB2] =	sst s0;
	s0 =	simm.s32 @!p1 $0x0  }
0x14: {  	s2 =	sld [smem:$0x3F96];
	s0 =	simm.s32 @p1 $0x1  }
0x15: {  	[smem:$0x3FB3] =	sst s0;
	s0 =	simm.s32 @!p2 $0x0  }
0x16: {  	s3 =	sld [smem:$0x3FDB];
	s0 =	simm.s32 @p2 $0x1  }
0x17: {  	s4 =	simm.s32 $0x1BF5;
	[smem:$0x3FB5] =	sst s0  }
0x18: {  	s0 =	sld [smem:$0x3F98];
	_ =	swait.ge [sflag:s4], $0x0  }
0x19: {  	s7 =	sld [smem:$0x3F99]  }
0x1a: {  	s8 =	sadd.s32 $0xFFFFE003, lr  }
0x1b: {  	s9 =	sadd.s32 $0xFFFFFEF7, lr;
	s5 =	simm.s32 $0xFFFFFFFF;
	p2 =	slt.u32 s8, $0xFFFFF086  }
0x1c: {  	p1 =	slt.u32 s9, $0xF7A;
	s5 =	simm.s32 @!p2 $0x0  }
0x1d: {  	s5 =	simm.s32 @p1 $0x1;
	p0 =	seq.s32 s7, s2  }
0x1e: {  	s7 =	smul.u32 @!p0 $0xF7A, s2;
	p2 =	seq.s32 @!p0 s5, $0x0  }
0x1f: {  	s9 =	smul.u32 $0xF7A, s1;
	s8 =	simm.s32 @!p0 $0x1BF5;
	p2 =	por !p2, p0  }
0x20: {  	[sflag:s8] =	ssyncset.s32 @!p0 $0xFFFFF086;
	s6 =	sadd.s32 @!p0 s3, s7;
	s7 =	simm.s32 @!p0 $0x108  }
0x21: {  	s3 =	sadd.s32 s3, s9;
	s6 =	sadd.s32 @!p0 $0x88, s6;
	s7 =	simm.s32 @p2 $0x1082  }
0x22: {  	[simem:s7], [sflag:s8] =	dma.local @!p0 [hbm:s6], $0xF7A  }
0x23: {  	s9 =	sor.u32 $0xD0000000, s2;
	s6 =	simm.s32 $0x108;
	_ =	swait.ge @!p0 [sflag:s8], $0x0  }
0x24: {  	s3 =	sadd.s32 $0x88, s3;
	s6 =	simm.s32 @!p1 $0x1082;
	[sflag:s4] =	ssyncset.s32 $0xFFFFF086  }
0x25: {  	[simem:s6], [sflag:s4] =	dma.local [hbm:s3], $0xF7A  }
0x26: {  	[smem:$0x3F99] =	sst s1;
	(tag) =	ssettag s2;
	_ =	strace s9  }
0x27: {  	s1 =	sld [smem:$0x3FA9]  }
0x28: {  	s2 =	sld [smem:$0x3FAA]  }
0x29: {  	s4 =	sld [smem:$0x3FAC]  }
0x2a: {  	p0 =	seq.s32 s5, $0x0;
	s5 =	sld [smem:$0x3FAD]  }
0x2b: {  	s6 =	sld [smem:$0x3FAE]  }
0x2c: {  	s7 =	sld [smem:$0x3FAF]  }
0x2d: {  	s3 =	simm.s32 $0x108;
	s8 =	sld [smem:$0x3FB0]  }
0x2e: {  	s3 =	simm.s32 @!p0 $0x1082;
	s9 =	sld [smem:$0x3FB1]  }
0x2f: {  	lr =	sadd.s32 s0, s3;
	s0 =	sld [smem:$0x3FA8]  }
0x30: {  	s3 =	sld [smem:$0x3FAB]  }
0x31: {  	[smem:$0x3FB4] =	sst s10  }
0x32: {  	s10 =	sld [smem:$0x3FB2];
	_ =	sdelay $0x3  }
0x33: {  	p0 =	seq.s32 s10, $0x1;
	s10 =	sld [smem:$0x3FB4];
	_ =	sdelay $0x3  }
0x34: {  	[smem:$0x3FB4] =	sst s10  }
0x35: {  	s10 =	sld [smem:$0x3FB3];
	_ =	sdelay $0x3  }
0x36: {  	p1 =	seq.s32 s10, $0x1;
	s10 =	sld [smem:$0x3FB4];
	_ =	sdelay $0x3  }
0x37: {  	[smem:$0x3FB4] =	sst s10  }
0x38: {  	s10 =	sld [smem:$0x3FB5]  }
0x39: {  	_ = 	snop;
	(pc) =	sbr.ind lr, $3  }
0x3a: {  	_ = 	snop  }
0x3b: {  	_ = 	snop  }
0x3c: {  	p2 =	seq.s32 s10, $0x1;
	s10 =	sld [smem:$0x3FB4]  }
0x3d: {  	_ =	shalt  }
0x3e: {  	_ =	shalt  }
0x3f: {  	_ =	shalt  }
0x40: {  	_ =	shalt  }
0x41: {  	_ =	shalt  }
0x42: {  	_ =	shalt  }
0x43: {  	_ =	shalt  }
0x44: {  	_ =	shalt  }
0x45: {  	_ =	shalt  }
0x46: {  	_ =	shalt  }
0x47: {  	_ =	shalt  }
0x48: {  	_ =	shalt  }
0x49: {  	_ =	shalt  }
0x4a: {  	_ =	shalt  }
0x4b: {  	_ =	shalt  }
0x4c: {  	_ =	shalt  }
0x4d: {  	_ =	shalt  }
0x4e: {  	_ =	shalt  }
0x4f: {  	_ =	shalt  }
0x50: {  	_ =	shalt  }
0x51: {  	_ =	shalt  }
0x52: {  	_ =	shalt  }
0x53: {  	_ =	shalt  }
0x54: {  	_ =	shalt  }
0x55: {  	_ =	shalt  }
0x56: {  	_ =	shalt  }
0x57: {  	_ =	shalt  }
0x58: {  	_ =	shalt  }
0x59: {  	_ =	shalt  }
0x5a: {  	_ =	shalt  }
0x5b: {  	_ =	shalt  }
0x5c: {  	_ =	shalt  }
0x5d: {  	_ =	shalt  }
0x5e: {  	_ =	shalt  }
0x5f: {  	_ =	shalt  }
0x60: {  	_ =	shalt  }
0x61: {  	_ =	shalt  }
0x62: {  	_ =	shalt  }
0x63: {  	_ =	shalt  }
0x64: {  	_ =	shalt  }
0x65: {  	_ =	shalt  }
0x66: {  	_ =	shalt  }
0x67: {  	_ =	shalt  }
0x68: {  	_ =	shalt  }
0x69: {  	_ =	shalt  }
0x6a: {  	_ =	shalt  }
0x6b: {  	_ =	shalt  }
0x6c: {  	_ =	shalt  }
0x6d: {  	_ =	shalt  }
0x6e: {  	_ =	shalt  }
0x6f: {  	_ =	shalt  }
0x70: {  	_ =	shalt  }
0x71: {  	_ =	shalt  }
0x72: {  	_ =	shalt  }
0x73: {  	_ =	shalt  }
0x74: {  	_ =	shalt  }
0x75: {  	_ =	shalt  }
0x76: {  	_ =	shalt  }
0x77: {  	_ =	shalt  }
0x78: {  	_ =	shalt  }
0x79: {  	_ =	shalt  }
0x7a: {  	_ =	shalt  }
0x7b: {  	_ =	shalt  }
0x7c: {  	_ =	shalt  }
0x7d: {  	_ =	shalt  }
0x7e: {  	_ =	shalt  }
0x7f: {  	_ =	shalt  }
0x80: {  	_ =	shalt  }
0x81: {  	_ =	shalt  }
0x82: {  	_ =	shalt  }
0x83: {  	_ =	shalt  }
0x84: {  	_ =	shalt  }
0x85: {  	_ =	shalt  }
0x86: {  	_ =	shalt  }
0x87: {  	_ =	shalt  }
.Lfunc_end0:
.L_simem_size_0:
called_computation.2_lowered:
.L_overlay_start_0:
0x88: {  	s2 =	sld [smem:$0x3FD9]  }
0x89: {  	s3 =	sld [smem:$0x3FFE];
	_ =	sdelay $0x1  }
0x8a: {  	s1 =	srdreg.scid  }
0x8b: {  	s0 =	sand.u32 $0x1, s1  }
0x8c: {  	s17 =	sshll.u32 s0, $0xA;
	s2 =	sadd.s32 s3, s2  }
0x8d: {  	s2 =	sadd.s32 s2, s17  }
0x8e: {  	[smem:$0x3FC0] =	sst s2  }
0x8f: {  	_ = 	snop  }
0x90: {  	s2 =	sld [smem:$0x3FD0];
	(tm) =	ssettm $0x1  }
0x91: {  	s18 =	sld [smem:$0x3FFB];
	_ =	sdelay $0x3  }
0x92: {  	_ =	strace s18  }
0x93: {  	s3 =	sld [smem:$0x3FFC];
	_ =	sdelay $0x3  }
0x94: {  	_ =	strace s3  }
0x95: {  	s3 =	sld [smem:$0x3FFD];
	_ =	sdelay $0x3  }
0x96: {  	_ =	strace s3  }
0x97: {  	_ =	strace $0x8FFFFFFF  }
0x98: {  	s19 =	sld [smem:$0x3FDB];
	_ =	sdelay $0x1  }
0x99: {  	s4 =	simm.s32 $_scs_section_size  }
0x9a: {  	s5 =	simm.s32 $_size__tile_overlayer_lowered;
	s6 =	simm.s32 $_tile_overlayer_lowered  }
0x9b: {  	s22 =	simm.s32 $0x1BFF;
	s21 =	sshll.u32 s6, $0x1;
	s3 =	sadd.s32 s4, s19  }
0x9c: {  	s7 =	simm.s32 $0x0;
	s20 =	sshll.u32 s5, $0x1;
	s5 =	sadd.s32 s21, s3  }
0x9d: {  	[timem:s7], [sflag:s22] =	dma.local [hbm:s5], s20  }
0x9e: {  	_ =	swait.ge [sflag:s22], s20  }
0x9f: {  	s4 =	ssub.s32 $0x0, s20;
	[sflag:s22] =	ssyncset.done $0x0  }
0xa0: {  	[sflag:s22] =	ssyncadd.s32 s4;
	_ =	sdelay $0x1  }
0xa1: {  	s23 =	simm.s32 $0x1B8B  }
0xa2: {  	_ =	swait.ge [sflag:s23], $0x1  }
0xa3: {  	[sflag:s23] =	ssyncset.done $0x0  }
0xa4: {  	s25 =	simm.s32 $0x1B8E;
	s24 =	sld [smem:$0x3FFE];
	[sflag:s23] =	ssyncadd.s32 $0xFFFFFFFF  }
0xa5: {  	s26 =	simm.s32 $execute0_lowered;
	[smem:$0x3FD2] =	sst s25  }
0xa6: {  	s5 =	sshll.u32 s26, $0x1;
	_ =	strace $0x8000004C;
	[dreg:$0x1] =	wrdreg $0xFFFFFFFF  }
0xa7: {  	s28 =	simm.s32 $_size_execute0_lowered;
	s3 =	sadd.s32 s3, s5;
	[dreg:$0x0] =	wrdreg $0x0  }
0xa8: {  	s5 =	sshll.u32 s28, $0x1;
	[dreg:$0x2] =	wrdreg s3  }
0xa9: {  	[dreg:$0x3] =	wrdreg s5  }
0xaa: {  	[dreg:$0x4] =	wrdreg $0xC0  }
0xab: {  	_ =	task [dreg:s7], $0x5FFFF  }
0xac: {  	[dreg:$0x1] =	wrdreg $0xFFFFFFFF  }
0xad: {  	[dreg:$0x0] =	wrdreg $0x60  }
0xae: {  	[dreg:$0x2] =	wrdreg s24  }
0xaf: {  	[dreg:$0x3] =	wrdreg s2  }
0xb0: {  	[dreg:$0x4] =	wrdreg $0x9  }
0xb1: {  	_ =	task.clear_ibuf [dreg:s7], $0x5FFFF;
	_ =	strace $0x9000004C  }
0xb2: {  	s29 =	simm.s32 $0x9;
	_ =	strace $0x8000004E  }
0xb3: {  	_ =	swait.ge [sflag:s29], $0x1  }
0xb4: {  	[sflag:s29] =	ssyncadd.s32 $0xFFFFFFFF  }
0xb5: {  	_ =	strace $0x9000004E  }
0xb6: {  	_ =	sfence  }
0xb7: {  	s30 =	sld [smem:$0x0];
	_ =	sdelay $0x2  }
0xb8: {  	s31 =	sshll.u32 s1, $0xD;
	s1 =	sshrl.u32 s1, $0x2  }
0xb9: {  	s3 =	sand.u32 $0x4000, s31;
	s1 =	sadd.s32 s1, s30  }
0xba: {  	s0 =	sor.u32 s3, s0;
	s1 =	sshll.u32 s1, $0x11  }
0xbb: {  	s0 =	sor.u32 s1, s0  }
0xbc: {  	s0 =	sadd.s32 $0x8F2B, s0  }
0xbd: {  	[sflag:s0] =	ssyncadd.remote.s32 $0x1  }
0xbe: {  	_ =	sfence.sel $0xFFFF  }
0xbf: {  	[dreg:$0x0] =	wrdreg $0xFFFFFFFF;
	(pc) =	sbr.abs _section_cstart, $3  }
0xc0: {  	[dreg:$0x1] =	wrdreg $0xFFFFFFFF  }
0xc1: {  	_ =	task.clear_ibuf [dreg:s7], $0x2FFFF;
	_ =	strace $0x9FFFFFFF  }
0xc2: {  	(tm) =	ssettm $0x7FFFFFFF  }
0xc3: {  	_ =	shalt  }
tec
execute0_lowered:
.L_overlay_start_1:
0x0: {  	(tag) =	ssettag $0x1  }
0x1: {  	s0 =	rddreg [dreg:$0x0]  }
0x2: {  	s1 =	rddreg [dreg:$0x1];
	s2 =	simm.s32 $0x0;
	s4 =	srdreg.scid  }
0x3: {  	s5 =	stileid.u32;
	s13 =	simm.s32 $0x3;
	s14 =	simm.s32 $0x80  }
0x4: {  	s15 =	simm.s32 $0x400;
	s16 =	simm.s32 $0x2800;
	s17 =	simm.s32 $0x14000  }
0x5: {  	s18 =	simm.s32 $0x15400;
	s19 =	simm.s32 $0x16800;
	s20 =	simm.s32 $0x17C00  }
0x6: {  	s21 =	simm.s32 $0x19000;
	s22 =	simm.s32 $0x1A400;
	s23 =	simm.s32 $0x1  }
0x7: {  	s24 =	simm.s32 $0x5000;
	s28 =	simm.s32 $0xA000;
	s29 =	simm.s32 $0xC800  }
0x8: {  	[smem:$0x7FF] =	sst s2;
	s3 =	sadd.s32 $0x11600, s0;
	s6 =	sand.u32 $0x1, s4  }
0x9: {  	s25 =	sshll.u32 s5, $0x9;
	s5 =	sshrl.u32 s5, $0x1;
	s4 =	sadd.s32 $0x2000, s0  }
0xa: {  	s26 =	sadd.s32 $0x11000, s0;
	_ =	strace $0x8000004D;
	s7 =	sshll.u32 s6, $0x8  }
0xb: {  	s8 =	smul.u32 $0x14000, s5;
	s9 =	sand.u32 $0x200, s25;
	s5 =	sadd.s32 $0xC000, s0  }
0xc: {  	[dreg:$0x3] =	wrdreg s26;
	s6 =	ssub.s32 $0x2, s6;
	s7 =	sor.u32 s7, s9  }
0xd: {  	s0 =	sadd.s32 $0x25600, s0;
	s30 =	sshrl.u32 s6, $0x1;
	s7 =	sor.u32 s8, s7  }
0xe: {  	s25 =	simm.s32 $0x7800;
	s6 =	ssub.s32 s6, s30;
	s31 =	sshrl.u32 s7, $0x3  }
0xf: {  	s26 =	simm.s32 $0x2;
	s11 =	smax.u32 s6, $0x1;
	s7 =	sadd.s32 s3, s31  }
0x10: {  	s10 =	sor.u32 $0x10, s31;
	s9 =	sadd.s32 s0, s31;
	[dreg:$0x4] =	wrdreg s7  }
0x11: {  	v0 =	vimm.f32 $0.0e+00;
	s8 =	sadd.s32 s3, s10;
	s10 =	sadd.s32 s0, s10;
	s0 =	simm.s32 $0x0  }
.LBB2_1:
0x12: {  	s3 =	rddreg [dreg:$0x3];
	s6 =	simm.s32 $0x1B800  }
0x13: {  	[tilespmem:s6], [sflag:$0x3] =	stream.linear.gather [hbm4b:s3+s2], $0x800, $0x38;
	[tilespmem:$0x1C000] =	vst v63  }
0x14: {  	_ =	swait.ge [sflag:s13], $0x800  }
0x15: {  	[sflag:s13] =	ssyncset.done $0x0  }
0x16: {  	s31 =	rddreg [dreg:$0x4];
	[sflag:s13] =	ssyncadd.s32 $0xFFFFF800  }
0x17: {  	[tilespmem:s2], [sflag:$0x3] =	stream.strided.gather [hbm4b:s31+s14], $0x2800, s15, s14, $0x38;
	[tilespmem:$0x1C000] =	vst v63  }
0x18: {  	_ =	swait.ge [sflag:s13], $0x2800  }
0x19: {  	[sflag:s13] =	ssyncset.done $0x0  }
0x1a: {  	[sflag:s13] =	ssyncadd.s32 $0xFFFFD800  }
0x1b: {  	[tilespmem:s16], [sflag:$0x3] =	stream.strided.gather [hbm4b:s8+s14], $0x2800, s15, s14, $0x38;
	[tilespmem:$0x1C000] =	vst v63  }
0x1c: {  	_ =	swait.ge [sflag:s13], $0x2800  }
0x1d: {  	[sflag:s13] =	ssyncset.done $0x0  }
0x1e: {  	s3 =	simm.s32 $0x40;
	s6 =	simm.s32 $0x0;
	[sflag:s13] =	ssyncadd.s32 $0xFFFFD800  }
.LBB2_2:
0x1f: {  	p0 =	sne.s32 s3, $0x9FC0;
	[tilespmem:s6+$0x5000] =	vst v0;
	s12 =	smov.u32 s3;
	s3 =	sadd.s32 $0x40, s3  }
.Ltmp0:
0x20: {  	[tilespmem:s6+$0x7800] =	vst v0;
	(pc) =	sbr.rel @p0 .LBB2_2-.Ltmp0, $2  }
0x21: {  	_ =	sdelay $0x2  }
0x22: {  	s6 =	sshra.s32 s12, $0x2  }
0x23: {  	[tilespmem:s6+$0x5000] =	vst v0  }
0x24: {  	[tilespmem:s6+$0x7800] =	vst v0;
	s3 =	simm.s32 $0x0  }
0x25: {  	[tilespmem:s17], [sflag:$0x1] =	stream.linear.gather [hbm4b:s4+s3], $0x1390, $0x38;
	[tilespmem:$0x1C000] =	vst v63  }
0x26: {  	_ = 	snop  }
0x27: {  	[tilespmem:s18], [sflag:$0x1] =	stream.linear.gather [hbm4b:s5+s3], $0x1390, $0x38;
	[tilespmem:$0x1C000] =	vst v63  }
0x28: {  	s12 =	simm.s32 $0x0  }
0x29: {  	[tilespmem:s19], [sflag:$0x1] =	stream.linear.gather [hbm4b:s1+s3], $0x1390, $0x38;
	[tilespmem:$0x1C000] =	vst v63  }
.LBB2_4:
0x2a: {  	s30 =	smul.u32 $0x2720, s12;
	_ =	sdelay $0x1  }
0x2b: {  	s6 =	sshrl.u32 s30, $0x3  }
0x2c: {  	s6 =	sadd.s32 $0x272, s6  }
0x2d: {  	s31 =	sadd.s32 s4, s6  }
0x2e: {  	[tilespmem:s20], [sflag:$0x2] =	stream.linear.gather [hbm4b:s31+s3], $0x1390, $0x38;
	[tilespmem:$0x1C000] =	vst v63  }
0x2f: {  	s31 =	sadd.s32 s5, s6  }
0x30: {  	[tilespmem:s21], [sflag:$0x2] =	stream.linear.gather [hbm4b:s31+s3], $0x1390, $0x38;
	[tilespmem:$0x1C000] =	vst v63  }
0x31: {  	s6 =	sadd.s32 s1, s6  }
0x32: {  	[tilespmem:s22], [sflag:$0x2] =	stream.linear.gather [hbm4b:s6+s3], $0x1390, $0x38;
	[tilespmem:$0x1C000] =	vst v63  }
0x33: {  	_ =	swait.ge [sflag:s23], $0x1390  }
0x34: {  	[sflag:s23] =	ssyncset.done $0x0  }
0x35: {  	[sflag:s23] =	ssyncadd.s32 $0xFFFFEC70  }
0x36: {  	_ =	swait.ge [sflag:s23], $0x1390  }
0x37: {  	[sflag:s23] =	ssyncset.done $0x0  }
0x38: {  	[sflag:s23] =	ssyncadd.s32 $0xFFFFEC70  }
0x39: {  	_ =	swait.ge [sflag:s23], $0x1390  }
0x3a: {  	[sflag:s23] =	ssyncset.done $0x0  }
0x3b: {  	s31 =	simm.s32 $0x40;
	s6 =	simm.s32 $0x0;
	[sflag:s23] =	ssyncadd.s32 $0xFFFFEC70  }
.LBB2_5:
0x3c: {  	p0 =	sne.s32 s31, $0x4E00;
	v1 =	vld [tilespmem:s6+$0x14000];
	_ =	sdelay $0x6  }
0x3d: {  	v2 =	vld [tilespmem:s6+$0x15400]  }
0x3e: {  	v3 =	vld.idx.msk [tilespmem:v1+s2+$0x0], $0xffff  }
0x3f: {  	v4 =	vld [tilespmem:s6+$0x16800];
	_ =	sdelay $0x4  }
0x40: {  	v3 =	vmul.f32 v3, v4;
	_ =	sdelay $0x1  }
0x41: {  	[tilespmem:v2+s24+$0x0] =	vst.idx.add.f32.msk $0xffff, v3  }
0x42: {  	v1 =	vld.idx.msk [tilespmem:v1+s16+$0x0], $0xffff;
	_ =	sdelay $0x3  }
.Ltmp1:
0x43: {  	(pc) =	sbr.rel @p0 .LBB2_5-.Ltmp1, $3  }
0x44: {  	_ = 	snop  }
0x45: {  	v1 =	vmul.f32 v1, v4;
	_ =	sdelay $0x1  }
0x46: {  	s6 =	sshra.s32 s31, $0x2;
	s31 =	sadd.s32 $0x40, s31;
	[tilespmem:v2+s25+$0x0] =	vst.idx.add.f32.msk $0xffff, v1  }
0x47: {  	v1 =	vld [tilespmem:s6+$0x14000];
	_ =	sdelay $0x5  }
0x48: {  	v2 =	vld [tilespmem:s6+$0x15400]  }
0x49: {  	v4 =	vld [tilespmem:s6+$0x16800]  }
0x4a: {  	v3 =	vld.idx.msk [tilespmem:v1+s2+$0x0], $0xffff;
	_ =	sdelay $0x4  }
0x4b: {  	v3 =	vmul.f32 v3, v4;
	_ =	sdelay $0x1  }
0x4c: {  	[tilespmem:v2+s24+$0x0] =	vst.idx.add.f32.msk $0xffff, v3  }
0x4d: {  	v1 =	vld.idx.msk [tilespmem:v1+s16+$0x0], $0xffff;
	_ =	sdelay $0x3  }
0x4e: {  	p0 =	seq.s32 s12, $0xF  }
0x4f: {  	s6 =	sshrl.u32 @!p0 s30, $0x3;
	v1 =	vmul.f32 v1, v4  }
0x50: {  	s6 =	sadd.s32 @!p0 $0x4E4, s6  }
0x51: {  	s31 =	simm.s32 @!p0 $0x0;
	s7 =	simm.s32 @!p0 $0x14000;
	s30 =	sadd.s32 @!p0 s4, s6;
	[tilespmem:v2+s25+$0x0] =	vst.idx.add.f32.msk $0xffff, v1  }
0x52: {  	[tilespmem:s7], [sflag:$0x1] =	stream.linear.gather @!p0 [hbm4b:s30+s31], $0x1390, $0x38;
	[tilespmem:$0x1C000] =	vst v63  }
0x53: {  	s7 =	sadd.s32 @!p0 s5, s6;
	s30 =	simm.s32 @!p0 $0x15400  }
0x54: {  	[tilespmem:s30], [sflag:$0x1] =	stream.linear.gather @!p0 [hbm4b:s7+s31], $0x1390, $0x38;
	[tilespmem:$0x1C000] =	vst v63  }
0x55: {  	s6 =	sadd.s32 @!p0 s1, s6;
	s7 =	simm.s32 @!p0 $0x16800  }
0x56: {  	[tilespmem:s7], [sflag:$0x1] =	stream.linear.gather @!p0 [hbm4b:s6+s31], $0x1390, $0x38;
	[tilespmem:$0x1C000] =	vst v63  }
0x57: {  	_ =	swait.ge [sflag:s26], $0x1390  }
0x58: {  	[sflag:s26] =	ssyncset.done $0x0  }
0x59: {  	[sflag:s26] =	ssyncadd.s32 $0xFFFFEC70  }
0x5a: {  	_ =	swait.ge [sflag:s26], $0x1390  }
0x5b: {  	[sflag:s26] =	ssyncset.done $0x0  }
0x5c: {  	[sflag:s26] =	ssyncadd.s32 $0xFFFFEC70  }
0x5d: {  	_ =	swait.ge [sflag:s26], $0x1390  }
0x5e: {  	[sflag:s26] =	ssyncset.done $0x0  }
0x5f: {  	s30 =	simm.s32 $0x40;
	s6 =	simm.s32 $0x0;
	[sflag:s26] =	ssyncadd.s32 $0xFFFFEC70  }
.LBB2_7:
0x60: {  	p0 =	sne.s32 s30, $0x4E00;
	v1 =	vld [tilespmem:s6+$0x17C00];
	_ =	sdelay $0x6  }
0x61: {  	v2 =	vld [tilespmem:s6+$0x19000]  }
0x62: {  	v3 =	vld.idx.msk [tilespmem:v1+s2+$0x0], $0xffff  }
0x63: {  	v4 =	vld [tilespmem:s6+$0x1A400];
	_ =	sdelay $0x4  }
0x64: {  	v3 =	vmul.f32 v3, v4;
	_ =	sdelay $0x1  }
0x65: {  	[tilespmem:v2+s24+$0x0] =	vst.idx.add.f32.msk $0xffff, v3  }
0x66: {  	v1 =	vld.idx.msk [tilespmem:v1+s16+$0x0], $0xffff;
	_ =	sdelay $0x3  }
.Ltmp2:
0x67: {  	(pc) =	sbr.rel @p0 .LBB2_7-.Ltmp2, $3  }
0x68: {  	_ = 	snop  }
0x69: {  	v1 =	vmul.f32 v1, v4;
	_ =	sdelay $0x1  }
0x6a: {  	s6 =	sshra.s32 s30, $0x2;
	s30 =	sadd.s32 $0x40, s30;
	[tilespmem:v2+s25+$0x0] =	vst.idx.add.f32.msk $0xffff, v1  }
0x6b: {  	v1 =	vld [tilespmem:s6+$0x17C00];
	_ =	sdelay $0x5  }
0x6c: {  	v2 =	vld [tilespmem:s6+$0x19000]  }
0x6d: {  	v4 =	vld [tilespmem:s6+$0x1A400]  }
0x6e: {  	v3 =	vld.idx.msk [tilespmem:v1+s2+$0x0], $0xffff;
	_ =	sdelay $0x4  }
0x6f: {  	v3 =	vmul.f32 v3, v4;
	_ =	sdelay $0x1  }
0x70: {  	[tilespmem:v2+s24+$0x0] =	vst.idx.add.f32.msk $0xffff, v3  }
0x71: {  	v1 =	vld.idx.msk [tilespmem:v1+s16+$0x0], $0xffff  }
0x72: {  	s12 =	sadd.s32 $0x1, s12  }
0x73: {  	p0 =	sne.s32 s12, $0x10  }
.Ltmp3:
0x74: {  	_ = 	snop;
	(pc) =	sbr.rel @p0 .LBB2_4-.Ltmp3, $3  }
0x75: {  	_ = 	snop  }
0x76: {  	v1 =	vmul.f32 v1, v4;
	_ =	sdelay $0x1  }
0x77: {  	[tilespmem:v2+s25+$0x0] =	vst.idx.add.f32.msk $0xffff, v1  }
0x78: {  	v1 =	vld [tilespmem:$0x1B800]  }
0x79: {  	v2 =	vld [tilespmem:$0x1B880];
	s30 =	simm.s32 $0x0  }
0x7a: {  	v4 =	vld [tilespmem:s30+$0x2800]  }
0x7b: {  	v5 =	vld [tilespmem:s30+$0x7800]  }
0x7c: {  	v6 =	vld [tilespmem:s30+$0x0]  }
0x7d: {  	v7 =	vld [tilespmem:s30+$0x5000];
	_ =	sdelay $0x1  }
0x7e: {  	s12 =	simm.s32 $0x10  }
0x7f: {  	v3 =	vld [tilespmem:s12+$0x2800];
	v8 =	vmul.f32 v4, v1;
	v9 =	vmul.f32 v5, v2  }
0x80: {  	v4 =	vld [tilespmem:s12+$0x7800]  }
0x81: {  	v10 =	vmul.f32 v6, v1;
	v5 =	vld [tilespmem:s12+$0x0];
	v7 =	vmul.f32 v7, v2;
	v8 =	vadd.f32 v9, v8  }
0x82: {  	v6 =	vld [tilespmem:s12+$0x5000]  }
0x83: {  	s3 =	simm.s32 $0x40;
	s6 =	simm.s32 $0x80;
	v7 =	vadd.f32 v7, v10;
	[tilespmem:s30+$0x11800] =	vst v8  }
.LBB2_10:
0x84: {  	s7 =	sshra.s32 s6, $0x2;
	p0 =	sne.s32 s6, $0x9FC0  }
.Ltmp4:
0x85: {  	s6 =	sadd.s32 $0x40, s6;
	v8 =	vmul.f32 v3, v1;
	v3 =	vld [tilespmem:s7+$0x2800];
	v9 =	vmul.f32 v4, v2;
	[tilespmem:s30+$0xF000] =	vst v7;
	(pc) =	sbr.rel @p0 .LBB2_10-.Ltmp4, $4  }
0x86: {  	s30 =	smov.u32 s12;
	s12 =	smov.u32 s7;
	v4 =	vld [tilespmem:s7+$0x7800];
	v7 =	vmul.f32 v5, v1  }
0x87: {  	v5 =	vld [tilespmem:s12+$0x0];
	v10 =	vmul.f32 v6, v2;
	v8 =	vadd.f32 v9, v8  }
0x88: {  	v6 =	vld [tilespmem:s12+$0x5000]  }
0x89: {  	v7 =	vadd.f32 v10, v7;
	[tilespmem:s30+$0x11800] =	vst v8  }
0x8a: {  	_ =	sdelay $0x1  }
0x8b: {  	v3 =	vmul.f32 v3, v1;
	v4 =	vmul.f32 v4, v2  }
0x8c: {  	v1 =	vmul.f32 v5, v1;
	v2 =	vmul.f32 v6, v2  }
0x8d: {  	v3 =	vadd.f32 v4, v3  }
0x8e: {  	[tilespmem:s30+$0xF000] =	vst v7;
	v1 =	vadd.f32 v2, v1  }
0x8f: {  	[tilespmem:s12+$0x11800] =	vst v3  }
0x90: {  	s6 =	simm.s32 $0x0;
	[tilespmem:s12+$0xF000] =	vst v1  }
.LBB2_12:
0x91: {  	p0 =	sne.s32 s3, $0x9FC0;
	[tilespmem:s6+$0xA000] =	vst v0;
	s7 =	smov.u32 s3;
	s3 =	sadd.s32 $0x40, s3  }
.Ltmp5:
0x92: {  	[tilespmem:s6+$0xC800] =	vst v0;
	(pc) =	sbr.rel @p0 .LBB2_12-.Ltmp5, $2  }
0x93: {  	_ =	sdelay $0x2  }
0x94: {  	s6 =	sshra.s32 s7, $0x2  }
0x95: {  	[tilespmem:s6+$0xA000] =	vst v0  }
0x96: {  	[tilespmem:s6+$0xC800] =	vst v0;
	s3 =	simm.s32 $0x0  }
0x97: {  	[tilespmem:s17], [sflag:$0x1] =	stream.linear.gather [hbm4b:s4+s3], $0x1390, $0x38;
	[tilespmem:$0x1C000] =	vst v63  }
0x98: {  	_ = 	snop  }
0x99: {  	[tilespmem:s18], [sflag:$0x1] =	stream.linear.gather [hbm4b:s5+s3], $0x1390, $0x38;
	[tilespmem:$0x1C000] =	vst v63  }
0x9a: {  	s12 =	simm.s32 $0x0  }
0x9b: {  	[tilespmem:s19], [sflag:$0x1] =	stream.linear.gather [hbm4b:s1+s3], $0x1390, $0x38;
	[tilespmem:$0x1C000] =	vst v63  }
.LBB2_14:
0x9c: {  	s30 =	smul.u32 $0x2720, s12;
	_ =	sdelay $0x1  }
0x9d: {  	s6 =	sshrl.u32 s30, $0x3  }
0x9e: {  	s6 =	sadd.s32 $0x272, s6  }
0x9f: {  	s7 =	sadd.s32 s4, s6  }
0xa0: {  	[tilespmem:s20], [sflag:$0x2] =	stream.linear.gather [hbm4b:s7+s3], $0x1390, $0x38;
	[tilespmem:$0x1C000] =	vst v63  }
0xa1: {  	s7 =	sadd.s32 s5, s6  }
0xa2: {  	[tilespmem:s21], [sflag:$0x2] =	stream.linear.gather [hbm4b:s7+s3], $0x1390, $0x38;
	[tilespmem:$0x1C000] =	vst v63  }
0xa3: {  	s6 =	sadd.s32 s1, s6  }
0xa4: {  	[tilespmem:s22], [sflag:$0x2] =	stream.linear.gather [hbm4b:s6+s3], $0x1390, $0x38;
	[tilespmem:$0x1C000] =	vst v63  }
0xa5: {  	_ =	swait.ge [sflag:s23], $0x1390  }
0xa6: {  	[sflag:s23] =	ssyncset.done $0x0  }
0xa7: {  	[sflag:s23] =	ssyncadd.s32 $0xFFFFEC70  }
0xa8: {  	_ =	swait.ge [sflag:s23], $0x1390  }
0xa9: {  	[sflag:s23] =	ssyncset.done $0x0  }
0xaa: {  	[sflag:s23] =	ssyncadd.s32 $0xFFFFEC70  }
0xab: {  	_ =	swait.ge [sflag:s23], $0x1390  }
0xac: {  	[sflag:s23] =	ssyncset.done $0x0  }
0xad: {  	s31 =	simm.s32 $0x40;
	s6 =	simm.s32 $0x0;
	[sflag:s23] =	ssyncadd.s32 $0xFFFFEC70  }
.LBB2_15:
0xae: {  	p0 =	sne.s32 s31, $0x4E00;
	v1 =	vld [tilespmem:s6+$0x14000];
	_ =	sdelay $0x6  }
0xaf: {  	v2 =	vld [tilespmem:s6+$0x15400]  }
0xb0: {  	v3 =	vld.idx.msk [tilespmem:v1+s24+$0x0], $0xffff  }
0xb1: {  	v4 =	vld [tilespmem:s6+$0x16800];
	_ =	sdelay $0x4  }
0xb2: {  	v3 =	vmul.f32 v3, v4;
	_ =	sdelay $0x1  }
0xb3: {  	[tilespmem:v2+s28+$0x0] =	vst.idx.add.f32.msk $0xffff, v3  }
0xb4: {  	v1 =	vld.idx.msk [tilespmem:v1+s25+$0x0], $0xffff;
	_ =	sdelay $0x3  }
.Ltmp6:
0xb5: {  	(pc) =	sbr.rel @p0 .LBB2_15-.Ltmp6, $3  }
0xb6: {  	_ = 	snop  }
0xb7: {  	v1 =	vmul.f32 v1, v4;
	_ =	sdelay $0x1  }
0xb8: {  	s6 =	sshra.s32 s31, $0x2;
	s31 =	sadd.s32 $0x40, s31;
	[tilespmem:v2+s29+$0x0] =	vst.idx.add.f32.msk $0xffff, v1  }
0xb9: {  	v1 =	vld [tilespmem:s6+$0x14000];
	_ =	sdelay $0x5  }
0xba: {  	v2 =	vld [tilespmem:s6+$0x15400]  }
0xbb: {  	v4 =	vld [tilespmem:s6+$0x16800]  }
0xbc: {  	v3 =	vld.idx.msk [tilespmem:v1+s24+$0x0], $0xffff;
	_ =	sdelay $0x4  }
0xbd: {  	v3 =	vmul.f32 v3, v4;
	_ =	sdelay $0x1  }
0xbe: {  	[tilespmem:v2+s28+$0x0] =	vst.idx.add.f32.msk $0xffff, v3  }
0xbf: {  	v1 =	vld.idx.msk [tilespmem:v1+s25+$0x0], $0xffff;
	_ =	sdelay $0x3  }
0xc0: {  	p0 =	seq.s32 s12, $0xF  }
0xc1: {  	s6 =	sshrl.u32 @!p0 s30, $0x3;
	v1 =	vmul.f32 v1, v4  }
0xc2: {  	s6 =	sadd.s32 @!p0 $0x4E4, s6  }
0xc3: {  	s30 =	simm.s32 @!p0 $0x0;
	s31 =	simm.s32 @!p0 $0x14000;
	s7 =	sadd.s32 @!p0 s4, s6;
	[tilespmem:v2+s29+$0x0] =	vst.idx.add.f32.msk $0xffff, v1  }
0xc4: {  	[tilespmem:s31], [sflag:$0x1] =	stream.linear.gather @!p0 [hbm4b:s7+s30], $0x1390, $0x38;
	[tilespmem:$0x1C000] =	vst v63  }
0xc5: {  	s7 =	sadd.s32 @!p0 s5, s6;
	s31 =	simm.s32 @!p0 $0x15400  }
0xc6: {  	[tilespmem:s31], [sflag:$0x1] =	stream.linear.gather @!p0 [hbm4b:s7+s30], $0x1390, $0x38;
	[tilespmem:$0x1C000] =	vst v63  }
0xc7: {  	s6 =	sadd.s32 @!p0 s1, s6;
	s7 =	simm.s32 @!p0 $0x16800  }
0xc8: {  	[tilespmem:s7], [sflag:$0x1] =	stream.linear.gather @!p0 [hbm4b:s6+s30], $0x1390, $0x38;
	[tilespmem:$0x1C000] =	vst v63  }
0xc9: {  	_ =	swait.ge [sflag:s26], $0x1390  }
0xca: {  	[sflag:s26] =	ssyncset.done $0x0  }
0xcb: {  	[sflag:s26] =	ssyncadd.s32 $0xFFFFEC70  }
0xcc: {  	_ =	swait.ge [sflag:s26], $0x1390  }
0xcd: {  	[sflag:s26] =	ssyncset.done $0x0  }
0xce: {  	[sflag:s26] =	ssyncadd.s32 $0xFFFFEC70  }
0xcf: {  	_ =	swait.ge [sflag:s26], $0x1390  }
0xd0: {  	[sflag:s26] =	ssyncset.done $0x0  }
0xd1: {  	s6 =	simm.s32 $0x0;
	s30 =	simm.s32 $0x40;
	[sflag:s26] =	ssyncadd.s32 $0xFFFFEC70  }
.LBB2_17:
0xd2: {  	p0 =	sne.s32 s30, $0x4E00;
	v1 =	vld [tilespmem:s6+$0x17C00];
	_ =	sdelay $0x6  }
0xd3: {  	v2 =	vld [tilespmem:s6+$0x19000]  }
0xd4: {  	v3 =	vld.idx.msk [tilespmem:v1+s24+$0x0], $0xffff  }
0xd5: {  	v4 =	vld [tilespmem:s6+$0x1A400];
	_ =	sdelay $0x4  }
0xd6: {  	v3 =	vmul.f32 v3, v4;
	_ =	sdelay $0x1  }
0xd7: {  	[tilespmem:v2+s28+$0x0] =	vst.idx.add.f32.msk $0xffff, v3  }
0xd8: {  	v1 =	vld.idx.msk [tilespmem:v1+s25+$0x0], $0xffff;
	_ =	sdelay $0x3  }
.Ltmp7:
0xd9: {  	(pc) =	sbr.rel @p0 .LBB2_17-.Ltmp7, $3  }
0xda: {  	_ = 	snop  }
0xdb: {  	v1 =	vmul.f32 v1, v4;
	_ =	sdelay $0x1  }
0xdc: {  	s6 =	sshra.s32 s30, $0x2;
	s30 =	sadd.s32 $0x40, s30;
	[tilespmem:v2+s29+$0x0] =	vst.idx.add.f32.msk $0xffff, v1  }
0xdd: {  	v1 =	vld [tilespmem:s6+$0x17C00];
	_ =	sdelay $0x5  }
0xde: {  	v2 =	vld [tilespmem:s6+$0x19000]  }
0xdf: {  	v4 =	vld [tilespmem:s6+$0x1A400]  }
0xe0: {  	v3 =	vld.idx.msk [tilespmem:v1+s24+$0x0], $0xffff;
	_ =	sdelay $0x4  }
0xe1: {  	v3 =	vmul.f32 v3, v4;
	_ =	sdelay $0x1  }
0xe2: {  	[tilespmem:v2+s28+$0x0] =	vst.idx.add.f32.msk $0xffff, v3  }
0xe3: {  	v1 =	vld.idx.msk [tilespmem:v1+s25+$0x0], $0xffff  }
0xe4: {  	s12 =	sadd.s32 $0x1, s12  }
0xe5: {  	p0 =	sne.s32 s12, $0x10  }
.Ltmp8:
0xe6: {  	_ = 	snop;
	(pc) =	sbr.rel @p0 .LBB2_14-.Ltmp8, $3  }
0xe7: {  	_ = 	snop  }
0xe8: {  	v1 =	vmul.f32 v1, v4;
	_ =	sdelay $0x1  }
0xe9: {  	[tilespmem:v2+s29+$0x0] =	vst.idx.add.f32.msk $0xffff, v1  }
0xea: {  	s3 =	simm.s32 $0x0  }
0xeb: {  	v2 =	vld [tilespmem:s3+$0xA000]  }
0xec: {  	v3 =	vld [tilespmem:s3+$0xC800]  }
0xed: {  	v4 =	vld [tilespmem:s3+$0x0]  }
0xee: {  	v5 =	vld [tilespmem:s3+$0x2800]  }
0xef: {  	v1 =	vld [tilespmem:$0x1B900]  }
0xf0: {  	v2 =	vadd.f32 v2, v2  }
0xf1: {  	v6 =	vld [tilespmem:s3+$0xF000];
	v3 =	vadd.f32 v3, v3  }
0xf2: {  	s30 =	simm.s32 $0x10;
	v8 =	vld [tilespmem:s3+$0x11800];
	v7 =	vsub.f32 v2, v4  }
0xf3: {  	v4 =	vld [tilespmem:s30+$0xA000];
	v5 =	vsub.f32 v3, v5  }
0xf4: {  	v2 =	vld [tilespmem:s30+$0xC800];
	[tilespmem:s3+$0x0] =	vst v7;
	v7 =	vmul.f32 v7, v1  }
0xf5: {  	v9 =	vmul.f32 v5, v1;
	v3 =	vld [tilespmem:s30+$0x0];
	[tilespmem:s3+$0x2800] =	vst v5  }
0xf6: {  	v5 =	vld [tilespmem:s30+$0x2800];
	v7 =	vadd.f32 v7, v6  }
0xf7: {  	s12 =	simm.s32 $0x40;
	s6 =	simm.s32 $0x80;
	s31 =	simm.s32 $0x0;
	v6 =	vadd.f32 v9, v8  }
.LBB2_20:
0xf8: {  	p0 =	sne.s32 s6, $0x9FC0;
	v4 =	vadd.f32 v4, v4;
	[tilespmem:s31+$0xF000] =	vst v7;
	s7 =	smov.u32 s6;
	s6 =	sadd.s32 $0x40, s6  }
0xf9: {  	v7 =	vld [tilespmem:s30+$0xF000];
	v2 =	vadd.f32 v2, v2;
	[tilespmem:s31+$0x11800] =	vst v6;
	s31 =	smov.u32 s30  }
0xfa: {  	s30 =	sshra.s32 s7, $0x2;
	v3 =	vsub.f32 v4, v3;
	v6 =	vld [tilespmem:s31+$0x11800]  }
.Ltmp9:
0xfb: {  	v4 =	vld [tilespmem:s30+$0xA000];
	v5 =	vsub.f32 v2, v5;
	(pc) =	sbr.rel @p0 .LBB2_20-.Ltmp9, $4  }
0xfc: {  	v2 =	vld [tilespmem:s30+$0xC800];
	[tilespmem:s31+$0x0] =	vst v3;
	v8 =	vmul.f32 v3, v1  }
0xfd: {  	v3 =	vld [tilespmem:s30+$0x0];
	[tilespmem:s31+$0x2800] =	vst v5;
	v9 =	vmul.f32 v5, v1  }
0xfe: {  	v5 =	vld [tilespmem:s30+$0x2800];
	v7 =	vadd.f32 v8, v7  }
0xff: {  	v6 =	vadd.f32 v9, v6  }
0x100: {  	[tilespmem:s31+$0xF000] =	vst v7;
	v4 =	vadd.f32 v4, v4  }
0x101: {  	v7 =	vld [tilespmem:s30+$0xF000];
	v2 =	vadd.f32 v2, v2;
	[tilespmem:s31+$0x11800] =	vst v6  }
0x102: {  	v3 =	vsub.f32 v4, v3;
	v62 =	vld [tilespmem:s30+$0x11800]  }
0x103: {  	v2 =	vsub.f32 v2, v5  }
0x104: {  	v63 =	vmul.f32 v3, v1  }
0x105: {  	v1 =	vmul.f32 v2, v1  }
0x106: {  	[tilespmem:s30+$0x0] =	vst v3;
	v3 =	vadd.f32 v63, v7  }
0x107: {  	[tilespmem:s30+$0x2800] =	vst v2;
	v1 =	vadd.f32 v1, v62  }
0x108: {  	[tilespmem:s30+$0xF000] =	vst v3  }
0x109: {  	[tilespmem:s30+$0x11800] =	vst v1  }
.LBB2_22:
0x10a: {  	p0 =	sne.s32 s12, $0x9FC0;
	[tilespmem:s3+$0xA000] =	vst v0;
	s6 =	smov.u32 s12;
	s12 =	sadd.s32 $0x40, s12  }
.Ltmp10:
0x10b: {  	[tilespmem:s3+$0xC800] =	vst v0;
	(pc) =	sbr.rel @p0 .LBB2_22-.Ltmp10, $2  }
0x10c: {  	_ =	sdelay $0x2  }
0x10d: {  	s3 =	sshra.s32 s6, $0x2  }
0x10e: {  	[tilespmem:s3+$0xA000] =	vst v0  }
0x10f: {  	[tilespmem:s3+$0xC800] =	vst v0;
	s3 =	simm.s32 $0x0  }
0x110: {  	[tilespmem:s17], [sflag:$0x1] =	stream.linear.gather [hbm4b:s4+s3], $0x1390, $0x38;
	[tilespmem:$0x1C000] =	vst v63  }
0x111: {  	_ = 	snop  }
0x112: {  	[tilespmem:s18], [sflag:$0x1] =	stream.linear.gather [hbm4b:s5+s3], $0x1390, $0x38;
	[tilespmem:$0x1C000] =	vst v63  }
0x113: {  	s12 =	simm.s32 $0x0  }
0x114: {  	[tilespmem:s19], [sflag:$0x1] =	stream.linear.gather [hbm4b:s1+s3], $0x1390, $0x38;
	[tilespmem:$0x1C000] =	vst v63  }
.LBB2_24:
0x115: {  	s30 =	smul.u32 $0x2720, s12;
	_ =	sdelay $0x1  }
0x116: {  	s6 =	sshrl.u32 s30, $0x3  }
0x117: {  	s6 =	sadd.s32 $0x272, s6  }
0x118: {  	s7 =	sadd.s32 s4, s6  }
0x119: {  	[tilespmem:s20], [sflag:$0x2] =	stream.linear.gather [hbm4b:s7+s3], $0x1390, $0x38;
	[tilespmem:$0x1C000] =	vst v63  }
0x11a: {  	s7 =	sadd.s32 s5, s6  }
0x11b: {  	[tilespmem:s21], [sflag:$0x2] =	stream.linear.gather [hbm4b:s7+s3], $0x1390, $0x38;
	[tilespmem:$0x1C000] =	vst v63  }
0x11c: {  	s6 =	sadd.s32 s1, s6  }
0x11d: {  	[tilespmem:s22], [sflag:$0x2] =	stream.linear.gather [hbm4b:s6+s3], $0x1390, $0x38;
	[tilespmem:$0x1C000] =	vst v63  }
0x11e: {  	_ =	swait.ge [sflag:s23], $0x1390  }
0x11f: {  	[sflag:s23] =	ssyncset.done $0x0  }
0x120: {  	[sflag:s23] =	ssyncadd.s32 $0xFFFFEC70  }
0x121: {  	_ =	swait.ge [sflag:s23], $0x1390  }
0x122: {  	[sflag:s23] =	ssyncset.done $0x0  }
0x123: {  	[sflag:s23] =	ssyncadd.s32 $0xFFFFEC70  }
0x124: {  	_ =	swait.ge [sflag:s23], $0x1390  }
0x125: {  	[sflag:s23] =	ssyncset.done $0x0  }
0x126: {  	s31 =	simm.s32 $0x40;
	s6 =	simm.s32 $0x0;
	[sflag:s23] =	ssyncadd.s32 $0xFFFFEC70  }
.LBB2_25:
0x127: {  	p0 =	sne.s32 s31, $0x4E00;
	v1 =	vld [tilespmem:s6+$0x14000];
	_ =	sdelay $0x6  }
0x128: {  	v2 =	vld [tilespmem:s6+$0x15400]  }
0x129: {  	v3 =	vld.idx.msk [tilespmem:v1+s2+$0x0], $0xffff  }
0x12a: {  	v4 =	vld [tilespmem:s6+$0x16800];
	_ =	sdelay $0x4  }
0x12b: {  	v3 =	vmul.f32 v3, v4;
	_ =	sdelay $0x1  }
0x12c: {  	[tilespmem:v2+s28+$0x0] =	vst.idx.add.f32.msk $0xffff, v3  }
0x12d: {  	v1 =	vld.idx.msk [tilespmem:v1+s16+$0x0], $0xffff;
	_ =	sdelay $0x3  }
.Ltmp11:
0x12e: {  	(pc) =	sbr.rel @p0 .LBB2_25-.Ltmp11, $3  }
0x12f: {  	_ = 	snop  }
0x130: {  	v1 =	vmul.f32 v1, v4;
	_ =	sdelay $0x1  }
0x131: {  	s6 =	sshra.s32 s31, $0x2;
	s31 =	sadd.s32 $0x40, s31;
	[tilespmem:v2+s29+$0x0] =	vst.idx.add.f32.msk $0xffff, v1  }
0x132: {  	v1 =	vld [tilespmem:s6+$0x14000];
	_ =	sdelay $0x5  }
0x133: {  	v2 =	vld [tilespmem:s6+$0x15400]  }
0x134: {  	v4 =	vld [tilespmem:s6+$0x16800]  }
0x135: {  	v3 =	vld.idx.msk [tilespmem:v1+s2+$0x0], $0xffff;
	_ =	sdelay $0x4  }
0x136: {  	v3 =	vmul.f32 v3, v4;
	_ =	sdelay $0x1  }
0x137: {  	[tilespmem:v2+s28+$0x0] =	vst.idx.add.f32.msk $0xffff, v3  }
0x138: {  	v1 =	vld.idx.msk [tilespmem:v1+s16+$0x0], $0xffff;
	_ =	sdelay $0x3  }
0x139: {  	p0 =	seq.s32 s12, $0xF  }
0x13a: {  	s6 =	sshrl.u32 @!p0 s30, $0x3;
	v1 =	vmul.f32 v1, v4  }
0x13b: {  	s6 =	sadd.s32 @!p0 $0x4E4, s6  }
0x13c: {  	s30 =	simm.s32 @!p0 $0x0;
	s31 =	simm.s32 @!p0 $0x14000;
	s7 =	sadd.s32 @!p0 s4, s6;
	[tilespmem:v2+s29+$0x0] =	vst.idx.add.f32.msk $0xffff, v1  }
0x13d: {  	[tilespmem:s31], [sflag:$0x1] =	stream.linear.gather @!p0 [hbm4b:s7+s30], $0x1390, $0x38;
	[tilespmem:$0x1C000] =	vst v63  }
0x13e: {  	s7 =	sadd.s32 @!p0 s5, s6;
	s31 =	simm.s32 @!p0 $0x15400  }
0x13f: {  	[tilespmem:s31], [sflag:$0x1] =	stream.linear.gather @!p0 [hbm4b:s7+s30], $0x1390, $0x38;
	[tilespmem:$0x1C000] =	vst v63  }
0x140: {  	s6 =	sadd.s32 @!p0 s1, s6;
	s7 =	simm.s32 @!p0 $0x16800  }
0x141: {  	[tilespmem:s7], [sflag:$0x1] =	stream.linear.gather @!p0 [hbm4b:s6+s30], $0x1390, $0x38;
	[tilespmem:$0x1C000] =	vst v63  }
0x142: {  	_ =	swait.ge [sflag:s26], $0x1390  }
0x143: {  	[sflag:s26] =	ssyncset.done $0x0  }
0x144: {  	[sflag:s26] =	ssyncadd.s32 $0xFFFFEC70  }
0x145: {  	_ =	swait.ge [sflag:s26], $0x1390  }
0x146: {  	[sflag:s26] =	ssyncset.done $0x0  }
0x147: {  	[sflag:s26] =	ssyncadd.s32 $0xFFFFEC70  }
0x148: {  	_ =	swait.ge [sflag:s26], $0x1390  }
0x149: {  	[sflag:s26] =	ssyncset.done $0x0  }
0x14a: {  	s6 =	simm.s32 $0x0;
	s30 =	simm.s32 $0x40;
	[sflag:s26] =	ssyncadd.s32 $0xFFFFEC70  }
.LBB2_27:
0x14b: {  	p0 =	sne.s32 s30, $0x4E00;
	v1 =	vld [tilespmem:s6+$0x17C00];
	_ =	sdelay $0x6  }
0x14c: {  	v2 =	vld [tilespmem:s6+$0x19000]  }
0x14d: {  	v3 =	vld.idx.msk [tilespmem:v1+s2+$0x0], $0xffff  }
0x14e: {  	v4 =	vld [tilespmem:s6+$0x1A400];
	_ =	sdelay $0x4  }
0x14f: {  	v3 =	vmul.f32 v3, v4;
	_ =	sdelay $0x1  }
0x150: {  	[tilespmem:v2+s28+$0x0] =	vst.idx.add.f32.msk $0xffff, v3  }
0x151: {  	v1 =	vld.idx.msk [tilespmem:v1+s16+$0x0], $0xffff;
	_ =	sdelay $0x3  }
.Ltmp12:
0x152: {  	(pc) =	sbr.rel @p0 .LBB2_27-.Ltmp12, $3  }
0x153: {  	_ = 	snop  }
0x154: {  	v1 =	vmul.f32 v1, v4;
	_ =	sdelay $0x1  }
0x155: {  	s6 =	sshra.s32 s30, $0x2;
	s30 =	sadd.s32 $0x40, s30;
	[tilespmem:v2+s29+$0x0] =	vst.idx.add.f32.msk $0xffff, v1  }
0x156: {  	v1 =	vld [tilespmem:s6+$0x17C00];
	_ =	sdelay $0x5  }
0x157: {  	v2 =	vld [tilespmem:s6+$0x19000]  }
0x158: {  	v4 =	vld [tilespmem:s6+$0x1A400]  }
0x159: {  	v3 =	vld.idx.msk [tilespmem:v1+s2+$0x0], $0xffff;
	_ =	sdelay $0x4  }
0x15a: {  	v3 =	vmul.f32 v3, v4;
	_ =	sdelay $0x1  }
0x15b: {  	[tilespmem:v2+s28+$0x0] =	vst.idx.add.f32.msk $0xffff, v3  }
0x15c: {  	v1 =	vld.idx.msk [tilespmem:v1+s16+$0x0], $0xffff  }
0x15d: {  	s12 =	sadd.s32 $0x1, s12  }
0x15e: {  	p0 =	sne.s32 s12, $0x10  }
.Ltmp13:
0x15f: {  	_ = 	snop;
	(pc) =	sbr.rel @p0 .LBB2_24-.Ltmp13, $3  }
0x160: {  	_ = 	snop  }
0x161: {  	v1 =	vmul.f32 v1, v4;
	_ =	sdelay $0x1  }
0x162: {  	[tilespmem:v2+s29+$0x0] =	vst.idx.add.f32.msk $0xffff, v1  }
0x163: {  	s3 =	simm.s32 $0x0  }
0x164: {  	v2 =	vld [tilespmem:s3+$0xA000]  }
0x165: {  	v3 =	vld [tilespmem:s3+$0xC800]  }
0x166: {  	v4 =	vld [tilespmem:s3+$0x5000]  }
0x167: {  	v5 =	vld [tilespmem:s3+$0x7800]  }
0x168: {  	v1 =	vld [tilespmem:$0x1B980]  }
0x169: {  	v2 =	vadd.f32 v2, v2  }
0x16a: {  	v6 =	vld [tilespmem:s3+$0xF000];
	v3 =	vadd.f32 v3, v3  }
0x16b: {  	s30 =	simm.s32 $0x10;
	v8 =	vld [tilespmem:s3+$0x11800];
	v7 =	vsub.f32 v2, v4  }
0x16c: {  	v4 =	vld [tilespmem:s30+$0xA000];
	v5 =	vsub.f32 v3, v5  }
0x16d: {  	v2 =	vld [tilespmem:s30+$0xC800];
	[tilespmem:s3+$0x5000] =	vst v7;
	v7 =	vmul.f32 v7, v1  }
0x16e: {  	v9 =	vmul.f32 v5, v1;
	v3 =	vld [tilespmem:s30+$0x5000];
	[tilespmem:s3+$0x7800] =	vst v5  }
0x16f: {  	v5 =	vld [tilespmem:s30+$0x7800];
	v7 =	vadd.f32 v7, v6  }
0x170: {  	s12 =	simm.s32 $0x40;
	s6 =	simm.s32 $0x80;
	s31 =	simm.s32 $0x0;
	v6 =	vadd.f32 v9, v8  }
.LBB2_30:
0x171: {  	p0 =	sne.s32 s6, $0x9FC0;
	v4 =	vadd.f32 v4, v4;
	[tilespmem:s31+$0xF000] =	vst v7;
	s7 =	smov.u32 s6;
	s6 =	sadd.s32 $0x40, s6  }
0x172: {  	v7 =	vld [tilespmem:s30+$0xF000];
	v2 =	vadd.f32 v2, v2;
	[tilespmem:s31+$0x11800] =	vst v6;
	s31 =	smov.u32 s30  }
0x173: {  	s30 =	sshra.s32 s7, $0x2;
	v3 =	vsub.f32 v4, v3;
	v6 =	vld [tilespmem:s31+$0x11800]  }
.Ltmp14:
0x174: {  	v4 =	vld [tilespmem:s30+$0xA000];
	v5 =	vsub.f32 v2, v5;
	(pc) =	sbr.rel @p0 .LBB2_30-.Ltmp14, $4  }
0x175: {  	v2 =	vld [tilespmem:s30+$0xC800];
	[tilespmem:s31+$0x5000] =	vst v3;
	v8 =	vmul.f32 v3, v1  }
0x176: {  	v3 =	vld [tilespmem:s30+$0x5000];
	[tilespmem:s31+$0x7800] =	vst v5;
	v9 =	vmul.f32 v5, v1  }
0x177: {  	v5 =	vld [tilespmem:s30+$0x7800];
	v7 =	vadd.f32 v8, v7  }
0x178: {  	v6 =	vadd.f32 v9, v6  }
0x179: {  	[tilespmem:s31+$0xF000] =	vst v7;
	v4 =	vadd.f32 v4, v4  }
0x17a: {  	v7 =	vld [tilespmem:s30+$0xF000];
	v2 =	vadd.f32 v2, v2;
	[tilespmem:s31+$0x11800] =	vst v6  }
0x17b: {  	v3 =	vsub.f32 v4, v3;
	v62 =	vld [tilespmem:s30+$0x11800]  }
0x17c: {  	v2 =	vsub.f32 v2, v5  }
0x17d: {  	v63 =	vmul.f32 v3, v1  }
0x17e: {  	v1 =	vmul.f32 v2, v1  }
0x17f: {  	[tilespmem:s30+$0x5000] =	vst v3;
	v3 =	vadd.f32 v63, v7  }
0x180: {  	[tilespmem:s30+$0x7800] =	vst v2;
	v1 =	vadd.f32 v1, v62  }
0x181: {  	[tilespmem:s30+$0xF000] =	vst v3  }
0x182: {  	[tilespmem:s30+$0x11800] =	vst v1  }
.LBB2_32:
0x183: {  	p0 =	sne.s32 s12, $0x9FC0;
	[tilespmem:s3+$0xA000] =	vst v0;
	s6 =	smov.u32 s12;
	s12 =	sadd.s32 $0x40, s12  }
.Ltmp15:
0x184: {  	[tilespmem:s3+$0xC800] =	vst v0;
	(pc) =	sbr.rel @p0 .LBB2_32-.Ltmp15, $2  }
0x185: {  	_ =	sdelay $0x2  }
0x186: {  	s3 =	sshra.s32 s6, $0x2  }
0x187: {  	[tilespmem:s3+$0xA000] =	vst v0  }
0x188: {  	[tilespmem:s3+$0xC800] =	vst v0;
	s3 =	simm.s32 $0x0  }
0x189: {  	[tilespmem:s17], [sflag:$0x1] =	stream.linear.gather [hbm4b:s4+s3], $0x1390, $0x38;
	[tilespmem:$0x1C000] =	vst v63  }
0x18a: {  	_ = 	snop  }
0x18b: {  	[tilespmem:s18], [sflag:$0x1] =	stream.linear.gather [hbm4b:s5+s3], $0x1390, $0x38;
	[tilespmem:$0x1C000] =	vst v63  }
0x18c: {  	s12 =	simm.s32 $0x0  }
0x18d: {  	[tilespmem:s19], [sflag:$0x1] =	stream.linear.gather [hbm4b:s1+s3], $0x1390, $0x38;
	[tilespmem:$0x1C000] =	vst v63  }
.LBB2_34:
0x18e: {  	s30 =	smul.u32 $0x2720, s12;
	_ =	sdelay $0x1  }
0x18f: {  	s6 =	sshrl.u32 s30, $0x3  }
0x190: {  	s6 =	sadd.s32 $0x272, s6  }
0x191: {  	s7 =	sadd.s32 s4, s6  }
0x192: {  	[tilespmem:s20], [sflag:$0x2] =	stream.linear.gather [hbm4b:s7+s3], $0x1390, $0x38;
	[tilespmem:$0x1C000] =	vst v63  }
0x193: {  	s7 =	sadd.s32 s5, s6  }
0x194: {  	[tilespmem:s21], [sflag:$0x2] =	stream.linear.gather [hbm4b:s7+s3], $0x1390, $0x38;
	[tilespmem:$0x1C000] =	vst v63  }
0x195: {  	s6 =	sadd.s32 s1, s6  }
0x196: {  	[tilespmem:s22], [sflag:$0x2] =	stream.linear.gather [hbm4b:s6+s3], $0x1390, $0x38;
	[tilespmem:$0x1C000] =	vst v63  }
0x197: {  	_ =	swait.ge [sflag:s23], $0x1390  }
0x198: {  	[sflag:s23] =	ssyncset.done $0x0  }
0x199: {  	[sflag:s23] =	ssyncadd.s32 $0xFFFFEC70  }
0x19a: {  	_ =	swait.ge [sflag:s23], $0x1390  }
0x19b: {  	[sflag:s23] =	ssyncset.done $0x0  }
0x19c: {  	[sflag:s23] =	ssyncadd.s32 $0xFFFFEC70  }
0x19d: {  	_ =	swait.ge [sflag:s23], $0x1390  }
0x19e: {  	[sflag:s23] =	ssyncset.done $0x0  }
0x19f: {  	s31 =	simm.s32 $0x40;
	s6 =	simm.s32 $0x0;
	[sflag:s23] =	ssyncadd.s32 $0xFFFFEC70  }
.LBB2_35:
0x1a0: {  	p0 =	sne.s32 s31, $0x4E00;
	v1 =	vld [tilespmem:s6+$0x14000];
	_ =	sdelay $0x6  }
0x1a1: {  	v2 =	vld [tilespmem:s6+$0x15400]  }
0x1a2: {  	v3 =	vld.idx.msk [tilespmem:v1+s24+$0x0], $0xffff  }
0x1a3: {  	v4 =	vld [tilespmem:s6+$0x16800];
	_ =	sdelay $0x4  }
0x1a4: {  	v3 =	vmul.f32 v3, v4;
	_ =	sdelay $0x1  }
0x1a5: {  	[tilespmem:v2+s28+$0x0] =	vst.idx.add.f32.msk $0xffff, v3  }
0x1a6: {  	v1 =	vld.idx.msk [tilespmem:v1+s25+$0x0], $0xffff;
	_ =	sdelay $0x3  }
.Ltmp16:
0x1a7: {  	(pc) =	sbr.rel @p0 .LBB2_35-.Ltmp16, $3  }
0x1a8: {  	_ = 	snop  }
0x1a9: {  	v1 =	vmul.f32 v1, v4;
	_ =	sdelay $0x1  }
0x1aa: {  	s6 =	sshra.s32 s31, $0x2;
	s31 =	sadd.s32 $0x40, s31;
	[tilespmem:v2+s29+$0x0] =	vst.idx.add.f32.msk $0xffff, v1  }
0x1ab: {  	v1 =	vld [tilespmem:s6+$0x14000];
	_ =	sdelay $0x5  }
0x1ac: {  	v2 =	vld [tilespmem:s6+$0x15400]  }
0x1ad: {  	v4 =	vld [tilespmem:s6+$0x16800]  }
0x1ae: {  	v3 =	vld.idx.msk [tilespmem:v1+s24+$0x0], $0xffff;
	_ =	sdelay $0x4  }
0x1af: {  	v3 =	vmul.f32 v3, v4;
	_ =	sdelay $0x1  }
0x1b0: {  	[tilespmem:v2+s28+$0x0] =	vst.idx.add.f32.msk $0xffff, v3  }
0x1b1: {  	v1 =	vld.idx.msk [tilespmem:v1+s25+$0x0], $0xffff;
	_ =	sdelay $0x3  }
0x1b2: {  	p0 =	seq.s32 s12, $0xF  }
0x1b3: {  	s6 =	sshrl.u32 @!p0 s30, $0x3;
	v1 =	vmul.f32 v1, v4  }
0x1b4: {  	s6 =	sadd.s32 @!p0 $0x4E4, s6  }
0x1b5: {  	s30 =	simm.s32 @!p0 $0x0;
	s31 =	simm.s32 @!p0 $0x14000;
	s7 =	sadd.s32 @!p0 s4, s6;
	[tilespmem:v2+s29+$0x0] =	vst.idx.add.f32.msk $0xffff, v1  }
0x1b6: {  	[tilespmem:s31], [sflag:$0x1] =	stream.linear.gather @!p0 [hbm4b:s7+s30], $0x1390, $0x38;
	[tilespmem:$0x1C000] =	vst v63  }
0x1b7: {  	s7 =	sadd.s32 @!p0 s5, s6;
	s31 =	simm.s32 @!p0 $0x15400  }
0x1b8: {  	[tilespmem:s31], [sflag:$0x1] =	stream.linear.gather @!p0 [hbm4b:s7+s30], $0x1390, $0x38;
	[tilespmem:$0x1C000] =	vst v63  }
0x1b9: {  	s6 =	sadd.s32 @!p0 s1, s6;
	s7 =	simm.s32 @!p0 $0x16800  }
0x1ba: {  	[tilespmem:s7], [sflag:$0x1] =	stream.linear.gather @!p0 [hbm4b:s6+s30], $0x1390, $0x38;
	[tilespmem:$0x1C000] =	vst v63  }
0x1bb: {  	_ =	swait.ge [sflag:s26], $0x1390  }
0x1bc: {  	[sflag:s26] =	ssyncset.done $0x0  }
0x1bd: {  	[sflag:s26] =	ssyncadd.s32 $0xFFFFEC70  }
0x1be: {  	_ =	swait.ge [sflag:s26], $0x1390  }
0x1bf: {  	[sflag:s26] =	ssyncset.done $0x0  }
0x1c0: {  	[sflag:s26] =	ssyncadd.s32 $0xFFFFEC70  }
0x1c1: {  	_ =	swait.ge [sflag:s26], $0x1390  }
0x1c2: {  	[sflag:s26] =	ssyncset.done $0x0  }
0x1c3: {  	s6 =	simm.s32 $0x0;
	s30 =	simm.s32 $0x40;
	[sflag:s26] =	ssyncadd.s32 $0xFFFFEC70  }
.LBB2_37:
0x1c4: {  	p0 =	sne.s32 s30, $0x4E00;
	v1 =	vld [tilespmem:s6+$0x17C00];
	_ =	sdelay $0x6  }
0x1c5: {  	v2 =	vld [tilespmem:s6+$0x19000]  }
0x1c6: {  	v3 =	vld.idx.msk [tilespmem:v1+s24+$0x0], $0xffff  }
0x1c7: {  	v4 =	vld [tilespmem:s6+$0x1A400];
	_ =	sdelay $0x4  }
0x1c8: {  	v3 =	vmul.f32 v3, v4;
	_ =	sdelay $0x1  }
0x1c9: {  	[tilespmem:v2+s28+$0x0] =	vst.idx.add.f32.msk $0xffff, v3  }
0x1ca: {  	v1 =	vld.idx.msk [tilespmem:v1+s25+$0x0], $0xffff;
	_ =	sdelay $0x3  }
.Ltmp17:
0x1cb: {  	(pc) =	sbr.rel @p0 .LBB2_37-.Ltmp17, $3  }
0x1cc: {  	_ = 	snop  }
0x1cd: {  	v1 =	vmul.f32 v1, v4;
	_ =	sdelay $0x1  }
0x1ce: {  	s6 =	sshra.s32 s30, $0x2;
	s30 =	sadd.s32 $0x40, s30;
	[tilespmem:v2+s29+$0x0] =	vst.idx.add.f32.msk $0xffff, v1  }
0x1cf: {  	v1 =	vld [tilespmem:s6+$0x17C00];
	_ =	sdelay $0x5  }
0x1d0: {  	v2 =	vld [tilespmem:s6+$0x19000]  }
0x1d1: {  	v4 =	vld [tilespmem:s6+$0x1A400]  }
0x1d2: {  	v3 =	vld.idx.msk [tilespmem:v1+s24+$0x0], $0xffff;
	_ =	sdelay $0x4  }
0x1d3: {  	v3 =	vmul.f32 v3, v4;
	_ =	sdelay $0x1  }
0x1d4: {  	[tilespmem:v2+s28+$0x0] =	vst.idx.add.f32.msk $0xffff, v3  }
0x1d5: {  	v1 =	vld.idx.msk [tilespmem:v1+s25+$0x0], $0xffff  }
0x1d6: {  	s12 =	sadd.s32 $0x1, s12  }
0x1d7: {  	p0 =	sne.s32 s12, $0x10  }
.Ltmp18:
0x1d8: {  	_ = 	snop;
	(pc) =	sbr.rel @p0 .LBB2_34-.Ltmp18, $3  }
0x1d9: {  	_ = 	snop  }
0x1da: {  	v1 =	vmul.f32 v1, v4;
	_ =	sdelay $0x1  }
0x1db: {  	[tilespmem:v2+s29+$0x0] =	vst.idx.add.f32.msk $0xffff, v1  }
0x1dc: {  	s3 =	simm.s32 $0x0  }
0x1dd: {  	v2 =	vld [tilespmem:s3+$0xA000]  }
0x1de: {  	v3 =	vld [tilespmem:s3+$0xC800]  }
0x1df: {  	v4 =	vld [tilespmem:s3+$0x0]  }
0x1e0: {  	v5 =	vld [tilespmem:s3+$0x2800]  }
0x1e1: {  	v1 =	vld [tilespmem:$0x1BA00]  }
0x1e2: {  	v2 =	vadd.f32 v2, v2  }
0x1e3: {  	v6 =	vld [tilespmem:s3+$0xF000];
	v3 =	vadd.f32 v3, v3  }
0x1e4: {  	s30 =	simm.s32 $0x10;
	v8 =	vld [tilespmem:s3+$0x11800];
	v7 =	vsub.f32 v2, v4  }
0x1e5: {  	v4 =	vld [tilespmem:s30+$0xA000];
	v5 =	vsub.f32 v3, v5  }
0x1e6: {  	v2 =	vld [tilespmem:s30+$0xC800];
	[tilespmem:s3+$0x0] =	vst v7;
	v7 =	vmul.f32 v7, v1  }
0x1e7: {  	v9 =	vmul.f32 v5, v1;
	v3 =	vld [tilespmem:s30+$0x0];
	[tilespmem:s3+$0x2800] =	vst v5  }
0x1e8: {  	v5 =	vld [tilespmem:s30+$0x2800];
	v7 =	vadd.f32 v7, v6  }
0x1e9: {  	s12 =	simm.s32 $0x40;
	s6 =	simm.s32 $0x80;
	s31 =	simm.s32 $0x0;
	v6 =	vadd.f32 v9, v8  }
.LBB2_40:
0x1ea: {  	p0 =	sne.s32 s6, $0x9FC0;
	v4 =	vadd.f32 v4, v4;
	[tilespmem:s31+$0xF000] =	vst v7;
	s7 =	smov.u32 s6;
	s6 =	sadd.s32 $0x40, s6  }
0x1eb: {  	v7 =	vld [tilespmem:s30+$0xF000];
	v2 =	vadd.f32 v2, v2;
	[tilespmem:s31+$0x11800] =	vst v6;
	s31 =	smov.u32 s30  }
0x1ec: {  	s30 =	sshra.s32 s7, $0x2;
	v3 =	vsub.f32 v4, v3;
	v6 =	vld [tilespmem:s31+$0x11800]  }
.Ltmp19:
0x1ed: {  	v4 =	vld [tilespmem:s30+$0xA000];
	v5 =	vsub.f32 v2, v5;
	(pc) =	sbr.rel @p0 .LBB2_40-.Ltmp19, $4  }
0x1ee: {  	v2 =	vld [tilespmem:s30+$0xC800];
	[tilespmem:s31+$0x0] =	vst v3;
	v8 =	vmul.f32 v3, v1  }
0x1ef: {  	v3 =	vld [tilespmem:s30+$0x0];
	[tilespmem:s31+$0x2800] =	vst v5;
	v9 =	vmul.f32 v5, v1  }
0x1f0: {  	v5 =	vld [tilespmem:s30+$0x2800];
	v7 =	vadd.f32 v8, v7  }
0x1f1: {  	v6 =	vadd.f32 v9, v6  }
0x1f2: {  	[tilespmem:s31+$0xF000] =	vst v7;
	v4 =	vadd.f32 v4, v4  }
0x1f3: {  	v7 =	vld [tilespmem:s30+$0xF000];
	v2 =	vadd.f32 v2, v2;
	[tilespmem:s31+$0x11800] =	vst v6  }
0x1f4: {  	v3 =	vsub.f32 v4, v3;
	v62 =	vld [tilespmem:s30+$0x11800]  }
0x1f5: {  	v2 =	vsub.f32 v2, v5  }
0x1f6: {  	v63 =	vmul.f32 v3, v1  }
0x1f7: {  	v1 =	vmul.f32 v2, v1  }
0x1f8: {  	[tilespmem:s30+$0x0] =	vst v3;
	v3 =	vadd.f32 v63, v7  }
0x1f9: {  	[tilespmem:s30+$0x2800] =	vst v2;
	v1 =	vadd.f32 v1, v62  }
0x1fa: {  	[tilespmem:s30+$0xF000] =	vst v3  }
0x1fb: {  	[tilespmem:s30+$0x11800] =	vst v1  }
.LBB2_42:
0x1fc: {  	p0 =	sne.s32 s12, $0x9FC0;
	[tilespmem:s3+$0xA000] =	vst v0;
	s6 =	smov.u32 s12;
	s12 =	sadd.s32 $0x40, s12  }
.Ltmp20:
0x1fd: {  	[tilespmem:s3+$0xC800] =	vst v0;
	(pc) =	sbr.rel @p0 .LBB2_42-.Ltmp20, $2  }
0x1fe: {  	_ =	sdelay $0x2  }
0x1ff: {  	s3 =	sshra.s32 s6, $0x2  }
0x200: {  	[tilespmem:s3+$0xA000] =	vst v0  }
0x201: {  	[tilespmem:s3+$0xC800] =	vst v0;
	s3 =	simm.s32 $0x0  }
0x202: {  	[tilespmem:s17], [sflag:$0x1] =	stream.linear.gather [hbm4b:s4+s3], $0x1390, $0x38;
	[tilespmem:$0x1C000] =	vst v63  }
0x203: {  	_ = 	snop  }
0x204: {  	[tilespmem:s18], [sflag:$0x1] =	stream.linear.gather [hbm4b:s5+s3], $0x1390, $0x38;
	[tilespmem:$0x1C000] =	vst v63  }
0x205: {  	s12 =	simm.s32 $0x0  }
0x206: {  	[tilespmem:s19], [sflag:$0x1] =	stream.linear.gather [hbm4b:s1+s3], $0x1390, $0x38;
	[tilespmem:$0x1C000] =	vst v63  }
.LBB2_44:
0x207: {  	s30 =	smul.u32 $0x2720, s12;
	_ =	sdelay $0x1  }
0x208: {  	s6 =	sshrl.u32 s30, $0x3  }
0x209: {  	s6 =	sadd.s32 $0x272, s6  }
0x20a: {  	s7 =	sadd.s32 s4, s6  }
0x20b: {  	[tilespmem:s20], [sflag:$0x2] =	stream.linear.gather [hbm4b:s7+s3], $0x1390, $0x38;
	[tilespmem:$0x1C000] =	vst v63  }
0x20c: {  	s7 =	sadd.s32 s5, s6  }
0x20d: {  	[tilespmem:s21], [sflag:$0x2] =	stream.linear.gather [hbm4b:s7+s3], $0x1390, $0x38;
	[tilespmem:$0x1C000] =	vst v63  }
0x20e: {  	s6 =	sadd.s32 s1, s6  }
0x20f: {  	[tilespmem:s22], [sflag:$0x2] =	stream.linear.gather [hbm4b:s6+s3], $0x1390, $0x38;
	[tilespmem:$0x1C000] =	vst v63  }
0x210: {  	_ =	swait.ge [sflag:s23], $0x1390  }
0x211: {  	[sflag:s23] =	ssyncset.done $0x0  }
0x212: {  	[sflag:s23] =	ssyncadd.s32 $0xFFFFEC70  }
0x213: {  	_ =	swait.ge [sflag:s23], $0x1390  }
0x214: {  	[sflag:s23] =	ssyncset.done $0x0  }
0x215: {  	[sflag:s23] =	ssyncadd.s32 $0xFFFFEC70  }
0x216: {  	_ =	swait.ge [sflag:s23], $0x1390  }
0x217: {  	[sflag:s23] =	ssyncset.done $0x0  }
0x218: {  	s31 =	simm.s32 $0x40;
	s6 =	simm.s32 $0x0;
	[sflag:s23] =	ssyncadd.s32 $0xFFFFEC70  }
.LBB2_45:
0x219: {  	p0 =	sne.s32 s31, $0x4E00;
	v1 =	vld [tilespmem:s6+$0x14000];
	_ =	sdelay $0x6  }
0x21a: {  	v2 =	vld [tilespmem:s6+$0x15400]  }
0x21b: {  	v3 =	vld.idx.msk [tilespmem:v1+s2+$0x0], $0xffff  }
0x21c: {  	v4 =	vld [tilespmem:s6+$0x16800];
	_ =	sdelay $0x4  }
0x21d: {  	v3 =	vmul.f32 v3, v4;
	_ =	sdelay $0x1  }
0x21e: {  	[tilespmem:v2+s28+$0x0] =	vst.idx.add.f32.msk $0xffff, v3  }
0x21f: {  	v1 =	vld.idx.msk [tilespmem:v1+s16+$0x0], $0xffff;
	_ =	sdelay $0x3  }
.Ltmp21:
0x220: {  	(pc) =	sbr.rel @p0 .LBB2_45-.Ltmp21, $3  }
0x221: {  	_ = 	snop  }
0x222: {  	v1 =	vmul.f32 v1, v4;
	_ =	sdelay $0x1  }
0x223: {  	s6 =	sshra.s32 s31, $0x2;
	s31 =	sadd.s32 $0x40, s31;
	[tilespmem:v2+s29+$0x0] =	vst.idx.add.f32.msk $0xffff, v1  }
0x224: {  	v1 =	vld [tilespmem:s6+$0x14000];
	_ =	sdelay $0x5  }
0x225: {  	v2 =	vld [tilespmem:s6+$0x15400]  }
0x226: {  	v4 =	vld [tilespmem:s6+$0x16800]  }
0x227: {  	v3 =	vld.idx.msk [tilespmem:v1+s2+$0x0], $0xffff;
	_ =	sdelay $0x4  }
0x228: {  	v3 =	vmul.f32 v3, v4;
	_ =	sdelay $0x1  }
0x229: {  	[tilespmem:v2+s28+$0x0] =	vst.idx.add.f32.msk $0xffff, v3  }
0x22a: {  	v1 =	vld.idx.msk [tilespmem:v1+s16+$0x0], $0xffff;
	_ =	sdelay $0x3  }
0x22b: {  	p0 =	seq.s32 s12, $0xF  }
0x22c: {  	s6 =	sshrl.u32 @!p0 s30, $0x3;
	v1 =	vmul.f32 v1, v4  }
0x22d: {  	s6 =	sadd.s32 @!p0 $0x4E4, s6  }
0x22e: {  	s30 =	simm.s32 @!p0 $0x0;
	s31 =	simm.s32 @!p0 $0x14000;
	s7 =	sadd.s32 @!p0 s4, s6;
	[tilespmem:v2+s29+$0x0] =	vst.idx.add.f32.msk $0xffff, v1  }
0x22f: {  	[tilespmem:s31], [sflag:$0x1] =	stream.linear.gather @!p0 [hbm4b:s7+s30], $0x1390, $0x38;
	[tilespmem:$0x1C000] =	vst v63  }
0x230: {  	s7 =	sadd.s32 @!p0 s5, s6;
	s31 =	simm.s32 @!p0 $0x15400  }
0x231: {  	[tilespmem:s31], [sflag:$0x1] =	stream.linear.gather @!p0 [hbm4b:s7+s30], $0x1390, $0x38;
	[tilespmem:$0x1C000] =	vst v63  }
0x232: {  	s6 =	sadd.s32 @!p0 s1, s6;
	s7 =	simm.s32 @!p0 $0x16800  }
0x233: {  	[tilespmem:s7], [sflag:$0x1] =	stream.linear.gather @!p0 [hbm4b:s6+s30], $0x1390, $0x38;
	[tilespmem:$0x1C000] =	vst v63  }
0x234: {  	_ =	swait.ge [sflag:s26], $0x1390  }
0x235: {  	[sflag:s26] =	ssyncset.done $0x0  }
0x236: {  	[sflag:s26] =	ssyncadd.s32 $0xFFFFEC70  }
0x237: {  	_ =	swait.ge [sflag:s26], $0x1390  }
0x238: {  	[sflag:s26] =	ssyncset.done $0x0  }
0x239: {  	[sflag:s26] =	ssyncadd.s32 $0xFFFFEC70  }
0x23a: {  	_ =	swait.ge [sflag:s26], $0x1390  }
0x23b: {  	[sflag:s26] =	ssyncset.done $0x0  }
0x23c: {  	s6 =	simm.s32 $0x0;
	s30 =	simm.s32 $0x40;
	[sflag:s26] =	ssyncadd.s32 $0xFFFFEC70  }
.LBB2_47:
0x23d: {  	p0 =	sne.s32 s30, $0x4E00;
	v1 =	vld [tilespmem:s6+$0x17C00];
	_ =	sdelay $0x6  }
0x23e: {  	v2 =	vld [tilespmem:s6+$0x19000]  }
0x23f: {  	v3 =	vld.idx.msk [tilespmem:v1+s2+$0x0], $0xffff  }
0x240: {  	v4 =	vld [tilespmem:s6+$0x1A400];
	_ =	sdelay $0x4  }
0x241: {  	v3 =	vmul.f32 v3, v4;
	_ =	sdelay $0x1  }
0x242: {  	[tilespmem:v2+s28+$0x0] =	vst.idx.add.f32.msk $0xffff, v3  }
0x243: {  	v1 =	vld.idx.msk [tilespmem:v1+s16+$0x0], $0xffff;
	_ =	sdelay $0x3  }
.Ltmp22:
0x244: {  	(pc) =	sbr.rel @p0 .LBB2_47-.Ltmp22, $3  }
0x245: {  	_ = 	snop  }
0x246: {  	v1 =	vmul.f32 v1, v4;
	_ =	sdelay $0x1  }
0x247: {  	s6 =	sshra.s32 s30, $0x2;
	s30 =	sadd.s32 $0x40, s30;
	[tilespmem:v2+s29+$0x0] =	vst.idx.add.f32.msk $0xffff, v1  }
0x248: {  	v1 =	vld [tilespmem:s6+$0x17C00];
	_ =	sdelay $0x5  }
0x249: {  	v2 =	vld [tilespmem:s6+$0x19000]  }
0x24a: {  	v4 =	vld [tilespmem:s6+$0x1A400]  }
0x24b: {  	v3 =	vld.idx.msk [tilespmem:v1+s2+$0x0], $0xffff;
	_ =	sdelay $0x4  }
0x24c: {  	v3 =	vmul.f32 v3, v4;
	_ =	sdelay $0x1  }
0x24d: {  	[tilespmem:v2+s28+$0x0] =	vst.idx.add.f32.msk $0xffff, v3  }
0x24e: {  	v1 =	vld.idx.msk [tilespmem:v1+s16+$0x0], $0xffff  }
0x24f: {  	s12 =	sadd.s32 $0x1, s12  }
0x250: {  	p0 =	sne.s32 s12, $0x10  }
.Ltmp23:
0x251: {  	_ = 	snop;
	(pc) =	sbr.rel @p0 .LBB2_44-.Ltmp23, $3  }
0x252: {  	_ = 	snop  }
0x253: {  	v1 =	vmul.f32 v1, v4;
	_ =	sdelay $0x1  }
0x254: {  	[tilespmem:v2+s29+$0x0] =	vst.idx.add.f32.msk $0xffff, v1  }
0x255: {  	s3 =	simm.s32 $0x0  }
0x256: {  	v2 =	vld [tilespmem:s3+$0xA000]  }
0x257: {  	v3 =	vld [tilespmem:s3+$0xC800]  }
0x258: {  	v4 =	vld [tilespmem:s3+$0x5000]  }
0x259: {  	v5 =	vld [tilespmem:s3+$0x7800]  }
0x25a: {  	v1 =	vld [tilespmem:$0x1BA80]  }
0x25b: {  	v2 =	vadd.f32 v2, v2  }
0x25c: {  	v6 =	vld [tilespmem:s3+$0xF000];
	v3 =	vadd.f32 v3, v3  }
0x25d: {  	s30 =	simm.s32 $0x10;
	v8 =	vld [tilespmem:s3+$0x11800];
	v7 =	vsub.f32 v2, v4  }
0x25e: {  	v4 =	vld [tilespmem:s30+$0xA000];
	v5 =	vsub.f32 v3, v5  }
0x25f: {  	v2 =	vld [tilespmem:s30+$0xC800];
	[tilespmem:s3+$0x5000] =	vst v7;
	v7 =	vmul.f32 v7, v1  }
0x260: {  	v9 =	vmul.f32 v5, v1;
	v3 =	vld [tilespmem:s30+$0x5000];
	[tilespmem:s3+$0x7800] =	vst v5  }
0x261: {  	v5 =	vld [tilespmem:s30+$0x7800];
	v7 =	vadd.f32 v7, v6  }
0x262: {  	s12 =	simm.s32 $0x40;
	s6 =	simm.s32 $0x80;
	s31 =	simm.s32 $0x0;
	v6 =	vadd.f32 v9, v8  }
.LBB2_50:
0x263: {  	p0 =	sne.s32 s6, $0x9FC0;
	v4 =	vadd.f32 v4, v4;
	[tilespmem:s31+$0xF000] =	vst v7;
	s7 =	smov.u32 s6;
	s6 =	sadd.s32 $0x40, s6  }
0x264: {  	v7 =	vld [tilespmem:s30+$0xF000];
	v2 =	vadd.f32 v2, v2;
	[tilespmem:s31+$0x11800] =	vst v6;
	s31 =	smov.u32 s30  }
0x265: {  	s30 =	sshra.s32 s7, $0x2;
	v3 =	vsub.f32 v4, v3;
	v6 =	vld [tilespmem:s31+$0x11800]  }
.Ltmp24:
0x266: {  	v4 =	vld [tilespmem:s30+$0xA000];
	v5 =	vsub.f32 v2, v5;
	(pc) =	sbr.rel @p0 .LBB2_50-.Ltmp24, $4  }
0x267: {  	v2 =	vld [tilespmem:s30+$0xC800];
	[tilespmem:s31+$0x5000] =	vst v3;
	v8 =	vmul.f32 v3, v1  }
0x268: {  	v3 =	vld [tilespmem:s30+$0x5000];
	[tilespmem:s31+$0x7800] =	vst v5;
	v9 =	vmul.f32 v5, v1  }
0x269: {  	v5 =	vld [tilespmem:s30+$0x7800];
	v7 =	vadd.f32 v8, v7  }
0x26a: {  	v6 =	vadd.f32 v9, v6  }
0x26b: {  	[tilespmem:s31+$0xF000] =	vst v7;
	v4 =	vadd.f32 v4, v4  }
0x26c: {  	v7 =	vld [tilespmem:s30+$0xF000];
	v2 =	vadd.f32 v2, v2;
	[tilespmem:s31+$0x11800] =	vst v6  }
0x26d: {  	v3 =	vsub.f32 v4, v3;
	v62 =	vld [tilespmem:s30+$0x11800]  }
0x26e: {  	v2 =	vsub.f32 v2, v5  }
0x26f: {  	v63 =	vmul.f32 v3, v1  }
0x270: {  	v1 =	vmul.f32 v2, v1  }
0x271: {  	[tilespmem:s30+$0x5000] =	vst v3;
	v3 =	vadd.f32 v63, v7  }
0x272: {  	[tilespmem:s30+$0x7800] =	vst v2;
	v1 =	vadd.f32 v1, v62  }
0x273: {  	[tilespmem:s30+$0xF000] =	vst v3  }
0x274: {  	[tilespmem:s30+$0x11800] =	vst v1  }
.LBB2_52:
0x275: {  	p0 =	sne.s32 s12, $0x9FC0;
	[tilespmem:s3+$0xA000] =	vst v0;
	s6 =	smov.u32 s12;
	s12 =	sadd.s32 $0x40, s12  }
.Ltmp25:
0x276: {  	[tilespmem:s3+$0xC800] =	vst v0;
	(pc) =	sbr.rel @p0 .LBB2_52-.Ltmp25, $2  }
0x277: {  	_ =	sdelay $0x2  }
0x278: {  	s3 =	sshra.s32 s6, $0x2  }
0x279: {  	[tilespmem:s3+$0xA000] =	vst v0  }
0x27a: {  	[tilespmem:s3+$0xC800] =	vst v0;
	s3 =	simm.s32 $0x0  }
0x27b: {  	[tilespmem:s17], [sflag:$0x1] =	stream.linear.gather [hbm4b:s4+s3], $0x1390, $0x38;
	[tilespmem:$0x1C000] =	vst v63  }
0x27c: {  	_ = 	snop  }
0x27d: {  	[tilespmem:s18], [sflag:$0x1] =	stream.linear.gather [hbm4b:s5+s3], $0x1390, $0x38;
	[tilespmem:$0x1C000] =	vst v63  }
0x27e: {  	s12 =	simm.s32 $0x0  }
0x27f: {  	[tilespmem:s19], [sflag:$0x1] =	stream.linear.gather [hbm4b:s1+s3], $0x1390, $0x38;
	[tilespmem:$0x1C000] =	vst v63  }
.LBB2_54:
0x280: {  	s30 =	smul.u32 $0x2720, s12;
	_ =	sdelay $0x1  }
0x281: {  	s6 =	sshrl.u32 s30, $0x3  }
0x282: {  	s6 =	sadd.s32 $0x272, s6  }
0x283: {  	s7 =	sadd.s32 s4, s6  }
0x284: {  	[tilespmem:s20], [sflag:$0x2] =	stream.linear.gather [hbm4b:s7+s3], $0x1390, $0x38;
	[tilespmem:$0x1C000] =	vst v63  }
0x285: {  	s7 =	sadd.s32 s5, s6  }
0x286: {  	[tilespmem:s21], [sflag:$0x2] =	stream.linear.gather [hbm4b:s7+s3], $0x1390, $0x38;
	[tilespmem:$0x1C000] =	vst v63  }
0x287: {  	s6 =	sadd.s32 s1, s6  }
0x288: {  	[tilespmem:s22], [sflag:$0x2] =	stream.linear.gather [hbm4b:s6+s3], $0x1390, $0x38;
	[tilespmem:$0x1C000] =	vst v63  }
0x289: {  	_ =	swait.ge [sflag:s23], $0x1390  }
0x28a: {  	[sflag:s23] =	ssyncset.done $0x0  }
0x28b: {  	[sflag:s23] =	ssyncadd.s32 $0xFFFFEC70  }
0x28c: {  	_ =	swait.ge [sflag:s23], $0x1390  }
0x28d: {  	[sflag:s23] =	ssyncset.done $0x0  }
0x28e: {  	[sflag:s23] =	ssyncadd.s32 $0xFFFFEC70  }
0x28f: {  	_ =	swait.ge [sflag:s23], $0x1390  }
0x290: {  	[sflag:s23] =	ssyncset.done $0x0  }
0x291: {  	s31 =	simm.s32 $0x40;
	s6 =	simm.s32 $0x0;
	[sflag:s23] =	ssyncadd.s32 $0xFFFFEC70  }
.LBB2_55:
0x292: {  	p0 =	sne.s32 s31, $0x4E00;
	v1 =	vld [tilespmem:s6+$0x14000];
	_ =	sdelay $0x6  }
0x293: {  	v2 =	vld [tilespmem:s6+$0x15400]  }
0x294: {  	v3 =	vld.idx.msk [tilespmem:v1+s24+$0x0], $0xffff  }
0x295: {  	v4 =	vld [tilespmem:s6+$0x16800];
	_ =	sdelay $0x4  }
0x296: {  	v3 =	vmul.f32 v3, v4;
	_ =	sdelay $0x1  }
0x297: {  	[tilespmem:v2+s28+$0x0] =	vst.idx.add.f32.msk $0xffff, v3  }
0x298: {  	v1 =	vld.idx.msk [tilespmem:v1+s25+$0x0], $0xffff;
	_ =	sdelay $0x3  }
.Ltmp26:
0x299: {  	(pc) =	sbr.rel @p0 .LBB2_55-.Ltmp26, $3  }
0x29a: {  	_ = 	snop  }
0x29b: {  	v1 =	vmul.f32 v1, v4;
	_ =	sdelay $0x1  }
0x29c: {  	s6 =	sshra.s32 s31, $0x2;
	s31 =	sadd.s32 $0x40, s31;
	[tilespmem:v2+s29+$0x0] =	vst.idx.add.f32.msk $0xffff, v1  }
0x29d: {  	v1 =	vld [tilespmem:s6+$0x14000];
	_ =	sdelay $0x5  }
0x29e: {  	v2 =	vld [tilespmem:s6+$0x15400]  }
0x29f: {  	v4 =	vld [tilespmem:s6+$0x16800]  }
0x2a0: {  	v3 =	vld.idx.msk [tilespmem:v1+s24+$0x0], $0xffff;
	_ =	sdelay $0x4  }
0x2a1: {  	v3 =	vmul.f32 v3, v4;
	_ =	sdelay $0x1  }
0x2a2: {  	[tilespmem:v2+s28+$0x0] =	vst.idx.add.f32.msk $0xffff, v3  }
0x2a3: {  	v1 =	vld.idx.msk [tilespmem:v1+s25+$0x0], $0xffff;
	_ =	sdelay $0x3  }
0x2a4: {  	p0 =	seq.s32 s12, $0xF  }
0x2a5: {  	s6 =	sshrl.u32 @!p0 s30, $0x3;
	v1 =	vmul.f32 v1, v4  }
0x2a6: {  	s6 =	sadd.s32 @!p0 $0x4E4, s6  }
0x2a7: {  	s30 =	simm.s32 @!p0 $0x0;
	s31 =	simm.s32 @!p0 $0x14000;
	s7 =	sadd.s32 @!p0 s4, s6;
	[tilespmem:v2+s29+$0x0] =	vst.idx.add.f32.msk $0xffff, v1  }
0x2a8: {  	[tilespmem:s31], [sflag:$0x1] =	stream.linear.gather @!p0 [hbm4b:s7+s30], $0x1390, $0x38;
	[tilespmem:$0x1C000] =	vst v63  }
0x2a9: {  	s7 =	sadd.s32 @!p0 s5, s6;
	s31 =	simm.s32 @!p0 $0x15400  }
0x2aa: {  	[tilespmem:s31], [sflag:$0x1] =	stream.linear.gather @!p0 [hbm4b:s7+s30], $0x1390, $0x38;
	[tilespmem:$0x1C000] =	vst v63  }
0x2ab: {  	s6 =	sadd.s32 @!p0 s1, s6;
	s7 =	simm.s32 @!p0 $0x16800  }
0x2ac: {  	[tilespmem:s7], [sflag:$0x1] =	stream.linear.gather @!p0 [hbm4b:s6+s30], $0x1390, $0x38;
	[tilespmem:$0x1C000] =	vst v63  }
0x2ad: {  	_ =	swait.ge [sflag:s26], $0x1390  }
0x2ae: {  	[sflag:s26] =	ssyncset.done $0x0  }
0x2af: {  	[sflag:s26] =	ssyncadd.s32 $0xFFFFEC70  }
0x2b0: {  	_ =	swait.ge [sflag:s26], $0x1390  }
0x2b1: {  	[sflag:s26] =	ssyncset.done $0x0  }
0x2b2: {  	[sflag:s26] =	ssyncadd.s32 $0xFFFFEC70  }
0x2b3: {  	_ =	swait.ge [sflag:s26], $0x1390  }
0x2b4: {  	[sflag:s26] =	ssyncset.done $0x0  }
0x2b5: {  	s6 =	simm.s32 $0x0;
	s30 =	simm.s32 $0x40;
	[sflag:s26] =	ssyncadd.s32 $0xFFFFEC70  }
.LBB2_57:
0x2b6: {  	p0 =	sne.s32 s30, $0x4E00;
	v1 =	vld [tilespmem:s6+$0x17C00];
	_ =	sdelay $0x6  }
0x2b7: {  	v2 =	vld [tilespmem:s6+$0x19000]  }
0x2b8: {  	v3 =	vld.idx.msk [tilespmem:v1+s24+$0x0], $0xffff  }
0x2b9: {  	v4 =	vld [tilespmem:s6+$0x1A400];
	_ =	sdelay $0x4  }
0x2ba: {  	v3 =	vmul.f32 v3, v4;
	_ =	sdelay $0x1  }
0x2bb: {  	[tilespmem:v2+s28+$0x0] =	vst.idx.add.f32.msk $0xffff, v3  }
0x2bc: {  	v1 =	vld.idx.msk [tilespmem:v1+s25+$0x0], $0xffff;
	_ =	sdelay $0x3  }
.Ltmp27:
0x2bd: {  	(pc) =	sbr.rel @p0 .LBB2_57-.Ltmp27, $3  }
0x2be: {  	_ = 	snop  }
0x2bf: {  	v1 =	vmul.f32 v1, v4;
	_ =	sdelay $0x1  }
0x2c0: {  	s6 =	sshra.s32 s30, $0x2;
	s30 =	sadd.s32 $0x40, s30;
	[tilespmem:v2+s29+$0x0] =	vst.idx.add.f32.msk $0xffff, v1  }
0x2c1: {  	v1 =	vld [tilespmem:s6+$0x17C00];
	_ =	sdelay $0x5  }
0x2c2: {  	v2 =	vld [tilespmem:s6+$0x19000]  }
0x2c3: {  	v4 =	vld [tilespmem:s6+$0x1A400]  }
0x2c4: {  	v3 =	vld.idx.msk [tilespmem:v1+s24+$0x0], $0xffff;
	_ =	sdelay $0x4  }
0x2c5: {  	v3 =	vmul.f32 v3, v4;
	_ =	sdelay $0x1  }
0x2c6: {  	[tilespmem:v2+s28+$0x0] =	vst.idx.add.f32.msk $0xffff, v3  }
0x2c7: {  	v1 =	vld.idx.msk [tilespmem:v1+s25+$0x0], $0xffff  }
0x2c8: {  	s12 =	sadd.s32 $0x1, s12  }
0x2c9: {  	p0 =	sne.s32 s12, $0x10  }
.Ltmp28:
0x2ca: {  	_ = 	snop;
	(pc) =	sbr.rel @p0 .LBB2_54-.Ltmp28, $3  }
0x2cb: {  	_ = 	snop  }
0x2cc: {  	v1 =	vmul.f32 v1, v4;
	_ =	sdelay $0x1  }
0x2cd: {  	[tilespmem:v2+s29+$0x0] =	vst.idx.add.f32.msk $0xffff, v1  }
0x2ce: {  	s3 =	simm.s32 $0x0  }
0x2cf: {  	v2 =	vld [tilespmem:s3+$0xA000]  }
0x2d0: {  	v3 =	vld [tilespmem:s3+$0xC800]  }
0x2d1: {  	v4 =	vld [tilespmem:s3+$0x0]  }
0x2d2: {  	v5 =	vld [tilespmem:s3+$0x2800]  }
0x2d3: {  	v1 =	vld [tilespmem:$0x1BB00]  }
0x2d4: {  	v2 =	vadd.f32 v2, v2  }
0x2d5: {  	v6 =	vld [tilespmem:s3+$0xF000];
	v3 =	vadd.f32 v3, v3  }
0x2d6: {  	s30 =	simm.s32 $0x10;
	v8 =	vld [tilespmem:s3+$0x11800];
	v7 =	vsub.f32 v2, v4  }
0x2d7: {  	v4 =	vld [tilespmem:s30+$0xA000];
	v5 =	vsub.f32 v3, v5  }
0x2d8: {  	v2 =	vld [tilespmem:s30+$0xC800];
	[tilespmem:s3+$0x0] =	vst v7;
	v7 =	vmul.f32 v7, v1  }
0x2d9: {  	v9 =	vmul.f32 v5, v1;
	v3 =	vld [tilespmem:s30+$0x0];
	[tilespmem:s3+$0x2800] =	vst v5  }
0x2da: {  	v5 =	vld [tilespmem:s30+$0x2800];
	v7 =	vadd.f32 v7, v6  }
0x2db: {  	s12 =	simm.s32 $0x40;
	s6 =	simm.s32 $0x80;
	s31 =	simm.s32 $0x0;
	v6 =	vadd.f32 v9, v8  }
.LBB2_60:
0x2dc: {  	p0 =	sne.s32 s6, $0x9FC0;
	v4 =	vadd.f32 v4, v4;
	[tilespmem:s31+$0xF000] =	vst v7;
	s7 =	smov.u32 s6;
	s6 =	sadd.s32 $0x40, s6  }
0x2dd: {  	v7 =	vld [tilespmem:s30+$0xF000];
	v2 =	vadd.f32 v2, v2;
	[tilespmem:s31+$0x11800] =	vst v6;
	s31 =	smov.u32 s30  }
0x2de: {  	s30 =	sshra.s32 s7, $0x2;
	v3 =	vsub.f32 v4, v3;
	v6 =	vld [tilespmem:s31+$0x11800]  }
.Ltmp29:
0x2df: {  	v4 =	vld [tilespmem:s30+$0xA000];
	v5 =	vsub.f32 v2, v5;
	(pc) =	sbr.rel @p0 .LBB2_60-.Ltmp29, $4  }
0x2e0: {  	v2 =	vld [tilespmem:s30+$0xC800];
	[tilespmem:s31+$0x0] =	vst v3;
	v8 =	vmul.f32 v3, v1  }
0x2e1: {  	v3 =	vld [tilespmem:s30+$0x0];
	[tilespmem:s31+$0x2800] =	vst v5;
	v9 =	vmul.f32 v5, v1  }
0x2e2: {  	v5 =	vld [tilespmem:s30+$0x2800];
	v7 =	vadd.f32 v8, v7  }
0x2e3: {  	v6 =	vadd.f32 v9, v6  }
0x2e4: {  	[tilespmem:s31+$0xF000] =	vst v7;
	v4 =	vadd.f32 v4, v4  }
0x2e5: {  	v7 =	vld [tilespmem:s30+$0xF000];
	v2 =	vadd.f32 v2, v2;
	[tilespmem:s31+$0x11800] =	vst v6  }
0x2e6: {  	v3 =	vsub.f32 v4, v3;
	v62 =	vld [tilespmem:s30+$0x11800]  }
0x2e7: {  	v2 =	vsub.f32 v2, v5  }
0x2e8: {  	v63 =	vmul.f32 v3, v1  }
0x2e9: {  	v1 =	vmul.f32 v2, v1  }
0x2ea: {  	[tilespmem:s30+$0x0] =	vst v3;
	v3 =	vadd.f32 v63, v7  }
0x2eb: {  	[tilespmem:s30+$0x2800] =	vst v2;
	v1 =	vadd.f32 v1, v62  }
0x2ec: {  	[tilespmem:s30+$0xF000] =	vst v3  }
0x2ed: {  	[tilespmem:s30+$0x11800] =	vst v1  }
.LBB2_62:
0x2ee: {  	p0 =	sne.s32 s12, $0x9FC0;
	[tilespmem:s3+$0xA000] =	vst v0;
	s6 =	smov.u32 s12;
	s12 =	sadd.s32 $0x40, s12  }
.Ltmp30:
0x2ef: {  	[tilespmem:s3+$0xC800] =	vst v0;
	(pc) =	sbr.rel @p0 .LBB2_62-.Ltmp30, $2  }
0x2f0: {  	_ =	sdelay $0x2  }
0x2f1: {  	s3 =	sshra.s32 s6, $0x2  }
0x2f2: {  	[tilespmem:s3+$0xA000] =	vst v0  }
0x2f3: {  	[tilespmem:s3+$0xC800] =	vst v0;
	s3 =	simm.s32 $0x0  }
0x2f4: {  	[tilespmem:s17], [sflag:$0x1] =	stream.linear.gather [hbm4b:s4+s3], $0x1390, $0x38;
	[tilespmem:$0x1C000] =	vst v63  }
0x2f5: {  	_ = 	snop  }
0x2f6: {  	[tilespmem:s18], [sflag:$0x1] =	stream.linear.gather [hbm4b:s5+s3], $0x1390, $0x38;
	[tilespmem:$0x1C000] =	vst v63  }
0x2f7: {  	s12 =	simm.s32 $0x0  }
0x2f8: {  	[tilespmem:s19], [sflag:$0x1] =	stream.linear.gather [hbm4b:s1+s3], $0x1390, $0x38;
	[tilespmem:$0x1C000] =	vst v63  }
.LBB2_64:
0x2f9: {  	s30 =	smul.u32 $0x2720, s12;
	_ =	sdelay $0x1  }
0x2fa: {  	s6 =	sshrl.u32 s30, $0x3  }
0x2fb: {  	s6 =	sadd.s32 $0x272, s6  }
0x2fc: {  	s7 =	sadd.s32 s4, s6  }
0x2fd: {  	[tilespmem:s20], [sflag:$0x2] =	stream.linear.gather [hbm4b:s7+s3], $0x1390, $0x38;
	[tilespmem:$0x1C000] =	vst v63  }
0x2fe: {  	s7 =	sadd.s32 s5, s6  }
0x2ff: {  	[tilespmem:s21], [sflag:$0x2] =	stream.linear.gather [hbm4b:s7+s3], $0x1390, $0x38;
	[tilespmem:$0x1C000] =	vst v63  }
0x300: {  	s6 =	sadd.s32 s1, s6  }
0x301: {  	[tilespmem:s22], [sflag:$0x2] =	stream.linear.gather [hbm4b:s6+s3], $0x1390, $0x38;
	[tilespmem:$0x1C000] =	vst v63  }
0x302: {  	_ =	swait.ge [sflag:s23], $0x1390  }
0x303: {  	[sflag:s23] =	ssyncset.done $0x0  }
0x304: {  	[sflag:s23] =	ssyncadd.s32 $0xFFFFEC70  }
0x305: {  	_ =	swait.ge [sflag:s23], $0x1390  }
0x306: {  	[sflag:s23] =	ssyncset.done $0x0  }
0x307: {  	[sflag:s23] =	ssyncadd.s32 $0xFFFFEC70  }
0x308: {  	_ =	swait.ge [sflag:s23], $0x1390  }
0x309: {  	[sflag:s23] =	ssyncset.done $0x0  }
0x30a: {  	s31 =	simm.s32 $0x40;
	s6 =	simm.s32 $0x0;
	[sflag:s23] =	ssyncadd.s32 $0xFFFFEC70  }
.LBB2_65:
0x30b: {  	p0 =	sne.s32 s31, $0x4E00;
	v1 =	vld [tilespmem:s6+$0x14000];
	_ =	sdelay $0x6  }
0x30c: {  	v2 =	vld [tilespmem:s6+$0x15400]  }
0x30d: {  	v3 =	vld.idx.msk [tilespmem:v1+s2+$0x0], $0xffff  }
0x30e: {  	v4 =	vld [tilespmem:s6+$0x16800];
	_ =	sdelay $0x4  }
0x30f: {  	v3 =	vmul.f32 v3, v4;
	_ =	sdelay $0x1  }
0x310: {  	[tilespmem:v2+s28+$0x0] =	vst.idx.add.f32.msk $0xffff, v3  }
0x311: {  	v1 =	vld.idx.msk [tilespmem:v1+s16+$0x0], $0xffff;
	_ =	sdelay $0x3  }
.Ltmp31:
0x312: {  	(pc) =	sbr.rel @p0 .LBB2_65-.Ltmp31, $3  }
0x313: {  	_ = 	snop  }
0x314: {  	v1 =	vmul.f32 v1, v4;
	_ =	sdelay $0x1  }
0x315: {  	s6 =	sshra.s32 s31, $0x2;
	s31 =	sadd.s32 $0x40, s31;
	[tilespmem:v2+s29+$0x0] =	vst.idx.add.f32.msk $0xffff, v1  }
0x316: {  	v1 =	vld [tilespmem:s6+$0x14000];
	_ =	sdelay $0x5  }
0x317: {  	v2 =	vld [tilespmem:s6+$0x15400]  }
0x318: {  	v4 =	vld [tilespmem:s6+$0x16800]  }
0x319: {  	v3 =	vld.idx.msk [tilespmem:v1+s2+$0x0], $0xffff;
	_ =	sdelay $0x4  }
0x31a: {  	v3 =	vmul.f32 v3, v4;
	_ =	sdelay $0x1  }
0x31b: {  	[tilespmem:v2+s28+$0x0] =	vst.idx.add.f32.msk $0xffff, v3  }
0x31c: {  	v1 =	vld.idx.msk [tilespmem:v1+s16+$0x0], $0xffff;
	_ =	sdelay $0x3  }
0x31d: {  	p0 =	seq.s32 s12, $0xF  }
0x31e: {  	s6 =	sshrl.u32 @!p0 s30, $0x3;
	v1 =	vmul.f32 v1, v4  }
0x31f: {  	s6 =	sadd.s32 @!p0 $0x4E4, s6  }
0x320: {  	s30 =	simm.s32 @!p0 $0x0;
	s31 =	simm.s32 @!p0 $0x14000;
	s7 =	sadd.s32 @!p0 s4, s6;
	[tilespmem:v2+s29+$0x0] =	vst.idx.add.f32.msk $0xffff, v1  }
0x321: {  	[tilespmem:s31], [sflag:$0x1] =	stream.linear.gather @!p0 [hbm4b:s7+s30], $0x1390, $0x38;
	[tilespmem:$0x1C000] =	vst v63  }
0x322: {  	s7 =	sadd.s32 @!p0 s5, s6;
	s31 =	simm.s32 @!p0 $0x15400  }
0x323: {  	[tilespmem:s31], [sflag:$0x1] =	stream.linear.gather @!p0 [hbm4b:s7+s30], $0x1390, $0x38;
	[tilespmem:$0x1C000] =	vst v63  }
0x324: {  	s6 =	sadd.s32 @!p0 s1, s6;
	s7 =	simm.s32 @!p0 $0x16800  }
0x325: {  	[tilespmem:s7], [sflag:$0x1] =	stream.linear.gather @!p0 [hbm4b:s6+s30], $0x1390, $0x38;
	[tilespmem:$0x1C000] =	vst v63  }
0x326: {  	_ =	swait.ge [sflag:s26], $0x1390  }
0x327: {  	[sflag:s26] =	ssyncset.done $0x0  }
0x328: {  	[sflag:s26] =	ssyncadd.s32 $0xFFFFEC70  }
0x329: {  	_ =	swait.ge [sflag:s26], $0x1390  }
0x32a: {  	[sflag:s26] =	ssyncset.done $0x0  }
0x32b: {  	[sflag:s26] =	ssyncadd.s32 $0xFFFFEC70  }
0x32c: {  	_ =	swait.ge [sflag:s26], $0x1390  }
0x32d: {  	[sflag:s26] =	ssyncset.done $0x0  }
0x32e: {  	s6 =	simm.s32 $0x0;
	s30 =	simm.s32 $0x40;
	[sflag:s26] =	ssyncadd.s32 $0xFFFFEC70  }
.LBB2_67:
0x32f: {  	p0 =	sne.s32 s30, $0x4E00;
	v1 =	vld [tilespmem:s6+$0x17C00];
	_ =	sdelay $0x6  }
0x330: {  	v2 =	vld [tilespmem:s6+$0x19000]  }
0x331: {  	v3 =	vld.idx.msk [tilespmem:v1+s2+$0x0], $0xffff  }
0x332: {  	v4 =	vld [tilespmem:s6+$0x1A400];
	_ =	sdelay $0x4  }
0x333: {  	v3 =	vmul.f32 v3, v4;
	_ =	sdelay $0x1  }
0x334: {  	[tilespmem:v2+s28+$0x0] =	vst.idx.add.f32.msk $0xffff, v3  }
0x335: {  	v1 =	vld.idx.msk [tilespmem:v1+s16+$0x0], $0xffff;
	_ =	sdelay $0x3  }
.Ltmp32:
0x336: {  	(pc) =	sbr.rel @p0 .LBB2_67-.Ltmp32, $3  }
0x337: {  	_ = 	snop  }
0x338: {  	v1 =	vmul.f32 v1, v4;
	_ =	sdelay $0x1  }
0x339: {  	s6 =	sshra.s32 s30, $0x2;
	s30 =	sadd.s32 $0x40, s30;
	[tilespmem:v2+s29+$0x0] =	vst.idx.add.f32.msk $0xffff, v1  }
0x33a: {  	v1 =	vld [tilespmem:s6+$0x17C00];
	_ =	sdelay $0x5  }
0x33b: {  	v2 =	vld [tilespmem:s6+$0x19000]  }
0x33c: {  	v4 =	vld [tilespmem:s6+$0x1A400]  }
0x33d: {  	v3 =	vld.idx.msk [tilespmem:v1+s2+$0x0], $0xffff;
	_ =	sdelay $0x4  }
0x33e: {  	v3 =	vmul.f32 v3, v4;
	_ =	sdelay $0x1  }
0x33f: {  	[tilespmem:v2+s28+$0x0] =	vst.idx.add.f32.msk $0xffff, v3  }
0x340: {  	v1 =	vld.idx.msk [tilespmem:v1+s16+$0x0], $0xffff  }
0x341: {  	s12 =	sadd.s32 $0x1, s12  }
0x342: {  	p0 =	sne.s32 s12, $0x10  }
.Ltmp33:
0x343: {  	_ = 	snop;
	(pc) =	sbr.rel @p0 .LBB2_64-.Ltmp33, $3  }
0x344: {  	_ = 	snop  }
0x345: {  	v1 =	vmul.f32 v1, v4;
	_ =	sdelay $0x1  }
0x346: {  	[tilespmem:v2+s29+$0x0] =	vst.idx.add.f32.msk $0xffff, v1  }
0x347: {  	s3 =	simm.s32 $0x0  }
0x348: {  	v2 =	vld [tilespmem:s3+$0xA000]  }
0x349: {  	v3 =	vld [tilespmem:s3+$0xC800]  }
0x34a: {  	v4 =	vld [tilespmem:s3+$0x5000]  }
0x34b: {  	v5 =	vld [tilespmem:s3+$0x7800]  }
0x34c: {  	v1 =	vld [tilespmem:$0x1BB80]  }
0x34d: {  	v2 =	vadd.f32 v2, v2  }
0x34e: {  	v6 =	vld [tilespmem:s3+$0xF000];
	v3 =	vadd.f32 v3, v3  }
0x34f: {  	s30 =	simm.s32 $0x10;
	v8 =	vld [tilespmem:s3+$0x11800];
	v7 =	vsub.f32 v2, v4  }
0x350: {  	v4 =	vld [tilespmem:s30+$0xA000];
	v5 =	vsub.f32 v3, v5  }
0x351: {  	v2 =	vld [tilespmem:s30+$0xC800];
	[tilespmem:s3+$0x5000] =	vst v7;
	v7 =	vmul.f32 v7, v1  }
0x352: {  	v9 =	vmul.f32 v5, v1;
	v3 =	vld [tilespmem:s30+$0x5000];
	[tilespmem:s3+$0x7800] =	vst v5  }
0x353: {  	v5 =	vld [tilespmem:s30+$0x7800];
	v7 =	vadd.f32 v7, v6  }
0x354: {  	s12 =	simm.s32 $0x40;
	s6 =	simm.s32 $0x80;
	s31 =	simm.s32 $0x0;
	v6 =	vadd.f32 v9, v8  }
.LBB2_70:
0x355: {  	p0 =	sne.s32 s6, $0x9FC0;
	v4 =	vadd.f32 v4, v4;
	[tilespmem:s31+$0xF000] =	vst v7;
	s7 =	smov.u32 s6;
	s6 =	sadd.s32 $0x40, s6  }
0x356: {  	v7 =	vld [tilespmem:s30+$0xF000];
	v2 =	vadd.f32 v2, v2;
	[tilespmem:s31+$0x11800] =	vst v6;
	s31 =	smov.u32 s30  }
0x357: {  	s30 =	sshra.s32 s7, $0x2;
	v3 =	vsub.f32 v4, v3;
	v6 =	vld [tilespmem:s31+$0x11800]  }
.Ltmp34:
0x358: {  	v4 =	vld [tilespmem:s30+$0xA000];
	v5 =	vsub.f32 v2, v5;
	(pc) =	sbr.rel @p0 .LBB2_70-.Ltmp34, $4  }
0x359: {  	v2 =	vld [tilespmem:s30+$0xC800];
	[tilespmem:s31+$0x5000] =	vst v3;
	v8 =	vmul.f32 v3, v1  }
0x35a: {  	v3 =	vld [tilespmem:s30+$0x5000];
	[tilespmem:s31+$0x7800] =	vst v5;
	v9 =	vmul.f32 v5, v1  }
0x35b: {  	v5 =	vld [tilespmem:s30+$0x7800];
	v7 =	vadd.f32 v8, v7  }
0x35c: {  	v6 =	vadd.f32 v9, v6  }
0x35d: {  	[tilespmem:s31+$0xF000] =	vst v7;
	v4 =	vadd.f32 v4, v4  }
0x35e: {  	v7 =	vld [tilespmem:s30+$0xF000];
	v2 =	vadd.f32 v2, v2;
	[tilespmem:s31+$0x11800] =	vst v6  }
0x35f: {  	v3 =	vsub.f32 v4, v3;
	v62 =	vld [tilespmem:s30+$0x11800]  }
0x360: {  	v2 =	vsub.f32 v2, v5  }
0x361: {  	v63 =	vmul.f32 v3, v1  }
0x362: {  	v1 =	vmul.f32 v2, v1  }
0x363: {  	[tilespmem:s30+$0x5000] =	vst v3;
	v3 =	vadd.f32 v63, v7  }
0x364: {  	[tilespmem:s30+$0x7800] =	vst v2;
	v1 =	vadd.f32 v1, v62  }
0x365: {  	[tilespmem:s30+$0xF000] =	vst v3  }
0x366: {  	[tilespmem:s30+$0x11800] =	vst v1  }
.LBB2_72:
0x367: {  	p0 =	sne.s32 s12, $0x9FC0;
	[tilespmem:s3+$0xA000] =	vst v0;
	s6 =	smov.u32 s12;
	s12 =	sadd.s32 $0x40, s12  }
.Ltmp35:
0x368: {  	[tilespmem:s3+$0xC800] =	vst v0;
	(pc) =	sbr.rel @p0 .LBB2_72-.Ltmp35, $2  }
0x369: {  	_ =	sdelay $0x2  }
0x36a: {  	s3 =	sshra.s32 s6, $0x2  }
0x36b: {  	[tilespmem:s3+$0xA000] =	vst v0  }
0x36c: {  	[tilespmem:s3+$0xC800] =	vst v0;
	s3 =	simm.s32 $0x0  }
0x36d: {  	[tilespmem:s17], [sflag:$0x1] =	stream.linear.gather [hbm4b:s4+s3], $0x1390, $0x38;
	[tilespmem:$0x1C000] =	vst v63  }
0x36e: {  	_ = 	snop  }
0x36f: {  	[tilespmem:s18], [sflag:$0x1] =	stream.linear.gather [hbm4b:s5+s3], $0x1390, $0x38;
	[tilespmem:$0x1C000] =	vst v63  }
0x370: {  	s12 =	simm.s32 $0x0  }
0x371: {  	[tilespmem:s19], [sflag:$0x1] =	stream.linear.gather [hbm4b:s1+s3], $0x1390, $0x38;
	[tilespmem:$0x1C000] =	vst v63  }
.LBB2_74:
0x372: {  	s30 =	smul.u32 $0x2720, s12;
	_ =	sdelay $0x1  }
0x373: {  	s6 =	sshrl.u32 s30, $0x3  }
0x374: {  	s6 =	sadd.s32 $0x272, s6  }
0x375: {  	s7 =	sadd.s32 s4, s6  }
0x376: {  	[tilespmem:s20], [sflag:$0x2] =	stream.linear.gather [hbm4b:s7+s3], $0x1390, $0x38;
	[tilespmem:$0x1C000] =	vst v63  }
0x377: {  	s7 =	sadd.s32 s5, s6  }
0x378: {  	[tilespmem:s21], [sflag:$0x2] =	stream.linear.gather [hbm4b:s7+s3], $0x1390, $0x38;
	[tilespmem:$0x1C000] =	vst v63  }
0x379: {  	s6 =	sadd.s32 s1, s6  }
0x37a: {  	[tilespmem:s22], [sflag:$0x2] =	stream.linear.gather [hbm4b:s6+s3], $0x1390, $0x38;
	[tilespmem:$0x1C000] =	vst v63  }
0x37b: {  	_ =	swait.ge [sflag:s23], $0x1390  }
0x37c: {  	[sflag:s23] =	ssyncset.done $0x0  }
0x37d: {  	[sflag:s23] =	ssyncadd.s32 $0xFFFFEC70  }
0x37e: {  	_ =	swait.ge [sflag:s23], $0x1390  }
0x37f: {  	[sflag:s23] =	ssyncset.done $0x0  }
0x380: {  	[sflag:s23] =	ssyncadd.s32 $0xFFFFEC70  }
0x381: {  	_ =	swait.ge [sflag:s23], $0x1390  }
0x382: {  	[sflag:s23] =	ssyncset.done $0x0  }
0x383: {  	s31 =	simm.s32 $0x40;
	s6 =	simm.s32 $0x0;
	[sflag:s23] =	ssyncadd.s32 $0xFFFFEC70  }
.LBB2_75:
0x384: {  	p0 =	sne.s32 s31, $0x4E00;
	v1 =	vld [tilespmem:s6+$0x14000];
	_ =	sdelay $0x6  }
0x385: {  	v2 =	vld [tilespmem:s6+$0x15400]  }
0x386: {  	v3 =	vld.idx.msk [tilespmem:v1+s24+$0x0], $0xffff  }
0x387: {  	v4 =	vld [tilespmem:s6+$0x16800];
	_ =	sdelay $0x4  }
0x388: {  	v3 =	vmul.f32 v3, v4;
	_ =	sdelay $0x1  }
0x389: {  	[tilespmem:v2+s28+$0x0] =	vst.idx.add.f32.msk $0xffff, v3  }
0x38a: {  	v1 =	vld.idx.msk [tilespmem:v1+s25+$0x0], $0xffff;
	_ =	sdelay $0x3  }
.Ltmp36:
0x38b: {  	(pc) =	sbr.rel @p0 .LBB2_75-.Ltmp36, $3  }
0x38c: {  	_ = 	snop  }
0x38d: {  	v1 =	vmul.f32 v1, v4;
	_ =	sdelay $0x1  }
0x38e: {  	s6 =	sshra.s32 s31, $0x2;
	s31 =	sadd.s32 $0x40, s31;
	[tilespmem:v2+s29+$0x0] =	vst.idx.add.f32.msk $0xffff, v1  }
0x38f: {  	v1 =	vld [tilespmem:s6+$0x14000];
	_ =	sdelay $0x5  }
0x390: {  	v2 =	vld [tilespmem:s6+$0x15400]  }
0x391: {  	v4 =	vld [tilespmem:s6+$0x16800]  }
0x392: {  	v3 =	vld.idx.msk [tilespmem:v1+s24+$0x0], $0xffff;
	_ =	sdelay $0x4  }
0x393: {  	v3 =	vmul.f32 v3, v4;
	_ =	sdelay $0x1  }
0x394: {  	[tilespmem:v2+s28+$0x0] =	vst.idx.add.f32.msk $0xffff, v3  }
0x395: {  	v1 =	vld.idx.msk [tilespmem:v1+s25+$0x0], $0xffff;
	_ =	sdelay $0x3  }
0x396: {  	p0 =	seq.s32 s12, $0xF  }
0x397: {  	s6 =	sshrl.u32 @!p0 s30, $0x3;
	v1 =	vmul.f32 v1, v4  }
0x398: {  	s6 =	sadd.s32 @!p0 $0x4E4, s6  }
0x399: {  	s30 =	simm.s32 @!p0 $0x0;
	s31 =	simm.s32 @!p0 $0x14000;
	s7 =	sadd.s32 @!p0 s4, s6;
	[tilespmem:v2+s29+$0x0] =	vst.idx.add.f32.msk $0xffff, v1  }
0x39a: {  	[tilespmem:s31], [sflag:$0x1] =	stream.linear.gather @!p0 [hbm4b:s7+s30], $0x1390, $0x38;
	[tilespmem:$0x1C000] =	vst v63  }
0x39b: {  	s7 =	sadd.s32 @!p0 s5, s6;
	s31 =	simm.s32 @!p0 $0x15400  }
0x39c: {  	[tilespmem:s31], [sflag:$0x1] =	stream.linear.gather @!p0 [hbm4b:s7+s30], $0x1390, $0x38;
	[tilespmem:$0x1C000] =	vst v63  }
0x39d: {  	s6 =	sadd.s32 @!p0 s1, s6;
	s7 =	simm.s32 @!p0 $0x16800  }
0x39e: {  	[tilespmem:s7], [sflag:$0x1] =	stream.linear.gather @!p0 [hbm4b:s6+s30], $0x1390, $0x38;
	[tilespmem:$0x1C000] =	vst v63  }
0x39f: {  	_ =	swait.ge [sflag:s26], $0x1390  }
0x3a0: {  	[sflag:s26] =	ssyncset.done $0x0  }
0x3a1: {  	[sflag:s26] =	ssyncadd.s32 $0xFFFFEC70  }
0x3a2: {  	_ =	swait.ge [sflag:s26], $0x1390  }
0x3a3: {  	[sflag:s26] =	ssyncset.done $0x0  }
0x3a4: {  	[sflag:s26] =	ssyncadd.s32 $0xFFFFEC70  }
0x3a5: {  	_ =	swait.ge [sflag:s26], $0x1390  }
0x3a6: {  	[sflag:s26] =	ssyncset.done $0x0  }
0x3a7: {  	s6 =	simm.s32 $0x0;
	s30 =	simm.s32 $0x40;
	[sflag:s26] =	ssyncadd.s32 $0xFFFFEC70  }
.LBB2_77:
0x3a8: {  	p0 =	sne.s32 s30, $0x4E00;
	v1 =	vld [tilespmem:s6+$0x17C00];
	_ =	sdelay $0x6  }
0x3a9: {  	v2 =	vld [tilespmem:s6+$0x19000]  }
0x3aa: {  	v3 =	vld.idx.msk [tilespmem:v1+s24+$0x0], $0xffff  }
0x3ab: {  	v4 =	vld [tilespmem:s6+$0x1A400];
	_ =	sdelay $0x4  }
0x3ac: {  	v3 =	vmul.f32 v3, v4;
	_ =	sdelay $0x1  }
0x3ad: {  	[tilespmem:v2+s28+$0x0] =	vst.idx.add.f32.msk $0xffff, v3  }
0x3ae: {  	v1 =	vld.idx.msk [tilespmem:v1+s25+$0x0], $0xffff;
	_ =	sdelay $0x3  }
.Ltmp37:
0x3af: {  	(pc) =	sbr.rel @p0 .LBB2_77-.Ltmp37, $3  }
0x3b0: {  	_ = 	snop  }
0x3b1: {  	v1 =	vmul.f32 v1, v4;
	_ =	sdelay $0x1  }
0x3b2: {  	s6 =	sshra.s32 s30, $0x2;
	s30 =	sadd.s32 $0x40, s30;
	[tilespmem:v2+s29+$0x0] =	vst.idx.add.f32.msk $0xffff, v1  }
0x3b3: {  	v1 =	vld [tilespmem:s6+$0x17C00];
	_ =	sdelay $0x5  }
0x3b4: {  	v2 =	vld [tilespmem:s6+$0x19000]  }
0x3b5: {  	v4 =	vld [tilespmem:s6+$0x1A400]  }
0x3b6: {  	v3 =	vld.idx.msk [tilespmem:v1+s24+$0x0], $0xffff;
	_ =	sdelay $0x4  }
0x3b7: {  	v3 =	vmul.f32 v3, v4;
	_ =	sdelay $0x1  }
0x3b8: {  	[tilespmem:v2+s28+$0x0] =	vst.idx.add.f32.msk $0xffff, v3  }
0x3b9: {  	v1 =	vld.idx.msk [tilespmem:v1+s25+$0x0], $0xffff  }
0x3ba: {  	s12 =	sadd.s32 $0x1, s12  }
0x3bb: {  	p0 =	sne.s32 s12, $0x10  }
.Ltmp38:
0x3bc: {  	_ = 	snop;
	(pc) =	sbr.rel @p0 .LBB2_74-.Ltmp38, $3  }
0x3bd: {  	_ = 	snop  }
0x3be: {  	v1 =	vmul.f32 v1, v4;
	_ =	sdelay $0x1  }
0x3bf: {  	[tilespmem:v2+s29+$0x0] =	vst.idx.add.f32.msk $0xffff, v1  }
0x3c0: {  	s3 =	simm.s32 $0x0  }
0x3c1: {  	v2 =	vld [tilespmem:s3+$0xA000]  }
0x3c2: {  	v3 =	vld [tilespmem:s3+$0xC800]  }
0x3c3: {  	v4 =	vld [tilespmem:s3+$0x0]  }
0x3c4: {  	v5 =	vld [tilespmem:s3+$0x2800]  }
0x3c5: {  	v1 =	vld [tilespmem:$0x1BC00]  }
0x3c6: {  	v2 =	vadd.f32 v2, v2  }
0x3c7: {  	v6 =	vld [tilespmem:s3+$0xF000];
	v3 =	vadd.f32 v3, v3  }
0x3c8: {  	s30 =	simm.s32 $0x10;
	v8 =	vld [tilespmem:s3+$0x11800];
	v7 =	vsub.f32 v2, v4  }
0x3c9: {  	v4 =	vld [tilespmem:s30+$0xA000];
	v5 =	vsub.f32 v3, v5  }
0x3ca: {  	v2 =	vld [tilespmem:s30+$0xC800];
	[tilespmem:s3+$0x0] =	vst v7;
	v7 =	vmul.f32 v7, v1  }
0x3cb: {  	v9 =	vmul.f32 v5, v1;
	v3 =	vld [tilespmem:s30+$0x0];
	[tilespmem:s3+$0x2800] =	vst v5  }
0x3cc: {  	v5 =	vld [tilespmem:s30+$0x2800];
	v7 =	vadd.f32 v7, v6  }
0x3cd: {  	s12 =	simm.s32 $0x40;
	s6 =	simm.s32 $0x80;
	s31 =	simm.s32 $0x0;
	v6 =	vadd.f32 v9, v8  }
.LBB2_80:
0x3ce: {  	p0 =	sne.s32 s6, $0x9FC0;
	v4 =	vadd.f32 v4, v4;
	[tilespmem:s31+$0xF000] =	vst v7;
	s7 =	smov.u32 s6;
	s6 =	sadd.s32 $0x40, s6  }
0x3cf: {  	v7 =	vld [tilespmem:s30+$0xF000];
	v2 =	vadd.f32 v2, v2;
	[tilespmem:s31+$0x11800] =	vst v6;
	s31 =	smov.u32 s30  }
0x3d0: {  	s30 =	sshra.s32 s7, $0x2;
	v3 =	vsub.f32 v4, v3;
	v6 =	vld [tilespmem:s31+$0x11800]  }
.Ltmp39:
0x3d1: {  	v4 =	vld [tilespmem:s30+$0xA000];
	v5 =	vsub.f32 v2, v5;
	(pc) =	sbr.rel @p0 .LBB2_80-.Ltmp39, $4  }
0x3d2: {  	v2 =	vld [tilespmem:s30+$0xC800];
	[tilespmem:s31+$0x0] =	vst v3;
	v8 =	vmul.f32 v3, v1  }
0x3d3: {  	v3 =	vld [tilespmem:s30+$0x0];
	[tilespmem:s31+$0x2800] =	vst v5;
	v9 =	vmul.f32 v5, v1  }
0x3d4: {  	v5 =	vld [tilespmem:s30+$0x2800];
	v7 =	vadd.f32 v8, v7  }
0x3d5: {  	v6 =	vadd.f32 v9, v6  }
0x3d6: {  	[tilespmem:s31+$0xF000] =	vst v7;
	v4 =	vadd.f32 v4, v4  }
0x3d7: {  	v7 =	vld [tilespmem:s30+$0xF000];
	v2 =	vadd.f32 v2, v2;
	[tilespmem:s31+$0x11800] =	vst v6  }
0x3d8: {  	v3 =	vsub.f32 v4, v3;
	v62 =	vld [tilespmem:s30+$0x11800]  }
0x3d9: {  	v2 =	vsub.f32 v2, v5  }
0x3da: {  	v63 =	vmul.f32 v3, v1  }
0x3db: {  	v1 =	vmul.f32 v2, v1  }
0x3dc: {  	[tilespmem:s30+$0x0] =	vst v3;
	v3 =	vadd.f32 v63, v7  }
0x3dd: {  	[tilespmem:s30+$0x2800] =	vst v2;
	v1 =	vadd.f32 v1, v62  }
0x3de: {  	[tilespmem:s30+$0xF000] =	vst v3  }
0x3df: {  	[tilespmem:s30+$0x11800] =	vst v1  }
.LBB2_82:
0x3e0: {  	p0 =	sne.s32 s12, $0x9FC0;
	[tilespmem:s3+$0xA000] =	vst v0;
	s6 =	smov.u32 s12;
	s12 =	sadd.s32 $0x40, s12  }
.Ltmp40:
0x3e1: {  	[tilespmem:s3+$0xC800] =	vst v0;
	(pc) =	sbr.rel @p0 .LBB2_82-.Ltmp40, $2  }
0x3e2: {  	_ =	sdelay $0x2  }
0x3e3: {  	s3 =	sshra.s32 s6, $0x2  }
0x3e4: {  	[tilespmem:s3+$0xA000] =	vst v0  }
0x3e5: {  	[tilespmem:s3+$0xC800] =	vst v0;
	s3 =	simm.s32 $0x0  }
0x3e6: {  	[tilespmem:s17], [sflag:$0x1] =	stream.linear.gather [hbm4b:s4+s3], $0x1390, $0x38;
	[tilespmem:$0x1C000] =	vst v63  }
0x3e7: {  	_ = 	snop  }
0x3e8: {  	[tilespmem:s18], [sflag:$0x1] =	stream.linear.gather [hbm4b:s5+s3], $0x1390, $0x38;
	[tilespmem:$0x1C000] =	vst v63  }
0x3e9: {  	s12 =	simm.s32 $0x0  }
0x3ea: {  	[tilespmem:s19], [sflag:$0x1] =	stream.linear.gather [hbm4b:s1+s3], $0x1390, $0x38;
	[tilespmem:$0x1C000] =	vst v63  }
.LBB2_84:
0x3eb: {  	s30 =	smul.u32 $0x2720, s12;
	_ =	sdelay $0x1  }
0x3ec: {  	s6 =	sshrl.u32 s30, $0x3  }
0x3ed: {  	s6 =	sadd.s32 $0x272, s6  }
0x3ee: {  	s7 =	sadd.s32 s4, s6  }
0x3ef: {  	[tilespmem:s20], [sflag:$0x2] =	stream.linear.gather [hbm4b:s7+s3], $0x1390, $0x38;
	[tilespmem:$0x1C000] =	vst v63  }
0x3f0: {  	s7 =	sadd.s32 s5, s6  }
0x3f1: {  	[tilespmem:s21], [sflag:$0x2] =	stream.linear.gather [hbm4b:s7+s3], $0x1390, $0x38;
	[tilespmem:$0x1C000] =	vst v63  }
0x3f2: {  	s6 =	sadd.s32 s1, s6  }
0x3f3: {  	[tilespmem:s22], [sflag:$0x2] =	stream.linear.gather [hbm4b:s6+s3], $0x1390, $0x38;
	[tilespmem:$0x1C000] =	vst v63  }
0x3f4: {  	_ =	swait.ge [sflag:s23], $0x1390  }
0x3f5: {  	[sflag:s23] =	ssyncset.done $0x0  }
0x3f6: {  	[sflag:s23] =	ssyncadd.s32 $0xFFFFEC70  }
0x3f7: {  	_ =	swait.ge [sflag:s23], $0x1390  }
0x3f8: {  	[sflag:s23] =	ssyncset.done $0x0  }
0x3f9: {  	[sflag:s23] =	ssyncadd.s32 $0xFFFFEC70  }
0x3fa: {  	_ =	swait.ge [sflag:s23], $0x1390  }
0x3fb: {  	[sflag:s23] =	ssyncset.done $0x0  }
0x3fc: {  	s31 =	simm.s32 $0x40;
	s6 =	simm.s32 $0x0;
	[sflag:s23] =	ssyncadd.s32 $0xFFFFEC70  }
.LBB2_85:
0x3fd: {  	p0 =	sne.s32 s31, $0x4E00;
	v1 =	vld [tilespmem:s6+$0x14000];
	_ =	sdelay $0x6  }
0x3fe: {  	v2 =	vld [tilespmem:s6+$0x15400]  }
0x3ff: {  	v3 =	vld.idx.msk [tilespmem:v1+s2+$0x0], $0xffff  }
0x400: {  	v4 =	vld [tilespmem:s6+$0x16800];
	_ =	sdelay $0x4  }
0x401: {  	v3 =	vmul.f32 v3, v4;
	_ =	sdelay $0x1  }
0x402: {  	[tilespmem:v2+s28+$0x0] =	vst.idx.add.f32.msk $0xffff, v3  }
0x403: {  	v1 =	vld.idx.msk [tilespmem:v1+s16+$0x0], $0xffff;
	_ =	sdelay $0x3  }
.Ltmp41:
0x404: {  	(pc) =	sbr.rel @p0 .LBB2_85-.Ltmp41, $3  }
0x405: {  	_ = 	snop  }
0x406: {  	v1 =	vmul.f32 v1, v4;
	_ =	sdelay $0x1  }
0x407: {  	s6 =	sshra.s32 s31, $0x2;
	s31 =	sadd.s32 $0x40, s31;
	[tilespmem:v2+s29+$0x0] =	vst.idx.add.f32.msk $0xffff, v1  }
0x408: {  	v1 =	vld [tilespmem:s6+$0x14000];
	_ =	sdelay $0x5  }
0x409: {  	v2 =	vld [tilespmem:s6+$0x15400]  }
0x40a: {  	v4 =	vld [tilespmem:s6+$0x16800]  }
0x40b: {  	v3 =	vld.idx.msk [tilespmem:v1+s2+$0x0], $0xffff;
	_ =	sdelay $0x4  }
0x40c: {  	v3 =	vmul.f32 v3, v4;
	_ =	sdelay $0x1  }
0x40d: {  	[tilespmem:v2+s28+$0x0] =	vst.idx.add.f32.msk $0xffff, v3  }
0x40e: {  	v1 =	vld.idx.msk [tilespmem:v1+s16+$0x0], $0xffff;
	_ =	sdelay $0x3  }
0x40f: {  	p0 =	seq.s32 s12, $0xF  }
0x410: {  	s6 =	sshrl.u32 @!p0 s30, $0x3;
	v1 =	vmul.f32 v1, v4  }
0x411: {  	s6 =	sadd.s32 @!p0 $0x4E4, s6  }
0x412: {  	s30 =	simm.s32 @!p0 $0x0;
	s31 =	simm.s32 @!p0 $0x14000;
	s7 =	sadd.s32 @!p0 s4, s6;
	[tilespmem:v2+s29+$0x0] =	vst.idx.add.f32.msk $0xffff, v1  }
0x413: {  	[tilespmem:s31], [sflag:$0x1] =	stream.linear.gather @!p0 [hbm4b:s7+s30], $0x1390, $0x38;
	[tilespmem:$0x1C000] =	vst v63  }
0x414: {  	s7 =	sadd.s32 @!p0 s5, s6;
	s31 =	simm.s32 @!p0 $0x15400  }
0x415: {  	[tilespmem:s31], [sflag:$0x1] =	stream.linear.gather @!p0 [hbm4b:s7+s30], $0x1390, $0x38;
	[tilespmem:$0x1C000] =	vst v63  }
0x416: {  	s6 =	sadd.s32 @!p0 s1, s6;
	s7 =	simm.s32 @!p0 $0x16800  }
0x417: {  	[tilespmem:s7], [sflag:$0x1] =	stream.linear.gather @!p0 [hbm4b:s6+s30], $0x1390, $0x38;
	[tilespmem:$0x1C000] =	vst v63  }
0x418: {  	_ =	swait.ge [sflag:s26], $0x1390  }
0x419: {  	[sflag:s26] =	ssyncset.done $0x0  }
0x41a: {  	[sflag:s26] =	ssyncadd.s32 $0xFFFFEC70  }
0x41b: {  	_ =	swait.ge [sflag:s26], $0x1390  }
0x41c: {  	[sflag:s26] =	ssyncset.done $0x0  }
0x41d: {  	[sflag:s26] =	ssyncadd.s32 $0xFFFFEC70  }
0x41e: {  	_ =	swait.ge [sflag:s26], $0x1390  }
0x41f: {  	[sflag:s26] =	ssyncset.done $0x0  }
0x420: {  	s6 =	simm.s32 $0x0;
	s30 =	simm.s32 $0x40;
	[sflag:s26] =	ssyncadd.s32 $0xFFFFEC70  }
.LBB2_87:
0x421: {  	p0 =	sne.s32 s30, $0x4E00;
	v1 =	vld [tilespmem:s6+$0x17C00];
	_ =	sdelay $0x6  }
0x422: {  	v2 =	vld [tilespmem:s6+$0x19000]  }
0x423: {  	v3 =	vld.idx.msk [tilespmem:v1+s2+$0x0], $0xffff  }
0x424: {  	v4 =	vld [tilespmem:s6+$0x1A400];
	_ =	sdelay $0x4  }
0x425: {  	v3 =	vmul.f32 v3, v4;
	_ =	sdelay $0x1  }
0x426: {  	[tilespmem:v2+s28+$0x0] =	vst.idx.add.f32.msk $0xffff, v3  }
0x427: {  	v1 =	vld.idx.msk [tilespmem:v1+s16+$0x0], $0xffff;
	_ =	sdelay $0x3  }
.Ltmp42:
0x428: {  	(pc) =	sbr.rel @p0 .LBB2_87-.Ltmp42, $3  }
0x429: {  	_ = 	snop  }
0x42a: {  	v1 =	vmul.f32 v1, v4;
	_ =	sdelay $0x1  }
0x42b: {  	s6 =	sshra.s32 s30, $0x2;
	s30 =	sadd.s32 $0x40, s30;
	[tilespmem:v2+s29+$0x0] =	vst.idx.add.f32.msk $0xffff, v1  }
0x42c: {  	v1 =	vld [tilespmem:s6+$0x17C00];
	_ =	sdelay $0x5  }
0x42d: {  	v2 =	vld [tilespmem:s6+$0x19000]  }
0x42e: {  	v4 =	vld [tilespmem:s6+$0x1A400]  }
0x42f: {  	v3 =	vld.idx.msk [tilespmem:v1+s2+$0x0], $0xffff;
	_ =	sdelay $0x4  }
0x430: {  	v3 =	vmul.f32 v3, v4;
	_ =	sdelay $0x1  }
0x431: {  	[tilespmem:v2+s28+$0x0] =	vst.idx.add.f32.msk $0xffff, v3  }
0x432: {  	v1 =	vld.idx.msk [tilespmem:v1+s16+$0x0], $0xffff  }
0x433: {  	s12 =	sadd.s32 $0x1, s12  }
0x434: {  	p0 =	sne.s32 s12, $0x10  }
.Ltmp43:
0x435: {  	_ = 	snop;
	(pc) =	sbr.rel @p0 .LBB2_84-.Ltmp43, $3  }
0x436: {  	_ = 	snop  }
0x437: {  	v1 =	vmul.f32 v1, v4;
	_ =	sdelay $0x1  }
0x438: {  	[tilespmem:v2+s29+$0x0] =	vst.idx.add.f32.msk $0xffff, v1  }
0x439: {  	s3 =	simm.s32 $0x0  }
0x43a: {  	v2 =	vld [tilespmem:s3+$0xA000]  }
0x43b: {  	v3 =	vld [tilespmem:s3+$0xC800]  }
0x43c: {  	v4 =	vld [tilespmem:s3+$0x5000]  }
0x43d: {  	v5 =	vld [tilespmem:s3+$0x7800]  }
0x43e: {  	v1 =	vld [tilespmem:$0x1BC80]  }
0x43f: {  	v2 =	vadd.f32 v2, v2  }
0x440: {  	v6 =	vld [tilespmem:s3+$0xF000];
	v3 =	vadd.f32 v3, v3  }
0x441: {  	s30 =	simm.s32 $0x10;
	v8 =	vld [tilespmem:s3+$0x11800];
	v7 =	vsub.f32 v2, v4  }
0x442: {  	v4 =	vld [tilespmem:s30+$0xA000];
	v5 =	vsub.f32 v3, v5  }
0x443: {  	v2 =	vld [tilespmem:s30+$0xC800];
	[tilespmem:s3+$0x5000] =	vst v7;
	v7 =	vmul.f32 v7, v1  }
0x444: {  	v9 =	vmul.f32 v5, v1;
	v3 =	vld [tilespmem:s30+$0x5000];
	[tilespmem:s3+$0x7800] =	vst v5  }
0x445: {  	v5 =	vld [tilespmem:s30+$0x7800];
	v7 =	vadd.f32 v7, v6  }
0x446: {  	s12 =	simm.s32 $0x40;
	s6 =	simm.s32 $0x80;
	s31 =	simm.s32 $0x0;
	v6 =	vadd.f32 v9, v8  }
.LBB2_90:
0x447: {  	p0 =	sne.s32 s6, $0x9FC0;
	v4 =	vadd.f32 v4, v4;
	[tilespmem:s31+$0xF000] =	vst v7;
	s7 =	smov.u32 s6;
	s6 =	sadd.s32 $0x40, s6  }
0x448: {  	v7 =	vld [tilespmem:s30+$0xF000];
	v2 =	vadd.f32 v2, v2;
	[tilespmem:s31+$0x11800] =	vst v6;
	s31 =	smov.u32 s30  }
0x449: {  	s30 =	sshra.s32 s7, $0x2;
	v3 =	vsub.f32 v4, v3;
	v6 =	vld [tilespmem:s31+$0x11800]  }
.Ltmp44:
0x44a: {  	v4 =	vld [tilespmem:s30+$0xA000];
	v5 =	vsub.f32 v2, v5;
	(pc) =	sbr.rel @p0 .LBB2_90-.Ltmp44, $4  }
0x44b: {  	v2 =	vld [tilespmem:s30+$0xC800];
	[tilespmem:s31+$0x5000] =	vst v3;
	v8 =	vmul.f32 v3, v1  }
0x44c: {  	v3 =	vld [tilespmem:s30+$0x5000];
	[tilespmem:s31+$0x7800] =	vst v5;
	v9 =	vmul.f32 v5, v1  }
0x44d: {  	v5 =	vld [tilespmem:s30+$0x7800];
	v7 =	vadd.f32 v8, v7  }
0x44e: {  	v6 =	vadd.f32 v9, v6  }
0x44f: {  	[tilespmem:s31+$0xF000] =	vst v7;
	v4 =	vadd.f32 v4, v4  }
0x450: {  	v7 =	vld [tilespmem:s30+$0xF000];
	v2 =	vadd.f32 v2, v2;
	[tilespmem:s31+$0x11800] =	vst v6  }
0x451: {  	v3 =	vsub.f32 v4, v3;
	v62 =	vld [tilespmem:s30+$0x11800]  }
0x452: {  	v2 =	vsub.f32 v2, v5  }
0x453: {  	v63 =	vmul.f32 v3, v1  }
0x454: {  	v1 =	vmul.f32 v2, v1  }
0x455: {  	[tilespmem:s30+$0x5000] =	vst v3;
	v3 =	vadd.f32 v63, v7  }
0x456: {  	[tilespmem:s30+$0x7800] =	vst v2;
	v1 =	vadd.f32 v1, v62  }
0x457: {  	[tilespmem:s30+$0xF000] =	vst v3  }
0x458: {  	[tilespmem:s30+$0x11800] =	vst v1  }
.LBB2_92:
0x459: {  	p0 =	sne.s32 s12, $0x9FC0;
	[tilespmem:s3+$0xA000] =	vst v0;
	s6 =	smov.u32 s12;
	s12 =	sadd.s32 $0x40, s12  }
.Ltmp45:
0x45a: {  	[tilespmem:s3+$0xC800] =	vst v0;
	(pc) =	sbr.rel @p0 .LBB2_92-.Ltmp45, $2  }
0x45b: {  	_ =	sdelay $0x2  }
0x45c: {  	s3 =	sshra.s32 s6, $0x2  }
0x45d: {  	[tilespmem:s3+$0xA000] =	vst v0  }
0x45e: {  	[tilespmem:s3+$0xC800] =	vst v0;
	s3 =	simm.s32 $0x0  }
0x45f: {  	[tilespmem:s17], [sflag:$0x1] =	stream.linear.gather [hbm4b:s4+s3], $0x1390, $0x38;
	[tilespmem:$0x1C000] =	vst v63  }
0x460: {  	_ = 	snop  }
0x461: {  	[tilespmem:s18], [sflag:$0x1] =	stream.linear.gather [hbm4b:s5+s3], $0x1390, $0x38;
	[tilespmem:$0x1C000] =	vst v63  }
0x462: {  	s12 =	simm.s32 $0x0  }
0x463: {  	[tilespmem:s19], [sflag:$0x1] =	stream.linear.gather [hbm4b:s1+s3], $0x1390, $0x38;
	[tilespmem:$0x1C000] =	vst v63  }
.LBB2_94:
0x464: {  	s30 =	smul.u32 $0x2720, s12;
	_ =	sdelay $0x1  }
0x465: {  	s6 =	sshrl.u32 s30, $0x3  }
0x466: {  	s6 =	sadd.s32 $0x272, s6  }
0x467: {  	s7 =	sadd.s32 s4, s6  }
0x468: {  	[tilespmem:s20], [sflag:$0x2] =	stream.linear.gather [hbm4b:s7+s3], $0x1390, $0x38;
	[tilespmem:$0x1C000] =	vst v63  }
0x469: {  	s7 =	sadd.s32 s5, s6  }
0x46a: {  	[tilespmem:s21], [sflag:$0x2] =	stream.linear.gather [hbm4b:s7+s3], $0x1390, $0x38;
	[tilespmem:$0x1C000] =	vst v63  }
0x46b: {  	s6 =	sadd.s32 s1, s6  }
0x46c: {  	[tilespmem:s22], [sflag:$0x2] =	stream.linear.gather [hbm4b:s6+s3], $0x1390, $0x38;
	[tilespmem:$0x1C000] =	vst v63  }
0x46d: {  	_ =	swait.ge [sflag:s23], $0x1390  }
0x46e: {  	[sflag:s23] =	ssyncset.done $0x0  }
0x46f: {  	[sflag:s23] =	ssyncadd.s32 $0xFFFFEC70  }
0x470: {  	_ =	swait.ge [sflag:s23], $0x1390  }
0x471: {  	[sflag:s23] =	ssyncset.done $0x0  }
0x472: {  	[sflag:s23] =	ssyncadd.s32 $0xFFFFEC70  }
0x473: {  	_ =	swait.ge [sflag:s23], $0x1390  }
0x474: {  	[sflag:s23] =	ssyncset.done $0x0  }
0x475: {  	s31 =	simm.s32 $0x40;
	s6 =	simm.s32 $0x0;
	[sflag:s23] =	ssyncadd.s32 $0xFFFFEC70  }
.LBB2_95:
0x476: {  	p0 =	sne.s32 s31, $0x4E00;
	v1 =	vld [tilespmem:s6+$0x14000];
	_ =	sdelay $0x6  }
0x477: {  	v2 =	vld [tilespmem:s6+$0x15400]  }
0x478: {  	v3 =	vld.idx.msk [tilespmem:v1+s24+$0x0], $0xffff  }
0x479: {  	v4 =	vld [tilespmem:s6+$0x16800];
	_ =	sdelay $0x4  }
0x47a: {  	v3 =	vmul.f32 v3, v4;
	_ =	sdelay $0x1  }
0x47b: {  	[tilespmem:v2+s28+$0x0] =	vst.idx.add.f32.msk $0xffff, v3  }
0x47c: {  	v1 =	vld.idx.msk [tilespmem:v1+s25+$0x0], $0xffff;
	_ =	sdelay $0x3  }
.Ltmp46:
0x47d: {  	(pc) =	sbr.rel @p0 .LBB2_95-.Ltmp46, $3  }
0x47e: {  	_ = 	snop  }
0x47f: {  	v1 =	vmul.f32 v1, v4;
	_ =	sdelay $0x1  }
0x480: {  	s6 =	sshra.s32 s31, $0x2;
	s31 =	sadd.s32 $0x40, s31;
	[tilespmem:v2+s29+$0x0] =	vst.idx.add.f32.msk $0xffff, v1  }
0x481: {  	v1 =	vld [tilespmem:s6+$0x14000];
	_ =	sdelay $0x5  }
0x482: {  	v2 =	vld [tilespmem:s6+$0x15400]  }
0x483: {  	v4 =	vld [tilespmem:s6+$0x16800]  }
0x484: {  	v3 =	vld.idx.msk [tilespmem:v1+s24+$0x0], $0xffff;
	_ =	sdelay $0x4  }
0x485: {  	v3 =	vmul.f32 v3, v4;
	_ =	sdelay $0x1  }
0x486: {  	[tilespmem:v2+s28+$0x0] =	vst.idx.add.f32.msk $0xffff, v3  }
0x487: {  	v1 =	vld.idx.msk [tilespmem:v1+s25+$0x0], $0xffff;
	_ =	sdelay $0x3  }
0x488: {  	p0 =	seq.s32 s12, $0xF  }
0x489: {  	s6 =	sshrl.u32 @!p0 s30, $0x3;
	v1 =	vmul.f32 v1, v4  }
0x48a: {  	s6 =	sadd.s32 @!p0 $0x4E4, s6  }
0x48b: {  	s30 =	simm.s32 @!p0 $0x0;
	s31 =	simm.s32 @!p0 $0x14000;
	s7 =	sadd.s32 @!p0 s4, s6;
	[tilespmem:v2+s29+$0x0] =	vst.idx.add.f32.msk $0xffff, v1  }
0x48c: {  	[tilespmem:s31], [sflag:$0x1] =	stream.linear.gather @!p0 [hbm4b:s7+s30], $0x1390, $0x38;
	[tilespmem:$0x1C000] =	vst v63  }
0x48d: {  	s7 =	sadd.s32 @!p0 s5, s6;
	s31 =	simm.s32 @!p0 $0x15400  }
0x48e: {  	[tilespmem:s31], [sflag:$0x1] =	stream.linear.gather @!p0 [hbm4b:s7+s30], $0x1390, $0x38;
	[tilespmem:$0x1C000] =	vst v63  }
0x48f: {  	s6 =	sadd.s32 @!p0 s1, s6;
	s7 =	simm.s32 @!p0 $0x16800  }
0x490: {  	[tilespmem:s7], [sflag:$0x1] =	stream.linear.gather @!p0 [hbm4b:s6+s30], $0x1390, $0x38;
	[tilespmem:$0x1C000] =	vst v63  }
0x491: {  	_ =	swait.ge [sflag:s26], $0x1390  }
0x492: {  	[sflag:s26] =	ssyncset.done $0x0  }
0x493: {  	[sflag:s26] =	ssyncadd.s32 $0xFFFFEC70  }
0x494: {  	_ =	swait.ge [sflag:s26], $0x1390  }
0x495: {  	[sflag:s26] =	ssyncset.done $0x0  }
0x496: {  	[sflag:s26] =	ssyncadd.s32 $0xFFFFEC70  }
0x497: {  	_ =	swait.ge [sflag:s26], $0x1390  }
0x498: {  	[sflag:s26] =	ssyncset.done $0x0  }
0x499: {  	s6 =	simm.s32 $0x0;
	s30 =	simm.s32 $0x40;
	[sflag:s26] =	ssyncadd.s32 $0xFFFFEC70  }
.LBB2_97:
0x49a: {  	p0 =	sne.s32 s30, $0x4E00;
	v1 =	vld [tilespmem:s6+$0x17C00];
	_ =	sdelay $0x6  }
0x49b: {  	v2 =	vld [tilespmem:s6+$0x19000]  }
0x49c: {  	v3 =	vld.idx.msk [tilespmem:v1+s24+$0x0], $0xffff  }
0x49d: {  	v4 =	vld [tilespmem:s6+$0x1A400];
	_ =	sdelay $0x4  }
0x49e: {  	v3 =	vmul.f32 v3, v4;
	_ =	sdelay $0x1  }
0x49f: {  	[tilespmem:v2+s28+$0x0] =	vst.idx.add.f32.msk $0xffff, v3  }
0x4a0: {  	v1 =	vld.idx.msk [tilespmem:v1+s25+$0x0], $0xffff;
	_ =	sdelay $0x3  }
.Ltmp47:
0x4a1: {  	(pc) =	sbr.rel @p0 .LBB2_97-.Ltmp47, $3  }
0x4a2: {  	_ = 	snop  }
0x4a3: {  	v1 =	vmul.f32 v1, v4;
	_ =	sdelay $0x1  }
0x4a4: {  	s6 =	sshra.s32 s30, $0x2;
	s30 =	sadd.s32 $0x40, s30;
	[tilespmem:v2+s29+$0x0] =	vst.idx.add.f32.msk $0xffff, v1  }
0x4a5: {  	v1 =	vld [tilespmem:s6+$0x17C00];
	_ =	sdelay $0x5  }
0x4a6: {  	v2 =	vld [tilespmem:s6+$0x19000]  }
0x4a7: {  	v4 =	vld [tilespmem:s6+$0x1A400]  }
0x4a8: {  	v3 =	vld.idx.msk [tilespmem:v1+s24+$0x0], $0xffff;
	_ =	sdelay $0x4  }
0x4a9: {  	v3 =	vmul.f32 v3, v4;
	_ =	sdelay $0x1  }
0x4aa: {  	[tilespmem:v2+s28+$0x0] =	vst.idx.add.f32.msk $0xffff, v3  }
0x4ab: {  	v1 =	vld.idx.msk [tilespmem:v1+s25+$0x0], $0xffff  }
0x4ac: {  	s12 =	sadd.s32 $0x1, s12  }
0x4ad: {  	p0 =	sne.s32 s12, $0x10  }
.Ltmp48:
0x4ae: {  	_ = 	snop;
	(pc) =	sbr.rel @p0 .LBB2_94-.Ltmp48, $3  }
0x4af: {  	_ = 	snop  }
0x4b0: {  	v1 =	vmul.f32 v1, v4;
	_ =	sdelay $0x1  }
0x4b1: {  	[tilespmem:v2+s29+$0x0] =	vst.idx.add.f32.msk $0xffff, v1  }
0x4b2: {  	s12 =	simm.s32 $0x0  }
0x4b3: {  	v2 =	vld [tilespmem:s12+$0xA000]  }
0x4b4: {  	v3 =	vld [tilespmem:s12+$0xC800]  }
0x4b5: {  	v4 =	vld [tilespmem:s12+$0x0]  }
0x4b6: {  	v6 =	vld [tilespmem:s12+$0x2800]  }
0x4b7: {  	v1 =	vld [tilespmem:$0x1BD00]  }
0x4b8: {  	v2 =	vadd.f32 v2, v2  }
0x4b9: {  	v7 =	vld [tilespmem:s12+$0xF000];
	v3 =	vadd.f32 v3, v3  }
0x4ba: {  	s3 =	simm.s32 $0x10;
	v8 =	vld [tilespmem:s12+$0x11800];
	v4 =	vsub.f32 v2, v4  }
0x4bb: {  	v5 =	vld [tilespmem:s3+$0xA000];
	v6 =	vsub.f32 v3, v6  }
0x4bc: {  	v2 =	vld [tilespmem:s3+$0xC800];
	[tilespmem:s12+$0x0] =	vst v4;
	v9 =	vmul.f32 v4, v1  }
0x4bd: {  	v10 =	vmul.f32 v6, v1;
	v3 =	vld [tilespmem:s3+$0x0];
	[tilespmem:s12+$0x2800] =	vst v6  }
0x4be: {  	v4 =	vld [tilespmem:s3+$0x2800];
	v7 =	vadd.f32 v9, v7  }
0x4bf: {  	s6 =	simm.s32 $0x80;
	v6 =	vadd.f32 v10, v8  }
.LBB2_100:
0x4c0: {  	p0 =	sne.s32 s6, $0x9FC0;
	v5 =	vadd.f32 v5, v5;
	[tilespmem:s12+$0xF000] =	vst v7;
	s7 =	smov.u32 s6;
	s6 =	sadd.s32 $0x40, s6  }
0x4c1: {  	v7 =	vld [tilespmem:s3+$0xF000];
	v2 =	vadd.f32 v2, v2;
	[tilespmem:s12+$0x11800] =	vst v6;
	s12 =	smov.u32 s3  }
0x4c2: {  	s3 =	sshra.s32 s7, $0x2;
	v3 =	vsub.f32 v5, v3;
	v6 =	vld [tilespmem:s12+$0x11800]  }
.Ltmp49:
0x4c3: {  	v5 =	vld [tilespmem:s3+$0xA000];
	v4 =	vsub.f32 v2, v4;
	(pc) =	sbr.rel @p0 .LBB2_100-.Ltmp49, $4  }
0x4c4: {  	v2 =	vld [tilespmem:s3+$0xC800];
	[tilespmem:s12+$0x0] =	vst v3;
	v8 =	vmul.f32 v3, v1  }
0x4c5: {  	v3 =	vld [tilespmem:s3+$0x0];
	[tilespmem:s12+$0x2800] =	vst v4;
	v9 =	vmul.f32 v4, v1  }
0x4c6: {  	v4 =	vld [tilespmem:s3+$0x2800];
	v7 =	vadd.f32 v8, v7  }
0x4c7: {  	v6 =	vadd.f32 v9, v6  }
0x4c8: {  	[tilespmem:s12+$0xF000] =	vst v7;
	v5 =	vadd.f32 v5, v5  }
0x4c9: {  	v7 =	vld [tilespmem:s3+$0xF000];
	v2 =	vadd.f32 v2, v2;
	[tilespmem:s12+$0x11800] =	vst v6  }
0x4ca: {  	v3 =	vsub.f32 v5, v3;
	v62 =	vld [tilespmem:s3+$0x11800]  }
0x4cb: {  	v2 =	vsub.f32 v2, v4  }
0x4cc: {  	v63 =	vmul.f32 v3, v1  }
0x4cd: {  	v1 =	vmul.f32 v2, v1  }
0x4ce: {  	[tilespmem:s3+$0x0] =	vst v3;
	v3 =	vadd.f32 v63, v7  }
0x4cf: {  	[tilespmem:s3+$0x2800] =	vst v2;
	v1 =	vadd.f32 v1, v62  }
0x4d0: {  	[tilespmem:s3+$0xF000] =	vst v3  }
0x4d1: {  	s30 =	simm.s32 $0xF000;
	[tilespmem:s3+$0x11800] =	vst v1  }
0x4d2: {  	[hbm4b:s9+s14] =	stream.strided.scatter [tilespmem:s30], [sflag:$0x3], $0x2800, s15, s14, $0x38;
	[tilespmem:$0x1C000] =	vst v63  }
0x4d3: {  	s0 =	sadd.s32 $0x1, s0;
	_ =	swait.ge [sflag:s13], $0x2800  }
0x4d4: {  	p0 =	sne.s32 s0, s11;
	[sflag:s13] =	ssyncset.done $0x0  }
.Ltmp50:
0x4d5: {  	s31 =	simm.s32 $0x11800;
	[sflag:s13] =	ssyncadd.s32 $0xFFFFD800;
	(pc) =	sbr.rel @p0 .LBB2_1-.Ltmp50, $4  }
0x4d6: {  	[hbm4b:s10+s14] =	stream.strided.scatter [tilespmem:s31], [sflag:$0x3], $0x2800, s15, s14, $0x38;
	[tilespmem:$0x1C000] =	vst v63  }
0x4d7: {  	_ =	swait.ge [sflag:s13], $0x2800  }
0x4d8: {  	[sflag:s13] =	ssyncset.done $0x0  }
0x4d9: {  	[sflag:s13] =	ssyncadd.s32 $0xFFFFD800  }
0x4da: {  	_ =	sfence.sel $0x180000  }
0x4db: {  	[bflag:$0x0] =	sbarrier.arrive $0xFFFF  }
0x4dc: {  	_ =	strace $0x9000004D  }
0x4dd: {  	s0 =	stileid.u32;
	[bflag:$0x2] =	sbarrier.arrive $0xFFFF  }
0x4de: {  	p0 =	sne.s32 s0, $0x0;
	s0 =	rddreg [dreg:$0x2]  }
0x4df: {  	s0 =	sadd.s32 @!p0 $0x100000, s0  }
0x4e0: {  	[sflag:s0] =	ssyncadd.tile.s32 @!p0 $0x1;
	_ =	shalt  }
.Lfunc_end2:
_tile_overlayer_lowered:
.L_overlay_start_2:
0x4e1: {  	(tag) =	ssettag $0x2  }
0x4e2: {  	s0 =	rddreg [dreg:$0x0];
	s2 =	stileid.u32  }
0x4e3: {  	s1 =	rddreg [dreg:$0x1];
	p0 =	sne.s32 s2, $0x0  }
0x4e4: {  	s3 =	rddreg [dreg:$0x2];
	[bflag:$0x3] =	sbarrier.arrive $0xFFFF;
	s2 =	simm.s32 @!p0 $0x1C03  }
0x4e5: {  	[timem:s3], [sflag:s2] =	dma.local @!p0 [hbm:s0], s1  }
0x4e6: {  	s0 =	simm.s32 @!p0 $0x3  }
0x4e7: {  	_ =	swait.ge @!p0 [sflag:s0], s1  }
0x4e8: {  	s1 =	ssub.s32 @!p0 $0x0, s1;
	[sflag:s0] =	ssyncset.done @!p0 $0x0  }
0x4e9: {  	[sflag:s0] =	ssyncadd.s32 @!p0 s1  }
0x4ea: {  	[bflag:$0x3] =	sbarrier.arrive $0xFFFF  }
0x4eb: {  	_ =	shalt  }

// kernel: kernel.7.cloned.1.call-start
scs
__scs_entry_jumppad:
0x0: {  	(pc) =	sbr.rel $0x88, $3  }
0x1: {  	(tag) =	ssettag $0x0;
	lr =	simm.s32 $0x1  }
0x2: {  	[smem:$0x3F99] =	sst lr;
	_ =	strace $0xD0000000  }
0x3: {  	_ = 	snop  }
0x4: {  	_ = 	snop  }
0x5: {  	_ = 	snop  }
0x6: {  	_ = 	snop  }
0x7: {  	_ = 	snop  }
__scs_overlays_trampoline_lowered:
0x8: {  	[smem:$0x3FA8] =	sst s0  }
0x9: {  	[smem:$0x3FA9] =	sst s1  }
0xa: {  	[smem:$0x3FAA] =	sst s2  }
0xb: {  	[smem:$0x3FAB] =	sst s3  }
0xc: {  	[smem:$0x3FAC] =	sst s4  }
0xd: {  	[smem:$0x3FAD] =	sst s5  }
0xe: {  	[smem:$0x3FAE] =	sst s6  }
0xf: {  	[smem:$0x3FAF] =	sst s7  }
0x10: {  	[smem:$0x3FB0] =	sst s8  }
0x11: {  	[smem:$0x3FB1] =	sst s9;
	s0 =	simm.s32 @!p0 $0x0  }
0x12: {  	s1 =	sld [smem:$0x3F97];
	s0 =	simm.s32 @p0 $0x1  }
0x13: {  	[smem:$0x3FB2] =	sst s0;
	s0 =	simm.s32 @!p1 $0x0  }
0x14: {  	s2 =	sld [smem:$0x3F96];
	s0 =	simm.s32 @p1 $0x1  }
0x15: {  	[smem:$0x3FB3] =	sst s0;
	s0 =	simm.s32 @!p2 $0x0  }
0x16: {  	s3 =	sld [smem:$0x3FDB];
	s0 =	simm.s32 @p2 $0x1  }
0x17: {  	s4 =	simm.s32 $0x1BF5;
	[smem:$0x3FB5] =	sst s0  }
0x18: {  	s0 =	sld [smem:$0x3F98];
	_ =	swait.ge [sflag:s4], $0x0  }
0x19: {  	s7 =	sld [smem:$0x3F99]  }
0x1a: {  	s8 =	sadd.s32 $0xFFFFE003, lr  }
0x1b: {  	s9 =	sadd.s32 $0xFFFFFEF7, lr;
	s5 =	simm.s32 $0xFFFFFFFF;
	p2 =	slt.u32 s8, $0xFFFFF086  }
0x1c: {  	p1 =	slt.u32 s9, $0xF7A;
	s5 =	simm.s32 @!p2 $0x0  }
0x1d: {  	s5 =	simm.s32 @p1 $0x1;
	p0 =	seq.s32 s7, s2  }
0x1e: {  	s7 =	smul.u32 @!p0 $0xF7A, s2;
	p2 =	seq.s32 @!p0 s5, $0x0  }
0x1f: {  	s9 =	smul.u32 $0xF7A, s1;
	s8 =	simm.s32 @!p0 $0x1BF5;
	p2 =	por !p2, p0  }
0x20: {  	[sflag:s8] =	ssyncset.s32 @!p0 $0xFFFFF086;
	s6 =	sadd.s32 @!p0 s3, s7;
	s7 =	simm.s32 @!p0 $0x108  }
0x21: {  	s3 =	sadd.s32 s3, s9;
	s6 =	sadd.s32 @!p0 $0x88, s6;
	s7 =	simm.s32 @p2 $0x1082  }
0x22: {  	[simem:s7], [sflag:s8] =	dma.local @!p0 [hbm:s6], $0xF7A  }
0x23: {  	s9 =	sor.u32 $0xD0000000, s2;
	s6 =	simm.s32 $0x108;
	_ =	swait.ge @!p0 [sflag:s8], $0x0  }
0x24: {  	s3 =	sadd.s32 $0x88, s3;
	s6 =	simm.s32 @!p1 $0x1082;
	[sflag:s4] =	ssyncset.s32 $0xFFFFF086  }
0x25: {  	[simem:s6], [sflag:s4] =	dma.local [hbm:s3], $0xF7A  }
0x26: {  	[smem:$0x3F99] =	sst s1;
	(tag) =	ssettag s2;
	_ =	strace s9  }
0x27: {  	s1 =	sld [smem:$0x3FA9]  }
0x28: {  	s2 =	sld [smem:$0x3FAA]  }
0x29: {  	s4 =	sld [smem:$0x3FAC]  }
0x2a: {  	p0 =	seq.s32 s5, $0x0;
	s5 =	sld [smem:$0x3FAD]  }
0x2b: {  	s6 =	sld [smem:$0x3FAE]  }
0x2c: {  	s7 =	sld [smem:$0x3FAF]  }
0x2d: {  	s3 =	simm.s32 $0x108;
	s8 =	sld [smem:$0x3FB0]  }
0x2e: {  	s3 =	simm.s32 @!p0 $0x1082;
	s9 =	sld [smem:$0x3FB1]  }
0x2f: {  	lr =	sadd.s32 s0, s3;
	s0 =	sld [smem:$0x3FA8]  }
0x30: {  	s3 =	sld [smem:$0x3FAB]  }
0x31: {  	[smem:$0x3FB4] =	sst s10  }
0x32: {  	s10 =	sld [smem:$0x3FB2];
	_ =	sdelay $0x3  }
0x33: {  	p0 =	seq.s32 s10, $0x1;
	s10 =	sld [smem:$0x3FB4];
	_ =	sdelay $0x3  }
0x34: {  	[smem:$0x3FB4] =	sst s10  }
0x35: {  	s10 =	sld [smem:$0x3FB3];
	_ =	sdelay $0x3  }
0x36: {  	p1 =	seq.s32 s10, $0x1;
	s10 =	sld [smem:$0x3FB4];
	_ =	sdelay $0x3  }
0x37: {  	[smem:$0x3FB4] =	sst s10  }
0x38: {  	s10 =	sld [smem:$0x3FB5]  }
0x39: {  	_ = 	snop;
	(pc) =	sbr.ind lr, $3  }
0x3a: {  	_ = 	snop  }
0x3b: {  	_ = 	snop  }
0x3c: {  	p2 =	seq.s32 s10, $0x1;
	s10 =	sld [smem:$0x3FB4]  }
0x3d: {  	_ =	shalt  }
0x3e: {  	_ =	shalt  }
0x3f: {  	_ =	shalt  }
0x40: {  	_ =	shalt  }
0x41: {  	_ =	shalt  }
0x42: {  	_ =	shalt  }
0x43: {  	_ =	shalt  }
0x44: {  	_ =	shalt  }
0x45: {  	_ =	shalt  }
0x46: {  	_ =	shalt  }
0x47: {  	_ =	shalt  }
0x48: {  	_ =	shalt  }
0x49: {  	_ =	shalt  }
0x4a: {  	_ =	shalt  }
0x4b: {  	_ =	shalt  }
0x4c: {  	_ =	shalt  }
0x4d: {  	_ =	shalt  }
0x4e: {  	_ =	shalt  }
0x4f: {  	_ =	shalt  }
0x50: {  	_ =	shalt  }
0x51: {  	_ =	shalt  }
0x52: {  	_ =	shalt  }
0x53: {  	_ =	shalt  }
0x54: {  	_ =	shalt  }
0x55: {  	_ =	shalt  }
0x56: {  	_ =	shalt  }
0x57: {  	_ =	shalt  }
0x58: {  	_ =	shalt  }
0x59: {  	_ =	shalt  }
0x5a: {  	_ =	shalt  }
0x5b: {  	_ =	shalt  }
0x5c: {  	_ =	shalt  }
0x5d: {  	_ =	shalt  }
0x5e: {  	_ =	shalt  }
0x5f: {  	_ =	shalt  }
0x60: {  	_ =	shalt  }
0x61: {  	_ =	shalt  }
0x62: {  	_ =	shalt  }
0x63: {  	_ =	shalt  }
0x64: {  	_ =	shalt  }
0x65: {  	_ =	shalt  }
0x66: {  	_ =	shalt  }
0x67: {  	_ =	shalt  }
0x68: {  	_ =	shalt  }
0x69: {  	_ =	shalt  }
0x6a: {  	_ =	shalt  }
0x6b: {  	_ =	shalt  }
0x6c: {  	_ =	shalt  }
0x6d: {  	_ =	shalt  }
0x6e: {  	_ =	shalt  }
0x6f: {  	_ =	shalt  }
0x70: {  	_ =	shalt  }
0x71: {  	_ =	shalt  }
0x72: {  	_ =	shalt  }
0x73: {  	_ =	shalt  }
0x74: {  	_ =	shalt  }
0x75: {  	_ =	shalt  }
0x76: {  	_ =	shalt  }
0x77: {  	_ =	shalt  }
0x78: {  	_ =	shalt  }
0x79: {  	_ =	shalt  }
0x7a: {  	_ =	shalt  }
0x7b: {  	_ =	shalt  }
0x7c: {  	_ =	shalt  }
0x7d: {  	_ =	shalt  }
0x7e: {  	_ =	shalt  }
0x7f: {  	_ =	shalt  }
0x80: {  	_ =	shalt  }
0x81: {  	_ =	shalt  }
0x82: {  	_ =	shalt  }
0x83: {  	_ =	shalt  }
0x84: {  	_ =	shalt  }
0x85: {  	_ =	shalt  }
0x86: {  	_ =	shalt  }
0x87: {  	_ =	shalt  }
.Lfunc_end0:
.L_simem_size_0:
called_computation_lowered:
.L_overlay_start_0:
0x88: {  	s2 =	sld [smem:$0x3FD9]  }
0x89: {  	s3 =	sld [smem:$0x3FFE];
	_ =	sdelay $0x1  }
0x8a: {  	s1 =	srdreg.scid  }
0x8b: {  	s0 =	sand.u32 $0x1, s1  }
0x8c: {  	s17 =	sshll.u32 s0, $0xA;
	s2 =	sadd.s32 s3, s2  }
0x8d: {  	s2 =	sadd.s32 s2, s17  }
0x8e: {  	[smem:$0x3FC0] =	sst s2  }
0x8f: {  	_ = 	snop  }
0x90: {  	s2 =	sld [smem:$0x3FD0];
	(tm) =	ssettm $0x1  }
0x91: {  	s18 =	sld [smem:$0x3FFB];
	_ =	sdelay $0x3  }
0x92: {  	_ =	strace s18  }
0x93: {  	s3 =	sld [smem:$0x3FFC];
	_ =	sdelay $0x3  }
0x94: {  	_ =	strace s3  }
0x95: {  	s3 =	sld [smem:$0x3FFD];
	_ =	sdelay $0x3  }
0x96: {  	_ =	strace s3  }
0x97: {  	_ =	strace $0x8FFFFFFF  }
0x98: {  	s19 =	sld [smem:$0x3FDB];
	_ =	sdelay $0x1  }
0x99: {  	s4 =	simm.s32 $_scs_section_size  }
0x9a: {  	s5 =	simm.s32 $_size__tile_overlayer_lowered;
	s6 =	simm.s32 $_tile_overlayer_lowered  }
0x9b: {  	s22 =	simm.s32 $0x1BFF;
	s21 =	sshll.u32 s6, $0x1;
	s3 =	sadd.s32 s4, s19  }
0x9c: {  	s7 =	simm.s32 $0x0;
	s20 =	sshll.u32 s5, $0x1;
	s5 =	sadd.s32 s21, s3  }
0x9d: {  	[timem:s7], [sflag:s22] =	dma.local [hbm:s5], s20  }
0x9e: {  	_ =	swait.ge [sflag:s22], s20  }
0x9f: {  	s4 =	ssub.s32 $0x0, s20;
	[sflag:s22] =	ssyncset.done $0x0  }
0xa0: {  	[sflag:s22] =	ssyncadd.s32 s4;
	_ =	sdelay $0x1  }
0xa1: {  	s23 =	simm.s32 $0x1B8B  }
0xa2: {  	_ =	swait.ge [sflag:s23], $0x1  }
0xa3: {  	[sflag:s23] =	ssyncset.done $0x0  }
0xa4: {  	s25 =	simm.s32 $0x1B8E;
	s24 =	sld [smem:$0x3FFE];
	[sflag:s23] =	ssyncadd.s32 $0xFFFFFFFF  }
0xa5: {  	s26 =	simm.s32 $execute0_lowered;
	[smem:$0x3FD2] =	sst s25  }
0xa6: {  	s5 =	sshll.u32 s26, $0x1;
	_ =	strace $0x80000046;
	[dreg:$0x1] =	wrdreg $0xFFFFFFFF  }
0xa7: {  	s28 =	simm.s32 $_size_execute0_lowered;
	s3 =	sadd.s32 s3, s5;
	[dreg:$0x0] =	wrdreg $0x0  }
0xa8: {  	s5 =	sshll.u32 s28, $0x1;
	[dreg:$0x2] =	wrdreg s3  }
0xa9: {  	[dreg:$0x3] =	wrdreg s5  }
0xaa: {  	[dreg:$0x4] =	wrdreg $0xC0  }
0xab: {  	_ =	task [dreg:s7], $0x5FFFF  }
0xac: {  	[dreg:$0x1] =	wrdreg $0xFFFFFFFF  }
0xad: {  	[dreg:$0x0] =	wrdreg $0x60  }
0xae: {  	[dreg:$0x2] =	wrdreg s24  }
0xaf: {  	[dreg:$0x3] =	wrdreg s2  }
0xb0: {  	[dreg:$0x4] =	wrdreg $0x9  }
0xb1: {  	_ =	task.clear_ibuf [dreg:s7], $0x5FFFF;
	_ =	strace $0x90000046  }
0xb2: {  	s29 =	simm.s32 $0x9;
	_ =	strace $0x80000048  }
0xb3: {  	_ =	swait.ge [sflag:s29], $0x1  }
0xb4: {  	[sflag:s29] =	ssyncadd.s32 $0xFFFFFFFF  }
0xb5: {  	_ =	strace $0x90000048  }
0xb6: {  	_ =	sfence  }
0xb7: {  	s30 =	sld [smem:$0x0];
	_ =	sdelay $0x2  }
0xb8: {  	s31 =	sshll.u32 s1, $0xD;
	s1 =	sshrl.u32 s1, $0x2  }
0xb9: {  	s3 =	sand.u32 $0x4000, s31;
	s1 =	sadd.s32 s1, s30  }
0xba: {  	s0 =	sor.u32 s3, s0;
	s1 =	sshll.u32 s1, $0x11  }
0xbb: {  	s0 =	sor.u32 s1, s0  }
0xbc: {  	s0 =	sadd.s32 $0x8F2B, s0  }
0xbd: {  	[sflag:s0] =	ssyncadd.remote.s32 $0x1  }
0xbe: {  	_ =	sfence.sel $0xFFFF  }
0xbf: {  	[dreg:$0x0] =	wrdreg $0xFFFFFFFF;
	(pc) =	sbr.abs _section_cstart, $3  }
0xc0: {  	[dreg:$0x1] =	wrdreg $0xFFFFFFFF  }
0xc1: {  	_ =	task.clear_ibuf [dreg:s7], $0x2FFFF;
	_ =	strace $0x9FFFFFFF  }
0xc2: {  	(tm) =	ssettm $0x7FFFFFFF  }
0xc3: {  	_ =	shalt  }
tec
execute0_lowered:
.L_overlay_start_1:
0x0: {  	(tag) =	ssettag $0x1  }
0x1: {  	s3 =	rddreg [dreg:$0x0];
	s1 =	srdreg.scid  }
0x2: {  	s0 =	stileid.u32;
	s5 =	rddreg [dreg:$0x1];
	s9 =	simm.s32 $0x3B80  }
0x3: {  	s10 =	simm.s32 $0x80;
	s11 =	simm.s32 $0x400;
	s12 =	simm.s32 $0x0  }
0x4: {  	s4 =	sand.u32 $0x1, s1;
	s2 =	sshll.u32 s0, $0x1;
	s8 =	sshrl.u32 s0, $0x2  }
0x5: {  	s1 =	rddreg [dreg:$0x2];
	s6 =	sor.u32 s4, s2;
	s8 =	smul.u32 $0x13C00, s8  }
0x6: {  	s2 =	simm.s32 $0x0;
	s4 =	ssub.s32 $0x2, s4;
	s7 =	smul.u32 $0x272, s6  }
0x7: {  	[smem:$0x7FF] =	sst s2;
	s6 =	sshll.u32 s6, $0x7;
	s30 =	sshrl.u32 s4, $0x1  }
0x8: {  	_ =	strace $0x80000047;
	s6 =	sand.u32 $0x380, s6;
	s31 =	ssub.s32 s4, s30  }
0x9: {  	s7 =	sadd.s32 s7, s3;
	s6 =	sor.u32 s8, s6;
	s8 =	simm.s32 $0x1  }
0xa: {  	s3 =	sadd.s32 $0x2000, s7;
	s6 =	sshrl.u32 s6, $0x3;
	s4 =	sadd.s32 $0x7000, s7  }
0xb: {  	v0 =	vimm.f32 $0.0e+00;
	s7 =	simm.s32 $0x2780;
	s5 =	sadd.s32 s5, s6;
	s6 =	smax.u32 s31, $0x1  }
.LBB2_1:
0xc: {  	s13 =	simm.s32 $0x40;
	s14 =	simm.s32 $0x0  }
.LBB2_2:
0xd: {  	p0 =	sne.s32 s13, $0x9C00;
	[tilespmem:s14+$0x0] =	vst v0;
	s14 =	smov.u32 s13;
	s13 =	sadd.s32 $0x40, s13  }
.Ltmp0:
0xe: {  	(pc) =	sbr.rel @p0 .LBB2_2-.Ltmp0, $2  }
0xf: {  	_ =	sdelay $0x2  }
0x10: {  	s14 =	sshra.s32 s14, $0x2  }
0x11: {  	[tilespmem:s14+$0x0] =	vst v0;
	s13 =	simm.s32 $0x0  }
0x12: {  	[tilespmem:s7], [sflag:$0x1] =	stream.linear.gather [hbm4b:s3+s13], $0x1390, $0x38;
	[tilespmem:$0x4F80] =	vst v63  }
0x13: {  	_ =	swait.ge [sflag:s8], $0x1390  }
0x14: {  	[sflag:s8] =	ssyncset.done $0x0  }
0x15: {  	[sflag:s8] =	ssyncadd.s32 $0xFFFFEC70  }
0x16: {  	[tilespmem:s9], [sflag:$0x1] =	stream.linear.gather [hbm4b:s4+s13], $0x1390, $0x38;
	[tilespmem:$0x4F80] =	vst v63  }
0x17: {  	_ =	swait.ge [sflag:s8], $0x1390  }
0x18: {  	[sflag:s8] =	ssyncset.done $0x0  }
0x19: {  	s14 =	simm.s32 $0x0;
	s13 =	simm.s32 $0x40;
	[sflag:s8] =	ssyncadd.s32 $0xFFFFEC70  }
.LBB2_4:
0x1a: {  	p0 =	sne.s32 s13, $0x4E00;
	v1 =	vld [tilespmem:s14+$0x2780];
	_ =	sdelay $0x2  }
0x1b: {  	v2 =	vld [tilespmem:s14+$0x3B80]  }
.Ltmp1:
0x1c: {  	(pc) =	sbr.rel @p0 .LBB2_4-.Ltmp1, $2  }
0x1d: {  	_ =	sdelay $0x2  }
0x1e: {  	s14 =	sshra.s32 s13, $0x2;
	s13 =	sadd.s32 $0x40, s13;
	[tilespmem:v1+s2+$0x0] =	vst.idx.add.f32.msk $0xffff, v2  }
0x1f: {  	v1 =	vld [tilespmem:s14+$0x2780];
	_ =	sdelay $0x2  }
0x20: {  	v2 =	vld [tilespmem:s14+$0x3B80];
	_ =	sdelay $0x2  }
0x21: {  	s12 =	sadd.s32 $0x1, s12  }
0x22: {  	p0 =	sne.s32 s12, s6  }
.Ltmp2:
0x23: {  	[tilespmem:v1+s2+$0x0] =	vst.idx.add.f32.msk $0xffff, v2;
	(pc) =	sbr.rel @p0 .LBB2_1-.Ltmp2, $4  }
0x24: {  	[hbm4b:s5+s10] =	stream.strided.scatter [tilespmem:s2], [sflag:$0x1], $0x2780, s11, s10, $0x38;
	[tilespmem:$0x4F80] =	vst v63  }
0x25: {  	_ =	swait.ge [sflag:s8], $0x2780  }
0x26: {  	[sflag:s8] =	ssyncset.done $0x0  }
0x27: {  	[sflag:s8] =	ssyncadd.s32 $0xFFFFD880  }
0x28: {  	_ =	sfence.sel $0x180000  }
0x29: {  	[bflag:$0x0] =	sbarrier.arrive $0xFFFF  }
0x2a: {  	p0 =	sne.s32 s0, $0x0;
	_ =	strace $0x90000047  }
0x2b: {  	s0 =	sadd.s32 @!p0 $0x100000, s1;
	[bflag:$0x2] =	sbarrier.arrive $0xFFFF  }
0x2c: {  	[sflag:s0] =	ssyncadd.tile.s32 @!p0 $0x1;
	_ =	shalt  }
.Lfunc_end2:
_tile_overlayer_lowered:
.L_overlay_start_2:
0x2d: {  	(tag) =	ssettag $0x2  }
0x2e: {  	s0 =	rddreg [dreg:$0x0];
	s2 =	stileid.u32  }
0x2f: {  	s1 =	rddreg [dreg:$0x1];
	p0 =	sne.s32 s2, $0x0  }
0x30: {  	s3 =	rddreg [dreg:$0x2];
	[bflag:$0x3] =	sbarrier.arrive $0xFFFF;
	s2 =	simm.s32 @!p0 $0x1C01  }
0x31: {  	[timem:s3], [sflag:s2] =	dma.local @!p0 [hbm:s0], s1  }
0x32: {  	s0 =	simm.s32 @!p0 $0x1  }
0x33: {  	_ =	swait.ge @!p0 [sflag:s0], s1  }
0x34: {  	s1 =	ssub.s32 @!p0 $0x0, s1;
	[sflag:s0] =	ssyncset.done @!p0 $0x0  }
0x35: {  	[sflag:s0] =	ssyncadd.s32 @!p0 s1  }
0x36: {  	[bflag:$0x3] =	sbarrier.arrive $0xFFFF  }
0x37: {  	_ =	shalt  }

</sc_bundles>
